<compile_context>
chip_gen: v7x
topology: tpu7x:2x2x1
jax: 0.10.2.dev20260603
libtpu: 0.0.44.dev20260713+nightly
codegen_flags: <defaults>
</compile_context>

<pallas_src>
import functools

import jax
import jax.numpy as jnp
from jax import lax
from jax.experimental import pallas as pl
from jax.experimental.pallas import tpu as pltpu
from jax.experimental.pallas import tpu_sc as plsc

_BATCH = 16384
_FEAT = 1024
_NC = 2
_NS = 16
_NW = _NC * _NS
_L = 16
_S = 4
_SUB = _FEAT // _S
_BPW = _BATCH // _NW
_C = 8
_NCHUNK = _BPW // _C
_DEPTH = 4


def _chunk_sum(feat_v, cent_v, accs):
    for s in range(_S):

        @plsc.parallel_loop(0, _C, unroll=2, carry=accs)
        def body(i, accs, s=s):
            a = list(accs)
            for k in range(_SUB // _L):
                off = s * _SUB + k * _L
                f = feat_v[i, pl.ds(off, _L)]
                g = cent_v[i, pl.ds(off, _L)]
                d = f - g
                a[k % 4] = a[k % 4] + d * d
            return tuple(a)

        accs = body
    return accs


def _sc_body(feat_hbm, lab_hbm, cent_hbm, out_hbm, idx_v,
             feat_bufs, cent_bufs, acc_v, sem_f, sem_c):
    wid = lax.axis_index("s") * _NC + lax.axis_index("c")
    base = wid * _BPW
    pltpu.sync_copy(lab_hbm.at[pl.ds(base, _BPW)], idx_v)

    def issue(j, b):
        pltpu.async_copy(cent_hbm.at[idx_v.at[pl.ds(j * _C, _C)]],
                         cent_bufs[b], sem_c[b])
        pltpu.async_copy(feat_hbm.at[pl.ds(base + j * _C, _C)],
                         feat_bufs[b], sem_f[b])

    def wait(j, b):
        pltpu.make_async_copy(
            feat_hbm.at[pl.ds(base + j * _C, _C)], feat_bufs[b], sem_f[b]).wait()
        pltpu.make_async_copy(
            cent_hbm.at[idx_v.at[pl.ds(j * _C, _C)]], cent_bufs[b], sem_c[b]).wait()

    for b in range(_DEPTH - 1):
        issue(b, b)

    def step(g, accs):
        for b in range(_DEPTH):
            j = g * _DEPTH + b

            @pl.when(j + _DEPTH - 1 < _NCHUNK)
            def _():
                issue(j + _DEPTH - 1, (b + _DEPTH - 1) % _DEPTH)

            wait(j, b)
            accs = _chunk_sum(feat_bufs[b], cent_bufs[b], accs)
        return accs

    zero = jnp.zeros((_L,), jnp.float32)
    accs = lax.fori_loop(0, _NCHUNK // _DEPTH,
                         step, (zero, zero, zero, zero))
    for j in range(_NCHUNK - _NCHUNK % _DEPTH, _NCHUNK):
        wait(j, j % _DEPTH)
        accs = _chunk_sum(feat_bufs[j % _DEPTH], cent_bufs[j % _DEPTH], accs)
    acc_v[...] = (accs[0] + accs[1]) + (accs[2] + accs[3])
    pltpu.sync_copy(acc_v, out_hbm.at[wid])


@functools.partial(
    pl.kernel,
    mesh=plsc.VectorSubcoreMesh(core_axis_name="c", subcore_axis_name="s"),
    out_type=jax.ShapeDtypeStruct((_NW, _L), jnp.float32),
    scratch_types=[
        pltpu.VMEM((_BPW,), jnp.int32),
        *[pltpu.VMEM((_C, _FEAT), jnp.float32) for _ in range(_DEPTH)],
        *[pltpu.VMEM((_C, _FEAT), jnp.float32) for _ in range(_DEPTH)],
        pltpu.VMEM((_L,), jnp.float32),
        *[pltpu.SemaphoreType.DMA for _ in range(2 * _DEPTH)],
    ],
)
def _center_loss_partials(feat_hbm, lab_hbm, cent_hbm, out_hbm, idx_v, *rest):
    feat_bufs = rest[:_DEPTH]
    cent_bufs = rest[_DEPTH:2 * _DEPTH]
    acc_v = rest[2 * _DEPTH]
    sem_f = rest[2 * _DEPTH + 1:2 * _DEPTH + 1 + _DEPTH]
    sem_c = rest[2 * _DEPTH + 1 + _DEPTH:]
    _sc_body(feat_hbm, lab_hbm, cent_hbm, out_hbm, idx_v,
             feat_bufs, cent_bufs, acc_v, sem_f, sem_c)


def kernel(features, labels, centers):
    if labels.ndim > 1:
        labels = jnp.squeeze(labels, axis=-1)
    lab = labels.astype(jnp.int32)
    partials = _center_loss_partials(features, lab, centers)
    return jnp.sum(partials) / _BATCH

# --- scband reference (transcript-rebuilt; emitter-appended) ---
"""Pipeline reference for scband-center-loss-2954937500011 (READ-ONLY COPY).

The authoritative reference and input builder live on the scoring server;
editing this copy changes nothing except your own understanding.
"""

import jax, jax.numpy as jnp
import numpy as np

NUM_CLASSES = 10000
FEAT_DIM = 1024
BATCH = 16384

def setup_inputs(seed: int = 0) -> dict:
    key = jax.random.key(seed)
    k1, k2, k3 = jax.random.split(key, 3)
    features = jax.random.normal(k1, (BATCH, FEAT_DIM), dtype=jnp.float32)
    labels = jax.random.randint(k2, (BATCH,), 0, NUM_CLASSES, dtype=jnp.int64)
    centers = jax.random.normal(k3, (NUM_CLASSES, FEAT_DIM), dtype=jnp.float32)
    return {"features": features, "labels": labels, "centers": centers}

def reference(features, labels, centers):
    if labels.ndim > 1:
        labels = jnp.squeeze(labels, axis=-1)
    centers_batch = jnp.take(centers, labels, axis=0)
    diff = features - centers_batch
    loss = jnp.mean(jnp.sum(diff * diff, axis=1))
    return loss

if __name__ == "__main__":
    import jax
    _d = setup_inputs()
    print(jax.jit(kernel)(*tuple(_d.values())))

</pallas_src>

<mosaic_0001>
#map = affine_map<(d0, d1) -> (0, 0)>
#map1 = affine_map<(d0, d1) -> (0)>
module attributes {stable_mosaic.version = 14 : i64} {
  func.func @_center_loss_partials(%arg0: i32, %arg1: i32, %arg2: memref<16384x1024xf32, #tpu.memory_space<hbm>>, %arg3: memref<16384xi32, #tpu.memory_space<hbm>>, %arg4: memref<10000x1024xf32, #tpu.memory_space<hbm>>, %arg5: memref<32x16xf32, #tpu.memory_space<hbm>>, %arg6: memref<512xi32, #tpu.memory_space<vmem>>, %arg7: memref<8x1024xf32, #tpu.memory_space<vmem>>, %arg8: memref<8x1024xf32, #tpu.memory_space<vmem>>, %arg9: memref<8x1024xf32, #tpu.memory_space<vmem>>, %arg10: memref<8x1024xf32, #tpu.memory_space<vmem>>, %arg11: memref<8x1024xf32, #tpu.memory_space<vmem>>, %arg12: memref<8x1024xf32, #tpu.memory_space<vmem>>, %arg13: memref<8x1024xf32, #tpu.memory_space<vmem>>, %arg14: memref<8x1024xf32, #tpu.memory_space<vmem>>, %arg15: memref<16xf32, #tpu.memory_space<vmem>>, %arg16: memref<!tpu.dma_semaphore, #tpu.memory_space<semaphore_mem>>, %arg17: memref<!tpu.dma_semaphore, #tpu.memory_space<semaphore_mem>>, %arg18: memref<!tpu.dma_semaphore, #tpu.memory_space<semaphore_mem>>, %arg19: memref<!tpu.dma_semaphore, #tpu.memory_space<semaphore_mem>>, %arg20: memref<!tpu.dma_semaphore, #tpu.memory_space<semaphore_mem>>, %arg21: memref<!tpu.dma_semaphore, #tpu.memory_space<semaphore_mem>>, %arg22: memref<!tpu.dma_semaphore, #tpu.memory_space<semaphore_mem>>, %arg23: memref<!tpu.dma_semaphore, #tpu.memory_space<semaphore_mem>>) attributes {dimension_semantics = [#tpu.dimension_semantics<core_parallel>, #tpu.dimension_semantics<subcore_parallel>], iteration_bounds = array<i64: 2, 16>, scalar_prefetch = 0 : i64, scratch_operands = 18 : i64, tpu.core_type = #tpu.core_type<sc_vector_subcore>, window_params = [{transform_indices = #map}, {transform_indices = #map1}, {transform_indices = #map}, {transform_indices = #map}]} {
    %mul3A = arith.constant 2 : i32
    %mul3A_0 = arith.muli %arg1, %mul3A : i32
    %add3A = arith.addi %mul3A_0, %arg0 : i32
    %mul3A_1 = arith.constant 512 : i32
    %mul3A_2 = arith.muli %add3A, %mul3A_1 : i32
    "tpu.region"() ({
      %run_scoped3A = tpu.sem_alloc : memref<!tpu.dma_semaphore, #tpu.memory_space<semaphore_mem>>
      %dma_start3A_47 = tpu.memref_slice %arg3[%mul3A_2] : memref<16384xi32, #tpu.memory_space<hbm>> -> memref<512xi32, #tpu.memory_space<hbm>>
      %dma_start3A_48 = tpu.memref_slice %arg3[%mul3A_2] : memref<16384xi32, #tpu.memory_space<hbm>> -> memref<512xi32, #tpu.memory_space<hbm>>
      tpu.enqueue_dma source(%dma_start3A_48 : memref<512xi32, #tpu.memory_space<hbm>>) target(%arg6 : memref<512xi32, #tpu.memory_space<vmem>>) target_semaphore(%run_scoped3A : memref<!tpu.dma_semaphore, #tpu.memory_space<semaphore_mem>>)
      %dma_wait3A = tpu.memref_slice %arg3[%mul3A_2] : memref<16384xi32, #tpu.memory_space<hbm>> -> memref<512xi32, #tpu.memory_space<hbm>>
      %dma_wait3A_49 = tpu.memref_slice %arg3[%mul3A_2] : memref<16384xi32, #tpu.memory_space<hbm>> -> memref<512xi32, #tpu.memory_space<hbm>>
      tpu.wait_dma2 semaphore(%run_scoped3A : memref<!tpu.dma_semaphore, #tpu.memory_space<semaphore_mem>>) src(%dma_wait3A_49 : memref<512xi32, #tpu.memory_space<hbm>>) dst(%arg6 : memref<512xi32, #tpu.memory_space<vmem>>)
      tpu.yield
    }) : () -> ()
    %dma_start3A = arith.constant 0 : i32
    %dma_start3A_3 = tpu.memref_slice %arg6[%dma_start3A] : memref<512xi32, #tpu.memory_space<vmem>> -> memref<8xi32, #tpu.memory_space<vmem>>
    %dma_start3A_4 = arith.constant 0 : i32
    %dma_start3A_5 = arith.constant 0 : i32
    %dma_start3A_6 = tpu.memref_slice %arg4[%dma_start3A_4, %dma_start3A_5] : memref<10000x1024xf32, #tpu.memory_space<hbm>> -> memref<10000x1024xf32, #tpu.memory_space<hbm>>
    tpu.enqueue_indirect_dma source(%dma_start3A_6 : memref<10000x1024xf32, #tpu.memory_space<hbm>>) target(%arg11 : memref<8x1024xf32, #tpu.memory_space<vmem>>) offsets(%dma_start3A_3 : memref<8xi32, #tpu.memory_space<vmem>>) semaphore(%arg20 : memref<!tpu.dma_semaphore, #tpu.memory_space<semaphore_mem>>)
    %add3A_7 = arith.constant 0 : i32
    %add3A_8 = arith.addi %mul3A_2, %add3A_7 : i32
    %dma_start3A_9 = arith.constant 0 : i32
    %dma_start3A_10 = tpu.memref_slice %arg2[%add3A_8, %dma_start3A_9] : memref<16384x1024xf32, #tpu.memory_space<hbm>> -> memref<8x1024xf32, #tpu.memory_space<hbm>>
    %dma_start3A_11 = arith.constant 0 : i32
    %dma_start3A_12 = tpu.memref_slice %arg2[%add3A_8, %dma_start3A_11] : memref<16384x1024xf32, #tpu.memory_space<hbm>> -> memref<8x1024xf32, #tpu.memory_space<hbm>>
    tpu.enqueue_dma source(%dma_start3A_12 : memref<8x1024xf32, #tpu.memory_space<hbm>>) target(%arg7 : memref<8x1024xf32, #tpu.memory_space<vmem>>) target_semaphore(%arg16 : memref<!tpu.dma_semaphore, #tpu.memory_space<semaphore_mem>>)
    %dma_start3A_13 = arith.constant 8 : i32
    %dma_start3A_14 = tpu.memref_slice %arg6[%dma_start3A_13] : memref<512xi32, #tpu.memory_space<vmem>> -> memref<8xi32, #tpu.memory_space<vmem>>
    %dma_start3A_15 = arith.constant 0 : i32
    %dma_start3A_16 = arith.constant 0 : i32
    %dma_start3A_17 = tpu.memref_slice %arg4[%dma_start3A_15, %dma_start3A_16] : memref<10000x1024xf32, #tpu.memory_space<hbm>> -> memref<10000x1024xf32, #tpu.memory_space<hbm>>
    tpu.enqueue_indirect_dma source(%dma_start3A_17 : memref<10000x1024xf32, #tpu.memory_space<hbm>>) target(%arg12 : memref<8x1024xf32, #tpu.memory_space<vmem>>) offsets(%dma_start3A_14 : memref<8xi32, #tpu.memory_space<vmem>>) semaphore(%arg21 : memref<!tpu.dma_semaphore, #tpu.memory_space<semaphore_mem>>)
    %add3A_18 = arith.constant 8 : i32
    %add3A_19 = arith.addi %mul3A_2, %add3A_18 : i32
    %dma_start3A_20 = arith.constant 0 : i32
    %dma_start3A_21 = tpu.memref_slice %arg2[%add3A_19, %dma_start3A_20] : memref<16384x1024xf32, #tpu.memory_space<hbm>> -> memref<8x1024xf32, #tpu.memory_space<hbm>>
    %dma_start3A_22 = arith.constant 0 : i32
    %dma_start3A_23 = tpu.memref_slice %arg2[%add3A_19, %dma_start3A_22] : memref<16384x1024xf32, #tpu.memory_space<hbm>> -> memref<8x1024xf32, #tpu.memory_space<hbm>>
    tpu.enqueue_dma source(%dma_start3A_23 : memref<8x1024xf32, #tpu.memory_space<hbm>>) target(%arg8 : memref<8x1024xf32, #tpu.memory_space<vmem>>) target_semaphore(%arg17 : memref<!tpu.dma_semaphore, #tpu.memory_space<semaphore_mem>>)
    %dma_start3A_24 = arith.constant 16 : i32
    %dma_start3A_25 = tpu.memref_slice %arg6[%dma_start3A_24] : memref<512xi32, #tpu.memory_space<vmem>> -> memref<8xi32, #tpu.memory_space<vmem>>
    %dma_start3A_26 = arith.constant 0 : i32
    %dma_start3A_27 = arith.constant 0 : i32
    %dma_start3A_28 = tpu.memref_slice %arg4[%dma_start3A_26, %dma_start3A_27] : memref<10000x1024xf32, #tpu.memory_space<hbm>> -> memref<10000x1024xf32, #tpu.memory_space<hbm>>
    tpu.enqueue_indirect_dma source(%dma_start3A_28 : memref<10000x1024xf32, #tpu.memory_space<hbm>>) target(%arg13 : memref<8x1024xf32, #tpu.memory_space<vmem>>) offsets(%dma_start3A_25 : memref<8xi32, #tpu.memory_space<vmem>>) semaphore(%arg22 : memref<!tpu.dma_semaphore, #tpu.memory_space<semaphore_mem>>)
    %add3A_29 = arith.constant 16 : i32
    %add3A_30 = arith.addi %mul3A_2, %add3A_29 : i32
    %dma_start3A_31 = arith.constant 0 : i32
    %dma_start3A_32 = tpu.memref_slice %arg2[%add3A_30, %dma_start3A_31] : memref<16384x1024xf32, #tpu.memory_space<hbm>> -> memref<8x1024xf32, #tpu.memory_space<hbm>>
    %dma_start3A_33 = arith.constant 0 : i32
    %dma_start3A_34 = tpu.memref_slice %arg2[%add3A_30, %dma_start3A_33] : memref<16384x1024xf32, #tpu.memory_space<hbm>> -> memref<8x1024xf32, #tpu.memory_space<hbm>>
    tpu.enqueue_dma source(%dma_start3A_34 : memref<8x1024xf32, #tpu.memory_space<hbm>>) target(%arg9 : memref<8x1024xf32, #tpu.memory_space<vmem>>) target_semaphore(%arg18 : memref<!tpu.dma_semaphore, #tpu.memory_space<semaphore_mem>>)
    %broadcast_in_dim3A = arith.constant 0.000000e+00 : f32
    %broadcast_in_dim3A_35 = vector.broadcast %broadcast_in_dim3A : f32 to vector<16xf32>
    %scan3A = arith.constant 0 : i32
    %scan3A_36 = arith.constant 16 : i32
    %scan3A_37 = arith.addi %scan3A, %scan3A_36 : i32
    %scan3A_38 = arith.constant 1 : i32
    %scan3A_39:4 = scf.for %scan3A_47 = %scan3A to %scan3A_37 step %scan3A_38 iter_args(%scan3A_48 = %broadcast_in_dim3A_35, %scan3A_49 = %broadcast_in_dim3A_35, %scan3A_50 = %broadcast_in_dim3A_35, %scan3A_51 = %broadcast_in_dim3A_35) -> (vector<16xf32>, vector<16xf32>, vector<16xf32>, vector<16xf32>)  : i32 {
      %mul3A_52 = arith.constant 4 : i32
      %mul3A_53 = arith.muli %scan3A_47, %mul3A_52 : i32
      %add3A_54 = arith.constant 0 : i32
      %add3A_55 = arith.addi %mul3A_53, %add3A_54 : i32
      %add3A_56 = arith.constant 4 : i32
      %add3A_57 = arith.addi %add3A_55, %add3A_56 : i32
      %sub3A = arith.constant 1 : i32
      %sub3A_58 = arith.subi %add3A_57, %sub3A : i32
      %lt3A = arith.constant 64 : i32
      %lt3A_59 = arith.cmpi slt, %sub3A_58, %lt3A : i32
      %convert_element_type3A = arith.extui %lt3A_59 : i1 to i32
      %cond3A = arith.constant 0 : i32
      %cond3A_60 = arith.cmpi ne, %convert_element_type3A, %cond3A : i32
      scf.if %cond3A_60 {
        %add3A_214 = arith.constant 4 : i32
        %add3A_215 = arith.addi %add3A_55, %add3A_214 : i32
        %sub3A_216 = arith.constant 1 : i32
        %sub3A_217 = arith.subi %add3A_215, %sub3A_216 : i32
        %mul3A_218 = arith.constant 8 : i32
        %mul3A_219 = arith.muli %sub3A_217, %mul3A_218 : i32
        %dma_start3A_220 = tpu.memref_slice %arg6[%mul3A_219] : memref<512xi32, #tpu.memory_space<vmem>> -> memref<8xi32, #tpu.memory_space<vmem>>
        %dma_start3A_221 = arith.constant 0 : i32
        %dma_start3A_222 = arith.constant 0 : i32
        %dma_start3A_223 = tpu.memref_slice %arg4[%dma_start3A_221, %dma_start3A_222] : memref<10000x1024xf32, #tpu.memory_space<hbm>> -> memref<10000x1024xf32, #tpu.memory_space<hbm>>
        tpu.enqueue_indirect_dma source(%dma_start3A_223 : memref<10000x1024xf32, #tpu.memory_space<hbm>>) target(%arg14 : memref<8x1024xf32, #tpu.memory_space<vmem>>) offsets(%dma_start3A_220 : memref<8xi32, #tpu.memory_space<vmem>>) semaphore(%arg23 : memref<!tpu.dma_semaphore, #tpu.memory_space<semaphore_mem>>)
        %mul3A_224 = arith.constant 8 : i32
        %mul3A_225 = arith.muli %sub3A_217, %mul3A_224 : i32
        %add3A_226 = arith.addi %mul3A_2, %mul3A_225 : i32
        %dma_start3A_227 = arith.constant 0 : i32
        %dma_start3A_228 = tpu.memref_slice %arg2[%add3A_226, %dma_start3A_227] : memref<16384x1024xf32, #tpu.memory_space<hbm>> -> memref<8x1024xf32, #tpu.memory_space<hbm>>
        %dma_start3A_229 = arith.constant 0 : i32
        %dma_start3A_230 = tpu.memref_slice %arg2[%add3A_226, %dma_start3A_229] : memref<16384x1024xf32, #tpu.memory_space<hbm>> -> memref<8x1024xf32, #tpu.memory_space<hbm>>
        tpu.enqueue_dma source(%dma_start3A_230 : memref<8x1024xf32, #tpu.memory_space<hbm>>) target(%arg10 : memref<8x1024xf32, #tpu.memory_space<vmem>>) target_semaphore(%arg19 : memref<!tpu.dma_semaphore, #tpu.memory_space<semaphore_mem>>)
      } else {
      }
      %mul3A_61 = arith.constant 8 : i32
      %mul3A_62 = arith.muli %add3A_55, %mul3A_61 : i32
      %add3A_63 = arith.addi %mul3A_2, %mul3A_62 : i32
      %dma_wait3A = arith.constant 0 : i32
      %dma_wait3A_64 = tpu.memref_slice %arg2[%add3A_63, %dma_wait3A] : memref<16384x1024xf32, #tpu.memory_space<hbm>> -> memref<8x1024xf32, #tpu.memory_space<hbm>>
      %dma_wait3A_65 = arith.constant 0 : i32
      %dma_wait3A_66 = tpu.memref_slice %arg2[%add3A_63, %dma_wait3A_65] : memref<16384x1024xf32, #tpu.memory_space<hbm>> -> memref<8x1024xf32, #tpu.memory_space<hbm>>
      tpu.wait_dma2 semaphore(%arg16 : memref<!tpu.dma_semaphore, #tpu.memory_space<semaphore_mem>>) src(%dma_wait3A_66 : memref<8x1024xf32, #tpu.memory_space<hbm>>) dst(%arg7 : memref<8x1024xf32, #tpu.memory_space<vmem>>)
      %mul3A_67 = arith.constant 8 : i32
      %mul3A_68 = arith.muli %add3A_55, %mul3A_67 : i32
      %dma_wait3A_69 = tpu.memref_slice %arg6[%mul3A_68] : memref<512xi32, #tpu.memory_space<vmem>> -> memref<8xi32, #tpu.memory_space<vmem>>
      %dma_wait3A_70 = arith.constant 0 : i32
      %dma_wait3A_71 = arith.constant 0 : i32
      %dma_wait3A_72 = tpu.memref_slice %arg4[%dma_wait3A_70, %dma_wait3A_71] : memref<10000x1024xf32, #tpu.memory_space<hbm>> -> memref<10000x1024xf32, #tpu.memory_space<hbm>>
      tpu.wait_indirect_dma semaphore(%arg20 : memref<!tpu.dma_semaphore, #tpu.memory_space<semaphore_mem>>) src(%dma_wait3A_72 : memref<10000x1024xf32, #tpu.memory_space<hbm>>) dst(%arg11 : memref<8x1024xf32, #tpu.memory_space<vmem>>)
      %parallel_loop3A = arith.constant 0 : i32
      %parallel_loop3A_73 = arith.constant 8 : i32
      %parallel_loop3A_74 = arith.constant 1 : i32
      %parallel_loop3A_75:4 = scf.for %parallel_loop3A_214 = %parallel_loop3A to %parallel_loop3A_73 step %parallel_loop3A_74 iter_args(%parallel_loop3A_215 = %scan3A_48, %parallel_loop3A_216 = %scan3A_49, %parallel_loop3A_217 = %scan3A_50, %parallel_loop3A_218 = %scan3A_51) -> (vector<16xf32>, vector<16xf32>, vector<16xf32>, vector<16xf32>)  : i32 {
        %parallel_loop3A_219 = arith.index_cast %parallel_loop3A_214 : i32 to index
        %parallel_loop3A_220 = arith.constant 0 : index
        %parallel_loop3A_221 = tpu.vector_load %arg7[%parallel_loop3A_219, %parallel_loop3A_220] {strides = array<i32>} : memref<8x1024xf32, #tpu.memory_space<vmem>>, vector<1x16xf32>,
        %parallel_loop3A_222 = vector.shape_cast %parallel_loop3A_221 : vector<1x16xf32> to vector<16xf32>
        %parallel_loop3A_223 = arith.index_cast %parallel_loop3A_214 : i32 to index
        %parallel_loop3A_224 = arith.constant 0 : index
        %parallel_loop3A_225 = tpu.vector_load %arg11[%parallel_loop3A_223, %parallel_loop3A_224] {strides = array<i32>} : memref<8x1024xf32, #tpu.memory_space<vmem>>, vector<1x16xf32>,
        %parallel_loop3A_226 = vector.shape_cast %parallel_loop3A_225 : vector<1x16xf32> to vector<16xf32>
        %parallel_loop3A_227 = arith.subf %parallel_loop3A_222, %parallel_loop3A_226 : vector<16xf32>
        %parallel_loop3A_228 = arith.mulf %parallel_loop3A_227, %parallel_loop3A_227 : vector<16xf32>
        %parallel_loop3A_229 = arith.addf %parallel_loop3A_215, %parallel_loop3A_228 : vector<16xf32>
        %parallel_loop3A_230 = arith.index_cast %parallel_loop3A_214 : i32 to index
        %parallel_loop3A_231 = arith.constant 16 : index
        %parallel_loop3A_232 = tpu.vector_load %arg7[%parallel_loop3A_230, %parallel_loop3A_231] {strides = array<i32>} : memref<8x1024xf32, #tpu.memory_space<vmem>>, vector<1x16xf32>,
        %parallel_loop3A_233 = vector.shape_cast %parallel_loop3A_232 : vector<1x16xf32> to vector<16xf32>
        %parallel_loop3A_234 = arith.index_cast %parallel_loop3A_214 : i32 to index
        %parallel_loop3A_235 = arith.constant 16 : index
        %parallel_loop3A_236 = tpu.vector_load %arg11[%parallel_loop3A_234, %parallel_loop3A_235] {strides = array<i32>} : memref<8x1024xf32, #tpu.memory_space<vmem>>, vector<1x16xf32>,
        %parallel_loop3A_237 = vector.shape_cast %parallel_loop3A_236 : vector<1x16xf32> to vector<16xf32>
        %parallel_loop3A_238 = arith.subf %parallel_loop3A_233, %parallel_loop3A_237 : vector<16xf32>
        %parallel_loop3A_239 = arith.mulf %parallel_loop3A_238, %parallel_loop3A_238 : vector<16xf32>
        %parallel_loop3A_240 = arith.addf %parallel_loop3A_216, %parallel_loop3A_239 : vector<16xf32>
        %parallel_loop3A_241 = arith.index_cast %parallel_loop3A_214 : i32 to index
        %parallel_loop3A_242 = arith.constant 32 : index
        %parallel_loop3A_243 = tpu.vector_load %arg7[%parallel_loop3A_241, %parallel_loop3A_242] {strides = array<i32>} : memref<8x1024xf32, #tpu.memory_space<vmem>>, vector<1x16xf32>,
        %parallel_loop3A_244 = vector.shape_cast %parallel_loop3A_243 : vector<1x16xf32> to vector<16xf32>
        %parallel_loop3A_245 = arith.index_cast %parallel_loop3A_214 : i32 to index
        %parallel_loop3A_246 = arith.constant 32 : index
        %parallel_loop3A_247 = tpu.vector_load %arg11[%parallel_loop3A_245, %parallel_loop3A_246] {strides = array<i32>} : memref<8x1024xf32, #tpu.memory_space<vmem>>, vector<1x16xf32>,
        %parallel_loop3A_248 = vector.shape_cast %parallel_loop3A_247 : vector<1x16xf32> to vector<16xf32>
        %parallel_loop3A_249 = arith.subf %parallel_loop3A_244, %parallel_loop3A_248 : vector<16xf32>
        %parallel_loop3A_250 = arith.mulf %parallel_loop3A_249, %parallel_loop3A_249 : vector<16xf32>
        %parallel_loop3A_251 = arith.addf %parallel_loop3A_217, %parallel_loop3A_250 : vector<16xf32>
        %parallel_loop3A_252 = arith.index_cast %parallel_loop3A_214 : i32 to index
        %parallel_loop3A_253 = arith.constant 48 : index
        %parallel_loop3A_254 = tpu.vector_load %arg7[%parallel_loop3A_252, %parallel_loop3A_253] {strides = array<i32>} : memref<8x1024xf32, #tpu.memory_space<vmem>>, vector<1x16xf32>,
        %parallel_loop3A_255 = vector.shape_cast %parallel_loop3A_254 : vector<1x16xf32> to vector<16xf32>
        %parallel_loop3A_256 = arith.index_cast %parallel_loop3A_214 : i32 to index
        %parallel_loop3A_257 = arith.constant 48 : index
        %parallel_loop3A_258 = tpu.vector_load %arg11[%parallel_loop3A_256, %parallel_loop3A_257] {strides = array<i32>} : memref<8x1024xf32, #tpu.memory_space<vmem>>, vector<1x16xf32>,
        %parallel_loop3A_259 = vector.shape_cast %parallel_loop3A_258 : vector<1x16xf32> to vector<16xf32>
        %parallel_loop3A_260 = arith.subf %parallel_loop3A_255, %parallel_loop3A_259 : vector<16xf32>
        %parallel_loop3A_261 = arith.mulf %parallel_loop3A_260, %parallel_loop3A_260 : vector<16xf32>
        %parallel_loop3A_262 = arith.addf %parallel_loop3A_218, %parallel_loop3A_261 : vector<16xf32>
        %parallel_loop3A_263 = arith.index_cast %parallel_loop3A_214 : i32 to index
        %parallel_loop3A_264 = arith.constant 64 : index
        %parallel_loop3A_265 = tpu.vector_load %arg7[%parallel_loop3A_263, %parallel_loop3A_264] {strides = array<i32>} : memref<8x1024xf32, #tpu.memory_space<vmem>>, vector<1x16xf32>,
        %parallel_loop3A_266 = vector.shape_cast %parallel_loop3A_265 : vector<1x16xf32> to vector<16xf32>
        %parallel_loop3A_267 = arith.index_cast %parallel_loop3A_214 : i32 to index
        %parallel_loop3A_268 = arith.constant 64 : index
        %parallel_loop3A_269 = tpu.vector_load %arg11[%parallel_loop3A_267, %parallel_loop3A_268] {strides = array<i32>} : memref<8x1024xf32, #tpu.memory_space<vmem>>, vector<1x16xf32>,
        %parallel_loop3A_270 = vector.shape_cast %parallel_loop3A_269 : vector<1x16xf32> to vector<16xf32>
        %parallel_loop3A_271 = arith.subf %parallel_loop3A_266, %parallel_loop3A_270 : vector<16xf32>
        %parallel_loop3A_272 = arith.mulf %parallel_loop3A_271, %parallel_loop3A_271 : vector<16xf32>
        %parallel_loop3A_273 = arith.addf %parallel_loop3A_229, %parallel_loop3A_272 : vector<16xf32>
        %parallel_loop3A_274 = arith.index_cast %parallel_loop3A_214 : i32 to index
        %parallel_loop3A_275 = arith.constant 80 : index
        %parallel_loop3A_276 = tpu.vector_load %arg7[%parallel_loop3A_274, %parallel_loop3A_275] {strides = array<i32>} : memref<8x1024xf32, #tpu.memory_space<vmem>>, vector<1x16xf32>,
        %parallel_loop3A_277 = vector.shape_cast %parallel_loop3A_276 : vector<1x16xf32> to vector<16xf32>
        %parallel_loop3A_278 = arith.index_cast %parallel_loop3A_214 : i32 to index
        %parallel_loop3A_279 = arith.constant 80 : index
        %parallel_loop3A_280 = tpu.vector_load %arg11[%parallel_loop3A_278, %parallel_loop3A_279] {strides = array<i32>} : memref<8x1024xf32, #tpu.memory_space<vmem>>, vector<1x16xf32>,
        %parallel_loop3A_281 = vector.shape_cast %parallel_loop3A_280 : vector<1x16xf32> to vector<16xf32>
        %parallel_loop3A_282 = arith.subf %parallel_loop3A_277, %parallel_loop3A_281 : vector<16xf32>
        %parallel_loop3A_283 = arith.mulf %parallel_loop3A_282, %parallel_loop3A_282 : vector<16xf32>
        %parallel_loop3A_284 = arith.addf %parallel_loop3A_240, %parallel_loop3A_283 : vector<16xf32>
        %parallel_loop3A_285 = arith.index_cast %parallel_loop3A_214 : i32 to index
        %parallel_loop3A_286 = arith.constant 96 : index
        %parallel_loop3A_287 = tpu.vector_load %arg7[%parallel_loop3A_285, %parallel_loop3A_286] {strides = array<i32>} : memref<8x1024xf32, #tpu.memory_space<vmem>>, vector<1x16xf32>,
        %parallel_loop3A_288 = vector.shape_cast %parallel_loop3A_287 : vector<1x16xf32> to vector<16xf32>
        %parallel_loop3A_289 = arith.index_cast %parallel_loop3A_214 : i32 to index
        %parallel_loop3A_290 = arith.constant 96 : index
        %parallel_loop3A_291 = tpu.vector_load %arg11[%parallel_loop3A_289, %parallel_loop3A_290] {strides = array<i32>} : memref<8x1024xf32, #tpu.memory_space<vmem>>, vector<1x16xf32>,
        %parallel_loop3A_292 = vector.shape_cast %parallel_loop3A_291 : vector<1x16xf32> to vector<16xf32>
        %parallel_loop3A_293 = arith.subf %parallel_loop3A_288, %parallel_loop3A_292 : vector<16xf32>
        %parallel_loop3A_294 = arith.mulf %parallel_loop3A_293, %parallel_loop3A_293 : vector<16xf32>
        %parallel_loop3A_295 = arith.addf %parallel_loop3A_251, %parallel_loop3A_294 : vector<16xf32>
        %parallel_loop3A_296 = arith.index_cast %parallel_loop3A_214 : i32 to index
        %parallel_loop3A_297 = arith.constant 112 : index
        %parallel_loop3A_298 = tpu.vector_load %arg7[%parallel_loop3A_296, %parallel_loop3A_297] {strides = array<i32>} : memref<8x1024xf32, #tpu.memory_space<vmem>>, vector<1x16xf32>,
        %parallel_loop3A_299 = vector.shape_cast %parallel_loop3A_298 : vector<1x16xf32> to vector<16xf32>
        %parallel_loop3A_300 = arith.index_cast %parallel_loop3A_214 : i32 to index
        %parallel_loop3A_301 = arith.constant 112 : index
        %parallel_loop3A_302 = tpu.vector_load %arg11[%parallel_loop3A_300, %parallel_loop3A_301] {strides = array<i32>} : memref<8x1024xf32, #tpu.memory_space<vmem>>, vector<1x16xf32>,
        %parallel_loop3A_303 = vector.shape_cast %parallel_loop3A_302 : vector<1x16xf32> to vector<16xf32>
        %parallel_loop3A_304 = arith.subf %parallel_loop3A_299, %parallel_loop3A_303 : vector<16xf32>
        %parallel_loop3A_305 = arith.mulf %parallel_loop3A_304, %parallel_loop3A_304 : vector<16xf32>
        %parallel_loop3A_306 = arith.addf %parallel_loop3A_262, %parallel_loop3A_305 : vector<16xf32>
        %parallel_loop3A_307 = arith.index_cast %parallel_loop3A_214 : i32 to index
        %parallel_loop3A_308 = arith.constant 128 : index
        %parallel_loop3A_309 = tpu.vector_load %arg7[%parallel_loop3A_307, %parallel_loop3A_308] {strides = array<i32>} : memref<8x1024xf32, #tpu.memory_space<vmem>>, vector<1x16xf32>,
        %parallel_loop3A_310 = vector.shape_cast %parallel_loop3A_309 : vector<1x16xf32> to vector<16xf32>
        %parallel_loop3A_311 = arith.index_cast %parallel_loop3A_214 : i32 to index
        %parallel_loop3A_312 = arith.constant 128 : index
        %parallel_loop3A_313 = tpu.vector_load %arg11[%parallel_loop3A_311, %parallel_loop3A_312] {strides = array<i32>} : memref<8x1024xf32, #tpu.memory_space<vmem>>, vector<1x16xf32>,
        %parallel_loop3A_314 = vector.shape_cast %parallel_loop3A_313 : vector<1x16xf32> to vector<16xf32>
        %parallel_loop3A_315 = arith.subf %parallel_loop3A_310, %parallel_loop3A_314 : vector<16xf32>
        %parallel_loop3A_316 = arith.mulf %parallel_loop3A_315, %parallel_loop3A_315 : vector<16xf32>
        %parallel_loop3A_317 = arith.addf %parallel_loop3A_273, %parallel_loop3A_316 : vector<16xf32>
        %parallel_loop3A_318 = arith.index_cast %parallel_loop3A_214 : i32 to index
        %parallel_loop3A_319 = arith.constant 144 : index
        %parallel_loop3A_320 = tpu.vector_load %arg7[%parallel_loop3A_318, %parallel_loop3A_319] {strides = array<i32>} : memref<8x1024xf32, #tpu.memory_space<vmem>>, vector<1x16xf32>,
        %parallel_loop3A_321 = vector.shape_cast %parallel_loop3A_320 : vector<1x16xf32> to vector<16xf32>
        %parallel_loop3A_322 = arith.index_cast %parallel_loop3A_214 : i32 to index
        %parallel_loop3A_323 = arith.constant 144 : index
        %parallel_loop3A_324 = tpu.vector_load %arg11[%parallel_loop3A_322, %parallel_loop3A_323] {strides = array<i32>} : memref<8x1024xf32, #tpu.memory_space<vmem>>, vector<1x16xf32>,
        %parallel_loop3A_325 = vector.shape_cast %parallel_loop3A_324 : vector<1x16xf32> to vector<16xf32>
        %parallel_loop3A_326 = arith.subf %parallel_loop3A_321, %parallel_loop3A_325 : vector<16xf32>
        %parallel_loop3A_327 = arith.mulf %parallel_loop3A_326, %parallel_loop3A_326 : vector<16xf32>
        %parallel_loop3A_328 = arith.addf %parallel_loop3A_284, %parallel_loop3A_327 : vector<16xf32>
        %parallel_loop3A_329 = arith.index_cast %parallel_loop3A_214 : i32 to index
        %parallel_loop3A_330 = arith.constant 160 : index
        %parallel_loop3A_331 = tpu.vector_load %arg7[%parallel_loop3A_329, %parallel_loop3A_330] {strides = array<i32>} : memref<8x1024xf32, #tpu.memory_space<vmem>>, vector<1x16xf32>,
        %parallel_loop3A_332 = vector.shape_cast %parallel_loop3A_331 : vector<1x16xf32> to vector<16xf32>
        %parallel_loop3A_333 = arith.index_cast %parallel_loop3A_214 : i32 to index
        %parallel_loop3A_334 = arith.constant 160 : index
        %parallel_loop3A_335 = tpu.vector_load %arg11[%parallel_loop3A_333, %parallel_loop3A_334] {strides = array<i32>} : memref<8x1024xf32, #tpu.memory_space<vmem>>, vector<1x16xf32>,
        %parallel_loop3A_336 = vector.shape_cast %parallel_loop3A_335 : vector<1x16xf32> to vector<16xf32>
        %parallel_loop3A_337 = arith.subf %parallel_loop3A_332, %parallel_loop3A_336 : vector<16xf32>
        %parallel_loop3A_338 = arith.mulf %parallel_loop3A_337, %parallel_loop3A_337 : vector<16xf32>
        %parallel_loop3A_339 = arith.addf %parallel_loop3A_295, %parallel_loop3A_338 : vector<16xf32>
        %parallel_loop3A_340 = arith.index_cast %parallel_loop3A_214 : i32 to index
        %parallel_loop3A_341 = arith.constant 176 : index
        %parallel_loop3A_342 = tpu.vector_load %arg7[%parallel_loop3A_340, %parallel_loop3A_341] {strides = array<i32>} : memref<8x1024xf32, #tpu.memory_space<vmem>>, vector<1x16xf32>,
        %parallel_loop3A_343 = vector.shape_cast %parallel_loop3A_342 : vector<1x16xf32> to vector<16xf32>
        %parallel_loop3A_344 = arith.index_cast %parallel_loop3A_214 : i32 to index
        %parallel_loop3A_345 = arith.constant 176 : index
        %parallel_loop3A_346 = tpu.vector_load %arg11[%parallel_loop3A_344, %parallel_loop3A_345] {strides = array<i32>} : memref<8x1024xf32, #tpu.memory_space<vmem>>, vector<1x16xf32>,
        %parallel_loop3A_347 = vector.shape_cast %parallel_loop3A_346 : vector<1x16xf32> to vector<16xf32>
        %parallel_loop3A_348 = arith.subf %parallel_loop3A_343, %parallel_loop3A_347 : vector<16xf32>
        %parallel_loop3A_349 = arith.mulf %parallel_loop3A_348, %parallel_loop3A_348 : vector<16xf32>
        %parallel_loop3A_350 = arith.addf %parallel_loop3A_306, %parallel_loop3A_349 : vector<16xf32>
        %parallel_loop3A_351 = arith.index_cast %parallel_loop3A_214 : i32 to index
        %parallel_loop3A_352 = arith.constant 192 : index
        %parallel_loop3A_353 = tpu.vector_load %arg7[%parallel_loop3A_351, %parallel_loop3A_352] {strides = array<i32>} : memref<8x1024xf32, #tpu.memory_space<vmem>>, vector<1x16xf32>,
        %parallel_loop3A_354 = vector.shape_cast %parallel_loop3A_353 : vector<1x16xf32> to vector<16xf32>
        %parallel_loop3A_355 = arith.index_cast %parallel_loop3A_214 : i32 to index
        %parallel_loop3A_356 = arith.constant 192 : index
        %parallel_loop3A_357 = tpu.vector_load %arg11[%parallel_loop3A_355, %parallel_loop3A_356] {strides = array<i32>} : memref<8x1024xf32, #tpu.memory_space<vmem>>, vector<1x16xf32>,
        %parallel_loop3A_358 = vector.shape_cast %parallel_loop3A_357 : vector<1x16xf32> to vector<16xf32>
        %parallel_loop3A_359 = arith.subf %parallel_loop3A_354, %parallel_loop3A_358 : vector<16xf32>
        %parallel_loop3A_360 = arith.mulf %parallel_loop3A_359, %parallel_loop3A_359 : vector<16xf32>
        %parallel_loop3A_361 = arith.addf %parallel_loop3A_317, %parallel_loop3A_360 : vector<16xf32>
        %parallel_loop3A_362 = arith.index_cast %parallel_loop3A_214 : i32 to index
        %parallel_loop3A_363 = arith.constant 208 : index
        %parallel_loop3A_364 = tpu.vector_load %arg7[%parallel_loop3A_362, %parallel_loop3A_363] {strides = array<i32>} : memref<8x1024xf32, #tpu.memory_space<vmem>>, vector<1x16xf32>,
        %parallel_loop3A_365 = vector.shape_cast %parallel_loop3A_364 : vector<1x16xf32> to vector<16xf32>
        %parallel_loop3A_366 = arith.index_cast %parallel_loop3A_214 : i32 to index
        %parallel_loop3A_367 = arith.constant 208 : index
        %parallel_loop3A_368 = tpu.vector_load %arg11[%parallel_loop3A_366, %parallel_loop3A_367] {strides = array<i32>} : memref<8x1024xf32, #tpu.memory_space<vmem>>, vector<1x16xf32>,
        %parallel_loop3A_369 = vector.shape_cast %parallel_loop3A_368 : vector<1x16xf32> to vector<16xf32>
        %parallel_loop3A_370 = arith.subf %parallel_loop3A_365, %parallel_loop3A_369 : vector<16xf32>
        %parallel_loop3A_371 = arith.mulf %parallel_loop3A_370, %parallel_loop3A_370 : vector<16xf32>
        %parallel_loop3A_372 = arith.addf %parallel_loop3A_328, %parallel_loop3A_371 : vector<16xf32>
        %parallel_loop3A_373 = arith.index_cast %parallel_loop3A_214 : i32 to index
        %parallel_loop3A_374 = arith.constant 224 : index
        %parallel_loop3A_375 = tpu.vector_load %arg7[%parallel_loop3A_373, %parallel_loop3A_374] {strides = array<i32>} : memref<8x1024xf32, #tpu.memory_space<vmem>>, vector<1x16xf32>,
        %parallel_loop3A_376 = vector.shape_cast %parallel_loop3A_375 : vector<1x16xf32> to vector<16xf32>
        %parallel_loop3A_377 = arith.index_cast %parallel_loop3A_214 : i32 to index
        %parallel_loop3A_378 = arith.constant 224 : index
        %parallel_loop3A_379 = tpu.vector_load %arg11[%parallel_loop3A_377, %parallel_loop3A_378] {strides = array<i32>} : memref<8x1024xf32, #tpu.memory_space<vmem>>, vector<1x16xf32>,
        %parallel_loop3A_380 = vector.shape_cast %parallel_loop3A_379 : vector<1x16xf32> to vector<16xf32>
        %parallel_loop3A_381 = arith.subf %parallel_loop3A_376, %parallel_loop3A_380 : vector<16xf32>
        %parallel_loop3A_382 = arith.mulf %parallel_loop3A_381, %parallel_loop3A_381 : vector<16xf32>
        %parallel_loop3A_383 = arith.addf %parallel_loop3A_339, %parallel_loop3A_382 : vector<16xf32>
        %parallel_loop3A_384 = arith.index_cast %parallel_loop3A_214 : i32 to index
        %parallel_loop3A_385 = arith.constant 240 : index
        %parallel_loop3A_386 = tpu.vector_load %arg7[%parallel_loop3A_384, %parallel_loop3A_385] {strides = array<i32>} : memref<8x1024xf32, #tpu.memory_space<vmem>>, vector<1x16xf32>,
        %parallel_loop3A_387 = vector.shape_cast %parallel_loop3A_386 : vector<1x16xf32> to vector<16xf32>
        %parallel_loop3A_388 = arith.index_cast %parallel_loop3A_214 : i32 to index
        %parallel_loop3A_389 = arith.constant 240 : index
        %parallel_loop3A_390 = tpu.vector_load %arg11[%parallel_loop3A_388, %parallel_loop3A_389] {strides = array<i32>} : memref<8x1024xf32, #tpu.memory_space<vmem>>, vector<1x16xf32>,
        %parallel_loop3A_391 = vector.shape_cast %parallel_loop3A_390 : vector<1x16xf32> to vector<16xf32>
        %parallel_loop3A_392 = arith.subf %parallel_loop3A_387, %parallel_loop3A_391 : vector<16xf32>
        %parallel_loop3A_393 = arith.mulf %parallel_loop3A_392, %parallel_loop3A_392 : vector<16xf32>
        %parallel_loop3A_394 = arith.addf %parallel_loop3A_350, %parallel_loop3A_393 : vector<16xf32>
        scf.yield %parallel_loop3A_361, %parallel_loop3A_372, %parallel_loop3A_383, %parallel_loop3A_394 : vector<16xf32>, vector<16xf32>, vector<16xf32>, vector<16xf32>
      } {sc.loop_unroll_factor = 2 : i64, sc.parallel_access}
      %parallel_loop3A_76 = arith.constant 0 : i32
      %parallel_loop3A_77 = arith.constant 8 : i32
      %parallel_loop3A_78 = arith.constant 1 : i32
      %parallel_loop3A_79:4 = scf.for %parallel_loop3A_214 = %parallel_loop3A_76 to %parallel_loop3A_77 step %parallel_loop3A_78 iter_args(%parallel_loop3A_215 = %parallel_loop3A_75#0, %parallel_loop3A_216 = %parallel_loop3A_75#1, %parallel_loop3A_217 = %parallel_loop3A_75#2, %parallel_loop3A_218 = %parallel_loop3A_75#3) -> (vector<16xf32>, vector<16xf32>, vector<16xf32>, vector<16xf32>)  : i32 {
        %parallel_loop3A_219 = arith.index_cast %parallel_loop3A_214 : i32 to index
        %parallel_loop3A_220 = arith.constant 256 : index
        %parallel_loop3A_221 = tpu.vector_load %arg7[%parallel_loop3A_219, %parallel_loop3A_220] {strides = array<i32>} : memref<8x1024xf32, #tpu.memory_space<vmem>>, vector<1x16xf32>,
        %parallel_loop3A_222 = vector.shape_cast %parallel_loop3A_221 : vector<1x16xf32> to vector<16xf32>
        %parallel_loop3A_223 = arith.index_cast %parallel_loop3A_214 : i32 to index
        %parallel_loop3A_224 = arith.constant 256 : index
        %parallel_loop3A_225 = tpu.vector_load %arg11[%parallel_loop3A_223, %parallel_loop3A_224] {strides = array<i32>} : memref<8x1024xf32, #tpu.memory_space<vmem>>, vector<1x16xf32>,
        %parallel_loop3A_226 = vector.shape_cast %parallel_loop3A_225 : vector<1x16xf32> to vector<16xf32>
        %parallel_loop3A_227 = arith.subf %parallel_loop3A_222, %parallel_loop3A_226 : vector<16xf32>
        %parallel_loop3A_228 = arith.mulf %parallel_loop3A_227, %parallel_loop3A_227 : vector<16xf32>
        %parallel_loop3A_229 = arith.addf %parallel_loop3A_215, %parallel_loop3A_228 : vector<16xf32>
        %parallel_loop3A_230 = arith.index_cast %parallel_loop3A_214 : i32 to index
        %parallel_loop3A_231 = arith.constant 272 : index
        %parallel_loop3A_232 = tpu.vector_load %arg7[%parallel_loop3A_230, %parallel_loop3A_231] {strides = array<i32>} : memref<8x1024xf32, #tpu.memory_space<vmem>>, vector<1x16xf32>,
        %parallel_loop3A_233 = vector.shape_cast %parallel_loop3A_232 : vector<1x16xf32> to vector<16xf32>
        %parallel_loop3A_234 = arith.index_cast %parallel_loop3A_214 : i32 to index
        %parallel_loop3A_235 = arith.constant 272 : index
        %parallel_loop3A_236 = tpu.vector_load %arg11[%parallel_loop3A_234, %parallel_loop3A_235] {strides = array<i32>} : memref<8x1024xf32, #tpu.memory_space<vmem>>, vector<1x16xf32>,
        %parallel_loop3A_237 = vector.shape_cast %parallel_loop3A_236 : vector<1x16xf32> to vector<16xf32>
        %parallel_loop3A_238 = arith.subf %parallel_loop3A_233, %parallel_loop3A_237 : vector<16xf32>
        %parallel_loop3A_239 = arith.mulf %parallel_loop3A_238, %parallel_loop3A_238 : vector<16xf32>
        %parallel_loop3A_240 = arith.addf %parallel_loop3A_216, %parallel_loop3A_239 : vector<16xf32>
        %parallel_loop3A_241 = arith.index_cast %parallel_loop3A_214 : i32 to index
        %parallel_loop3A_242 = arith.constant 288 : index
        %parallel_loop3A_243 = tpu.vector_load %arg7[%parallel_loop3A_241, %parallel_loop3A_242] {strides = array<i32>} : memref<8x1024xf32, #tpu.memory_space<vmem>>, vector<1x16xf32>,
        %parallel_loop3A_244 = vector.shape_cast %parallel_loop3A_243 : vector<1x16xf32> to vector<16xf32>
        %parallel_loop3A_245 = arith.index_cast %parallel_loop3A_214 : i32 to index
        %parallel_loop3A_246 = arith.constant 288 : index
        %parallel_loop3A_247 = tpu.vector_load %arg11[%parallel_loop3A_245, %parallel_loop3A_246] {strides = array<i32>} : memref<8x1024xf32, #tpu.memory_space<vmem>>, vector<1x16xf32>,
        %parallel_loop3A_248 = vector.shape_cast %parallel_loop3A_247 : vector<1x16xf32> to vector<16xf32>
        %parallel_loop3A_249 = arith.subf %parallel_loop3A_244, %parallel_loop3A_248 : vector<16xf32>
        %parallel_loop3A_250 = arith.mulf %parallel_loop3A_249, %parallel_loop3A_249 : vector<16xf32>
        %parallel_loop3A_251 = arith.addf %parallel_loop3A_217, %parallel_loop3A_250 : vector<16xf32>
        %parallel_loop3A_252 = arith.index_cast %parallel_loop3A_214 : i32 to index
        %parallel_loop3A_253 = arith.constant 304 : index
        %parallel_loop3A_254 = tpu.vector_load %arg7[%parallel_loop3A_252, %parallel_loop3A_253] {strides = array<i32>} : memref<8x1024xf32, #tpu.memory_space<vmem>>, vector<1x16xf32>,
        %parallel_loop3A_255 = vector.shape_cast %parallel_loop3A_254 : vector<1x16xf32> to vector<16xf32>
        %parallel_loop3A_256 = arith.index_cast %parallel_loop3A_214 : i32 to index
        %parallel_loop3A_257 = arith.constant 304 : index
        %parallel_loop3A_258 = tpu.vector_load %arg11[%parallel_loop3A_256, %parallel_loop3A_257] {strides = array<i32>} : memref<8x1024xf32, #tpu.memory_space<vmem>>, vector<1x16xf32>,
        %parallel_loop3A_259 = vector.shape_cast %parallel_loop3A_258 : vector<1x16xf32> to vector<16xf32>
        %parallel_loop3A_260 = arith.subf %parallel_loop3A_255, %parallel_loop3A_259 : vector<16xf32>
        %parallel_loop3A_261 = arith.mulf %parallel_loop3A_260, %parallel_loop3A_260 : vector<16xf32>
        %parallel_loop3A_262 = arith.addf %parallel_loop3A_218, %parallel_loop3A_261 : vector<16xf32>
        %parallel_loop3A_263 = arith.index_cast %parallel_loop3A_214 : i32 to index
        %parallel_loop3A_264 = arith.constant 320 : index
        %parallel_loop3A_265 = tpu.vector_load %arg7[%parallel_loop3A_263, %parallel_loop3A_264] {strides = array<i32>} : memref<8x1024xf32, #tpu.memory_space<vmem>>, vector<1x16xf32>,
        %parallel_loop3A_266 = vector.shape_cast %parallel_loop3A_265 : vector<1x16xf32> to vector<16xf32>
        %parallel_loop3A_267 = arith.index_cast %parallel_loop3A_214 : i32 to index
        %parallel_loop3A_268 = arith.constant 320 : index
        %parallel_loop3A_269 = tpu.vector_load %arg11[%parallel_loop3A_267, %parallel_loop3A_268] {strides = array<i32>} : memref<8x1024xf32, #tpu.memory_space<vmem>>, vector<1x16xf32>,
        %parallel_loop3A_270 = vector.shape_cast %parallel_loop3A_269 : vector<1x16xf32> to vector<16xf32>
        %parallel_loop3A_271 = arith.subf %parallel_loop3A_266, %parallel_loop3A_270 : vector<16xf32>
        %parallel_loop3A_272 = arith.mulf %parallel_loop3A_271, %parallel_loop3A_271 : vector<16xf32>
        %parallel_loop3A_273 = arith.addf %parallel_loop3A_229, %parallel_loop3A_272 : vector<16xf32>
        %parallel_loop3A_274 = arith.index_cast %parallel_loop3A_214 : i32 to index
        %parallel_loop3A_275 = arith.constant 336 : index
        %parallel_loop3A_276 = tpu.vector_load %arg7[%parallel_loop3A_274, %parallel_loop3A_275] {strides = array<i32>} : memref<8x1024xf32, #tpu.memory_space<vmem>>, vector<1x16xf32>,
        %parallel_loop3A_277 = vector.shape_cast %parallel_loop3A_276 : vector<1x16xf32> to vector<16xf32>
        %parallel_loop3A_278 = arith.index_cast %parallel_loop3A_214 : i32 to index
        %parallel_loop3A_279 = arith.constant 336 : index
        %parallel_loop3A_280 = tpu.vector_load %arg11[%parallel_loop3A_278, %parallel_loop3A_279] {strides = array<i32>} : memref<8x1024xf32, #tpu.memory_space<vmem>>, vector<1x16xf32>,
        %parallel_loop3A_281 = vector.shape_cast %parallel_loop3A_280 : vector<1x16xf32> to vector<16xf32>
        %parallel_loop3A_282 = arith.subf %parallel_loop3A_277, %parallel_loop3A_281 : vector<16xf32>
        %parallel_loop3A_283 = arith.mulf %parallel_loop3A_282, %parallel_loop3A_282 : vector<16xf32>
        %parallel_loop3A_284 = arith.addf %parallel_loop3A_240, %parallel_loop3A_283 : vector<16xf32>
        %parallel_loop3A_285 = arith.index_cast %parallel_loop3A_214 : i32 to index
        %parallel_loop3A_286 = arith.constant 352 : index
        %parallel_loop3A_287 = tpu.vector_load %arg7[%parallel_loop3A_285, %parallel_loop3A_286] {strides = array<i32>} : memref<8x1024xf32, #tpu.memory_space<vmem>>, vector<1x16xf32>,
        %parallel_loop3A_288 = vector.shape_cast %parallel_loop3A_287 : vector<1x16xf32> to vector<16xf32>
        %parallel_loop3A_289 = arith.index_cast %parallel_loop3A_214 : i32 to index
        %parallel_loop3A_290 = arith.constant 352 : index
        %parallel_loop3A_291 = tpu.vector_load %arg11[%parallel_loop3A_289, %parallel_loop3A_290] {strides = array<i32>} : memref<8x1024xf32, #tpu.memory_space<vmem>>, vector<1x16xf32>,
        %parallel_loop3A_292 = vector.shape_cast %parallel_loop3A_291 : vector<1x16xf32> to vector<16xf32>
        %parallel_loop3A_293 = arith.subf %parallel_loop3A_288, %parallel_loop3A_292 : vector<16xf32>
        %parallel_loop3A_294 = arith.mulf %parallel_loop3A_293, %parallel_loop3A_293 : vector<16xf32>
        %parallel_loop3A_295 = arith.addf %parallel_loop3A_251, %parallel_loop3A_294 : vector<16xf32>
        %parallel_loop3A_296 = arith.index_cast %parallel_loop3A_214 : i32 to index
        %parallel_loop3A_297 = arith.constant 368 : index
        %parallel_loop3A_298 = tpu.vector_load %arg7[%parallel_loop3A_296, %parallel_loop3A_297] {strides = array<i32>} : memref<8x1024xf32, #tpu.memory_space<vmem>>, vector<1x16xf32>,
        %parallel_loop3A_299 = vector.shape_cast %parallel_loop3A_298 : vector<1x16xf32> to vector<16xf32>
        %parallel_loop3A_300 = arith.index_cast %parallel_loop3A_214 : i32 to index
        %parallel_loop3A_301 = arith.constant 368 : index
        %parallel_loop3A_302 = tpu.vector_load %arg11[%parallel_loop3A_300, %parallel_loop3A_301] {strides = array<i32>} : memref<8x1024xf32, #tpu.memory_space<vmem>>, vector<1x16xf32>,
        %parallel_loop3A_303 = vector.shape_cast %parallel_loop3A_302 : vector<1x16xf32> to vector<16xf32>
        %parallel_loop3A_304 = arith.subf %parallel_loop3A_299, %parallel_loop3A_303 : vector<16xf32>
        %parallel_loop3A_305 = arith.mulf %parallel_loop3A_304, %parallel_loop3A_304 : vector<16xf32>
        %parallel_loop3A_306 = arith.addf %parallel_loop3A_262, %parallel_loop3A_305 : vector<16xf32>
        %parallel_loop3A_307 = arith.index_cast %parallel_loop3A_214 : i32 to index
        %parallel_loop3A_308 = arith.constant 384 : index
        %parallel_loop3A_309 = tpu.vector_load %arg7[%parallel_loop3A_307, %parallel_loop3A_308] {strides = array<i32>} : memref<8x1024xf32, #tpu.memory_space<vmem>>, vector<1x16xf32>,
        %parallel_loop3A_310 = vector.shape_cast %parallel_loop3A_309 : vector<1x16xf32> to vector<16xf32>
        %parallel_loop3A_311 = arith.index_cast %parallel_loop3A_214 : i32 to index
        %parallel_loop3A_312 = arith.constant 384 : index
        %parallel_loop3A_313 = tpu.vector_load %arg11[%parallel_loop3A_311, %parallel_loop3A_312] {strides = array<i32>} : memref<8x1024xf32, #tpu.memory_space<vmem>>, vector<1x16xf32>,
        %parallel_loop3A_314 = vector.shape_cast %parallel_loop3A_313 : vector<1x16xf32> to vector<16xf32>
        %parallel_loop3A_315 = arith.subf %parallel_loop3A_310, %parallel_loop3A_314 : vector<16xf32>
        %parallel_loop3A_316 = arith.mulf %parallel_loop3A_315, %parallel_loop3A_315 : vector<16xf32>
        %parallel_loop3A_317 = arith.addf %parallel_loop3A_273, %parallel_loop3A_316 : vector<16xf32>
        %parallel_loop3A_318 = arith.index_cast %parallel_loop3A_214 : i32 to index
        %parallel_loop3A_319 = arith.constant 400 : index
        %parallel_loop3A_320 = tpu.vector_load %arg7[%parallel_loop3A_318, %parallel_loop3A_319] {strides = array<i32>} : memref<8x1024xf32, #tpu.memory_space<vmem>>, vector<1x16xf32>,
        %parallel_loop3A_321 = vector.shape_cast %parallel_loop3A_320 : vector<1x16xf32> to vector<16xf32>
        %parallel_loop3A_322 = arith.index_cast %parallel_loop3A_214 : i32 to index
        %parallel_loop3A_323 = arith.constant 400 : index
        %parallel_loop3A_324 = tpu.vector_load %arg11[%parallel_loop3A_322, %parallel_loop3A_323] {strides = array<i32>} : memref<8x1024xf32, #tpu.memory_space<vmem>>, vector<1x16xf32>,
        %parallel_loop3A_325 = vector.shape_cast %parallel_loop3A_324 : vector<1x16xf32> to vector<16xf32>
        %parallel_loop3A_326 = arith.subf %parallel_loop3A_321, %parallel_loop3A_325 : vector<16xf32>
        %parallel_loop3A_327 = arith.mulf %parallel_loop3A_326, %parallel_loop3A_326 : vector<16xf32>
        %parallel_loop3A_328 = arith.addf %parallel_loop3A_284, %parallel_loop3A_327 : vector<16xf32>
        %parallel_loop3A_329 = arith.index_cast %parallel_loop3A_214 : i32 to index
        %parallel_loop3A_330 = arith.constant 416 : index
        %parallel_loop3A_331 = tpu.vector_load %arg7[%parallel_loop3A_329, %parallel_loop3A_330] {strides = array<i32>} : memref<8x1024xf32, #tpu.memory_space<vmem>>, vector<1x16xf32>,
        %parallel_loop3A_332 = vector.shape_cast %parallel_loop3A_331 : vector<1x16xf32> to vector<16xf32>
        %parallel_loop3A_333 = arith.index_cast %parallel_loop3A_214 : i32 to index
        %parallel_loop3A_334 = arith.constant 416 : index
        %parallel_loop3A_335 = tpu.vector_load %arg11[%parallel_loop3A_333, %parallel_loop3A_334] {strides = array<i32>} : memref<8x1024xf32, #tpu.memory_space<vmem>>, vector<1x16xf32>,
        %parallel_loop3A_336 = vector.shape_cast %parallel_loop3A_335 : vector<1x16xf32> to vector<16xf32>
        %parallel_loop3A_337 = arith.subf %parallel_loop3A_332, %parallel_loop3A_336 : vector<16xf32>
        %parallel_loop3A_338 = arith.mulf %parallel_loop3A_337, %parallel_loop3A_337 : vector<16xf32>
        %parallel_loop3A_339 = arith.addf %parallel_loop3A_295, %parallel_loop3A_338 : vector<16xf32>
        %parallel_loop3A_340 = arith.index_cast %parallel_loop3A_214 : i32 to index
        %parallel_loop3A_341 = arith.constant 432 : index
        %parallel_loop3A_342 = tpu.vector_load %arg7[%parallel_loop3A_340, %parallel_loop3A_341] {strides = array<i32>} : memref<8x1024xf32, #tpu.memory_space<vmem>>, vector<1x16xf32>,
        %parallel_loop3A_343 = vector.shape_cast %parallel_loop3A_342 : vector<1x16xf32> to vector<16xf32>
        %parallel_loop3A_344 = arith.index_cast %parallel_loop3A_214 : i32 to index
        %parallel_loop3A_345 = arith.constant 432 : index
        %parallel_loop3A_346 = tpu.vector_load %arg11[%parallel_loop3A_344, %parallel_loop3A_345] {strides = array<i32>} : memref<8x1024xf32, #tpu.memory_space<vmem>>, vector<1x16xf32>,
        %parallel_loop3A_347 = vector.shape_cast %parallel_loop3A_346 : vector<1x16xf32> to vector<16xf32>
        %parallel_loop3A_348 = arith.subf %parallel_loop3A_343, %parallel_loop3A_347 : vector<16xf32>
        %parallel_loop3A_349 = arith.mulf %parallel_loop3A_348, %parallel_loop3A_348 : vector<16xf32>
        %parallel_loop3A_350 = arith.addf %parallel_loop3A_306, %parallel_loop3A_349 : vector<16xf32>
        %parallel_loop3A_351 = arith.index_cast %parallel_loop3A_214 : i32 to index
        %parallel_loop3A_352 = arith.constant 448 : index
        %parallel_loop3A_353 = tpu.vector_load %arg7[%parallel_loop3A_351, %parallel_loop3A_352] {strides = array<i32>} : memref<8x1024xf32, #tpu.memory_space<vmem>>, vector<1x16xf32>,
        %parallel_loop3A_354 = vector.shape_cast %parallel_loop3A_353 : vector<1x16xf32> to vector<16xf32>
        %parallel_loop3A_355 = arith.index_cast %parallel_loop3A_214 : i32 to index
        %parallel_loop3A_356 = arith.constant 448 : index
        %parallel_loop3A_357 = tpu.vector_load %arg11[%parallel_loop3A_355, %parallel_loop3A_356] {strides = array<i32>} : memref<8x1024xf32, #tpu.memory_space<vmem>>, vector<1x16xf32>,
        %parallel_loop3A_358 = vector.shape_cast %parallel_loop3A_357 : vector<1x16xf32> to vector<16xf32>
        %parallel_loop3A_359 = arith.subf %parallel_loop3A_354, %parallel_loop3A_358 : vector<16xf32>
        %parallel_loop3A_360 = arith.mulf %parallel_loop3A_359, %parallel_loop3A_359 : vector<16xf32>
        %parallel_loop3A_361 = arith.addf %parallel_loop3A_317, %parallel_loop3A_360 : vector<16xf32>
        %parallel_loop3A_362 = arith.index_cast %parallel_loop3A_214 : i32 to index
        %parallel_loop3A_363 = arith.constant 464 : index
        %parallel_loop3A_364 = tpu.vector_load %arg7[%parallel_loop3A_362, %parallel_loop3A_363] {strides = array<i32>} : memref<8x1024xf32, #tpu.memory_space<vmem>>, vector<1x16xf32>,
        %parallel_loop3A_365 = vector.shape_cast %parallel_loop3A_364 : vector<1x16xf32> to vector<16xf32>
        %parallel_loop3A_366 = arith.index_cast %parallel_loop3A_214 : i32 to index
        %parallel_loop3A_367 = arith.constant 464 : index
        %parallel_loop3A_368 = tpu.vector_load %arg11[%parallel_loop3A_366, %parallel_loop3A_367] {strides = array<i32>} : memref<8x1024xf32, #tpu.memory_space<vmem>>, vector<1x16xf32>,
        %parallel_loop3A_369 = vector.shape_cast %parallel_loop3A_368 : vector<1x16xf32> to vector<16xf32>
        %parallel_loop3A_370 = arith.subf %parallel_loop3A_365, %parallel_loop3A_369 : vector<16xf32>
        %parallel_loop3A_371 = arith.mulf %parallel_loop3A_370, %parallel_loop3A_370 : vector<16xf32>
        %parallel_loop3A_372 = arith.addf %parallel_loop3A_328, %parallel_loop3A_371 : vector<16xf32>
        %parallel_loop3A_373 = arith.index_cast %parallel_loop3A_214 : i32 to index
        %parallel_loop3A_374 = arith.constant 480 : index
        %parallel_loop3A_375 = tpu.vector_load %arg7[%parallel_loop3A_373, %parallel_loop3A_374] {strides = array<i32>} : memref<8x1024xf32, #tpu.memory_space<vmem>>, vector<1x16xf32>,
        %parallel_loop3A_376 = vector.shape_cast %parallel_loop3A_375 : vector<1x16xf32> to vector<16xf32>
        %parallel_loop3A_377 = arith.index_cast %parallel_loop3A_214 : i32 to index
        %parallel_loop3A_378 = arith.constant 480 : index
        %parallel_loop3A_379 = tpu.vector_load %arg11[%parallel_loop3A_377, %parallel_loop3A_378] {strides = array<i32>} : memref<8x1024xf32, #tpu.memory_space<vmem>>, vector<1x16xf32>,
        %parallel_loop3A_380 = vector.shape_cast %parallel_loop3A_379 : vector<1x16xf32> to vector<16xf32>
        %parallel_loop3A_381 = arith.subf %parallel_loop3A_376, %parallel_loop3A_380 : vector<16xf32>
        %parallel_loop3A_382 = arith.mulf %parallel_loop3A_381, %parallel_loop3A_381 : vector<16xf32>
        %parallel_loop3A_383 = arith.addf %parallel_loop3A_339, %parallel_loop3A_382 : vector<16xf32>
        %parallel_loop3A_384 = arith.index_cast %parallel_loop3A_214 : i32 to index
        %parallel_loop3A_385 = arith.constant 496 : index
        %parallel_loop3A_386 = tpu.vector_load %arg7[%parallel_loop3A_384, %parallel_loop3A_385] {strides = array<i32>} : memref<8x1024xf32, #tpu.memory_space<vmem>>, vector<1x16xf32>,
        %parallel_loop3A_387 = vector.shape_cast %parallel_loop3A_386 : vector<1x16xf32> to vector<16xf32>
        %parallel_loop3A_388 = arith.index_cast %parallel_loop3A_214 : i32 to index
        %parallel_loop3A_389 = arith.constant 496 : index
        %parallel_loop3A_390 = tpu.vector_load %arg11[%parallel_loop3A_388, %parallel_loop3A_389] {strides = array<i32>} : memref<8x1024xf32, #tpu.memory_space<vmem>>, vector<1x16xf32>,
        %parallel_loop3A_391 = vector.shape_cast %parallel_loop3A_390 : vector<1x16xf32> to vector<16xf32>
        %parallel_loop3A_392 = arith.subf %parallel_loop3A_387, %parallel_loop3A_391 : vector<16xf32>
        %parallel_loop3A_393 = arith.mulf %parallel_loop3A_392, %parallel_loop3A_392 : vector<16xf32>
        %parallel_loop3A_394 = arith.addf %parallel_loop3A_350, %parallel_loop3A_393 : vector<16xf32>
        scf.yield %parallel_loop3A_361, %parallel_loop3A_372, %parallel_loop3A_383, %parallel_loop3A_394 : vector<16xf32>, vector<16xf32>, vector<16xf32>, vector<16xf32>
      } {sc.loop_unroll_factor = 2 : i64, sc.parallel_access}
      %parallel_loop3A_80 = arith.constant 0 : i32
      %parallel_loop3A_81 = arith.constant 8 : i32
      %parallel_loop3A_82 = arith.constant 1 : i32
      %parallel_loop3A_83:4 = scf.for %parallel_loop3A_214 = %parallel_loop3A_80 to %parallel_loop3A_81 step %parallel_loop3A_82 iter_args(%parallel_loop3A_215 = %parallel_loop3A_79#0, %parallel_loop3A_216 = %parallel_loop3A_79#1, %parallel_loop3A_217 = %parallel_loop3A_79#2, %parallel_loop3A_218 = %parallel_loop3A_79#3) -> (vector<16xf32>, vector<16xf32>, vector<16xf32>, vector<16xf32>)  : i32 {
        %parallel_loop3A_219 = arith.index_cast %parallel_loop3A_214 : i32 to index
        %parallel_loop3A_220 = arith.constant 512 : index
        %parallel_loop3A_221 = tpu.vector_load %arg7[%parallel_loop3A_219, %parallel_loop3A_220] {strides = array<i32>} : memref<8x1024xf32, #tpu.memory_space<vmem>>, vector<1x16xf32>,
        %parallel_loop3A_222 = vector.shape_cast %parallel_loop3A_221 : vector<1x16xf32> to vector<16xf32>
        %parallel_loop3A_223 = arith.index_cast %parallel_loop3A_214 : i32 to index
        %parallel_loop3A_224 = arith.constant 512 : index
        %parallel_loop3A_225 = tpu.vector_load %arg11[%parallel_loop3A_223, %parallel_loop3A_224] {strides = array<i32>} : memref<8x1024xf32, #tpu.memory_space<vmem>>, vector<1x16xf32>,
        %parallel_loop3A_226 = vector.shape_cast %parallel_loop3A_225 : vector<1x16xf32> to vector<16xf32>
        %parallel_loop3A_227 = arith.subf %parallel_loop3A_222, %parallel_loop3A_226 : vector<16xf32>
        %parallel_loop3A_228 = arith.mulf %parallel_loop3A_227, %parallel_loop3A_227 : vector<16xf32>
        %parallel_loop3A_229 = arith.addf %parallel_loop3A_215, %parallel_loop3A_228 : vector<16xf32>
        %parallel_loop3A_230 = arith.index_cast %parallel_loop3A_214 : i32 to index
        %parallel_loop3A_231 = arith.constant 528 : index
        %parallel_loop3A_232 = tpu.vector_load %arg7[%parallel_loop3A_230, %parallel_loop3A_231] {strides = array<i32>} : memref<8x1024xf32, #tpu.memory_space<vmem>>, vector<1x16xf32>,
        %parallel_loop3A_233 = vector.shape_cast %parallel_loop3A_232 : vector<1x16xf32> to vector<16xf32>
        %parallel_loop3A_234 = arith.index_cast %parallel_loop3A_214 : i32 to index
        %parallel_loop3A_235 = arith.constant 528 : index
        %parallel_loop3A_236 = tpu.vector_load %arg11[%parallel_loop3A_234, %parallel_loop3A_235] {strides = array<i32>} : memref<8x1024xf32, #tpu.memory_space<vmem>>, vector<1x16xf32>,
        %parallel_loop3A_237 = vector.shape_cast %parallel_loop3A_236 : vector<1x16xf32> to vector<16xf32>
        %parallel_loop3A_238 = arith.subf %parallel_loop3A_233, %parallel_loop3A_237 : vector<16xf32>
        %parallel_loop3A_239 = arith.mulf %parallel_loop3A_238, %parallel_loop3A_238 : vector<16xf32>
        %parallel_loop3A_240 = arith.addf %parallel_loop3A_216, %parallel_loop3A_239 : vector<16xf32>
        %parallel_loop3A_241 = arith.index_cast %parallel_loop3A_214 : i32 to index
        %parallel_loop3A_242 = arith.constant 544 : index
        %parallel_loop3A_243 = tpu.vector_load %arg7[%parallel_loop3A_241, %parallel_loop3A_242] {strides = array<i32>} : memref<8x1024xf32, #tpu.memory_space<vmem>>, vector<1x16xf32>,
        %parallel_loop3A_244 = vector.shape_cast %parallel_loop3A_243 : vector<1x16xf32> to vector<16xf32>
        %parallel_loop3A_245 = arith.index_cast %parallel_loop3A_214 : i32 to index
        %parallel_loop3A_246 = arith.constant 544 : index
        %parallel_loop3A_247 = tpu.vector_load %arg11[%parallel_loop3A_245, %parallel_loop3A_246] {strides = array<i32>} : memref<8x1024xf32, #tpu.memory_space<vmem>>, vector<1x16xf32>,
        %parallel_loop3A_248 = vector.shape_cast %parallel_loop3A_247 : vector<1x16xf32> to vector<16xf32>
        %parallel_loop3A_249 = arith.subf %parallel_loop3A_244, %parallel_loop3A_248 : vector<16xf32>
        %parallel_loop3A_250 = arith.mulf %parallel_loop3A_249, %parallel_loop3A_249 : vector<16xf32>
        %parallel_loop3A_251 = arith.addf %parallel_loop3A_217, %parallel_loop3A_250 : vector<16xf32>
        %parallel_loop3A_252 = arith.index_cast %parallel_loop3A_214 : i32 to index
        %parallel_loop3A_253 = arith.constant 560 : index
        %parallel_loop3A_254 = tpu.vector_load %arg7[%parallel_loop3A_252, %parallel_loop3A_253] {strides = array<i32>} : memref<8x1024xf32, #tpu.memory_space<vmem>>, vector<1x16xf32>,
        %parallel_loop3A_255 = vector.shape_cast %parallel_loop3A_254 : vector<1x16xf32> to vector<16xf32>
        %parallel_loop3A_256 = arith.index_cast %parallel_loop3A_214 : i32 to index
        %parallel_loop3A_257 = arith.constant 560 : index
        %parallel_loop3A_258 = tpu.vector_load %arg11[%parallel_loop3A_256, %parallel_loop3A_257] {strides = array<i32>} : memref<8x1024xf32, #tpu.memory_space<vmem>>, vector<1x16xf32>,
        %parallel_loop3A_259 = vector.shape_cast %parallel_loop3A_258 : vector<1x16xf32> to vector<16xf32>
        %parallel_loop3A_260 = arith.subf %parallel_loop3A_255, %parallel_loop3A_259 : vector<16xf32>
        %parallel_loop3A_261 = arith.mulf %parallel_loop3A_260, %parallel_loop3A_260 : vector<16xf32>
        %parallel_loop3A_262 = arith.addf %parallel_loop3A_218, %parallel_loop3A_261 : vector<16xf32>
        %parallel_loop3A_263 = arith.index_cast %parallel_loop3A_214 : i32 to index
        %parallel_loop3A_264 = arith.constant 576 : index
        %parallel_loop3A_265 = tpu.vector_load %arg7[%parallel_loop3A_263, %parallel_loop3A_264] {strides = array<i32>} : memref<8x1024xf32, #tpu.memory_space<vmem>>, vector<1x16xf32>,
        %parallel_loop3A_266 = vector.shape_cast %parallel_loop3A_265 : vector<1x16xf32> to vector<16xf32>
        %parallel_loop3A_267 = arith.index_cast %parallel_loop3A_214 : i32 to index
        %parallel_loop3A_268 = arith.constant 576 : index
        %parallel_loop3A_269 = tpu.vector_load %arg11[%parallel_loop3A_267, %parallel_loop3A_268] {strides = array<i32>} : memref<8x1024xf32, #tpu.memory_space<vmem>>, vector<1x16xf32>,
        %parallel_loop3A_270 = vector.shape_cast %parallel_loop3A_269 : vector<1x16xf32> to vector<16xf32>
        %parallel_loop3A_271 = arith.subf %parallel_loop3A_266, %parallel_loop3A_270 : vector<16xf32>
        %parallel_loop3A_272 = arith.mulf %parallel_loop3A_271, %parallel_loop3A_271 : vector<16xf32>
        %parallel_loop3A_273 = arith.addf %parallel_loop3A_229, %parallel_loop3A_272 : vector<16xf32>
        %parallel_loop3A_274 = arith.index_cast %parallel_loop3A_214 : i32 to index
        %parallel_loop3A_275 = arith.constant 592 : index
        %parallel_loop3A_276 = tpu.vector_load %arg7[%parallel_loop3A_274, %parallel_loop3A_275] {strides = array<i32>} : memref<8x1024xf32, #tpu.memory_space<vmem>>, vector<1x16xf32>,
        %parallel_loop3A_277 = vector.shape_cast %parallel_loop3A_276 : vector<1x16xf32> to vector<16xf32>
        %parallel_loop3A_278 = arith.index_cast %parallel_loop3A_214 : i32 to index
        %parallel_loop3A_279 = arith.constant 592 : index
        %parallel_loop3A_280 = tpu.vector_load %arg11[%parallel_loop3A_278, %parallel_loop3A_279] {strides = array<i32>} : memref<8x1024xf32, #tpu.memory_space<vmem>>, vector<1x16xf32>,
        %parallel_loop3A_281 = vector.shape_cast %parallel_loop3A_280 : vector<1x16xf32> to vector<16xf32>
        %parallel_loop3A_282 = arith.subf %parallel_loop3A_277, %parallel_loop3A_281 : vector<16xf32>
        %parallel_loop3A_283 = arith.mulf %parallel_loop3A_282, %parallel_loop3A_282 : vector<16xf32>
        %parallel_loop3A_284 = arith.addf %parallel_loop3A_240, %parallel_loop3A_283 : vector<16xf32>
        %parallel_loop3A_285 = arith.index_cast %parallel_loop3A_214 : i32 to index
        %parallel_loop3A_286 = arith.constant 608 : index
        %parallel_loop3A_287 = tpu.vector_load %arg7[%parallel_loop3A_285, %parallel_loop3A_286] {strides = array<i32>} : memref<8x1024xf32, #tpu.memory_space<vmem>>, vector<1x16xf32>,
        %parallel_loop3A_288 = vector.shape_cast %parallel_loop3A_287 : vector<1x16xf32> to vector<16xf32>
        %parallel_loop3A_289 = arith.index_cast %parallel_loop3A_214 : i32 to index
        %parallel_loop3A_290 = arith.constant 608 : index
        %parallel_loop3A_291 = tpu.vector_load %arg11[%parallel_loop3A_289, %parallel_loop3A_290] {strides = array<i32>} : memref<8x1024xf32, #tpu.memory_space<vmem>>, vector<1x16xf32>,
        %parallel_loop3A_292 = vector.shape_cast %parallel_loop3A_291 : vector<1x16xf32> to vector<16xf32>
        %parallel_loop3A_293 = arith.subf %parallel_loop3A_288, %parallel_loop3A_292 : vector<16xf32>
        %parallel_loop3A_294 = arith.mulf %parallel_loop3A_293, %parallel_loop3A_293 : vector<16xf32>
        %parallel_loop3A_295 = arith.addf %parallel_loop3A_251, %parallel_loop3A_294 : vector<16xf32>
        %parallel_loop3A_296 = arith.index_cast %parallel_loop3A_214 : i32 to index
        %parallel_loop3A_297 = arith.constant 624 : index
        %parallel_loop3A_298 = tpu.vector_load %arg7[%parallel_loop3A_296, %parallel_loop3A_297] {strides = array<i32>} : memref<8x1024xf32, #tpu.memory_space<vmem>>, vector<1x16xf32>,
        %parallel_loop3A_299 = vector.shape_cast %parallel_loop3A_298 : vector<1x16xf32> to vector<16xf32>
        %parallel_loop3A_300 = arith.index_cast %parallel_loop3A_214 : i32 to index
        %parallel_loop3A_301 = arith.constant 624 : index
        %parallel_loop3A_302 = tpu.vector_load %arg11[%parallel_loop3A_300, %parallel_loop3A_301] {strides = array<i32>} : memref<8x1024xf32, #tpu.memory_space<vmem>>, vector<1x16xf32>,
        %parallel_loop3A_303 = vector.shape_cast %parallel_loop3A_302 : vector<1x16xf32> to vector<16xf32>
        %parallel_loop3A_304 = arith.subf %parallel_loop3A_299, %parallel_loop3A_303 : vector<16xf32>
        %parallel_loop3A_305 = arith.mulf %parallel_loop3A_304, %parallel_loop3A_304 : vector<16xf32>
        %parallel_loop3A_306 = arith.addf %parallel_loop3A_262, %parallel_loop3A_305 : vector<16xf32>
        %parallel_loop3A_307 = arith.index_cast %parallel_loop3A_214 : i32 to index
        %parallel_loop3A_308 = arith.constant 640 : index
        %parallel_loop3A_309 = tpu.vector_load %arg7[%parallel_loop3A_307, %parallel_loop3A_308] {strides = array<i32>} : memref<8x1024xf32, #tpu.memory_space<vmem>>, vector<1x16xf32>,
        %parallel_loop3A_310 = vector.shape_cast %parallel_loop3A_309 : vector<1x16xf32> to vector<16xf32>
        %parallel_loop3A_311 = arith.index_cast %parallel_loop3A_214 : i32 to index
        %parallel_loop3A_312 = arith.constant 640 : index
        %parallel_loop3A_313 = tpu.vector_load %arg11[%parallel_loop3A_311, %parallel_loop3A_312] {strides = array<i32>} : memref<8x1024xf32, #tpu.memory_space<vmem>>, vector<1x16xf32>,
        %parallel_loop3A_314 = vector.shape_cast %parallel_loop3A_313 : vector<1x16xf32> to vector<16xf32>
        %parallel_loop3A_315 = arith.subf %parallel_loop3A_310, %parallel_loop3A_314 : vector<16xf32>
        %parallel_loop3A_316 = arith.mulf %parallel_loop3A_315, %parallel_loop3A_315 : vector<16xf32>
        %parallel_loop3A_317 = arith.addf %parallel_loop3A_273, %parallel_loop3A_316 : vector<16xf32>
        %parallel_loop3A_318 = arith.index_cast %parallel_loop3A_214 : i32 to index
        %parallel_loop3A_319 = arith.constant 656 : index
        %parallel_loop3A_320 = tpu.vector_load %arg7[%parallel_loop3A_318, %parallel_loop3A_319] {strides = array<i32>} : memref<8x1024xf32, #tpu.memory_space<vmem>>, vector<1x16xf32>,
        %parallel_loop3A_321 = vector.shape_cast %parallel_loop3A_320 : vector<1x16xf32> to vector<16xf32>
        %parallel_loop3A_322 = arith.index_cast %parallel_loop3A_214 : i32 to index
        %parallel_loop3A_323 = arith.constant 656 : index
        %parallel_loop3A_324 = tpu.vector_load %arg11[%parallel_loop3A_322, %parallel_loop3A_323] {strides = array<i32>} : memref<8x1024xf32, #tpu.memory_space<vmem>>, vector<1x16xf32>,
        %parallel_loop3A_325 = vector.shape_cast %parallel_loop3A_324 : vector<1x16xf32> to vector<16xf32>
        %parallel_loop3A_326 = arith.subf %parallel_loop3A_321, %parallel_loop3A_325 : vector<16xf32>
        %parallel_loop3A_327 = arith.mulf %parallel_loop3A_326, %parallel_loop3A_326 : vector<16xf32>
        %parallel_loop3A_328 = arith.addf %parallel_loop3A_284, %parallel_loop3A_327 : vector<16xf32>
        %parallel_loop3A_329 = arith.index_cast %parallel_loop3A_214 : i32 to index
        %parallel_loop3A_330 = arith.constant 672 : index
        %parallel_loop3A_331 = tpu.vector_load %arg7[%parallel_loop3A_329, %parallel_loop3A_330] {strides = array<i32>} : memref<8x1024xf32, #tpu.memory_space<vmem>>, vector<1x16xf32>,
        %parallel_loop3A_332 = vector.shape_cast %parallel_loop3A_331 : vector<1x16xf32> to vector<16xf32>
        %parallel_loop3A_333 = arith.index_cast %parallel_loop3A_214 : i32 to index
        %parallel_loop3A_334 = arith.constant 672 : index
        %parallel_loop3A_335 = tpu.vector_load %arg11[%parallel_loop3A_333, %parallel_loop3A_334] {strides = array<i32>} : memref<8x1024xf32, #tpu.memory_space<vmem>>, vector<1x16xf32>,
        %parallel_loop3A_336 = vector.shape_cast %parallel_loop3A_335 : vector<1x16xf32> to vector<16xf32>
        %parallel_loop3A_337 = arith.subf %parallel_loop3A_332, %parallel_loop3A_336 : vector<16xf32>
        %parallel_loop3A_338 = arith.mulf %parallel_loop3A_337, %parallel_loop3A_337 : vector<16xf32>
        %parallel_loop3A_339 = arith.addf %parallel_loop3A_295, %parallel_loop3A_338 : vector<16xf32>
        %parallel_loop3A_340 = arith.index_cast %parallel_loop3A_214 : i32 to index
        %parallel_loop3A_341 = arith.constant 688 : index
        %parallel_loop3A_342 = tpu.vector_load %arg7[%parallel_loop3A_340, %parallel_loop3A_341] {strides = array<i32>} : memref<8x1024xf32, #tpu.memory_space<vmem>>, vector<1x16xf32>,
        %parallel_loop3A_343 = vector.shape_cast %parallel_loop3A_342 : vector<1x16xf32> to vector<16xf32>
        %parallel_loop3A_344 = arith.index_cast %parallel_loop3A_214 : i32 to index
        %parallel_loop3A_345 = arith.constant 688 : index
        %parallel_loop3A_346 = tpu.vector_load %arg11[%parallel_loop3A_344, %parallel_loop3A_345] {strides = array<i32>} : memref<8x1024xf32, #tpu.memory_space<vmem>>, vector<1x16xf32>,
        %parallel_loop3A_347 = vector.shape_cast %parallel_loop3A_346 : vector<1x16xf32> to vector<16xf32>
        %parallel_loop3A_348 = arith.subf %parallel_loop3A_343, %parallel_loop3A_347 : vector<16xf32>
        %parallel_loop3A_349 = arith.mulf %parallel_loop3A_348, %parallel_loop3A_348 : vector<16xf32>
        %parallel_loop3A_350 = arith.addf %parallel_loop3A_306, %parallel_loop3A_349 : vector<16xf32>
        %parallel_loop3A_351 = arith.index_cast %parallel_loop3A_214 : i32 to index
        %parallel_loop3A_352 = arith.constant 704 : index
        %parallel_loop3A_353 = tpu.vector_load %arg7[%parallel_loop3A_351, %parallel_loop3A_352] {strides = array<i32>} : memref<8x1024xf32, #tpu.memory_space<vmem>>, vector<1x16xf32>,
        %parallel_loop3A_354 = vector.shape_cast %parallel_loop3A_353 : vector<1x16xf32> to vector<16xf32>
        %parallel_loop3A_355 = arith.index_cast %parallel_loop3A_214 : i32 to index
        %parallel_loop3A_356 = arith.constant 704 : index
        %parallel_loop3A_357 = tpu.vector_load %arg11[%parallel_loop3A_355, %parallel_loop3A_356] {strides = array<i32>} : memref<8x1024xf32, #tpu.memory_space<vmem>>, vector<1x16xf32>,
        %parallel_loop3A_358 = vector.shape_cast %parallel_loop3A_357 : vector<1x16xf32> to vector<16xf32>
        %parallel_loop3A_359 = arith.subf %parallel_loop3A_354, %parallel_loop3A_358 : vector<16xf32>
        %parallel_loop3A_360 = arith.mulf %parallel_loop3A_359, %parallel_loop3A_359 : vector<16xf32>
        %parallel_loop3A_361 = arith.addf %parallel_loop3A_317, %parallel_loop3A_360 : vector<16xf32>
        %parallel_loop3A_362 = arith.index_cast %parallel_loop3A_214 : i32 to index
        %parallel_loop3A_363 = arith.constant 720 : index
        %parallel_loop3A_364 = tpu.vector_load %arg7[%parallel_loop3A_362, %parallel_loop3A_363] {strides = array<i32>} : memref<8x1024xf32, #tpu.memory_space<vmem>>, vector<1x16xf32>,
        %parallel_loop3A_365 = vector.shape_cast %parallel_loop3A_364 : vector<1x16xf32> to vector<16xf32>
        %parallel_loop3A_366 = arith.index_cast %parallel_loop3A_214 : i32 to index
        %parallel_loop3A_367 = arith.constant 720 : index
        %parallel_loop3A_368 = tpu.vector_load %arg11[%parallel_loop3A_366, %parallel_loop3A_367] {strides = array<i32>} : memref<8x1024xf32, #tpu.memory_space<vmem>>, vector<1x16xf32>,
        %parallel_loop3A_369 = vector.shape_cast %parallel_loop3A_368 : vector<1x16xf32> to vector<16xf32>
        %parallel_loop3A_370 = arith.subf %parallel_loop3A_365, %parallel_loop3A_369 : vector<16xf32>
        %parallel_loop3A_371 = arith.mulf %parallel_loop3A_370, %parallel_loop3A_370 : vector<16xf32>
        %parallel_loop3A_372 = arith.addf %parallel_loop3A_328, %parallel_loop3A_371 : vector<16xf32>
        %parallel_loop3A_373 = arith.index_cast %parallel_loop3A_214 : i32 to index
        %parallel_loop3A_374 = arith.constant 736 : index
        %parallel_loop3A_375 = tpu.vector_load %arg7[%parallel_loop3A_373, %parallel_loop3A_374] {strides = array<i32>} : memref<8x1024xf32, #tpu.memory_space<vmem>>, vector<1x16xf32>,
        %parallel_loop3A_376 = vector.shape_cast %parallel_loop3A_375 : vector<1x16xf32> to vector<16xf32>
        %parallel_loop3A_377 = arith.index_cast %parallel_loop3A_214 : i32 to index
        %parallel_loop3A_378 = arith.constant 736 : index
        %parallel_loop3A_379 = tpu.vector_load %arg11[%parallel_loop3A_377, %parallel_loop3A_378] {strides = array<i32>} : memref<8x1024xf32, #tpu.memory_space<vmem>>, vector<1x16xf32>,
        %parallel_loop3A_380 = vector.shape_cast %parallel_loop3A_379 : vector<1x16xf32> to vector<16xf32>
        %parallel_loop3A_381 = arith.subf %parallel_loop3A_376, %parallel_loop3A_380 : vector<16xf32>
        %parallel_loop3A_382 = arith.mulf %parallel_loop3A_381, %parallel_loop3A_381 : vector<16xf32>
        %parallel_loop3A_383 = arith.addf %parallel_loop3A_339, %parallel_loop3A_382 : vector<16xf32>
        %parallel_loop3A_384 = arith.index_cast %parallel_loop3A_214 : i32 to index
        %parallel_loop3A_385 = arith.constant 752 : index
        %parallel_loop3A_386 = tpu.vector_load %arg7[%parallel_loop3A_384, %parallel_loop3A_385] {strides = array<i32>} : memref<8x1024xf32, #tpu.memory_space<vmem>>, vector<1x16xf32>,
        %parallel_loop3A_387 = vector.shape_cast %parallel_loop3A_386 : vector<1x16xf32> to vector<16xf32>
        %parallel_loop3A_388 = arith.index_cast %parallel_loop3A_214 : i32 to index
        %parallel_loop3A_389 = arith.constant 752 : index
        %parallel_loop3A_390 = tpu.vector_load %arg11[%parallel_loop3A_388, %parallel_loop3A_389] {strides = array<i32>} : memref<8x1024xf32, #tpu.memory_space<vmem>>, vector<1x16xf32>,
        %parallel_loop3A_391 = vector.shape_cast %parallel_loop3A_390 : vector<1x16xf32> to vector<16xf32>
        %parallel_loop3A_392 = arith.subf %parallel_loop3A_387, %parallel_loop3A_391 : vector<16xf32>
        %parallel_loop3A_393 = arith.mulf %parallel_loop3A_392, %parallel_loop3A_392 : vector<16xf32>
        %parallel_loop3A_394 = arith.addf %parallel_loop3A_350, %parallel_loop3A_393 : vector<16xf32>
        scf.yield %parallel_loop3A_361, %parallel_loop3A_372, %parallel_loop3A_383, %parallel_loop3A_394 : vector<16xf32>, vector<16xf32>, vector<16xf32>, vector<16xf32>
      } {sc.loop_unroll_factor = 2 : i64, sc.parallel_access}
      %parallel_loop3A_84 = arith.constant 0 : i32
      %parallel_loop3A_85 = arith.constant 8 : i32
      %parallel_loop3A_86 = arith.constant 1 : i32
      %parallel_loop3A_87:4 = scf.for %parallel_loop3A_214 = %parallel_loop3A_84 to %parallel_loop3A_85 step %parallel_loop3A_86 iter_args(%parallel_loop3A_215 = %parallel_loop3A_83#0, %parallel_loop3A_216 = %parallel_loop3A_83#1, %parallel_loop3A_217 = %parallel_loop3A_83#2, %parallel_loop3A_218 = %parallel_loop3A_83#3) -> (vector<16xf32>, vector<16xf32>, vector<16xf32>, vector<16xf32>)  : i32 {
        %parallel_loop3A_219 = arith.index_cast %parallel_loop3A_214 : i32 to index
        %parallel_loop3A_220 = arith.constant 768 : index
        %parallel_loop3A_221 = tpu.vector_load %arg7[%parallel_loop3A_219, %parallel_loop3A_220] {strides = array<i32>} : memref<8x1024xf32, #tpu.memory_space<vmem>>, vector<1x16xf32>,
        %parallel_loop3A_222 = vector.shape_cast %parallel_loop3A_221 : vector<1x16xf32> to vector<16xf32>
        %parallel_loop3A_223 = arith.index_cast %parallel_loop3A_214 : i32 to index
        %parallel_loop3A_224 = arith.constant 768 : index
        %parallel_loop3A_225 = tpu.vector_load %arg11[%parallel_loop3A_223, %parallel_loop3A_224] {strides = array<i32>} : memref<8x1024xf32, #tpu.memory_space<vmem>>, vector<1x16xf32>,
        %parallel_loop3A_226 = vector.shape_cast %parallel_loop3A_225 : vector<1x16xf32> to vector<16xf32>
        %parallel_loop3A_227 = arith.subf %parallel_loop3A_222, %parallel_loop3A_226 : vector<16xf32>
        %parallel_loop3A_228 = arith.mulf %parallel_loop3A_227, %parallel_loop3A_227 : vector<16xf32>
        %parallel_loop3A_229 = arith.addf %parallel_loop3A_215, %parallel_loop3A_228 : vector<16xf32>
        %parallel_loop3A_230 = arith.index_cast %parallel_loop3A_214 : i32 to index
        %parallel_loop3A_231 = arith.constant 784 : index
        %parallel_loop3A_232 = tpu.vector_load %arg7[%parallel_loop3A_230, %parallel_loop3A_231] {strides = array<i32>} : memref<8x1024xf32, #tpu.memory_space<vmem>>, vector<1x16xf32>,
        %parallel_loop3A_233 = vector.shape_cast %parallel_loop3A_232 : vector<1x16xf32> to vector<16xf32>
        %parallel_loop3A_234 = arith.index_cast %parallel_loop3A_214 : i32 to index
        %parallel_loop3A_235 = arith.constant 784 : index
        %parallel_loop3A_236 = tpu.vector_load %arg11[%parallel_loop3A_234, %parallel_loop3A_235] {strides = array<i32>} : memref<8x1024xf32, #tpu.memory_space<vmem>>, vector<1x16xf32>,
        %parallel_loop3A_237 = vector.shape_cast %parallel_loop3A_236 : vector<1x16xf32> to vector<16xf32>
        %parallel_loop3A_238 = arith.subf %parallel_loop3A_233, %parallel_loop3A_237 : vector<16xf32>
        %parallel_loop3A_239 = arith.mulf %parallel_loop3A_238, %parallel_loop3A_238 : vector<16xf32>
        %parallel_loop3A_240 = arith.addf %parallel_loop3A_216, %parallel_loop3A_239 : vector<16xf32>
        %parallel_loop3A_241 = arith.index_cast %parallel_loop3A_214 : i32 to index
        %parallel_loop3A_242 = arith.constant 800 : index
        %parallel_loop3A_243 = tpu.vector_load %arg7[%parallel_loop3A_241, %parallel_loop3A_242] {strides = array<i32>} : memref<8x1024xf32, #tpu.memory_space<vmem>>, vector<1x16xf32>,
        %parallel_loop3A_244 = vector.shape_cast %parallel_loop3A_243 : vector<1x16xf32> to vector<16xf32>
        %parallel_loop3A_245 = arith.index_cast %parallel_loop3A_214 : i32 to index
        %parallel_loop3A_246 = arith.constant 800 : index
        %parallel_loop3A_247 = tpu.vector_load %arg11[%parallel_loop3A_245, %parallel_loop3A_246] {strides = array<i32>} : memref<8x1024xf32, #tpu.memory_space<vmem>>, vector<1x16xf32>,
        %parallel_loop3A_248 = vector.shape_cast %parallel_loop3A_247 : vector<1x16xf32> to vector<16xf32>
        %parallel_loop3A_249 = arith.subf %parallel_loop3A_244, %parallel_loop3A_248 : vector<16xf32>
        %parallel_loop3A_250 = arith.mulf %parallel_loop3A_249, %parallel_loop3A_249 : vector<16xf32>
        %parallel_loop3A_251 = arith.addf %parallel_loop3A_217, %parallel_loop3A_250 : vector<16xf32>
        %parallel_loop3A_252 = arith.index_cast %parallel_loop3A_214 : i32 to index
        %parallel_loop3A_253 = arith.constant 816 : index
        %parallel_loop3A_254 = tpu.vector_load %arg7[%parallel_loop3A_252, %parallel_loop3A_253] {strides = array<i32>} : memref<8x1024xf32, #tpu.memory_space<vmem>>, vector<1x16xf32>,
        %parallel_loop3A_255 = vector.shape_cast %parallel_loop3A_254 : vector<1x16xf32> to vector<16xf32>
        %parallel_loop3A_256 = arith.index_cast %parallel_loop3A_214 : i32 to index
        %parallel_loop3A_257 = arith.constant 816 : index
        %parallel_loop3A_258 = tpu.vector_load %arg11[%parallel_loop3A_256, %parallel_loop3A_257] {strides = array<i32>} : memref<8x1024xf32, #tpu.memory_space<vmem>>, vector<1x16xf32>,
        %parallel_loop3A_259 = vector.shape_cast %parallel_loop3A_258 : vector<1x16xf32> to vector<16xf32>
        %parallel_loop3A_260 = arith.subf %parallel_loop3A_255, %parallel_loop3A_259 : vector<16xf32>
        %parallel_loop3A_261 = arith.mulf %parallel_loop3A_260, %parallel_loop3A_260 : vector<16xf32>
        %parallel_loop3A_262 = arith.addf %parallel_loop3A_218, %parallel_loop3A_261 : vector<16xf32>
        %parallel_loop3A_263 = arith.index_cast %parallel_loop3A_214 : i32 to index
        %parallel_loop3A_264 = arith.constant 832 : index
        %parallel_loop3A_265 = tpu.vector_load %arg7[%parallel_loop3A_263, %parallel_loop3A_264] {strides = array<i32>} : memref<8x1024xf32, #tpu.memory_space<vmem>>, vector<1x16xf32>,
        %parallel_loop3A_266 = vector.shape_cast %parallel_loop3A_265 : vector<1x16xf32> to vector<16xf32>
        %parallel_loop3A_267 = arith.index_cast %parallel_loop3A_214 : i32 to index
        %parallel_loop3A_268 = arith.constant 832 : index
        %parallel_loop3A_269 = tpu.vector_load %arg11[%parallel_loop3A_267, %parallel_loop3A_268] {strides = array<i32>} : memref<8x1024xf32, #tpu.memory_space<vmem>>, vector<1x16xf32>,
        %parallel_loop3A_270 = vector.shape_cast %parallel_loop3A_269 : vector<1x16xf32> to vector<16xf32>
        %parallel_loop3A_271 = arith.subf %parallel_loop3A_266, %parallel_loop3A_270 : vector<16xf32>
        %parallel_loop3A_272 = arith.mulf %parallel_loop3A_271, %parallel_loop3A_271 : vector<16xf32>
        %parallel_loop3A_273 = arith.addf %parallel_loop3A_229, %parallel_loop3A_272 : vector<16xf32>
        %parallel_loop3A_274 = arith.index_cast %parallel_loop3A_214 : i32 to index
        %parallel_loop3A_275 = arith.constant 848 : index
        %parallel_loop3A_276 = tpu.vector_load %arg7[%parallel_loop3A_274, %parallel_loop3A_275] {strides = array<i32>} : memref<8x1024xf32, #tpu.memory_space<vmem>>, vector<1x16xf32>,
        %parallel_loop3A_277 = vector.shape_cast %parallel_loop3A_276 : vector<1x16xf32> to vector<16xf32>
        %parallel_loop3A_278 = arith.index_cast %parallel_loop3A_214 : i32 to index
        %parallel_loop3A_279 = arith.constant 848 : index
        %parallel_loop3A_280 = tpu.vector_load %arg11[%parallel_loop3A_278, %parallel_loop3A_279] {strides = array<i32>} : memref<8x1024xf32, #tpu.memory_space<vmem>>, vector<1x16xf32>,
        %parallel_loop3A_281 = vector.shape_cast %parallel_loop3A_280 : vector<1x16xf32> to vector<16xf32>
        %parallel_loop3A_282 = arith.subf %parallel_loop3A_277, %parallel_loop3A_281 : vector<16xf32>
        %parallel_loop3A_283 = arith.mulf %parallel_loop3A_282, %parallel_loop3A_282 : vector<16xf32>
        %parallel_loop3A_284 = arith.addf %parallel_loop3A_240, %parallel_loop3A_283 : vector<16xf32>
        %parallel_loop3A_285 = arith.index_cast %parallel_loop3A_214 : i32 to index
        %parallel_loop3A_286 = arith.constant 864 : index
        %parallel_loop3A_287 = tpu.vector_load %arg7[%parallel_loop3A_285, %parallel_loop3A_286] {strides = array<i32>} : memref<8x1024xf32, #tpu.memory_space<vmem>>, vector<1x16xf32>,
        %parallel_loop3A_288 = vector.shape_cast %parallel_loop3A_287 : vector<1x16xf32> to vector<16xf32>
        %parallel_loop3A_289 = arith.index_cast %parallel_loop3A_214 : i32 to index
        %parallel_loop3A_290 = arith.constant 864 : index
        %parallel_loop3A_291 = tpu.vector_load %arg11[%parallel_loop3A_289, %parallel_loop3A_290] {strides = array<i32>} : memref<8x1024xf32, #tpu.memory_space<vmem>>, vector<1x16xf32>,
        %parallel_loop3A_292 = vector.shape_cast %parallel_loop3A_291 : vector<1x16xf32> to vector<16xf32>
        %parallel_loop3A_293 = arith.subf %parallel_loop3A_288, %parallel_loop3A_292 : vector<16xf32>
        %parallel_loop3A_294 = arith.mulf %parallel_loop3A_293, %parallel_loop3A_293 : vector<16xf32>
        %parallel_loop3A_295 = arith.addf %parallel_loop3A_251, %parallel_loop3A_294 : vector<16xf32>
        %parallel_loop3A_296 = arith.index_cast %parallel_loop3A_214 : i32 to index
        %parallel_loop3A_297 = arith.constant 880 : index
        %parallel_loop3A_298 = tpu.vector_load %arg7[%parallel_loop3A_296, %parallel_loop3A_297] {strides = array<i32>} : memref<8x1024xf32, #tpu.memory_space<vmem>>, vector<1x16xf32>,
        %parallel_loop3A_299 = vector.shape_cast %parallel_loop3A_298 : vector<1x16xf32> to vector<16xf32>
        %parallel_loop3A_300 = arith.index_cast %parallel_loop3A_214 : i32 to index
        %parallel_loop3A_301 = arith.constant 880 : index
        %parallel_loop3A_302 = tpu.vector_load %arg11[%parallel_loop3A_300, %parallel_loop3A_301] {strides = array<i32>} : memref<8x1024xf32, #tpu.memory_space<vmem>>, vector<1x16xf32>,
        %parallel_loop3A_303 = vector.shape_cast %parallel_loop3A_302 : vector<1x16xf32> to vector<16xf32>
        %parallel_loop3A_304 = arith.subf %parallel_loop3A_299, %parallel_loop3A_303 : vector<16xf32>
        %parallel_loop3A_305 = arith.mulf %parallel_loop3A_304, %parallel_loop3A_304 : vector<16xf32>
        %parallel_loop3A_306 = arith.addf %parallel_loop3A_262, %parallel_loop3A_305 : vector<16xf32>
        %parallel_loop3A_307 = arith.index_cast %parallel_loop3A_214 : i32 to index
        %parallel_loop3A_308 = arith.constant 896 : index
        %parallel_loop3A_309 = tpu.vector_load %arg7[%parallel_loop3A_307, %parallel_loop3A_308] {strides = array<i32>} : memref<8x1024xf32, #tpu.memory_space<vmem>>, vector<1x16xf32>,
        %parallel_loop3A_310 = vector.shape_cast %parallel_loop3A_309 : vector<1x16xf32> to vector<16xf32>
        %parallel_loop3A_311 = arith.index_cast %parallel_loop3A_214 : i32 to index
        %parallel_loop3A_312 = arith.constant 896 : index
        %parallel_loop3A_313 = tpu.vector_load %arg11[%parallel_loop3A_311, %parallel_loop3A_312] {strides = array<i32>} : memref<8x1024xf32, #tpu.memory_space<vmem>>, vector<1x16xf32>,
        %parallel_loop3A_314 = vector.shape_cast %parallel_loop3A_313 : vector<1x16xf32> to vector<16xf32>
        %parallel_loop3A_315 = arith.subf %parallel_loop3A_310, %parallel_loop3A_314 : vector<16xf32>
        %parallel_loop3A_316 = arith.mulf %parallel_loop3A_315, %parallel_loop3A_315 : vector<16xf32>
        %parallel_loop3A_317 = arith.addf %parallel_loop3A_273, %parallel_loop3A_316 : vector<16xf32>
        %parallel_loop3A_318 = arith.index_cast %parallel_loop3A_214 : i32 to index
        %parallel_loop3A_319 = arith.constant 912 : index
        %parallel_loop3A_320 = tpu.vector_load %arg7[%parallel_loop3A_318, %parallel_loop3A_319] {strides = array<i32>} : memref<8x1024xf32, #tpu.memory_space<vmem>>, vector<1x16xf32>,
        %parallel_loop3A_321 = vector.shape_cast %parallel_loop3A_320 : vector<1x16xf32> to vector<16xf32>
        %parallel_loop3A_322 = arith.index_cast %parallel_loop3A_214 : i32 to index
        %parallel_loop3A_323 = arith.constant 912 : index
        %parallel_loop3A_324 = tpu.vector_load %arg11[%parallel_loop3A_322, %parallel_loop3A_323] {strides = array<i32>} : memref<8x1024xf32, #tpu.memory_space<vmem>>, vector<1x16xf32>,
        %parallel_loop3A_325 = vector.shape_cast %parallel_loop3A_324 : vector<1x16xf32> to vector<16xf32>
        %parallel_loop3A_326 = arith.subf %parallel_loop3A_321, %parallel_loop3A_325 : vector<16xf32>
        %parallel_loop3A_327 = arith.mulf %parallel_loop3A_326, %parallel_loop3A_326 : vector<16xf32>
        %parallel_loop3A_328 = arith.addf %parallel_loop3A_284, %parallel_loop3A_327 : vector<16xf32>
        %parallel_loop3A_329 = arith.index_cast %parallel_loop3A_214 : i32 to index
        %parallel_loop3A_330 = arith.constant 928 : index
        %parallel_loop3A_331 = tpu.vector_load %arg7[%parallel_loop3A_329, %parallel_loop3A_330] {strides = array<i32>} : memref<8x1024xf32, #tpu.memory_space<vmem>>, vector<1x16xf32>,
        %parallel_loop3A_332 = vector.shape_cast %parallel_loop3A_331 : vector<1x16xf32> to vector<16xf32>
        %parallel_loop3A_333 = arith.index_cast %parallel_loop3A_214 : i32 to index
        %parallel_loop3A_334 = arith.constant 928 : index
        %parallel_loop3A_335 = tpu.vector_load %arg11[%parallel_loop3A_333, %parallel_loop3A_334] {strides = array<i32>} : memref<8x1024xf32, #tpu.memory_space<vmem>>, vector<1x16xf32>,
        %parallel_loop3A_336 = vector.shape_cast %parallel_loop3A_335 : vector<1x16xf32> to vector<16xf32>
        %parallel_loop3A_337 = arith.subf %parallel_loop3A_332, %parallel_loop3A_336 : vector<16xf32>
        %parallel_loop3A_338 = arith.mulf %parallel_loop3A_337, %parallel_loop3A_337 : vector<16xf32>
        %parallel_loop3A_339 = arith.addf %parallel_loop3A_295, %parallel_loop3A_338 : vector<16xf32>
        %parallel_loop3A_340 = arith.index_cast %parallel_loop3A_214 : i32 to index
        %parallel_loop3A_341 = arith.constant 944 : index
        %parallel_loop3A_342 = tpu.vector_load %arg7[%parallel_loop3A_340, %parallel_loop3A_341] {strides = array<i32>} : memref<8x1024xf32, #tpu.memory_space<vmem>>, vector<1x16xf32>,
        %parallel_loop3A_343 = vector.shape_cast %parallel_loop3A_342 : vector<1x16xf32> to vector<16xf32>
        %parallel_loop3A_344 = arith.index_cast %parallel_loop3A_214 : i32 to index
        %parallel_loop3A_345 = arith.constant 944 : index
        %parallel_loop3A_346 = tpu.vector_load %arg11[%parallel_loop3A_344, %parallel_loop3A_345] {strides = array<i32>} : memref<8x1024xf32, #tpu.memory_space<vmem>>, vector<1x16xf32>,
        %parallel_loop3A_347 = vector.shape_cast %parallel_loop3A_346 : vector<1x16xf32> to vector<16xf32>
        %parallel_loop3A_348 = arith.subf %parallel_loop3A_343, %parallel_loop3A_347 : vector<16xf32>
        %parallel_loop3A_349 = arith.mulf %parallel_loop3A_348, %parallel_loop3A_348 : vector<16xf32>
        %parallel_loop3A_350 = arith.addf %parallel_loop3A_306, %parallel_loop3A_349 : vector<16xf32>
        %parallel_loop3A_351 = arith.index_cast %parallel_loop3A_214 : i32 to index
        %parallel_loop3A_352 = arith.constant 960 : index
        %parallel_loop3A_353 = tpu.vector_load %arg7[%parallel_loop3A_351, %parallel_loop3A_352] {strides = array<i32>} : memref<8x1024xf32, #tpu.memory_space<vmem>>, vector<1x16xf32>,
        %parallel_loop3A_354 = vector.shape_cast %parallel_loop3A_353 : vector<1x16xf32> to vector<16xf32>
        %parallel_loop3A_355 = arith.index_cast %parallel_loop3A_214 : i32 to index
        %parallel_loop3A_356 = arith.constant 960 : index
        %parallel_loop3A_357 = tpu.vector_load %arg11[%parallel_loop3A_355, %parallel_loop3A_356] {strides = array<i32>} : memref<8x1024xf32, #tpu.memory_space<vmem>>, vector<1x16xf32>,
        %parallel_loop3A_358 = vector.shape_cast %parallel_loop3A_357 : vector<1x16xf32> to vector<16xf32>
        %parallel_loop3A_359 = arith.subf %parallel_loop3A_354, %parallel_loop3A_358 : vector<16xf32>
        %parallel_loop3A_360 = arith.mulf %parallel_loop3A_359, %parallel_loop3A_359 : vector<16xf32>
        %parallel_loop3A_361 = arith.addf %parallel_loop3A_317, %parallel_loop3A_360 : vector<16xf32>
        %parallel_loop3A_362 = arith.index_cast %parallel_loop3A_214 : i32 to index
        %parallel_loop3A_363 = arith.constant 976 : index
        %parallel_loop3A_364 = tpu.vector_load %arg7[%parallel_loop3A_362, %parallel_loop3A_363] {strides = array<i32>} : memref<8x1024xf32, #tpu.memory_space<vmem>>, vector<1x16xf32>,
        %parallel_loop3A_365 = vector.shape_cast %parallel_loop3A_364 : vector<1x16xf32> to vector<16xf32>
        %parallel_loop3A_366 = arith.index_cast %parallel_loop3A_214 : i32 to index
        %parallel_loop3A_367 = arith.constant 976 : index
        %parallel_loop3A_368 = tpu.vector_load %arg11[%parallel_loop3A_366, %parallel_loop3A_367] {strides = array<i32>} : memref<8x1024xf32, #tpu.memory_space<vmem>>, vector<1x16xf32>,
        %parallel_loop3A_369 = vector.shape_cast %parallel_loop3A_368 : vector<1x16xf32> to vector<16xf32>
        %parallel_loop3A_370 = arith.subf %parallel_loop3A_365, %parallel_loop3A_369 : vector<16xf32>
        %parallel_loop3A_371 = arith.mulf %parallel_loop3A_370, %parallel_loop3A_370 : vector<16xf32>
        %parallel_loop3A_372 = arith.addf %parallel_loop3A_328, %parallel_loop3A_371 : vector<16xf32>
        %parallel_loop3A_373 = arith.index_cast %parallel_loop3A_214 : i32 to index
        %parallel_loop3A_374 = arith.constant 992 : index
        %parallel_loop3A_375 = tpu.vector_load %arg7[%parallel_loop3A_373, %parallel_loop3A_374] {strides = array<i32>} : memref<8x1024xf32, #tpu.memory_space<vmem>>, vector<1x16xf32>,
        %parallel_loop3A_376 = vector.shape_cast %parallel_loop3A_375 : vector<1x16xf32> to vector<16xf32>
        %parallel_loop3A_377 = arith.index_cast %parallel_loop3A_214 : i32 to index
        %parallel_loop3A_378 = arith.constant 992 : index
        %parallel_loop3A_379 = tpu.vector_load %arg11[%parallel_loop3A_377, %parallel_loop3A_378] {strides = array<i32>} : memref<8x1024xf32, #tpu.memory_space<vmem>>, vector<1x16xf32>,
        %parallel_loop3A_380 = vector.shape_cast %parallel_loop3A_379 : vector<1x16xf32> to vector<16xf32>
        %parallel_loop3A_381 = arith.subf %parallel_loop3A_376, %parallel_loop3A_380 : vector<16xf32>
        %parallel_loop3A_382 = arith.mulf %parallel_loop3A_381, %parallel_loop3A_381 : vector<16xf32>
        %parallel_loop3A_383 = arith.addf %parallel_loop3A_339, %parallel_loop3A_382 : vector<16xf32>
        %parallel_loop3A_384 = arith.index_cast %parallel_loop3A_214 : i32 to index
        %parallel_loop3A_385 = arith.constant 1008 : index
        %parallel_loop3A_386 = tpu.vector_load %arg7[%parallel_loop3A_384, %parallel_loop3A_385] {strides = array<i32>} : memref<8x1024xf32, #tpu.memory_space<vmem>>, vector<1x16xf32>,
        %parallel_loop3A_387 = vector.shape_cast %parallel_loop3A_386 : vector<1x16xf32> to vector<16xf32>
        %parallel_loop3A_388 = arith.index_cast %parallel_loop3A_214 : i32 to index
        %parallel_loop3A_389 = arith.constant 1008 : index
        %parallel_loop3A_390 = tpu.vector_load %arg11[%parallel_loop3A_388, %parallel_loop3A_389] {strides = array<i32>} : memref<8x1024xf32, #tpu.memory_space<vmem>>, vector<1x16xf32>,
        %parallel_loop3A_391 = vector.shape_cast %parallel_loop3A_390 : vector<1x16xf32> to vector<16xf32>
        %parallel_loop3A_392 = arith.subf %parallel_loop3A_387, %parallel_loop3A_391 : vector<16xf32>
        %parallel_loop3A_393 = arith.mulf %parallel_loop3A_392, %parallel_loop3A_392 : vector<16xf32>
        %parallel_loop3A_394 = arith.addf %parallel_loop3A_350, %parallel_loop3A_393 : vector<16xf32>
        scf.yield %parallel_loop3A_361, %parallel_loop3A_372, %parallel_loop3A_383, %parallel_loop3A_394 : vector<16xf32>, vector<16xf32>, vector<16xf32>, vector<16xf32>
      } {sc.loop_unroll_factor = 2 : i64, sc.parallel_access}
      %mul3A_88 = arith.constant 4 : i32
      %mul3A_89 = arith.muli %scan3A_47, %mul3A_88 : i32
      %add3A_90 = arith.constant 1 : i32
      %add3A_91 = arith.addi %mul3A_89, %add3A_90 : i32
      %add3A_92 = arith.constant 4 : i32
      %add3A_93 = arith.addi %add3A_91, %add3A_92 : i32
      %sub3A_94 = arith.constant 1 : i32
      %sub3A_95 = arith.subi %add3A_93, %sub3A_94 : i32
      %lt3A_96 = arith.constant 64 : i32
      %lt3A_97 = arith.cmpi slt, %sub3A_95, %lt3A_96 : i32
      %convert_element_type3A_98 = arith.extui %lt3A_97 : i1 to i32
      %cond3A_99 = arith.constant 0 : i32
      %cond3A_100 = arith.cmpi ne, %convert_element_type3A_98, %cond3A_99 : i32
      scf.if %cond3A_100 {
        %add3A_214 = arith.constant 4 : i32
        %add3A_215 = arith.addi %add3A_91, %add3A_214 : i32
        %sub3A_216 = arith.constant 1 : i32
        %sub3A_217 = arith.subi %add3A_215, %sub3A_216 : i32
        %mul3A_218 = arith.constant 8 : i32
        %mul3A_219 = arith.muli %sub3A_217, %mul3A_218 : i32
        %dma_start3A_220 = tpu.memref_slice %arg6[%mul3A_219] : memref<512xi32, #tpu.memory_space<vmem>> -> memref<8xi32, #tpu.memory_space<vmem>>
        %dma_start3A_221 = arith.constant 0 : i32
        %dma_start3A_222 = arith.constant 0 : i32
        %dma_start3A_223 = tpu.memref_slice %arg4[%dma_start3A_221, %dma_start3A_222] : memref<10000x1024xf32, #tpu.memory_space<hbm>> -> memref<10000x1024xf32, #tpu.memory_space<hbm>>
        tpu.enqueue_indirect_dma source(%dma_start3A_223 : memref<10000x1024xf32, #tpu.memory_space<hbm>>) target(%arg11 : memref<8x1024xf32, #tpu.memory_space<vmem>>) offsets(%dma_start3A_220 : memref<8xi32, #tpu.memory_space<vmem>>) semaphore(%arg20 : memref<!tpu.dma_semaphore, #tpu.memory_space<semaphore_mem>>)
        %mul3A_224 = arith.constant 8 : i32
        %mul3A_225 = arith.muli %sub3A_217, %mul3A_224 : i32
        %add3A_226 = arith.addi %mul3A_2, %mul3A_225 : i32
        %dma_start3A_227 = arith.constant 0 : i32
        %dma_start3A_228 = tpu.memref_slice %arg2[%add3A_226, %dma_start3A_227] : memref<16384x1024xf32, #tpu.memory_space<hbm>> -> memref<8x1024xf32, #tpu.memory_space<hbm>>
        %dma_start3A_229 = arith.constant 0 : i32
        %dma_start3A_230 = tpu.memref_slice %arg2[%add3A_226, %dma_start3A_229] : memref<16384x1024xf32, #tpu.memory_space<hbm>> -> memref<8x1024xf32, #tpu.memory_space<hbm>>
        tpu.enqueue_dma source(%dma_start3A_230 : memref<8x1024xf32, #tpu.memory_space<hbm>>) target(%arg7 : memref<8x1024xf32, #tpu.memory_space<vmem>>) target_semaphore(%arg16 : memref<!tpu.dma_semaphore, #tpu.memory_space<semaphore_mem>>)
      } else {
      }
      %mul3A_101 = arith.constant 8 : i32
      %mul3A_102 = arith.muli %add3A_91, %mul3A_101 : i32
      %add3A_103 = arith.addi %mul3A_2, %mul3A_102 : i32
      %dma_wait3A_104 = arith.constant 0 : i32
      %dma_wait3A_105 = tpu.memref_slice %arg2[%add3A_103, %dma_wait3A_104] : memref<16384x1024xf32, #tpu.memory_space<hbm>> -> memref<8x1024xf32, #tpu.memory_space<hbm>>
      %dma_wait3A_106 = arith.constant 0 : i32
      %dma_wait3A_107 = tpu.memref_slice %arg2[%add3A_103, %dma_wait3A_106] : memref<16384x1024xf32, #tpu.memory_space<hbm>> -> memref<8x1024xf32, #tpu.memory_space<hbm>>
      tpu.wait_dma2 semaphore(%arg17 : memref<!tpu.dma_semaphore, #tpu.memory_space<semaphore_mem>>) src(%dma_wait3A_107 : memref<8x1024xf32, #tpu.memory_space<hbm>>) dst(%arg8 : memref<8x1024xf32, #tpu.memory_space<vmem>>)
      %mul3A_108 = arith.constant 8 : i32
      %mul3A_109 = arith.muli %add3A_91, %mul3A_108 : i32
      %dma_wait3A_110 = tpu.memref_slice %arg6[%mul3A_109] : memref<512xi32, #tpu.memory_space<vmem>> -> memref<8xi32, #tpu.memory_space<vmem>>
      %dma_wait3A_111 = arith.constant 0 : i32
      %dma_wait3A_112 = arith.constant 0 : i32
      %dma_wait3A_113 = tpu.memref_slice %arg4[%dma_wait3A_111, %dma_wait3A_112] : memref<10000x1024xf32, #tpu.memory_space<hbm>> -> memref<10000x1024xf32, #tpu.memory_space<hbm>>
      tpu.wait_indirect_dma semaphore(%arg21 : memref<!tpu.dma_semaphore, #tpu.memory_space<semaphore_mem>>) src(%dma_wait3A_113 : memref<10000x1024xf32, #tpu.memory_space<hbm>>) dst(%arg12 : memref<8x1024xf32, #tpu.memory_space<vmem>>)
      %parallel_loop3A_114 = arith.constant 0 : i32
      %parallel_loop3A_115 = arith.constant 8 : i32
      %parallel_loop3A_116 = arith.constant 1 : i32
      %parallel_loop3A_117:4 = scf.for %parallel_loop3A_214 = %parallel_loop3A_114 to %parallel_loop3A_115 step %parallel_loop3A_116 iter_args(%parallel_loop3A_215 = %parallel_loop3A_87#0, %parallel_loop3A_216 = %parallel_loop3A_87#1, %parallel_loop3A_217 = %parallel_loop3A_87#2, %parallel_loop3A_218 = %parallel_loop3A_87#3) -> (vector<16xf32>, vector<16xf32>, vector<16xf32>, vector<16xf32>)  : i32 {
        %parallel_loop3A_219 = arith.index_cast %parallel_loop3A_214 : i32 to index
        %parallel_loop3A_220 = arith.constant 0 : index
        %parallel_loop3A_221 = tpu.vector_load %arg8[%parallel_loop3A_219, %parallel_loop3A_220] {strides = array<i32>} : memref<8x1024xf32, #tpu.memory_space<vmem>>, vector<1x16xf32>,
        %parallel_loop3A_222 = vector.shape_cast %parallel_loop3A_221 : vector<1x16xf32> to vector<16xf32>
        %parallel_loop3A_223 = arith.index_cast %parallel_loop3A_214 : i32 to index
        %parallel_loop3A_224 = arith.constant 0 : index
        %parallel_loop3A_225 = tpu.vector_load %arg12[%parallel_loop3A_223, %parallel_loop3A_224] {strides = array<i32>} : memref<8x1024xf32, #tpu.memory_space<vmem>>, vector<1x16xf32>,
        %parallel_loop3A_226 = vector.shape_cast %parallel_loop3A_225 : vector<1x16xf32> to vector<16xf32>
        %parallel_loop3A_227 = arith.subf %parallel_loop3A_222, %parallel_loop3A_226 : vector<16xf32>
        %parallel_loop3A_228 = arith.mulf %parallel_loop3A_227, %parallel_loop3A_227 : vector<16xf32>
        %parallel_loop3A_229 = arith.addf %parallel_loop3A_215, %parallel_loop3A_228 : vector<16xf32>
        %parallel_loop3A_230 = arith.index_cast %parallel_loop3A_214 : i32 to index
        %parallel_loop3A_231 = arith.constant 16 : index
        %parallel_loop3A_232 = tpu.vector_load %arg8[%parallel_loop3A_230, %parallel_loop3A_231] {strides = array<i32>} : memref<8x1024xf32, #tpu.memory_space<vmem>>, vector<1x16xf32>,
        %parallel_loop3A_233 = vector.shape_cast %parallel_loop3A_232 : vector<1x16xf32> to vector<16xf32>
        %parallel_loop3A_234 = arith.index_cast %parallel_loop3A_214 : i32 to index
        %parallel_loop3A_235 = arith.constant 16 : index
        %parallel_loop3A_236 = tpu.vector_load %arg12[%parallel_loop3A_234, %parallel_loop3A_235] {strides = array<i32>} : memref<8x1024xf32, #tpu.memory_space<vmem>>, vector<1x16xf32>,
        %parallel_loop3A_237 = vector.shape_cast %parallel_loop3A_236 : vector<1x16xf32> to vector<16xf32>
        %parallel_loop3A_238 = arith.subf %parallel_loop3A_233, %parallel_loop3A_237 : vector<16xf32>
        %parallel_loop3A_239 = arith.mulf %parallel_loop3A_238, %parallel_loop3A_238 : vector<16xf32>
        %parallel_loop3A_240 = arith.addf %parallel_loop3A_216, %parallel_loop3A_239 : vector<16xf32>
        %parallel_loop3A_241 = arith.index_cast %parallel_loop3A_214 : i32 to index
        %parallel_loop3A_242 = arith.constant 32 : index
        %parallel_loop3A_243 = tpu.vector_load %arg8[%parallel_loop3A_241, %parallel_loop3A_242] {strides = array<i32>} : memref<8x1024xf32, #tpu.memory_space<vmem>>, vector<1x16xf32>,
        %parallel_loop3A_244 = vector.shape_cast %parallel_loop3A_243 : vector<1x16xf32> to vector<16xf32>
        %parallel_loop3A_245 = arith.index_cast %parallel_loop3A_214 : i32 to index
        %parallel_loop3A_246 = arith.constant 32 : index
        %parallel_loop3A_247 = tpu.vector_load %arg12[%parallel_loop3A_245, %parallel_loop3A_246] {strides = array<i32>} : memref<8x1024xf32, #tpu.memory_space<vmem>>, vector<1x16xf32>,
        %parallel_loop3A_248 = vector.shape_cast %parallel_loop3A_247 : vector<1x16xf32> to vector<16xf32>
        %parallel_loop3A_249 = arith.subf %parallel_loop3A_244, %parallel_loop3A_248 : vector<16xf32>
        %parallel_loop3A_250 = arith.mulf %parallel_loop3A_249, %parallel_loop3A_249 : vector<16xf32>
        %parallel_loop3A_251 = arith.addf %parallel_loop3A_217, %parallel_loop3A_250 : vector<16xf32>
        %parallel_loop3A_252 = arith.index_cast %parallel_loop3A_214 : i32 to index
        %parallel_loop3A_253 = arith.constant 48 : index
        %parallel_loop3A_254 = tpu.vector_load %arg8[%parallel_loop3A_252, %parallel_loop3A_253] {strides = array<i32>} : memref<8x1024xf32, #tpu.memory_space<vmem>>, vector<1x16xf32>,
        %parallel_loop3A_255 = vector.shape_cast %parallel_loop3A_254 : vector<1x16xf32> to vector<16xf32>
        %parallel_loop3A_256 = arith.index_cast %parallel_loop3A_214 : i32 to index
        %parallel_loop3A_257 = arith.constant 48 : index
        %parallel_loop3A_258 = tpu.vector_load %arg12[%parallel_loop3A_256, %parallel_loop3A_257] {strides = array<i32>} : memref<8x1024xf32, #tpu.memory_space<vmem>>, vector<1x16xf32>,
        %parallel_loop3A_259 = vector.shape_cast %parallel_loop3A_258 : vector<1x16xf32> to vector<16xf32>
        %parallel_loop3A_260 = arith.subf %parallel_loop3A_255, %parallel_loop3A_259 : vector<16xf32>
        %parallel_loop3A_261 = arith.mulf %parallel_loop3A_260, %parallel_loop3A_260 : vector<16xf32>
        %parallel_loop3A_262 = arith.addf %parallel_loop3A_218, %parallel_loop3A_261 : vector<16xf32>
        %parallel_loop3A_263 = arith.index_cast %parallel_loop3A_214 : i32 to index
        %parallel_loop3A_264 = arith.constant 64 : index
        %parallel_loop3A_265 = tpu.vector_load %arg8[%parallel_loop3A_263, %parallel_loop3A_264] {strides = array<i32>} : memref<8x1024xf32, #tpu.memory_space<vmem>>, vector<1x16xf32>,
        %parallel_loop3A_266 = vector.shape_cast %parallel_loop3A_265 : vector<1x16xf32> to vector<16xf32>
        %parallel_loop3A_267 = arith.index_cast %parallel_loop3A_214 : i32 to index
        %parallel_loop3A_268 = arith.constant 64 : index
        %parallel_loop3A_269 = tpu.vector_load %arg12[%parallel_loop3A_267, %parallel_loop3A_268] {strides = array<i32>} : memref<8x1024xf32, #tpu.memory_space<vmem>>, vector<1x16xf32>,
        %parallel_loop3A_270 = vector.shape_cast %parallel_loop3A_269 : vector<1x16xf32> to vector<16xf32>
        %parallel_loop3A_271 = arith.subf %parallel_loop3A_266, %parallel_loop3A_270 : vector<16xf32>
        %parallel_loop3A_272 = arith.mulf %parallel_loop3A_271, %parallel_loop3A_271 : vector<16xf32>
        %parallel_loop3A_273 = arith.addf %parallel_loop3A_229, %parallel_loop3A_272 : vector<16xf32>
        %parallel_loop3A_274 = arith.index_cast %parallel_loop3A_214 : i32 to index
        %parallel_loop3A_275 = arith.constant 80 : index
        %parallel_loop3A_276 = tpu.vector_load %arg8[%parallel_loop3A_274, %parallel_loop3A_275] {strides = array<i32>} : memref<8x1024xf32, #tpu.memory_space<vmem>>, vector<1x16xf32>,
        %parallel_loop3A_277 = vector.shape_cast %parallel_loop3A_276 : vector<1x16xf32> to vector<16xf32>
        %parallel_loop3A_278 = arith.index_cast %parallel_loop3A_214 : i32 to index
        %parallel_loop3A_279 = arith.constant 80 : index
        %parallel_loop3A_280 = tpu.vector_load %arg12[%parallel_loop3A_278, %parallel_loop3A_279] {strides = array<i32>} : memref<8x1024xf32, #tpu.memory_space<vmem>>, vector<1x16xf32>,
        %parallel_loop3A_281 = vector.shape_cast %parallel_loop3A_280 : vector<1x16xf32> to vector<16xf32>
        %parallel_loop3A_282 = arith.subf %parallel_loop3A_277, %parallel_loop3A_281 : vector<16xf32>
        %parallel_loop3A_283 = arith.mulf %parallel_loop3A_282, %parallel_loop3A_282 : vector<16xf32>
        %parallel_loop3A_284 = arith.addf %parallel_loop3A_240, %parallel_loop3A_283 : vector<16xf32>
        %parallel_loop3A_285 = arith.index_cast %parallel_loop3A_214 : i32 to index
        %parallel_loop3A_286 = arith.constant 96 : index
        %parallel_loop3A_287 = tpu.vector_load %arg8[%parallel_loop3A_285, %parallel_loop3A_286] {strides = array<i32>} : memref<8x1024xf32, #tpu.memory_space<vmem>>, vector<1x16xf32>,
        %parallel_loop3A_288 = vector.shape_cast %parallel_loop3A_287 : vector<1x16xf32> to vector<16xf32>
        %parallel_loop3A_289 = arith.index_cast %parallel_loop3A_214 : i32 to index
        %parallel_loop3A_290 = arith.constant 96 : index
        %parallel_loop3A_291 = tpu.vector_load %arg12[%parallel_loop3A_289, %parallel_loop3A_290] {strides = array<i32>} : memref<8x1024xf32, #tpu.memory_space<vmem>>, vector<1x16xf32>,
        %parallel_loop3A_292 = vector.shape_cast %parallel_loop3A_291 : vector<1x16xf32> to vector<16xf32>
        %parallel_loop3A_293 = arith.subf %parallel_loop3A_288, %parallel_loop3A_292 : vector<16xf32>
        %parallel_loop3A_294 = arith.mulf %parallel_loop3A_293, %parallel_loop3A_293 : vector<16xf32>
        %parallel_loop3A_295 = arith.addf %parallel_loop3A_251, %parallel_loop3A_294 : vector<16xf32>
        %parallel_loop3A_296 = arith.index_cast %parallel_loop3A_214 : i32 to index
        %parallel_loop3A_297 = arith.constant 112 : index
        %parallel_loop3A_298 = tpu.vector_load %arg8[%parallel_loop3A_296, %parallel_loop3A_297] {strides = array<i32>} : memref<8x1024xf32, #tpu.memory_space<vmem>>, vector<1x16xf32>,
        %parallel_loop3A_299 = vector.shape_cast %parallel_loop3A_298 : vector<1x16xf32> to vector<16xf32>
        %parallel_loop3A_300 = arith.index_cast %parallel_loop3A_214 : i32 to index
        %parallel_loop3A_301 = arith.constant 112 : index
        %parallel_loop3A_302 = tpu.vector_load %arg12[%parallel_loop3A_300, %parallel_loop3A_301] {strides = array<i32>} : memref<8x1024xf32, #tpu.memory_space<vmem>>, vector<1x16xf32>,
        %parallel_loop3A_303 = vector.shape_cast %parallel_loop3A_302 : vector<1x16xf32> to vector<16xf32>
        %parallel_loop3A_304 = arith.subf %parallel_loop3A_299, %parallel_loop3A_303 : vector<16xf32>
        %parallel_loop3A_305 = arith.mulf %parallel_loop3A_304, %parallel_loop3A_304 : vector<16xf32>
        %parallel_loop3A_306 = arith.addf %parallel_loop3A_262, %parallel_loop3A_305 : vector<16xf32>
        %parallel_loop3A_307 = arith.index_cast %parallel_loop3A_214 : i32 to index
        %parallel_loop3A_308 = arith.constant 128 : index
        %parallel_loop3A_309 = tpu.vector_load %arg8[%parallel_loop3A_307, %parallel_loop3A_308] {strides = array<i32>} : memref<8x1024xf32, #tpu.memory_space<vmem>>, vector<1x16xf32>,
        %parallel_loop3A_310 = vector.shape_cast %parallel_loop3A_309 : vector<1x16xf32> to vector<16xf32>
        %parallel_loop3A_311 = arith.index_cast %parallel_loop3A_214 : i32 to index
        %parallel_loop3A_312 = arith.constant 128 : index
        %parallel_loop3A_313 = tpu.vector_load %arg12[%parallel_loop3A_311, %parallel_loop3A_312] {strides = array<i32>} : memref<8x1024xf32, #tpu.memory_space<vmem>>, vector<1x16xf32>,
        %parallel_loop3A_314 = vector.shape_cast %parallel_loop3A_313 : vector<1x16xf32> to vector<16xf32>
        %parallel_loop3A_315 = arith.subf %parallel_loop3A_310, %parallel_loop3A_314 : vector<16xf32>
        %parallel_loop3A_316 = arith.mulf %parallel_loop3A_315, %parallel_loop3A_315 : vector<16xf32>
        %parallel_loop3A_317 = arith.addf %parallel_loop3A_273, %parallel_loop3A_316 : vector<16xf32>
        %parallel_loop3A_318 = arith.index_cast %parallel_loop3A_214 : i32 to index
        %parallel_loop3A_319 = arith.constant 144 : index
        %parallel_loop3A_320 = tpu.vector_load %arg8[%parallel_loop3A_318, %parallel_loop3A_319] {strides = array<i32>} : memref<8x1024xf32, #tpu.memory_space<vmem>>, vector<1x16xf32>,
        %parallel_loop3A_321 = vector.shape_cast %parallel_loop3A_320 : vector<1x16xf32> to vector<16xf32>
        %parallel_loop3A_322 = arith.index_cast %parallel_loop3A_214 : i32 to index
        %parallel_loop3A_323 = arith.constant 144 : index
        %parallel_loop3A_324 = tpu.vector_load %arg12[%parallel_loop3A_322, %parallel_loop3A_323] {strides = array<i32>} : memref<8x1024xf32, #tpu.memory_space<vmem>>, vector<1x16xf32>,
        %parallel_loop3A_325 = vector.shape_cast %parallel_loop3A_324 : vector<1x16xf32> to vector<16xf32>
        %parallel_loop3A_326 = arith.subf %parallel_loop3A_321, %parallel_loop3A_325 : vector<16xf32>
        %parallel_loop3A_327 = arith.mulf %parallel_loop3A_326, %parallel_loop3A_326 : vector<16xf32>
        %parallel_loop3A_328 = arith.addf %parallel_loop3A_284, %parallel_loop3A_327 : vector<16xf32>
        %parallel_loop3A_329 = arith.index_cast %parallel_loop3A_214 : i32 to index
        %parallel_loop3A_330 = arith.constant 160 : index
        %parallel_loop3A_331 = tpu.vector_load %arg8[%parallel_loop3A_329, %parallel_loop3A_330] {strides = array<i32>} : memref<8x1024xf32, #tpu.memory_space<vmem>>, vector<1x16xf32>,
        %parallel_loop3A_332 = vector.shape_cast %parallel_loop3A_331 : vector<1x16xf32> to vector<16xf32>
        %parallel_loop3A_333 = arith.index_cast %parallel_loop3A_214 : i32 to index
        %parallel_loop3A_334 = arith.constant 160 : index
        %parallel_loop3A_335 = tpu.vector_load %arg12[%parallel_loop3A_333, %parallel_loop3A_334] {strides = array<i32>} : memref<8x1024xf32, #tpu.memory_space<vmem>>, vector<1x16xf32>,
        %parallel_loop3A_336 = vector.shape_cast %parallel_loop3A_335 : vector<1x16xf32> to vector<16xf32>
        %parallel_loop3A_337 = arith.subf %parallel_loop3A_332, %parallel_loop3A_336 : vector<16xf32>
        %parallel_loop3A_338 = arith.mulf %parallel_loop3A_337, %parallel_loop3A_337 : vector<16xf32>
        %parallel_loop3A_339 = arith.addf %parallel_loop3A_295, %parallel_loop3A_338 : vector<16xf32>
        %parallel_loop3A_340 = arith.index_cast %parallel_loop3A_214 : i32 to index
        %parallel_loop3A_341 = arith.constant 176 : index
        %parallel_loop3A_342 = tpu.vector_load %arg8[%parallel_loop3A_340, %parallel_loop3A_341] {strides = array<i32>} : memref<8x1024xf32, #tpu.memory_space<vmem>>, vector<1x16xf32>,
        %parallel_loop3A_343 = vector.shape_cast %parallel_loop3A_342 : vector<1x16xf32> to vector<16xf32>
        %parallel_loop3A_344 = arith.index_cast %parallel_loop3A_214 : i32 to index
        %parallel_loop3A_345 = arith.constant 176 : index
        %parallel_loop3A_346 = tpu.vector_load %arg12[%parallel_loop3A_344, %parallel_loop3A_345] {strides = array<i32>} : memref<8x1024xf32, #tpu.memory_space<vmem>>, vector<1x16xf32>,
        %parallel_loop3A_347 = vector.shape_cast %parallel_loop3A_346 : vector<1x16xf32> to vector<16xf32>
        %parallel_loop3A_348 = arith.subf %parallel_loop3A_343, %parallel_loop3A_347 : vector<16xf32>
        %parallel_loop3A_349 = arith.mulf %parallel_loop3A_348, %parallel_loop3A_348 : vector<16xf32>
        %parallel_loop3A_350 = arith.addf %parallel_loop3A_306, %parallel_loop3A_349 : vector<16xf32>
        %parallel_loop3A_351 = arith.index_cast %parallel_loop3A_214 : i32 to index
        %parallel_loop3A_352 = arith.constant 192 : index
        %parallel_loop3A_353 = tpu.vector_load %arg8[%parallel_loop3A_351, %parallel_loop3A_352] {strides = array<i32>} : memref<8x1024xf32, #tpu.memory_space<vmem>>, vector<1x16xf32>,
        %parallel_loop3A_354 = vector.shape_cast %parallel_loop3A_353 : vector<1x16xf32> to vector<16xf32>
        %parallel_loop3A_355 = arith.index_cast %parallel_loop3A_214 : i32 to index
        %parallel_loop3A_356 = arith.constant 192 : index
        %parallel_loop3A_357 = tpu.vector_load %arg12[%parallel_loop3A_355, %parallel_loop3A_356] {strides = array<i32>} : memref<8x1024xf32, #tpu.memory_space<vmem>>, vector<1x16xf32>,
        %parallel_loop3A_358 = vector.shape_cast %parallel_loop3A_357 : vector<1x16xf32> to vector<16xf32>
        %parallel_loop3A_359 = arith.subf %parallel_loop3A_354, %parallel_loop3A_358 : vector<16xf32>
        %parallel_loop3A_360 = arith.mulf %parallel_loop3A_359, %parallel_loop3A_359 : vector<16xf32>
        %parallel_loop3A_361 = arith.addf %parallel_loop3A_317, %parallel_loop3A_360 : vector<16xf32>
        %parallel_loop3A_362 = arith.index_cast %parallel_loop3A_214 : i32 to index
        %parallel_loop3A_363 = arith.constant 208 : index
        %parallel_loop3A_364 = tpu.vector_load %arg8[%parallel_loop3A_362, %parallel_loop3A_363] {strides = array<i32>} : memref<8x1024xf32, #tpu.memory_space<vmem>>, vector<1x16xf32>,
        %parallel_loop3A_365 = vector.shape_cast %parallel_loop3A_364 : vector<1x16xf32> to vector<16xf32>
        %parallel_loop3A_366 = arith.index_cast %parallel_loop3A_214 : i32 to index
        %parallel_loop3A_367 = arith.constant 208 : index
        %parallel_loop3A_368 = tpu.vector_load %arg12[%parallel_loop3A_366, %parallel_loop3A_367] {strides = array<i32>} : memref<8x1024xf32, #tpu.memory_space<vmem>>, vector<1x16xf32>,
        %parallel_loop3A_369 = vector.shape_cast %parallel_loop3A_368 : vector<1x16xf32> to vector<16xf32>
        %parallel_loop3A_370 = arith.subf %parallel_loop3A_365, %parallel_loop3A_369 : vector<16xf32>
        %parallel_loop3A_371 = arith.mulf %parallel_loop3A_370, %parallel_loop3A_370 : vector<16xf32>
        %parallel_loop3A_372 = arith.addf %parallel_loop3A_328, %parallel_loop3A_371 : vector<16xf32>
        %parallel_loop3A_373 = arith.index_cast %parallel_loop3A_214 : i32 to index
        %parallel_loop3A_374 = arith.constant 224 : index
        %parallel_loop3A_375 = tpu.vector_load %arg8[%parallel_loop3A_373, %parallel_loop3A_374] {strides = array<i32>} : memref<8x1024xf32, #tpu.memory_space<vmem>>, vector<1x16xf32>,
        %parallel_loop3A_376 = vector.shape_cast %parallel_loop3A_375 : vector<1x16xf32> to vector<16xf32>
        %parallel_loop3A_377 = arith.index_cast %parallel_loop3A_214 : i32 to index
        %parallel_loop3A_378 = arith.constant 224 : index
        %parallel_loop3A_379 = tpu.vector_load %arg12[%parallel_loop3A_377, %parallel_loop3A_378] {strides = array<i32>} : memref<8x1024xf32, #tpu.memory_space<vmem>>, vector<1x16xf32>,
        %parallel_loop3A_380 = vector.shape_cast %parallel_loop3A_379 : vector<1x16xf32> to vector<16xf32>
        %parallel_loop3A_381 = arith.subf %parallel_loop3A_376, %parallel_loop3A_380 : vector<16xf32>
        %parallel_loop3A_382 = arith.mulf %parallel_loop3A_381, %parallel_loop3A_381 : vector<16xf32>
        %parallel_loop3A_383 = arith.addf %parallel_loop3A_339, %parallel_loop3A_382 : vector<16xf32>
        %parallel_loop3A_384 = arith.index_cast %parallel_loop3A_214 : i32 to index
        %parallel_loop3A_385 = arith.constant 240 : index
        %parallel_loop3A_386 = tpu.vector_load %arg8[%parallel_loop3A_384, %parallel_loop3A_385] {strides = array<i32>} : memref<8x1024xf32, #tpu.memory_space<vmem>>, vector<1x16xf32>,
        %parallel_loop3A_387 = vector.shape_cast %parallel_loop3A_386 : vector<1x16xf32> to vector<16xf32>
        %parallel_loop3A_388 = arith.index_cast %parallel_loop3A_214 : i32 to index
        %parallel_loop3A_389 = arith.constant 240 : index
        %parallel_loop3A_390 = tpu.vector_load %arg12[%parallel_loop3A_388, %parallel_loop3A_389] {strides = array<i32>} : memref<8x1024xf32, #tpu.memory_space<vmem>>, vector<1x16xf32>,
        %parallel_loop3A_391 = vector.shape_cast %parallel_loop3A_390 : vector<1x16xf32> to vector<16xf32>
        %parallel_loop3A_392 = arith.subf %parallel_loop3A_387, %parallel_loop3A_391 : vector<16xf32>
        %parallel_loop3A_393 = arith.mulf %parallel_loop3A_392, %parallel_loop3A_392 : vector<16xf32>
        %parallel_loop3A_394 = arith.addf %parallel_loop3A_350, %parallel_loop3A_393 : vector<16xf32>
        scf.yield %parallel_loop3A_361, %parallel_loop3A_372, %parallel_loop3A_383, %parallel_loop3A_394 : vector<16xf32>, vector<16xf32>, vector<16xf32>, vector<16xf32>
      } {sc.loop_unroll_factor = 2 : i64, sc.parallel_access}
      %parallel_loop3A_118 = arith.constant 0 : i32
      %parallel_loop3A_119 = arith.constant 8 : i32
      %parallel_loop3A_120 = arith.constant 1 : i32
      %parallel_loop3A_121:4 = scf.for %parallel_loop3A_214 = %parallel_loop3A_118 to %parallel_loop3A_119 step %parallel_loop3A_120 iter_args(%parallel_loop3A_215 = %parallel_loop3A_117#0, %parallel_loop3A_216 = %parallel_loop3A_117#1, %parallel_loop3A_217 = %parallel_loop3A_117#2, %parallel_loop3A_218 = %parallel_loop3A_117#3) -> (vector<16xf32>, vector<16xf32>, vector<16xf32>, vector<16xf32>)  : i32 {
        %parallel_loop3A_219 = arith.index_cast %parallel_loop3A_214 : i32 to index
        %parallel_loop3A_220 = arith.constant 256 : index
        %parallel_loop3A_221 = tpu.vector_load %arg8[%parallel_loop3A_219, %parallel_loop3A_220] {strides = array<i32>} : memref<8x1024xf32, #tpu.memory_space<vmem>>, vector<1x16xf32>,
        %parallel_loop3A_222 = vector.shape_cast %parallel_loop3A_221 : vector<1x16xf32> to vector<16xf32>
        %parallel_loop3A_223 = arith.index_cast %parallel_loop3A_214 : i32 to index
        %parallel_loop3A_224 = arith.constant 256 : index
        %parallel_loop3A_225 = tpu.vector_load %arg12[%parallel_loop3A_223, %parallel_loop3A_224] {strides = array<i32>} : memref<8x1024xf32, #tpu.memory_space<vmem>>, vector<1x16xf32>,
        %parallel_loop3A_226 = vector.shape_cast %parallel_loop3A_225 : vector<1x16xf32> to vector<16xf32>
        %parallel_loop3A_227 = arith.subf %parallel_loop3A_222, %parallel_loop3A_226 : vector<16xf32>
        %parallel_loop3A_228 = arith.mulf %parallel_loop3A_227, %parallel_loop3A_227 : vector<16xf32>
        %parallel_loop3A_229 = arith.addf %parallel_loop3A_215, %parallel_loop3A_228 : vector<16xf32>
        %parallel_loop3A_230 = arith.index_cast %parallel_loop3A_214 : i32 to index
        %parallel_loop3A_231 = arith.constant 272 : index
        %parallel_loop3A_232 = tpu.vector_load %arg8[%parallel_loop3A_230, %parallel_loop3A_231] {strides = array<i32>} : memref<8x1024xf32, #tpu.memory_space<vmem>>, vector<1x16xf32>,
        %parallel_loop3A_233 = vector.shape_cast %parallel_loop3A_232 : vector<1x16xf32> to vector<16xf32>
        %parallel_loop3A_234 = arith.index_cast %parallel_loop3A_214 : i32 to index
        %parallel_loop3A_235 = arith.constant 272 : index
        %parallel_loop3A_236 = tpu.vector_load %arg12[%parallel_loop3A_234, %parallel_loop3A_235] {strides = array<i32>} : memref<8x1024xf32, #tpu.memory_space<vmem>>, vector<1x16xf32>,
        %parallel_loop3A_237 = vector.shape_cast %parallel_loop3A_236 : vector<1x16xf32> to vector<16xf32>
        %parallel_loop3A_238 = arith.subf %parallel_loop3A_233, %parallel_loop3A_237 : vector<16xf32>
        %parallel_loop3A_239 = arith.mulf %parallel_loop3A_238, %parallel_loop3A_238 : vector<16xf32>
        %parallel_loop3A_240 = arith.addf %parallel_loop3A_216, %parallel_loop3A_239 : vector<16xf32>
        %parallel_loop3A_241 = arith.index_cast %parallel_loop3A_214 : i32 to index
        %parallel_loop3A_242 = arith.constant 288 : index
        %parallel_loop3A_243 = tpu.vector_load %arg8[%parallel_loop3A_241, %parallel_loop3A_242] {strides = array<i32>} : memref<8x1024xf32, #tpu.memory_space<vmem>>, vector<1x16xf32>,
        %parallel_loop3A_244 = vector.shape_cast %parallel_loop3A_243 : vector<1x16xf32> to vector<16xf32>
        %parallel_loop3A_245 = arith.index_cast %parallel_loop3A_214 : i32 to index
        %parallel_loop3A_246 = arith.constant 288 : index
        %parallel_loop3A_247 = tpu.vector_load %arg12[%parallel_loop3A_245, %parallel_loop3A_246] {strides = array<i32>} : memref<8x1024xf32, #tpu.memory_space<vmem>>, vector<1x16xf32>,
        %parallel_loop3A_248 = vector.shape_cast %parallel_loop3A_247 : vector<1x16xf32> to vector<16xf32>
        %parallel_loop3A_249 = arith.subf %parallel_loop3A_244, %parallel_loop3A_248 : vector<16xf32>
        %parallel_loop3A_250 = arith.mulf %parallel_loop3A_249, %parallel_loop3A_249 : vector<16xf32>
        %parallel_loop3A_251 = arith.addf %parallel_loop3A_217, %parallel_loop3A_250 : vector<16xf32>
        %parallel_loop3A_252 = arith.index_cast %parallel_loop3A_214 : i32 to index
        %parallel_loop3A_253 = arith.constant 304 : index
        %parallel_loop3A_254 = tpu.vector_load %arg8[%parallel_loop3A_252, %parallel_loop3A_253] {strides = array<i32>} : memref<8x1024xf32, #tpu.memory_space<vmem>>, vector<1x16xf32>,
        %parallel_loop3A_255 = vector.shape_cast %parallel_loop3A_254 : vector<1x16xf32> to vector<16xf32>
        %parallel_loop3A_256 = arith.index_cast %parallel_loop3A_214 : i32 to index
        %parallel_loop3A_257 = arith.constant 304 : index
        %parallel_loop3A_258 = tpu.vector_load %arg12[%parallel_loop3A_256, %parallel_loop3A_257] {strides = array<i32>} : memref<8x1024xf32, #tpu.memory_space<vmem>>, vector<1x16xf32>,
        %parallel_loop3A_259 = vector.shape_cast %parallel_loop3A_258 : vector<1x16xf32> to vector<16xf32>
        %parallel_loop3A_260 = arith.subf %parallel_loop3A_255, %parallel_loop3A_259 : vector<16xf32>
        %parallel_loop3A_261 = arith.mulf %parallel_loop3A_260, %parallel_loop3A_260 : vector<16xf32>
        %parallel_loop3A_262 = arith.addf %parallel_loop3A_218, %parallel_loop3A_261 : vector<16xf32>
        %parallel_loop3A_263 = arith.index_cast %parallel_loop3A_214 : i32 to index
        %parallel_loop3A_264 = arith.constant 320 : index
        %parallel_loop3A_265 = tpu.vector_load %arg8[%parallel_loop3A_263, %parallel_loop3A_264] {strides = array<i32>} : memref<8x1024xf32, #tpu.memory_space<vmem>>, vector<1x16xf32>,
        %parallel_loop3A_266 = vector.shape_cast %parallel_loop3A_265 : vector<1x16xf32> to vector<16xf32>
        %parallel_loop3A_267 = arith.index_cast %parallel_loop3A_214 : i32 to index
        %parallel_loop3A_268 = arith.constant 320 : index
        %parallel_loop3A_269 = tpu.vector_load %arg12[%parallel_loop3A_267, %parallel_loop3A_268] {strides = array<i32>} : memref<8x1024xf32, #tpu.memory_space<vmem>>, vector<1x16xf32>,
        %parallel_loop3A_270 = vector.shape_cast %parallel_loop3A_269 : vector<1x16xf32> to vector<16xf32>
        %parallel_loop3A_271 = arith.subf %parallel_loop3A_266, %parallel_loop3A_270 : vector<16xf32>
        %parallel_loop3A_272 = arith.mulf %parallel_loop3A_271, %parallel_loop3A_271 : vector<16xf32>
        %parallel_loop3A_273 = arith.addf %parallel_loop3A_229, %parallel_loop3A_272 : vector<16xf32>
        %parallel_loop3A_274 = arith.index_cast %parallel_loop3A_214 : i32 to index
        %parallel_loop3A_275 = arith.constant 336 : index
        %parallel_loop3A_276 = tpu.vector_load %arg8[%parallel_loop3A_274, %parallel_loop3A_275] {strides = array<i32>} : memref<8x1024xf32, #tpu.memory_space<vmem>>, vector<1x16xf32>,
        %parallel_loop3A_277 = vector.shape_cast %parallel_loop3A_276 : vector<1x16xf32> to vector<16xf32>
        %parallel_loop3A_278 = arith.index_cast %parallel_loop3A_214 : i32 to index
        %parallel_loop3A_279 = arith.constant 336 : index
        %parallel_loop3A_280 = tpu.vector_load %arg12[%parallel_loop3A_278, %parallel_loop3A_279] {strides = array<i32>} : memref<8x1024xf32, #tpu.memory_space<vmem>>, vector<1x16xf32>,
        %parallel_loop3A_281 = vector.shape_cast %parallel_loop3A_280 : vector<1x16xf32> to vector<16xf32>
        %parallel_loop3A_282 = arith.subf %parallel_loop3A_277, %parallel_loop3A_281 : vector<16xf32>
        %parallel_loop3A_283 = arith.mulf %parallel_loop3A_282, %parallel_loop3A_282 : vector<16xf32>
        %parallel_loop3A_284 = arith.addf %parallel_loop3A_240, %parallel_loop3A_283 : vector<16xf32>
        %parallel_loop3A_285 = arith.index_cast %parallel_loop3A_214 : i32 to index
        %parallel_loop3A_286 = arith.constant 352 : index
        %parallel_loop3A_287 = tpu.vector_load %arg8[%parallel_loop3A_285, %parallel_loop3A_286] {strides = array<i32>} : memref<8x1024xf32, #tpu.memory_space<vmem>>, vector<1x16xf32>,
        %parallel_loop3A_288 = vector.shape_cast %parallel_loop3A_287 : vector<1x16xf32> to vector<16xf32>
        %parallel_loop3A_289 = arith.index_cast %parallel_loop3A_214 : i32 to index
        %parallel_loop3A_290 = arith.constant 352 : index
        %parallel_loop3A_291 = tpu.vector_load %arg12[%parallel_loop3A_289, %parallel_loop3A_290] {strides = array<i32>} : memref<8x1024xf32, #tpu.memory_space<vmem>>, vector<1x16xf32>,
        %parallel_loop3A_292 = vector.shape_cast %parallel_loop3A_291 : vector<1x16xf32> to vector<16xf32>
        %parallel_loop3A_293 = arith.subf %parallel_loop3A_288, %parallel_loop3A_292 : vector<16xf32>
        %parallel_loop3A_294 = arith.mulf %parallel_loop3A_293, %parallel_loop3A_293 : vector<16xf32>
        %parallel_loop3A_295 = arith.addf %parallel_loop3A_251, %parallel_loop3A_294 : vector<16xf32>
        %parallel_loop3A_296 = arith.index_cast %parallel_loop3A_214 : i32 to index
        %parallel_loop3A_297 = arith.constant 368 : index
        %parallel_loop3A_298 = tpu.vector_load %arg8[%parallel_loop3A_296, %parallel_loop3A_297] {strides = array<i32>} : memref<8x1024xf32, #tpu.memory_space<vmem>>, vector<1x16xf32>,
        %parallel_loop3A_299 = vector.shape_cast %parallel_loop3A_298 : vector<1x16xf32> to vector<16xf32>
        %parallel_loop3A_300 = arith.index_cast %parallel_loop3A_214 : i32 to index
        %parallel_loop3A_301 = arith.constant 368 : index
        %parallel_loop3A_302 = tpu.vector_load %arg12[%parallel_loop3A_300, %parallel_loop3A_301] {strides = array<i32>} : memref<8x1024xf32, #tpu.memory_space<vmem>>, vector<1x16xf32>,
        %parallel_loop3A_303 = vector.shape_cast %parallel_loop3A_302 : vector<1x16xf32> to vector<16xf32>
        %parallel_loop3A_304 = arith.subf %parallel_loop3A_299, %parallel_loop3A_303 : vector<16xf32>
        %parallel_loop3A_305 = arith.mulf %parallel_loop3A_304, %parallel_loop3A_304 : vector<16xf32>
        %parallel_loop3A_306 = arith.addf %parallel_loop3A_262, %parallel_loop3A_305 : vector<16xf32>
        %parallel_loop3A_307 = arith.index_cast %parallel_loop3A_214 : i32 to index
        %parallel_loop3A_308 = arith.constant 384 : index
        %parallel_loop3A_309 = tpu.vector_load %arg8[%parallel_loop3A_307, %parallel_loop3A_308] {strides = array<i32>} : memref<8x1024xf32, #tpu.memory_space<vmem>>, vector<1x16xf32>,
        %parallel_loop3A_310 = vector.shape_cast %parallel_loop3A_309 : vector<1x16xf32> to vector<16xf32>
        %parallel_loop3A_311 = arith.index_cast %parallel_loop3A_214 : i32 to index
        %parallel_loop3A_312 = arith.constant 384 : index
        %parallel_loop3A_313 = tpu.vector_load %arg12[%parallel_loop3A_311, %parallel_loop3A_312] {strides = array<i32>} : memref<8x1024xf32, #tpu.memory_space<vmem>>, vector<1x16xf32>,
        %parallel_loop3A_314 = vector.shape_cast %parallel_loop3A_313 : vector<1x16xf32> to vector<16xf32>
        %parallel_loop3A_315 = arith.subf %parallel_loop3A_310, %parallel_loop3A_314 : vector<16xf32>
        %parallel_loop3A_316 = arith.mulf %parallel_loop3A_315, %parallel_loop3A_315 : vector<16xf32>
        %parallel_loop3A_317 = arith.addf %parallel_loop3A_273, %parallel_loop3A_316 : vector<16xf32>
        %parallel_loop3A_318 = arith.index_cast %parallel_loop3A_214 : i32 to index
        %parallel_loop3A_319 = arith.constant 400 : index
        %parallel_loop3A_320 = tpu.vector_load %arg8[%parallel_loop3A_318, %parallel_loop3A_319] {strides = array<i32>} : memref<8x1024xf32, #tpu.memory_space<vmem>>, vector<1x16xf32>,
        %parallel_loop3A_321 = vector.shape_cast %parallel_loop3A_320 : vector<1x16xf32> to vector<16xf32>
        %parallel_loop3A_322 = arith.index_cast %parallel_loop3A_214 : i32 to index
        %parallel_loop3A_323 = arith.constant 400 : index
        %parallel_loop3A_324 = tpu.vector_load %arg12[%parallel_loop3A_322, %parallel_loop3A_323] {strides = array<i32>} : memref<8x1024xf32, #tpu.memory_space<vmem>>, vector<1x16xf32>,
        %parallel_loop3A_325 = vector.shape_cast %parallel_loop3A_324 : vector<1x16xf32> to vector<16xf32>
        %parallel_loop3A_326 = arith.subf %parallel_loop3A_321, %parallel_loop3A_325 : vector<16xf32>
        %parallel_loop3A_327 = arith.mulf %parallel_loop3A_326, %parallel_loop3A_326 : vector<16xf32>
        %parallel_loop3A_328 = arith.addf %parallel_loop3A_284, %parallel_loop3A_327 : vector<16xf32>
        %parallel_loop3A_329 = arith.index_cast %parallel_loop3A_214 : i32 to index
        %parallel_loop3A_330 = arith.constant 416 : index
        %parallel_loop3A_331 = tpu.vector_load %arg8[%parallel_loop3A_329, %parallel_loop3A_330] {strides = array<i32>} : memref<8x1024xf32, #tpu.memory_space<vmem>>, vector<1x16xf32>,
        %parallel_loop3A_332 = vector.shape_cast %parallel_loop3A_331 : vector<1x16xf32> to vector<16xf32>
        %parallel_loop3A_333 = arith.index_cast %parallel_loop3A_214 : i32 to index
        %parallel_loop3A_334 = arith.constant 416 : index
        %parallel_loop3A_335 = tpu.vector_load %arg12[%parallel_loop3A_333, %parallel_loop3A_334] {strides = array<i32>} : memref<8x1024xf32, #tpu.memory_space<vmem>>, vector<1x16xf32>,
        %parallel_loop3A_336 = vector.shape_cast %parallel_loop3A_335 : vector<1x16xf32> to vector<16xf32>
        %parallel_loop3A_337 = arith.subf %parallel_loop3A_332, %parallel_loop3A_336 : vector<16xf32>
        %parallel_loop3A_338 = arith.mulf %parallel_loop3A_337, %parallel_loop3A_337 : vector<16xf32>
        %parallel_loop3A_339 = arith.addf %parallel_loop3A_295, %parallel_loop3A_338 : vector<16xf32>
        %parallel_loop3A_340 = arith.index_cast %parallel_loop3A_214 : i32 to index
        %parallel_loop3A_341 = arith.constant 432 : index
        %parallel_loop3A_342 = tpu.vector_load %arg8[%parallel_loop3A_340, %parallel_loop3A_341] {strides = array<i32>} : memref<8x1024xf32, #tpu.memory_space<vmem>>, vector<1x16xf32>,
        %parallel_loop3A_343 = vector.shape_cast %parallel_loop3A_342 : vector<1x16xf32> to vector<16xf32>
        %parallel_loop3A_344 = arith.index_cast %parallel_loop3A_214 : i32 to index
        %parallel_loop3A_345 = arith.constant 432 : index
        %parallel_loop3A_346 = tpu.vector_load %arg12[%parallel_loop3A_344, %parallel_loop3A_345] {strides = array<i32>} : memref<8x1024xf32, #tpu.memory_space<vmem>>, vector<1x16xf32>,
        %parallel_loop3A_347 = vector.shape_cast %parallel_loop3A_346 : vector<1x16xf32> to vector<16xf32>
        %parallel_loop3A_348 = arith.subf %parallel_loop3A_343, %parallel_loop3A_347 : vector<16xf32>
        %parallel_loop3A_349 = arith.mulf %parallel_loop3A_348, %parallel_loop3A_348 : vector<16xf32>
        %parallel_loop3A_350 = arith.addf %parallel_loop3A_306, %parallel_loop3A_349 : vector<16xf32>
        %parallel_loop3A_351 = arith.index_cast %parallel_loop3A_214 : i32 to index
        %parallel_loop3A_352 = arith.constant 448 : index
        %parallel_loop3A_353 = tpu.vector_load %arg8[%parallel_loop3A_351, %parallel_loop3A_352] {strides = array<i32>} : memref<8x1024xf32, #tpu.memory_space<vmem>>, vector<1x16xf32>,
        %parallel_loop3A_354 = vector.shape_cast %parallel_loop3A_353 : vector<1x16xf32> to vector<16xf32>
        %parallel_loop3A_355 = arith.index_cast %parallel_loop3A_214 : i32 to index
        %parallel_loop3A_356 = arith.constant 448 : index
        %parallel_loop3A_357 = tpu.vector_load %arg12[%parallel_loop3A_355, %parallel_loop3A_356] {strides = array<i32>} : memref<8x1024xf32, #tpu.memory_space<vmem>>, vector<1x16xf32>,
        %parallel_loop3A_358 = vector.shape_cast %parallel_loop3A_357 : vector<1x16xf32> to vector<16xf32>
        %parallel_loop3A_359 = arith.subf %parallel_loop3A_354, %parallel_loop3A_358 : vector<16xf32>
        %parallel_loop3A_360 = arith.mulf %parallel_loop3A_359, %parallel_loop3A_359 : vector<16xf32>
        %parallel_loop3A_361 = arith.addf %parallel_loop3A_317, %parallel_loop3A_360 : vector<16xf32>
        %parallel_loop3A_362 = arith.index_cast %parallel_loop3A_214 : i32 to index
        %parallel_loop3A_363 = arith.constant 464 : index
        %parallel_loop3A_364 = tpu.vector_load %arg8[%parallel_loop3A_362, %parallel_loop3A_363] {strides = array<i32>} : memref<8x1024xf32, #tpu.memory_space<vmem>>, vector<1x16xf32>,
        %parallel_loop3A_365 = vector.shape_cast %parallel_loop3A_364 : vector<1x16xf32> to vector<16xf32>
        %parallel_loop3A_366 = arith.index_cast %parallel_loop3A_214 : i32 to index
        %parallel_loop3A_367 = arith.constant 464 : index
        %parallel_loop3A_368 = tpu.vector_load %arg12[%parallel_loop3A_366, %parallel_loop3A_367] {strides = array<i32>} : memref<8x1024xf32, #tpu.memory_space<vmem>>, vector<1x16xf32>,
        %parallel_loop3A_369 = vector.shape_cast %parallel_loop3A_368 : vector<1x16xf32> to vector<16xf32>
        %parallel_loop3A_370 = arith.subf %parallel_loop3A_365, %parallel_loop3A_369 : vector<16xf32>
        %parallel_loop3A_371 = arith.mulf %parallel_loop3A_370, %parallel_loop3A_370 : vector<16xf32>
        %parallel_loop3A_372 = arith.addf %parallel_loop3A_328, %parallel_loop3A_371 : vector<16xf32>
        %parallel_loop3A_373 = arith.index_cast %parallel_loop3A_214 : i32 to index
        %parallel_loop3A_374 = arith.constant 480 : index
        %parallel_loop3A_375 = tpu.vector_load %arg8[%parallel_loop3A_373, %parallel_loop3A_374] {strides = array<i32>} : memref<8x1024xf32, #tpu.memory_space<vmem>>, vector<1x16xf32>,
        %parallel_loop3A_376 = vector.shape_cast %parallel_loop3A_375 : vector<1x16xf32> to vector<16xf32>
        %parallel_loop3A_377 = arith.index_cast %parallel_loop3A_214 : i32 to index
        %parallel_loop3A_378 = arith.constant 480 : index
        %parallel_loop3A_379 = tpu.vector_load %arg12[%parallel_loop3A_377, %parallel_loop3A_378] {strides = array<i32>} : memref<8x1024xf32, #tpu.memory_space<vmem>>, vector<1x16xf32>,
        %parallel_loop3A_380 = vector.shape_cast %parallel_loop3A_379 : vector<1x16xf32> to vector<16xf32>
        %parallel_loop3A_381 = arith.subf %parallel_loop3A_376, %parallel_loop3A_380 : vector<16xf32>
        %parallel_loop3A_382 = arith.mulf %parallel_loop3A_381, %parallel_loop3A_381 : vector<16xf32>
        %parallel_loop3A_383 = arith.addf %parallel_loop3A_339, %parallel_loop3A_382 : vector<16xf32>
        %parallel_loop3A_384 = arith.index_cast %parallel_loop3A_214 : i32 to index
        %parallel_loop3A_385 = arith.constant 496 : index
        %parallel_loop3A_386 = tpu.vector_load %arg8[%parallel_loop3A_384, %parallel_loop3A_385] {strides = array<i32>} : memref<8x1024xf32, #tpu.memory_space<vmem>>, vector<1x16xf32>,
        %parallel_loop3A_387 = vector.shape_cast %parallel_loop3A_386 : vector<1x16xf32> to vector<16xf32>
        %parallel_loop3A_388 = arith.index_cast %parallel_loop3A_214 : i32 to index
        %parallel_loop3A_389 = arith.constant 496 : index
        %parallel_loop3A_390 = tpu.vector_load %arg12[%parallel_loop3A_388, %parallel_loop3A_389] {strides = array<i32>} : memref<8x1024xf32, #tpu.memory_space<vmem>>, vector<1x16xf32>,
        %parallel_loop3A_391 = vector.shape_cast %parallel_loop3A_390 : vector<1x16xf32> to vector<16xf32>
        %parallel_loop3A_392 = arith.subf %parallel_loop3A_387, %parallel_loop3A_391 : vector<16xf32>
        %parallel_loop3A_393 = arith.mulf %parallel_loop3A_392, %parallel_loop3A_392 : vector<16xf32>
        %parallel_loop3A_394 = arith.addf %parallel_loop3A_350, %parallel_loop3A_393 : vector<16xf32>
        scf.yield %parallel_loop3A_361, %parallel_loop3A_372, %parallel_loop3A_383, %parallel_loop3A_394 : vector<16xf32>, vector<16xf32>, vector<16xf32>, vector<16xf32>
      } {sc.loop_unroll_factor = 2 : i64, sc.parallel_access}
      %parallel_loop3A_122 = arith.constant 0 : i32
      %parallel_loop3A_123 = arith.constant 8 : i32
      %parallel_loop3A_124 = arith.constant 1 : i32
      %parallel_loop3A_125:4 = scf.for %parallel_loop3A_214 = %parallel_loop3A_122 to %parallel_loop3A_123 step %parallel_loop3A_124 iter_args(%parallel_loop3A_215 = %parallel_loop3A_121#0, %parallel_loop3A_216 = %parallel_loop3A_121#1, %parallel_loop3A_217 = %parallel_loop3A_121#2, %parallel_loop3A_218 = %parallel_loop3A_121#3) -> (vector<16xf32>, vector<16xf32>, vector<16xf32>, vector<16xf32>)  : i32 {
        %parallel_loop3A_219 = arith.index_cast %parallel_loop3A_214 : i32 to index
        %parallel_loop3A_220 = arith.constant 512 : index
        %parallel_loop3A_221 = tpu.vector_load %arg8[%parallel_loop3A_219, %parallel_loop3A_220] {strides = array<i32>} : memref<8x1024xf32, #tpu.memory_space<vmem>>, vector<1x16xf32>,
        %parallel_loop3A_222 = vector.shape_cast %parallel_loop3A_221 : vector<1x16xf32> to vector<16xf32>
        %parallel_loop3A_223 = arith.index_cast %parallel_loop3A_214 : i32 to index
        %parallel_loop3A_224 = arith.constant 512 : index
        %parallel_loop3A_225 = tpu.vector_load %arg12[%parallel_loop3A_223, %parallel_loop3A_224] {strides = array<i32>} : memref<8x1024xf32, #tpu.memory_space<vmem>>, vector<1x16xf32>,
        %parallel_loop3A_226 = vector.shape_cast %parallel_loop3A_225 : vector<1x16xf32> to vector<16xf32>
        %parallel_loop3A_227 = arith.subf %parallel_loop3A_222, %parallel_loop3A_226 : vector<16xf32>
        %parallel_loop3A_228 = arith.mulf %parallel_loop3A_227, %parallel_loop3A_227 : vector<16xf32>
        %parallel_loop3A_229 = arith.addf %parallel_loop3A_215, %parallel_loop3A_228 : vector<16xf32>
        %parallel_loop3A_230 = arith.index_cast %parallel_loop3A_214 : i32 to index
        %parallel_loop3A_231 = arith.constant 528 : index
        %parallel_loop3A_232 = tpu.vector_load %arg8[%parallel_loop3A_230, %parallel_loop3A_231] {strides = array<i32>} : memref<8x1024xf32, #tpu.memory_space<vmem>>, vector<1x16xf32>,
        %parallel_loop3A_233 = vector.shape_cast %parallel_loop3A_232 : vector<1x16xf32> to vector<16xf32>
        %parallel_loop3A_234 = arith.index_cast %parallel_loop3A_214 : i32 to index
        %parallel_loop3A_235 = arith.constant 528 : index
        %parallel_loop3A_236 = tpu.vector_load %arg12[%parallel_loop3A_234, %parallel_loop3A_235] {strides = array<i32>} : memref<8x1024xf32, #tpu.memory_space<vmem>>, vector<1x16xf32>,
        %parallel_loop3A_237 = vector.shape_cast %parallel_loop3A_236 : vector<1x16xf32> to vector<16xf32>
        %parallel_loop3A_238 = arith.subf %parallel_loop3A_233, %parallel_loop3A_237 : vector<16xf32>
        %parallel_loop3A_239 = arith.mulf %parallel_loop3A_238, %parallel_loop3A_238 : vector<16xf32>
        %parallel_loop3A_240 = arith.addf %parallel_loop3A_216, %parallel_loop3A_239 : vector<16xf32>
        %parallel_loop3A_241 = arith.index_cast %parallel_loop3A_214 : i32 to index
        %parallel_loop3A_242 = arith.constant 544 : index
        %parallel_loop3A_243 = tpu.vector_load %arg8[%parallel_loop3A_241, %parallel_loop3A_242] {strides = array<i32>} : memref<8x1024xf32, #tpu.memory_space<vmem>>, vector<1x16xf32>,
        %parallel_loop3A_244 = vector.shape_cast %parallel_loop3A_243 : vector<1x16xf32> to vector<16xf32>
        %parallel_loop3A_245 = arith.index_cast %parallel_loop3A_214 : i32 to index
        %parallel_loop3A_246 = arith.constant 544 : index
        %parallel_loop3A_247 = tpu.vector_load %arg12[%parallel_loop3A_245, %parallel_loop3A_246] {strides = array<i32>} : memref<8x1024xf32, #tpu.memory_space<vmem>>, vector<1x16xf32>,
        %parallel_loop3A_248 = vector.shape_cast %parallel_loop3A_247 : vector<1x16xf32> to vector<16xf32>
        %parallel_loop3A_249 = arith.subf %parallel_loop3A_244, %parallel_loop3A_248 : vector<16xf32>
        %parallel_loop3A_250 = arith.mulf %parallel_loop3A_249, %parallel_loop3A_249 : vector<16xf32>
        %parallel_loop3A_251 = arith.addf %parallel_loop3A_217, %parallel_loop3A_250 : vector<16xf32>
        %parallel_loop3A_252 = arith.index_cast %parallel_loop3A_214 : i32 to index
        %parallel_loop3A_253 = arith.constant 560 : index
        %parallel_loop3A_254 = tpu.vector_load %arg8[%parallel_loop3A_252, %parallel_loop3A_253] {strides = array<i32>} : memref<8x1024xf32, #tpu.memory_space<vmem>>, vector<1x16xf32>,
        %parallel_loop3A_255 = vector.shape_cast %parallel_loop3A_254 : vector<1x16xf32> to vector<16xf32>
        %parallel_loop3A_256 = arith.index_cast %parallel_loop3A_214 : i32 to index
        %parallel_loop3A_257 = arith.constant 560 : index
        %parallel_loop3A_258 = tpu.vector_load %arg12[%parallel_loop3A_256, %parallel_loop3A_257] {strides = array<i32>} : memref<8x1024xf32, #tpu.memory_space<vmem>>, vector<1x16xf32>,
        %parallel_loop3A_259 = vector.shape_cast %parallel_loop3A_258 : vector<1x16xf32> to vector<16xf32>
        %parallel_loop3A_260 = arith.subf %parallel_loop3A_255, %parallel_loop3A_259 : vector<16xf32>
        %parallel_loop3A_261 = arith.mulf %parallel_loop3A_260, %parallel_loop3A_260 : vector<16xf32>
        %parallel_loop3A_262 = arith.addf %parallel_loop3A_218, %parallel_loop3A_261 : vector<16xf32>
        %parallel_loop3A_263 = arith.index_cast %parallel_loop3A_214 : i32 to index
        %parallel_loop3A_264 = arith.constant 576 : index
        %parallel_loop3A_265 = tpu.vector_load %arg8[%parallel_loop3A_263, %parallel_loop3A_264] {strides = array<i32>} : memref<8x1024xf32, #tpu.memory_space<vmem>>, vector<1x16xf32>,
        %parallel_loop3A_266 = vector.shape_cast %parallel_loop3A_265 : vector<1x16xf32> to vector<16xf32>
        %parallel_loop3A_267 = arith.index_cast %parallel_loop3A_214 : i32 to index
        %parallel_loop3A_268 = arith.constant 576 : index
        %parallel_loop3A_269 = tpu.vector_load %arg12[%parallel_loop3A_267, %parallel_loop3A_268] {strides = array<i32>} : memref<8x1024xf32, #tpu.memory_space<vmem>>, vector<1x16xf32>,
        %parallel_loop3A_270 = vector.shape_cast %parallel_loop3A_269 : vector<1x16xf32> to vector<16xf32>
        %parallel_loop3A_271 = arith.subf %parallel_loop3A_266, %parallel_loop3A_270 : vector<16xf32>
        %parallel_loop3A_272 = arith.mulf %parallel_loop3A_271, %parallel_loop3A_271 : vector<16xf32>
        %parallel_loop3A_273 = arith.addf %parallel_loop3A_229, %parallel_loop3A_272 : vector<16xf32>
        %parallel_loop3A_274 = arith.index_cast %parallel_loop3A_214 : i32 to index
        %parallel_loop3A_275 = arith.constant 592 : index
        %parallel_loop3A_276 = tpu.vector_load %arg8[%parallel_loop3A_274, %parallel_loop3A_275] {strides = array<i32>} : memref<8x1024xf32, #tpu.memory_space<vmem>>, vector<1x16xf32>,
        %parallel_loop3A_277 = vector.shape_cast %parallel_loop3A_276 : vector<1x16xf32> to vector<16xf32>
        %parallel_loop3A_278 = arith.index_cast %parallel_loop3A_214 : i32 to index
        %parallel_loop3A_279 = arith.constant 592 : index
        %parallel_loop3A_280 = tpu.vector_load %arg12[%parallel_loop3A_278, %parallel_loop3A_279] {strides = array<i32>} : memref<8x1024xf32, #tpu.memory_space<vmem>>, vector<1x16xf32>,
        %parallel_loop3A_281 = vector.shape_cast %parallel_loop3A_280 : vector<1x16xf32> to vector<16xf32>
        %parallel_loop3A_282 = arith.subf %parallel_loop3A_277, %parallel_loop3A_281 : vector<16xf32>
        %parallel_loop3A_283 = arith.mulf %parallel_loop3A_282, %parallel_loop3A_282 : vector<16xf32>
        %parallel_loop3A_284 = arith.addf %parallel_loop3A_240, %parallel_loop3A_283 : vector<16xf32>
        %parallel_loop3A_285 = arith.index_cast %parallel_loop3A_214 : i32 to index
        %parallel_loop3A_286 = arith.constant 608 : index
        %parallel_loop3A_287 = tpu.vector_load %arg8[%parallel_loop3A_285, %parallel_loop3A_286] {strides = array<i32>} : memref<8x1024xf32, #tpu.memory_space<vmem>>, vector<1x16xf32>,
        %parallel_loop3A_288 = vector.shape_cast %parallel_loop3A_287 : vector<1x16xf32> to vector<16xf32>
        %parallel_loop3A_289 = arith.index_cast %parallel_loop3A_214 : i32 to index
        %parallel_loop3A_290 = arith.constant 608 : index
        %parallel_loop3A_291 = tpu.vector_load %arg12[%parallel_loop3A_289, %parallel_loop3A_290] {strides = array<i32>} : memref<8x1024xf32, #tpu.memory_space<vmem>>, vector<1x16xf32>,
        %parallel_loop3A_292 = vector.shape_cast %parallel_loop3A_291 : vector<1x16xf32> to vector<16xf32>
        %parallel_loop3A_293 = arith.subf %parallel_loop3A_288, %parallel_loop3A_292 : vector<16xf32>
        %parallel_loop3A_294 = arith.mulf %parallel_loop3A_293, %parallel_loop3A_293 : vector<16xf32>
        %parallel_loop3A_295 = arith.addf %parallel_loop3A_251, %parallel_loop3A_294 : vector<16xf32>
        %parallel_loop3A_296 = arith.index_cast %parallel_loop3A_214 : i32 to index
        %parallel_loop3A_297 = arith.constant 624 : index
        %parallel_loop3A_298 = tpu.vector_load %arg8[%parallel_loop3A_296, %parallel_loop3A_297] {strides = array<i32>} : memref<8x1024xf32, #tpu.memory_space<vmem>>, vector<1x16xf32>,
        %parallel_loop3A_299 = vector.shape_cast %parallel_loop3A_298 : vector<1x16xf32> to vector<16xf32>
        %parallel_loop3A_300 = arith.index_cast %parallel_loop3A_214 : i32 to index
        %parallel_loop3A_301 = arith.constant 624 : index
        %parallel_loop3A_302 = tpu.vector_load %arg12[%parallel_loop3A_300, %parallel_loop3A_301] {strides = array<i32>} : memref<8x1024xf32, #tpu.memory_space<vmem>>, vector<1x16xf32>,
        %parallel_loop3A_303 = vector.shape_cast %parallel_loop3A_302 : vector<1x16xf32> to vector<16xf32>
        %parallel_loop3A_304 = arith.subf %parallel_loop3A_299, %parallel_loop3A_303 : vector<16xf32>
        %parallel_loop3A_305 = arith.mulf %parallel_loop3A_304, %parallel_loop3A_304 : vector<16xf32>
        %parallel_loop3A_306 = arith.addf %parallel_loop3A_262, %parallel_loop3A_305 : vector<16xf32>
        %parallel_loop3A_307 = arith.index_cast %parallel_loop3A_214 : i32 to index
        %parallel_loop3A_308 = arith.constant 640 : index
        %parallel_loop3A_309 = tpu.vector_load %arg8[%parallel_loop3A_307, %parallel_loop3A_308] {strides = array<i32>} : memref<8x1024xf32, #tpu.memory_space<vmem>>, vector<1x16xf32>,
        %parallel_loop3A_310 = vector.shape_cast %parallel_loop3A_309 : vector<1x16xf32> to vector<16xf32>
        %parallel_loop3A_311 = arith.index_cast %parallel_loop3A_214 : i32 to index
        %parallel_loop3A_312 = arith.constant 640 : index
        %parallel_loop3A_313 = tpu.vector_load %arg12[%parallel_loop3A_311, %parallel_loop3A_312] {strides = array<i32>} : memref<8x1024xf32, #tpu.memory_space<vmem>>, vector<1x16xf32>,
        %parallel_loop3A_314 = vector.shape_cast %parallel_loop3A_313 : vector<1x16xf32> to vector<16xf32>
        %parallel_loop3A_315 = arith.subf %parallel_loop3A_310, %parallel_loop3A_314 : vector<16xf32>
        %parallel_loop3A_316 = arith.mulf %parallel_loop3A_315, %parallel_loop3A_315 : vector<16xf32>
        %parallel_loop3A_317 = arith.addf %parallel_loop3A_273, %parallel_loop3A_316 : vector<16xf32>
        %parallel_loop3A_318 = arith.index_cast %parallel_loop3A_214 : i32 to index
        %parallel_loop3A_319 = arith.constant 656 : index
        %parallel_loop3A_320 = tpu.vector_load %arg8[%parallel_loop3A_318, %parallel_loop3A_319] {strides = array<i32>} : memref<8x1024xf32, #tpu.memory_space<vmem>>, vector<1x16xf32>,
        %parallel_loop3A_321 = vector.shape_cast %parallel_loop3A_320 : vector<1x16xf32> to vector<16xf32>
        %parallel_loop3A_322 = arith.index_cast %parallel_loop3A_214 : i32 to index
        %parallel_loop3A_323 = arith.constant 656 : index
        %parallel_loop3A_324 = tpu.vector_load %arg12[%parallel_loop3A_322, %parallel_loop3A_323] {strides = array<i32>} : memref<8x1024xf32, #tpu.memory_space<vmem>>, vector<1x16xf32>,
        %parallel_loop3A_325 = vector.shape_cast %parallel_loop3A_324 : vector<1x16xf32> to vector<16xf32>
        %parallel_loop3A_326 = arith.subf %parallel_loop3A_321, %parallel_loop3A_325 : vector<16xf32>
        %parallel_loop3A_327 = arith.mulf %parallel_loop3A_326, %parallel_loop3A_326 : vector<16xf32>
        %parallel_loop3A_328 = arith.addf %parallel_loop3A_284, %parallel_loop3A_327 : vector<16xf32>
        %parallel_loop3A_329 = arith.index_cast %parallel_loop3A_214 : i32 to index
        %parallel_loop3A_330 = arith.constant 672 : index
        %parallel_loop3A_331 = tpu.vector_load %arg8[%parallel_loop3A_329, %parallel_loop3A_330] {strides = array<i32>} : memref<8x1024xf32, #tpu.memory_space<vmem>>, vector<1x16xf32>,
        %parallel_loop3A_332 = vector.shape_cast %parallel_loop3A_331 : vector<1x16xf32> to vector<16xf32>
        %parallel_loop3A_333 = arith.index_cast %parallel_loop3A_214 : i32 to index
        %parallel_loop3A_334 = arith.constant 672 : index
        %parallel_loop3A_335 = tpu.vector_load %arg12[%parallel_loop3A_333, %parallel_loop3A_334] {strides = array<i32>} : memref<8x1024xf32, #tpu.memory_space<vmem>>, vector<1x16xf32>,
        %parallel_loop3A_336 = vector.shape_cast %parallel_loop3A_335 : vector<1x16xf32> to vector<16xf32>
        %parallel_loop3A_337 = arith.subf %parallel_loop3A_332, %parallel_loop3A_336 : vector<16xf32>
        %parallel_loop3A_338 = arith.mulf %parallel_loop3A_337, %parallel_loop3A_337 : vector<16xf32>
        %parallel_loop3A_339 = arith.addf %parallel_loop3A_295, %parallel_loop3A_338 : vector<16xf32>
        %parallel_loop3A_340 = arith.index_cast %parallel_loop3A_214 : i32 to index
        %parallel_loop3A_341 = arith.constant 688 : index
        %parallel_loop3A_342 = tpu.vector_load %arg8[%parallel_loop3A_340, %parallel_loop3A_341] {strides = array<i32>} : memref<8x1024xf32, #tpu.memory_space<vmem>>, vector<1x16xf32>,
        %parallel_loop3A_343 = vector.shape_cast %parallel_loop3A_342 : vector<1x16xf32> to vector<16xf32>
        %parallel_loop3A_344 = arith.index_cast %parallel_loop3A_214 : i32 to index
        %parallel_loop3A_345 = arith.constant 688 : index
        %parallel_loop3A_346 = tpu.vector_load %arg12[%parallel_loop3A_344, %parallel_loop3A_345] {strides = array<i32>} : memref<8x1024xf32, #tpu.memory_space<vmem>>, vector<1x16xf32>,
        %parallel_loop3A_347 = vector.shape_cast %parallel_loop3A_346 : vector<1x16xf32> to vector<16xf32>
        %parallel_loop3A_348 = arith.subf %parallel_loop3A_343, %parallel_loop3A_347 : vector<16xf32>
        %parallel_loop3A_349 = arith.mulf %parallel_loop3A_348, %parallel_loop3A_348 : vector<16xf32>
        %parallel_loop3A_350 = arith.addf %parallel_loop3A_306, %parallel_loop3A_349 : vector<16xf32>
        %parallel_loop3A_351 = arith.index_cast %parallel_loop3A_214 : i32 to index
        %parallel_loop3A_352 = arith.constant 704 : index
        %parallel_loop3A_353 = tpu.vector_load %arg8[%parallel_loop3A_351, %parallel_loop3A_352] {strides = array<i32>} : memref<8x1024xf32, #tpu.memory_space<vmem>>, vector<1x16xf32>,
        %parallel_loop3A_354 = vector.shape_cast %parallel_loop3A_353 : vector<1x16xf32> to vector<16xf32>
        %parallel_loop3A_355 = arith.index_cast %parallel_loop3A_214 : i32 to index
        %parallel_loop3A_356 = arith.constant 704 : index
        %parallel_loop3A_357 = tpu.vector_load %arg12[%parallel_loop3A_355, %parallel_loop3A_356] {strides = array<i32>} : memref<8x1024xf32, #tpu.memory_space<vmem>>, vector<1x16xf32>,
        %parallel_loop3A_358 = vector.shape_cast %parallel_loop3A_357 : vector<1x16xf32> to vector<16xf32>
        %parallel_loop3A_359 = arith.subf %parallel_loop3A_354, %parallel_loop3A_358 : vector<16xf32>
        %parallel_loop3A_360 = arith.mulf %parallel_loop3A_359, %parallel_loop3A_359 : vector<16xf32>
        %parallel_loop3A_361 = arith.addf %parallel_loop3A_317, %parallel_loop3A_360 : vector<16xf32>
        %parallel_loop3A_362 = arith.index_cast %parallel_loop3A_214 : i32 to index
        %parallel_loop3A_363 = arith.constant 720 : index
        %parallel_loop3A_364 = tpu.vector_load %arg8[%parallel_loop3A_362, %parallel_loop3A_363] {strides = array<i32>} : memref<8x1024xf32, #tpu.memory_space<vmem>>, vector<1x16xf32>,
        %parallel_loop3A_365 = vector.shape_cast %parallel_loop3A_364 : vector<1x16xf32> to vector<16xf32>
        %parallel_loop3A_366 = arith.index_cast %parallel_loop3A_214 : i32 to index
        %parallel_loop3A_367 = arith.constant 720 : index
        %parallel_loop3A_368 = tpu.vector_load %arg12[%parallel_loop3A_366, %parallel_loop3A_367] {strides = array<i32>} : memref<8x1024xf32, #tpu.memory_space<vmem>>, vector<1x16xf32>,
        %parallel_loop3A_369 = vector.shape_cast %parallel_loop3A_368 : vector<1x16xf32> to vector<16xf32>
        %parallel_loop3A_370 = arith.subf %parallel_loop3A_365, %parallel_loop3A_369 : vector<16xf32>
        %parallel_loop3A_371 = arith.mulf %parallel_loop3A_370, %parallel_loop3A_370 : vector<16xf32>
        %parallel_loop3A_372 = arith.addf %parallel_loop3A_328, %parallel_loop3A_371 : vector<16xf32>
        %parallel_loop3A_373 = arith.index_cast %parallel_loop3A_214 : i32 to index
        %parallel_loop3A_374 = arith.constant 736 : index
        %parallel_loop3A_375 = tpu.vector_load %arg8[%parallel_loop3A_373, %parallel_loop3A_374] {strides = array<i32>} : memref<8x1024xf32, #tpu.memory_space<vmem>>, vector<1x16xf32>,
        %parallel_loop3A_376 = vector.shape_cast %parallel_loop3A_375 : vector<1x16xf32> to vector<16xf32>
        %parallel_loop3A_377 = arith.index_cast %parallel_loop3A_214 : i32 to index
        %parallel_loop3A_378 = arith.constant 736 : index
        %parallel_loop3A_379 = tpu.vector_load %arg12[%parallel_loop3A_377, %parallel_loop3A_378] {strides = array<i32>} : memref<8x1024xf32, #tpu.memory_space<vmem>>, vector<1x16xf32>,
        %parallel_loop3A_380 = vector.shape_cast %parallel_loop3A_379 : vector<1x16xf32> to vector<16xf32>
        %parallel_loop3A_381 = arith.subf %parallel_loop3A_376, %parallel_loop3A_380 : vector<16xf32>
        %parallel_loop3A_382 = arith.mulf %parallel_loop3A_381, %parallel_loop3A_381 : vector<16xf32>
        %parallel_loop3A_383 = arith.addf %parallel_loop3A_339, %parallel_loop3A_382 : vector<16xf32>
        %parallel_loop3A_384 = arith.index_cast %parallel_loop3A_214 : i32 to index
        %parallel_loop3A_385 = arith.constant 752 : index
        %parallel_loop3A_386 = tpu.vector_load %arg8[%parallel_loop3A_384, %parallel_loop3A_385] {strides = array<i32>} : memref<8x1024xf32, #tpu.memory_space<vmem>>, vector<1x16xf32>,
        %parallel_loop3A_387 = vector.shape_cast %parallel_loop3A_386 : vector<1x16xf32> to vector<16xf32>
        %parallel_loop3A_388 = arith.index_cast %parallel_loop3A_214 : i32 to index
        %parallel_loop3A_389 = arith.constant 752 : index
        %parallel_loop3A_390 = tpu.vector_load %arg12[%parallel_loop3A_388, %parallel_loop3A_389] {strides = array<i32>} : memref<8x1024xf32, #tpu.memory_space<vmem>>, vector<1x16xf32>,
        %parallel_loop3A_391 = vector.shape_cast %parallel_loop3A_390 : vector<1x16xf32> to vector<16xf32>
        %parallel_loop3A_392 = arith.subf %parallel_loop3A_387, %parallel_loop3A_391 : vector<16xf32>
        %parallel_loop3A_393 = arith.mulf %parallel_loop3A_392, %parallel_loop3A_392 : vector<16xf32>
        %parallel_loop3A_394 = arith.addf %parallel_loop3A_350, %parallel_loop3A_393 : vector<16xf32>
        scf.yield %parallel_loop3A_361, %parallel_loop3A_372, %parallel_loop3A_383, %parallel_loop3A_394 : vector<16xf32>, vector<16xf32>, vector<16xf32>, vector<16xf32>
      } {sc.loop_unroll_factor = 2 : i64, sc.parallel_access}
      %parallel_loop3A_126 = arith.constant 0 : i32
      %parallel_loop3A_127 = arith.constant 8 : i32
      %parallel_loop3A_128 = arith.constant 1 : i32
      %parallel_loop3A_129:4 = scf.for %parallel_loop3A_214 = %parallel_loop3A_126 to %parallel_loop3A_127 step %parallel_loop3A_128 iter_args(%parallel_loop3A_215 = %parallel_loop3A_125#0, %parallel_loop3A_216 = %parallel_loop3A_125#1, %parallel_loop3A_217 = %parallel_loop3A_125#2, %parallel_loop3A_218 = %parallel_loop3A_125#3) -> (vector<16xf32>, vector<16xf32>, vector<16xf32>, vector<16xf32>)  : i32 {
        %parallel_loop3A_219 = arith.index_cast %parallel_loop3A_214 : i32 to index
        %parallel_loop3A_220 = arith.constant 768 : index
        %parallel_loop3A_221 = tpu.vector_load %arg8[%parallel_loop3A_219, %parallel_loop3A_220] {strides = array<i32>} : memref<8x1024xf32, #tpu.memory_space<vmem>>, vector<1x16xf32>,
        %parallel_loop3A_222 = vector.shape_cast %parallel_loop3A_221 : vector<1x16xf32> to vector<16xf32>
        %parallel_loop3A_223 = arith.index_cast %parallel_loop3A_214 : i32 to index
        %parallel_loop3A_224 = arith.constant 768 : index
        %parallel_loop3A_225 = tpu.vector_load %arg12[%parallel_loop3A_223, %parallel_loop3A_224] {strides = array<i32>} : memref<8x1024xf32, #tpu.memory_space<vmem>>, vector<1x16xf32>,
        %parallel_loop3A_226 = vector.shape_cast %parallel_loop3A_225 : vector<1x16xf32> to vector<16xf32>
        %parallel_loop3A_227 = arith.subf %parallel_loop3A_222, %parallel_loop3A_226 : vector<16xf32>
        %parallel_loop3A_228 = arith.mulf %parallel_loop3A_227, %parallel_loop3A_227 : vector<16xf32>
        %parallel_loop3A_229 = arith.addf %parallel_loop3A_215, %parallel_loop3A_228 : vector<16xf32>
        %parallel_loop3A_230 = arith.index_cast %parallel_loop3A_214 : i32 to index
        %parallel_loop3A_231 = arith.constant 784 : index
        %parallel_loop3A_232 = tpu.vector_load %arg8[%parallel_loop3A_230, %parallel_loop3A_231] {strides = array<i32>} : memref<8x1024xf32, #tpu.memory_space<vmem>>, vector<1x16xf32>,
        %parallel_loop3A_233 = vector.shape_cast %parallel_loop3A_232 : vector<1x16xf32> to vector<16xf32>
        %parallel_loop3A_234 = arith.index_cast %parallel_loop3A_214 : i32 to index
        %parallel_loop3A_235 = arith.constant 784 : index
        %parallel_loop3A_236 = tpu.vector_load %arg12[%parallel_loop3A_234, %parallel_loop3A_235] {strides = array<i32>} : memref<8x1024xf32, #tpu.memory_space<vmem>>, vector<1x16xf32>,
        %parallel_loop3A_237 = vector.shape_cast %parallel_loop3A_236 : vector<1x16xf32> to vector<16xf32>
        %parallel_loop3A_238 = arith.subf %parallel_loop3A_233, %parallel_loop3A_237 : vector<16xf32>
        %parallel_loop3A_239 = arith.mulf %parallel_loop3A_238, %parallel_loop3A_238 : vector<16xf32>
        %parallel_loop3A_240 = arith.addf %parallel_loop3A_216, %parallel_loop3A_239 : vector<16xf32>
        %parallel_loop3A_241 = arith.index_cast %parallel_loop3A_214 : i32 to index
        %parallel_loop3A_242 = arith.constant 800 : index
        %parallel_loop3A_243 = tpu.vector_load %arg8[%parallel_loop3A_241, %parallel_loop3A_242] {strides = array<i32>} : memref<8x1024xf32, #tpu.memory_space<vmem>>, vector<1x16xf32>,
        %parallel_loop3A_244 = vector.shape_cast %parallel_loop3A_243 : vector<1x16xf32> to vector<16xf32>
        %parallel_loop3A_245 = arith.index_cast %parallel_loop3A_214 : i32 to index
        %parallel_loop3A_246 = arith.constant 800 : index
        %parallel_loop3A_247 = tpu.vector_load %arg12[%parallel_loop3A_245, %parallel_loop3A_246] {strides = array<i32>} : memref<8x1024xf32, #tpu.memory_space<vmem>>, vector<1x16xf32>,
        %parallel_loop3A_248 = vector.shape_cast %parallel_loop3A_247 : vector<1x16xf32> to vector<16xf32>
        %parallel_loop3A_249 = arith.subf %parallel_loop3A_244, %parallel_loop3A_248 : vector<16xf32>
        %parallel_loop3A_250 = arith.mulf %parallel_loop3A_249, %parallel_loop3A_249 : vector<16xf32>
        %parallel_loop3A_251 = arith.addf %parallel_loop3A_217, %parallel_loop3A_250 : vector<16xf32>
        %parallel_loop3A_252 = arith.index_cast %parallel_loop3A_214 : i32 to index
        %parallel_loop3A_253 = arith.constant 816 : index
        %parallel_loop3A_254 = tpu.vector_load %arg8[%parallel_loop3A_252, %parallel_loop3A_253] {strides = array<i32>} : memref<8x1024xf32, #tpu.memory_space<vmem>>, vector<1x16xf32>,
        %parallel_loop3A_255 = vector.shape_cast %parallel_loop3A_254 : vector<1x16xf32> to vector<16xf32>
        %parallel_loop3A_256 = arith.index_cast %parallel_loop3A_214 : i32 to index
        %parallel_loop3A_257 = arith.constant 816 : index
        %parallel_loop3A_258 = tpu.vector_load %arg12[%parallel_loop3A_256, %parallel_loop3A_257] {strides = array<i32>} : memref<8x1024xf32, #tpu.memory_space<vmem>>, vector<1x16xf32>,
        %parallel_loop3A_259 = vector.shape_cast %parallel_loop3A_258 : vector<1x16xf32> to vector<16xf32>
        %parallel_loop3A_260 = arith.subf %parallel_loop3A_255, %parallel_loop3A_259 : vector<16xf32>
        %parallel_loop3A_261 = arith.mulf %parallel_loop3A_260, %parallel_loop3A_260 : vector<16xf32>
        %parallel_loop3A_262 = arith.addf %parallel_loop3A_218, %parallel_loop3A_261 : vector<16xf32>
        %parallel_loop3A_263 = arith.index_cast %parallel_loop3A_214 : i32 to index
        %parallel_loop3A_264 = arith.constant 832 : index
        %parallel_loop3A_265 = tpu.vector_load %arg8[%parallel_loop3A_263, %parallel_loop3A_264] {strides = array<i32>} : memref<8x1024xf32, #tpu.memory_space<vmem>>, vector<1x16xf32>,
        %parallel_loop3A_266 = vector.shape_cast %parallel_loop3A_265 : vector<1x16xf32> to vector<16xf32>
        %parallel_loop3A_267 = arith.index_cast %parallel_loop3A_214 : i32 to index
        %parallel_loop3A_268 = arith.constant 832 : index
        %parallel_loop3A_269 = tpu.vector_load %arg12[%parallel_loop3A_267, %parallel_loop3A_268] {strides = array<i32>} : memref<8x1024xf32, #tpu.memory_space<vmem>>, vector<1x16xf32>,
        %parallel_loop3A_270 = vector.shape_cast %parallel_loop3A_269 : vector<1x16xf32> to vector<16xf32>
        %parallel_loop3A_271 = arith.subf %parallel_loop3A_266, %parallel_loop3A_270 : vector<16xf32>
        %parallel_loop3A_272 = arith.mulf %parallel_loop3A_271, %parallel_loop3A_271 : vector<16xf32>
        %parallel_loop3A_273 = arith.addf %parallel_loop3A_229, %parallel_loop3A_272 : vector<16xf32>
        %parallel_loop3A_274 = arith.index_cast %parallel_loop3A_214 : i32 to index
        %parallel_loop3A_275 = arith.constant 848 : index
        %parallel_loop3A_276 = tpu.vector_load %arg8[%parallel_loop3A_274, %parallel_loop3A_275] {strides = array<i32>} : memref<8x1024xf32, #tpu.memory_space<vmem>>, vector<1x16xf32>,
        %parallel_loop3A_277 = vector.shape_cast %parallel_loop3A_276 : vector<1x16xf32> to vector<16xf32>
        %parallel_loop3A_278 = arith.index_cast %parallel_loop3A_214 : i32 to index
        %parallel_loop3A_279 = arith.constant 848 : index
        %parallel_loop3A_280 = tpu.vector_load %arg12[%parallel_loop3A_278, %parallel_loop3A_279] {strides = array<i32>} : memref<8x1024xf32, #tpu.memory_space<vmem>>, vector<1x16xf32>,
        %parallel_loop3A_281 = vector.shape_cast %parallel_loop3A_280 : vector<1x16xf32> to vector<16xf32>
        %parallel_loop3A_282 = arith.subf %parallel_loop3A_277, %parallel_loop3A_281 : vector<16xf32>
        %parallel_loop3A_283 = arith.mulf %parallel_loop3A_282, %parallel_loop3A_282 : vector<16xf32>
        %parallel_loop3A_284 = arith.addf %parallel_loop3A_240, %parallel_loop3A_283 : vector<16xf32>
        %parallel_loop3A_285 = arith.index_cast %parallel_loop3A_214 : i32 to index
        %parallel_loop3A_286 = arith.constant 864 : index
        %parallel_loop3A_287 = tpu.vector_load %arg8[%parallel_loop3A_285, %parallel_loop3A_286] {strides = array<i32>} : memref<8x1024xf32, #tpu.memory_space<vmem>>, vector<1x16xf32>,
        %parallel_loop3A_288 = vector.shape_cast %parallel_loop3A_287 : vector<1x16xf32> to vector<16xf32>
        %parallel_loop3A_289 = arith.index_cast %parallel_loop3A_214 : i32 to index
        %parallel_loop3A_290 = arith.constant 864 : index
        %parallel_loop3A_291 = tpu.vector_load %arg12[%parallel_loop3A_289, %parallel_loop3A_290] {strides = array<i32>} : memref<8x1024xf32, #tpu.memory_space<vmem>>, vector<1x16xf32>,
        %parallel_loop3A_292 = vector.shape_cast %parallel_loop3A_291 : vector<1x16xf32> to vector<16xf32>
        %parallel_loop3A_293 = arith.subf %parallel_loop3A_288, %parallel_loop3A_292 : vector<16xf32>
        %parallel_loop3A_294 = arith.mulf %parallel_loop3A_293, %parallel_loop3A_293 : vector<16xf32>
        %parallel_loop3A_295 = arith.addf %parallel_loop3A_251, %parallel_loop3A_294 : vector<16xf32>
        %parallel_loop3A_296 = arith.index_cast %parallel_loop3A_214 : i32 to index
        %parallel_loop3A_297 = arith.constant 880 : index
        %parallel_loop3A_298 = tpu.vector_load %arg8[%parallel_loop3A_296, %parallel_loop3A_297] {strides = array<i32>} : memref<8x1024xf32, #tpu.memory_space<vmem>>, vector<1x16xf32>,
        %parallel_loop3A_299 = vector.shape_cast %parallel_loop3A_298 : vector<1x16xf32> to vector<16xf32>
        %parallel_loop3A_300 = arith.index_cast %parallel_loop3A_214 : i32 to index
        %parallel_loop3A_301 = arith.constant 880 : index
        %parallel_loop3A_302 = tpu.vector_load %arg12[%parallel_loop3A_300, %parallel_loop3A_301] {strides = array<i32>} : memref<8x1024xf32, #tpu.memory_space<vmem>>, vector<1x16xf32>,
        %parallel_loop3A_303 = vector.shape_cast %parallel_loop3A_302 : vector<1x16xf32> to vector<16xf32>
        %parallel_loop3A_304 = arith.subf %parallel_loop3A_299, %parallel_loop3A_303 : vector<16xf32>
        %parallel_loop3A_305 = arith.mulf %parallel_loop3A_304, %parallel_loop3A_304 : vector<16xf32>
        %parallel_loop3A_306 = arith.addf %parallel_loop3A_262, %parallel_loop3A_305 : vector<16xf32>
        %parallel_loop3A_307 = arith.index_cast %parallel_loop3A_214 : i32 to index
        %parallel_loop3A_308 = arith.constant 896 : index
        %parallel_loop3A_309 = tpu.vector_load %arg8[%parallel_loop3A_307, %parallel_loop3A_308] {strides = array<i32>} : memref<8x1024xf32, #tpu.memory_space<vmem>>, vector<1x16xf32>,
        %parallel_loop3A_310 = vector.shape_cast %parallel_loop3A_309 : vector<1x16xf32> to vector<16xf32>
        %parallel_loop3A_311 = arith.index_cast %parallel_loop3A_214 : i32 to index
        %parallel_loop3A_312 = arith.constant 896 : index
        %parallel_loop3A_313 = tpu.vector_load %arg12[%parallel_loop3A_311, %parallel_loop3A_312] {strides = array<i32>} : memref<8x1024xf32, #tpu.memory_space<vmem>>, vector<1x16xf32>,
        %parallel_loop3A_314 = vector.shape_cast %parallel_loop3A_313 : vector<1x16xf32> to vector<16xf32>
        %parallel_loop3A_315 = arith.subf %parallel_loop3A_310, %parallel_loop3A_314 : vector<16xf32>
        %parallel_loop3A_316 = arith.mulf %parallel_loop3A_315, %parallel_loop3A_315 : vector<16xf32>
        %parallel_loop3A_317 = arith.addf %parallel_loop3A_273, %parallel_loop3A_316 : vector<16xf32>
        %parallel_loop3A_318 = arith.index_cast %parallel_loop3A_214 : i32 to index
        %parallel_loop3A_319 = arith.constant 912 : index
        %parallel_loop3A_320 = tpu.vector_load %arg8[%parallel_loop3A_318, %parallel_loop3A_319] {strides = array<i32>} : memref<8x1024xf32, #tpu.memory_space<vmem>>, vector<1x16xf32>,
        %parallel_loop3A_321 = vector.shape_cast %parallel_loop3A_320 : vector<1x16xf32> to vector<16xf32>
        %parallel_loop3A_322 = arith.index_cast %parallel_loop3A_214 : i32 to index
        %parallel_loop3A_323 = arith.constant 912 : index
        %parallel_loop3A_324 = tpu.vector_load %arg12[%parallel_loop3A_322, %parallel_loop3A_323] {strides = array<i32>} : memref<8x1024xf32, #tpu.memory_space<vmem>>, vector<1x16xf32>,
        %parallel_loop3A_325 = vector.shape_cast %parallel_loop3A_324 : vector<1x16xf32> to vector<16xf32>
        %parallel_loop3A_326 = arith.subf %parallel_loop3A_321, %parallel_loop3A_325 : vector<16xf32>
        %parallel_loop3A_327 = arith.mulf %parallel_loop3A_326, %parallel_loop3A_326 : vector<16xf32>
        %parallel_loop3A_328 = arith.addf %parallel_loop3A_284, %parallel_loop3A_327 : vector<16xf32>
        %parallel_loop3A_329 = arith.index_cast %parallel_loop3A_214 : i32 to index
        %parallel_loop3A_330 = arith.constant 928 : index
        %parallel_loop3A_331 = tpu.vector_load %arg8[%parallel_loop3A_329, %parallel_loop3A_330] {strides = array<i32>} : memref<8x1024xf32, #tpu.memory_space<vmem>>, vector<1x16xf32>,
        %parallel_loop3A_332 = vector.shape_cast %parallel_loop3A_331 : vector<1x16xf32> to vector<16xf32>
        %parallel_loop3A_333 = arith.index_cast %parallel_loop3A_214 : i32 to index
        %parallel_loop3A_334 = arith.constant 928 : index
        %parallel_loop3A_335 = tpu.vector_load %arg12[%parallel_loop3A_333, %parallel_loop3A_334] {strides = array<i32>} : memref<8x1024xf32, #tpu.memory_space<vmem>>, vector<1x16xf32>,
        %parallel_loop3A_336 = vector.shape_cast %parallel_loop3A_335 : vector<1x16xf32> to vector<16xf32>
        %parallel_loop3A_337 = arith.subf %parallel_loop3A_332, %parallel_loop3A_336 : vector<16xf32>
        %parallel_loop3A_338 = arith.mulf %parallel_loop3A_337, %parallel_loop3A_337 : vector<16xf32>
        %parallel_loop3A_339 = arith.addf %parallel_loop3A_295, %parallel_loop3A_338 : vector<16xf32>
        %parallel_loop3A_340 = arith.index_cast %parallel_loop3A_214 : i32 to index
        %parallel_loop3A_341 = arith.constant 944 : index
        %parallel_loop3A_342 = tpu.vector_load %arg8[%parallel_loop3A_340, %parallel_loop3A_341] {strides = array<i32>} : memref<8x1024xf32, #tpu.memory_space<vmem>>, vector<1x16xf32>,
        %parallel_loop3A_343 = vector.shape_cast %parallel_loop3A_342 : vector<1x16xf32> to vector<16xf32>
        %parallel_loop3A_344 = arith.index_cast %parallel_loop3A_214 : i32 to index
        %parallel_loop3A_345 = arith.constant 944 : index
        %parallel_loop3A_346 = tpu.vector_load %arg12[%parallel_loop3A_344, %parallel_loop3A_345] {strides = array<i32>} : memref<8x1024xf32, #tpu.memory_space<vmem>>, vector<1x16xf32>,
        %parallel_loop3A_347 = vector.shape_cast %parallel_loop3A_346 : vector<1x16xf32> to vector<16xf32>
        %parallel_loop3A_348 = arith.subf %parallel_loop3A_343, %parallel_loop3A_347 : vector<16xf32>
        %parallel_loop3A_349 = arith.mulf %parallel_loop3A_348, %parallel_loop3A_348 : vector<16xf32>
        %parallel_loop3A_350 = arith.addf %parallel_loop3A_306, %parallel_loop3A_349 : vector<16xf32>
        %parallel_loop3A_351 = arith.index_cast %parallel_loop3A_214 : i32 to index
        %parallel_loop3A_352 = arith.constant 960 : index
        %parallel_loop3A_353 = tpu.vector_load %arg8[%parallel_loop3A_351, %parallel_loop3A_352] {strides = array<i32>} : memref<8x1024xf32, #tpu.memory_space<vmem>>, vector<1x16xf32>,
        %parallel_loop3A_354 = vector.shape_cast %parallel_loop3A_353 : vector<1x16xf32> to vector<16xf32>
        %parallel_loop3A_355 = arith.index_cast %parallel_loop3A_214 : i32 to index
        %parallel_loop3A_356 = arith.constant 960 : index
        %parallel_loop3A_357 = tpu.vector_load %arg12[%parallel_loop3A_355, %parallel_loop3A_356] {strides = array<i32>} : memref<8x1024xf32, #tpu.memory_space<vmem>>, vector<1x16xf32>,
        %parallel_loop3A_358 = vector.shape_cast %parallel_loop3A_357 : vector<1x16xf32> to vector<16xf32>
        %parallel_loop3A_359 = arith.subf %parallel_loop3A_354, %parallel_loop3A_358 : vector<16xf32>
        %parallel_loop3A_360 = arith.mulf %parallel_loop3A_359, %parallel_loop3A_359 : vector<16xf32>
        %parallel_loop3A_361 = arith.addf %parallel_loop3A_317, %parallel_loop3A_360 : vector<16xf32>
        %parallel_loop3A_362 = arith.index_cast %parallel_loop3A_214 : i32 to index
        %parallel_loop3A_363 = arith.constant 976 : index
        %parallel_loop3A_364 = tpu.vector_load %arg8[%parallel_loop3A_362, %parallel_loop3A_363] {strides = array<i32>} : memref<8x1024xf32, #tpu.memory_space<vmem>>, vector<1x16xf32>,
        %parallel_loop3A_365 = vector.shape_cast %parallel_loop3A_364 : vector<1x16xf32> to vector<16xf32>
        %parallel_loop3A_366 = arith.index_cast %parallel_loop3A_214 : i32 to index
        %parallel_loop3A_367 = arith.constant 976 : index
        %parallel_loop3A_368 = tpu.vector_load %arg12[%parallel_loop3A_366, %parallel_loop3A_367] {strides = array<i32>} : memref<8x1024xf32, #tpu.memory_space<vmem>>, vector<1x16xf32>,
        %parallel_loop3A_369 = vector.shape_cast %parallel_loop3A_368 : vector<1x16xf32> to vector<16xf32>
        %parallel_loop3A_370 = arith.subf %parallel_loop3A_365, %parallel_loop3A_369 : vector<16xf32>
        %parallel_loop3A_371 = arith.mulf %parallel_loop3A_370, %parallel_loop3A_370 : vector<16xf32>
        %parallel_loop3A_372 = arith.addf %parallel_loop3A_328, %parallel_loop3A_371 : vector<16xf32>
        %parallel_loop3A_373 = arith.index_cast %parallel_loop3A_214 : i32 to index
        %parallel_loop3A_374 = arith.constant 992 : index
        %parallel_loop3A_375 = tpu.vector_load %arg8[%parallel_loop3A_373, %parallel_loop3A_374] {strides = array<i32>} : memref<8x1024xf32, #tpu.memory_space<vmem>>, vector<1x16xf32>,
        %parallel_loop3A_376 = vector.shape_cast %parallel_loop3A_375 : vector<1x16xf32> to vector<16xf32>
        %parallel_loop3A_377 = arith.index_cast %parallel_loop3A_214 : i32 to index
        %parallel_loop3A_378 = arith.constant 992 : index
        %parallel_loop3A_379 = tpu.vector_load %arg12[%parallel_loop3A_377, %parallel_loop3A_378] {strides = array<i32>} : memref<8x1024xf32, #tpu.memory_space<vmem>>, vector<1x16xf32>,
        %parallel_loop3A_380 = vector.shape_cast %parallel_loop3A_379 : vector<1x16xf32> to vector<16xf32>
        %parallel_loop3A_381 = arith.subf %parallel_loop3A_376, %parallel_loop3A_380 : vector<16xf32>
        %parallel_loop3A_382 = arith.mulf %parallel_loop3A_381, %parallel_loop3A_381 : vector<16xf32>
        %parallel_loop3A_383 = arith.addf %parallel_loop3A_339, %parallel_loop3A_382 : vector<16xf32>
        %parallel_loop3A_384 = arith.index_cast %parallel_loop3A_214 : i32 to index
        %parallel_loop3A_385 = arith.constant 1008 : index
        %parallel_loop3A_386 = tpu.vector_load %arg8[%parallel_loop3A_384, %parallel_loop3A_385] {strides = array<i32>} : memref<8x1024xf32, #tpu.memory_space<vmem>>, vector<1x16xf32>,
        %parallel_loop3A_387 = vector.shape_cast %parallel_loop3A_386 : vector<1x16xf32> to vector<16xf32>
        %parallel_loop3A_388 = arith.index_cast %parallel_loop3A_214 : i32 to index
        %parallel_loop3A_389 = arith.constant 1008 : index
        %parallel_loop3A_390 = tpu.vector_load %arg12[%parallel_loop3A_388, %parallel_loop3A_389] {strides = array<i32>} : memref<8x1024xf32, #tpu.memory_space<vmem>>, vector<1x16xf32>,
        %parallel_loop3A_391 = vector.shape_cast %parallel_loop3A_390 : vector<1x16xf32> to vector<16xf32>
        %parallel_loop3A_392 = arith.subf %parallel_loop3A_387, %parallel_loop3A_391 : vector<16xf32>
        %parallel_loop3A_393 = arith.mulf %parallel_loop3A_392, %parallel_loop3A_392 : vector<16xf32>
        %parallel_loop3A_394 = arith.addf %parallel_loop3A_350, %parallel_loop3A_393 : vector<16xf32>
        scf.yield %parallel_loop3A_361, %parallel_loop3A_372, %parallel_loop3A_383, %parallel_loop3A_394 : vector<16xf32>, vector<16xf32>, vector<16xf32>, vector<16xf32>
      } {sc.loop_unroll_factor = 2 : i64, sc.parallel_access}
      %mul3A_130 = arith.constant 4 : i32
      %mul3A_131 = arith.muli %scan3A_47, %mul3A_130 : i32
      %add3A_132 = arith.constant 2 : i32
      %add3A_133 = arith.addi %mul3A_131, %add3A_132 : i32
      %add3A_134 = arith.constant 4 : i32
      %add3A_135 = arith.addi %add3A_133, %add3A_134 : i32
      %sub3A_136 = arith.constant 1 : i32
      %sub3A_137 = arith.subi %add3A_135, %sub3A_136 : i32
      %lt3A_138 = arith.constant 64 : i32
      %lt3A_139 = arith.cmpi slt, %sub3A_137, %lt3A_138 : i32
      %convert_element_type3A_140 = arith.extui %lt3A_139 : i1 to i32
      %cond3A_141 = arith.constant 0 : i32
      %cond3A_142 = arith.cmpi ne, %convert_element_type3A_140, %cond3A_141 : i32
      scf.if %cond3A_142 {
        %add3A_214 = arith.constant 4 : i32
        %add3A_215 = arith.addi %add3A_133, %add3A_214 : i32
        %sub3A_216 = arith.constant 1 : i32
        %sub3A_217 = arith.subi %add3A_215, %sub3A_216 : i32
        %mul3A_218 = arith.constant 8 : i32
        %mul3A_219 = arith.muli %sub3A_217, %mul3A_218 : i32
        %dma_start3A_220 = tpu.memref_slice %arg6[%mul3A_219] : memref<512xi32, #tpu.memory_space<vmem>> -> memref<8xi32, #tpu.memory_space<vmem>>
        %dma_start3A_221 = arith.constant 0 : i32
        %dma_start3A_222 = arith.constant 0 : i32
        %dma_start3A_223 = tpu.memref_slice %arg4[%dma_start3A_221, %dma_start3A_222] : memref<10000x1024xf32, #tpu.memory_space<hbm>> -> memref<10000x1024xf32, #tpu.memory_space<hbm>>
        tpu.enqueue_indirect_dma source(%dma_start3A_223 : memref<10000x1024xf32, #tpu.memory_space<hbm>>) target(%arg12 : memref<8x1024xf32, #tpu.memory_space<vmem>>) offsets(%dma_start3A_220 : memref<8xi32, #tpu.memory_space<vmem>>) semaphore(%arg21 : memref<!tpu.dma_semaphore, #tpu.memory_space<semaphore_mem>>)
        %mul3A_224 = arith.constant 8 : i32
        %mul3A_225 = arith.muli %sub3A_217, %mul3A_224 : i32
        %add3A_226 = arith.addi %mul3A_2, %mul3A_225 : i32
        %dma_start3A_227 = arith.constant 0 : i32
        %dma_start3A_228 = tpu.memref_slice %arg2[%add3A_226, %dma_start3A_227] : memref<16384x1024xf32, #tpu.memory_space<hbm>> -> memref<8x1024xf32, #tpu.memory_space<hbm>>
        %dma_start3A_229 = arith.constant 0 : i32
        %dma_start3A_230 = tpu.memref_slice %arg2[%add3A_226, %dma_start3A_229] : memref<16384x1024xf32, #tpu.memory_space<hbm>> -> memref<8x1024xf32, #tpu.memory_space<hbm>>
        tpu.enqueue_dma source(%dma_start3A_230 : memref<8x1024xf32, #tpu.memory_space<hbm>>) target(%arg8 : memref<8x1024xf32, #tpu.memory_space<vmem>>) target_semaphore(%arg17 : memref<!tpu.dma_semaphore, #tpu.memory_space<semaphore_mem>>)
      } else {
      }
      %mul3A_143 = arith.constant 8 : i32
      %mul3A_144 = arith.muli %add3A_133, %mul3A_143 : i32
      %add3A_145 = arith.addi %mul3A_2, %mul3A_144 : i32
      %dma_wait3A_146 = arith.constant 0 : i32
      %dma_wait3A_147 = tpu.memref_slice %arg2[%add3A_145, %dma_wait3A_146] : memref<16384x1024xf32, #tpu.memory_space<hbm>> -> memref<8x1024xf32, #tpu.memory_space<hbm>>
      %dma_wait3A_148 = arith.constant 0 : i32
      %dma_wait3A_149 = tpu.memref_slice %arg2[%add3A_145, %dma_wait3A_148] : memref<16384x1024xf32, #tpu.memory_space<hbm>> -> memref<8x1024xf32, #tpu.memory_space<hbm>>
      tpu.wait_dma2 semaphore(%arg18 : memref<!tpu.dma_semaphore, #tpu.memory_space<semaphore_mem>>) src(%dma_wait3A_149 : memref<8x1024xf32, #tpu.memory_space<hbm>>) dst(%arg9 : memref<8x1024xf32, #tpu.memory_space<vmem>>)
      %mul3A_150 = arith.constant 8 : i32
      %mul3A_151 = arith.muli %add3A_133, %mul3A_150 : i32
      %dma_wait3A_152 = tpu.memref_slice %arg6[%mul3A_151] : memref<512xi32, #tpu.memory_space<vmem>> -> memref<8xi32, #tpu.memory_space<vmem>>
      %dma_wait3A_153 = arith.constant 0 : i32
      %dma_wait3A_154 = arith.constant 0 : i32
      %dma_wait3A_155 = tpu.memref_slice %arg4[%dma_wait3A_153, %dma_wait3A_154] : memref<10000x1024xf32, #tpu.memory_space<hbm>> -> memref<10000x1024xf32, #tpu.memory_space<hbm>>
      tpu.wait_indirect_dma semaphore(%arg22 : memref<!tpu.dma_semaphore, #tpu.memory_space<semaphore_mem>>) src(%dma_wait3A_155 : memref<10000x1024xf32, #tpu.memory_space<hbm>>) dst(%arg13 : memref<8x1024xf32, #tpu.memory_space<vmem>>)
      %parallel_loop3A_156 = arith.constant 0 : i32
      %parallel_loop3A_157 = arith.constant 8 : i32
      %parallel_loop3A_158 = arith.constant 1 : i32
      %parallel_loop3A_159:4 = scf.for %parallel_loop3A_214 = %parallel_loop3A_156 to %parallel_loop3A_157 step %parallel_loop3A_158 iter_args(%parallel_loop3A_215 = %parallel_loop3A_129#0, %parallel_loop3A_216 = %parallel_loop3A_129#1, %parallel_loop3A_217 = %parallel_loop3A_129#2, %parallel_loop3A_218 = %parallel_loop3A_129#3) -> (vector<16xf32>, vector<16xf32>, vector<16xf32>, vector<16xf32>)  : i32 {
        %parallel_loop3A_219 = arith.index_cast %parallel_loop3A_214 : i32 to index
        %parallel_loop3A_220 = arith.constant 0 : index
        %parallel_loop3A_221 = tpu.vector_load %arg9[%parallel_loop3A_219, %parallel_loop3A_220] {strides = array<i32>} : memref<8x1024xf32, #tpu.memory_space<vmem>>, vector<1x16xf32>,
        %parallel_loop3A_222 = vector.shape_cast %parallel_loop3A_221 : vector<1x16xf32> to vector<16xf32>
        %parallel_loop3A_223 = arith.index_cast %parallel_loop3A_214 : i32 to index
        %parallel_loop3A_224 = arith.constant 0 : index
        %parallel_loop3A_225 = tpu.vector_load %arg13[%parallel_loop3A_223, %parallel_loop3A_224] {strides = array<i32>} : memref<8x1024xf32, #tpu.memory_space<vmem>>, vector<1x16xf32>,
        %parallel_loop3A_226 = vector.shape_cast %parallel_loop3A_225 : vector<1x16xf32> to vector<16xf32>
        %parallel_loop3A_227 = arith.subf %parallel_loop3A_222, %parallel_loop3A_226 : vector<16xf32>
        %parallel_loop3A_228 = arith.mulf %parallel_loop3A_227, %parallel_loop3A_227 : vector<16xf32>
        %parallel_loop3A_229 = arith.addf %parallel_loop3A_215, %parallel_loop3A_228 : vector<16xf32>
        %parallel_loop3A_230 = arith.index_cast %parallel_loop3A_214 : i32 to index
        %parallel_loop3A_231 = arith.constant 16 : index
        %parallel_loop3A_232 = tpu.vector_load %arg9[%parallel_loop3A_230, %parallel_loop3A_231] {strides = array<i32>} : memref<8x1024xf32, #tpu.memory_space<vmem>>, vector<1x16xf32>,
        %parallel_loop3A_233 = vector.shape_cast %parallel_loop3A_232 : vector<1x16xf32> to vector<16xf32>
        %parallel_loop3A_234 = arith.index_cast %parallel_loop3A_214 : i32 to index
        %parallel_loop3A_235 = arith.constant 16 : index
        %parallel_loop3A_236 = tpu.vector_load %arg13[%parallel_loop3A_234, %parallel_loop3A_235] {strides = array<i32>} : memref<8x1024xf32, #tpu.memory_space<vmem>>, vector<1x16xf32>,
        %parallel_loop3A_237 = vector.shape_cast %parallel_loop3A_236 : vector<1x16xf32> to vector<16xf32>
        %parallel_loop3A_238 = arith.subf %parallel_loop3A_233, %parallel_loop3A_237 : vector<16xf32>
        %parallel_loop3A_239 = arith.mulf %parallel_loop3A_238, %parallel_loop3A_238 : vector<16xf32>
        %parallel_loop3A_240 = arith.addf %parallel_loop3A_216, %parallel_loop3A_239 : vector<16xf32>
        %parallel_loop3A_241 = arith.index_cast %parallel_loop3A_214 : i32 to index
        %parallel_loop3A_242 = arith.constant 32 : index
        %parallel_loop3A_243 = tpu.vector_load %arg9[%parallel_loop3A_241, %parallel_loop3A_242] {strides = array<i32>} : memref<8x1024xf32, #tpu.memory_space<vmem>>, vector<1x16xf32>,
        %parallel_loop3A_244 = vector.shape_cast %parallel_loop3A_243 : vector<1x16xf32> to vector<16xf32>
        %parallel_loop3A_245 = arith.index_cast %parallel_loop3A_214 : i32 to index
        %parallel_loop3A_246 = arith.constant 32 : index
        %parallel_loop3A_247 = tpu.vector_load %arg13[%parallel_loop3A_245, %parallel_loop3A_246] {strides = array<i32>} : memref<8x1024xf32, #tpu.memory_space<vmem>>, vector<1x16xf32>,
        %parallel_loop3A_248 = vector.shape_cast %parallel_loop3A_247 : vector<1x16xf32> to vector<16xf32>
        %parallel_loop3A_249 = arith.subf %parallel_loop3A_244, %parallel_loop3A_248 : vector<16xf32>
        %parallel_loop3A_250 = arith.mulf %parallel_loop3A_249, %parallel_loop3A_249 : vector<16xf32>
        %parallel_loop3A_251 = arith.addf %parallel_loop3A_217, %parallel_loop3A_250 : vector<16xf32>
        %parallel_loop3A_252 = arith.index_cast %parallel_loop3A_214 : i32 to index
        %parallel_loop3A_253 = arith.constant 48 : index
        %parallel_loop3A_254 = tpu.vector_load %arg9[%parallel_loop3A_252, %parallel_loop3A_253] {strides = array<i32>} : memref<8x1024xf32, #tpu.memory_space<vmem>>, vector<1x16xf32>,
        %parallel_loop3A_255 = vector.shape_cast %parallel_loop3A_254 : vector<1x16xf32> to vector<16xf32>
        %parallel_loop3A_256 = arith.index_cast %parallel_loop3A_214 : i32 to index
        %parallel_loop3A_257 = arith.constant 48 : index
        %parallel_loop3A_258 = tpu.vector_load %arg13[%parallel_loop3A_256, %parallel_loop3A_257] {strides = array<i32>} : memref<8x1024xf32, #tpu.memory_space<vmem>>, vector<1x16xf32>,
        %parallel_loop3A_259 = vector.shape_cast %parallel_loop3A_258 : vector<1x16xf32> to vector<16xf32>
        %parallel_loop3A_260 = arith.subf %parallel_loop3A_255, %parallel_loop3A_259 : vector<16xf32>
        %parallel_loop3A_261 = arith.mulf %parallel_loop3A_260, %parallel_loop3A_260 : vector<16xf32>
        %parallel_loop3A_262 = arith.addf %parallel_loop3A_218, %parallel_loop3A_261 : vector<16xf32>
        %parallel_loop3A_263 = arith.index_cast %parallel_loop3A_214 : i32 to index
        %parallel_loop3A_264 = arith.constant 64 : index
        %parallel_loop3A_265 = tpu.vector_load %arg9[%parallel_loop3A_263, %parallel_loop3A_264] {strides = array<i32>} : memref<8x1024xf32, #tpu.memory_space<vmem>>, vector<1x16xf32>,
        %parallel_loop3A_266 = vector.shape_cast %parallel_loop3A_265 : vector<1x16xf32> to vector<16xf32>
        %parallel_loop3A_267 = arith.index_cast %parallel_loop3A_214 : i32 to index
        %parallel_loop3A_268 = arith.constant 64 : index
        %parallel_loop3A_269 = tpu.vector_load %arg13[%parallel_loop3A_267, %parallel_loop3A_268] {strides = array<i32>} : memref<8x1024xf32, #tpu.memory_space<vmem>>, vector<1x16xf32>,
        %parallel_loop3A_270 = vector.shape_cast %parallel_loop3A_269 : vector<1x16xf32> to vector<16xf32>
        %parallel_loop3A_271 = arith.subf %parallel_loop3A_266, %parallel_loop3A_270 : vector<16xf32>
        %parallel_loop3A_272 = arith.mulf %parallel_loop3A_271, %parallel_loop3A_271 : vector<16xf32>
        %parallel_loop3A_273 = arith.addf %parallel_loop3A_229, %parallel_loop3A_272 : vector<16xf32>
        %parallel_loop3A_274 = arith.index_cast %parallel_loop3A_214 : i32 to index
        %parallel_loop3A_275 = arith.constant 80 : index
        %parallel_loop3A_276 = tpu.vector_load %arg9[%parallel_loop3A_274, %parallel_loop3A_275] {strides = array<i32>} : memref<8x1024xf32, #tpu.memory_space<vmem>>, vector<1x16xf32>,
        %parallel_loop3A_277 = vector.shape_cast %parallel_loop3A_276 : vector<1x16xf32> to vector<16xf32>
        %parallel_loop3A_278 = arith.index_cast %parallel_loop3A_214 : i32 to index
        %parallel_loop3A_279 = arith.constant 80 : index
        %parallel_loop3A_280 = tpu.vector_load %arg13[%parallel_loop3A_278, %parallel_loop3A_279] {strides = array<i32>} : memref<8x1024xf32, #tpu.memory_space<vmem>>, vector<1x16xf32>,
        %parallel_loop3A_281 = vector.shape_cast %parallel_loop3A_280 : vector<1x16xf32> to vector<16xf32>
        %parallel_loop3A_282 = arith.subf %parallel_loop3A_277, %parallel_loop3A_281 : vector<16xf32>
        %parallel_loop3A_283 = arith.mulf %parallel_loop3A_282, %parallel_loop3A_282 : vector<16xf32>
        %parallel_loop3A_284 = arith.addf %parallel_loop3A_240, %parallel_loop3A_283 : vector<16xf32>
        %parallel_loop3A_285 = arith.index_cast %parallel_loop3A_214 : i32 to index
        %parallel_loop3A_286 = arith.constant 96 : index
        %parallel_loop3A_287 = tpu.vector_load %arg9[%parallel_loop3A_285, %parallel_loop3A_286] {strides = array<i32>} : memref<8x1024xf32, #tpu.memory_space<vmem>>, vector<1x16xf32>,
        %parallel_loop3A_288 = vector.shape_cast %parallel_loop3A_287 : vector<1x16xf32> to vector<16xf32>
        %parallel_loop3A_289 = arith.index_cast %parallel_loop3A_214 : i32 to index
        %parallel_loop3A_290 = arith.constant 96 : index
        %parallel_loop3A_291 = tpu.vector_load %arg13[%parallel_loop3A_289, %parallel_loop3A_290] {strides = array<i32>} : memref<8x1024xf32, #tpu.memory_space<vmem>>, vector<1x16xf32>,
        %parallel_loop3A_292 = vector.shape_cast %parallel_loop3A_291 : vector<1x16xf32> to vector<16xf32>
        %parallel_loop3A_293 = arith.subf %parallel_loop3A_288, %parallel_loop3A_292 : vector<16xf32>
        %parallel_loop3A_294 = arith.mulf %parallel_loop3A_293, %parallel_loop3A_293 : vector<16xf32>
        %parallel_loop3A_295 = arith.addf %parallel_loop3A_251, %parallel_loop3A_294 : vector<16xf32>
        %parallel_loop3A_296 = arith.index_cast %parallel_loop3A_214 : i32 to index
        %parallel_loop3A_297 = arith.constant 112 : index
        %parallel_loop3A_298 = tpu.vector_load %arg9[%parallel_loop3A_296, %parallel_loop3A_297] {strides = array<i32>} : memref<8x1024xf32, #tpu.memory_space<vmem>>, vector<1x16xf32>,
        %parallel_loop3A_299 = vector.shape_cast %parallel_loop3A_298 : vector<1x16xf32> to vector<16xf32>
        %parallel_loop3A_300 = arith.index_cast %parallel_loop3A_214 : i32 to index
        %parallel_loop3A_301 = arith.constant 112 : index
        %parallel_loop3A_302 = tpu.vector_load %arg13[%parallel_loop3A_300, %parallel_loop3A_301] {strides = array<i32>} : memref<8x1024xf32, #tpu.memory_space<vmem>>, vector<1x16xf32>,
        %parallel_loop3A_303 = vector.shape_cast %parallel_loop3A_302 : vector<1x16xf32> to vector<16xf32>
        %parallel_loop3A_304 = arith.subf %parallel_loop3A_299, %parallel_loop3A_303 : vector<16xf32>
        %parallel_loop3A_305 = arith.mulf %parallel_loop3A_304, %parallel_loop3A_304 : vector<16xf32>
        %parallel_loop3A_306 = arith.addf %parallel_loop3A_262, %parallel_loop3A_305 : vector<16xf32>
        %parallel_loop3A_307 = arith.index_cast %parallel_loop3A_214 : i32 to index
        %parallel_loop3A_308 = arith.constant 128 : index
        %parallel_loop3A_309 = tpu.vector_load %arg9[%parallel_loop3A_307, %parallel_loop3A_308] {strides = array<i32>} : memref<8x1024xf32, #tpu.memory_space<vmem>>, vector<1x16xf32>,
        %parallel_loop3A_310 = vector.shape_cast %parallel_loop3A_309 : vector<1x16xf32> to vector<16xf32>
        %parallel_loop3A_311 = arith.index_cast %parallel_loop3A_214 : i32 to index
        %parallel_loop3A_312 = arith.constant 128 : index
        %parallel_loop3A_313 = tpu.vector_load %arg13[%parallel_loop3A_311, %parallel_loop3A_312] {strides = array<i32>} : memref<8x1024xf32, #tpu.memory_space<vmem>>, vector<1x16xf32>,
        %parallel_loop3A_314 = vector.shape_cast %parallel_loop3A_313 : vector<1x16xf32> to vector<16xf32>
        %parallel_loop3A_315 = arith.subf %parallel_loop3A_310, %parallel_loop3A_314 : vector<16xf32>
        %parallel_loop3A_316 = arith.mulf %parallel_loop3A_315, %parallel_loop3A_315 : vector<16xf32>
        %parallel_loop3A_317 = arith.addf %parallel_loop3A_273, %parallel_loop3A_316 : vector<16xf32>
        %parallel_loop3A_318 = arith.index_cast %parallel_loop3A_214 : i32 to index
        %parallel_loop3A_319 = arith.constant 144 : index
        %parallel_loop3A_320 = tpu.vector_load %arg9[%parallel_loop3A_318, %parallel_loop3A_319] {strides = array<i32>} : memref<8x1024xf32, #tpu.memory_space<vmem>>, vector<1x16xf32>,
        %parallel_loop3A_321 = vector.shape_cast %parallel_loop3A_320 : vector<1x16xf32> to vector<16xf32>
        %parallel_loop3A_322 = arith.index_cast %parallel_loop3A_214 : i32 to index
        %parallel_loop3A_323 = arith.constant 144 : index
        %parallel_loop3A_324 = tpu.vector_load %arg13[%parallel_loop3A_322, %parallel_loop3A_323] {strides = array<i32>} : memref<8x1024xf32, #tpu.memory_space<vmem>>, vector<1x16xf32>,
        %parallel_loop3A_325 = vector.shape_cast %parallel_loop3A_324 : vector<1x16xf32> to vector<16xf32>
        %parallel_loop3A_326 = arith.subf %parallel_loop3A_321, %parallel_loop3A_325 : vector<16xf32>
        %parallel_loop3A_327 = arith.mulf %parallel_loop3A_326, %parallel_loop3A_326 : vector<16xf32>
        %parallel_loop3A_328 = arith.addf %parallel_loop3A_284, %parallel_loop3A_327 : vector<16xf32>
        %parallel_loop3A_329 = arith.index_cast %parallel_loop3A_214 : i32 to index
        %parallel_loop3A_330 = arith.constant 160 : index
        %parallel_loop3A_331 = tpu.vector_load %arg9[%parallel_loop3A_329, %parallel_loop3A_330] {strides = array<i32>} : memref<8x1024xf32, #tpu.memory_space<vmem>>, vector<1x16xf32>,
        %parallel_loop3A_332 = vector.shape_cast %parallel_loop3A_331 : vector<1x16xf32> to vector<16xf32>
        %parallel_loop3A_333 = arith.index_cast %parallel_loop3A_214 : i32 to index
        %parallel_loop3A_334 = arith.constant 160 : index
        %parallel_loop3A_335 = tpu.vector_load %arg13[%parallel_loop3A_333, %parallel_loop3A_334] {strides = array<i32>} : memref<8x1024xf32, #tpu.memory_space<vmem>>, vector<1x16xf32>,
        %parallel_loop3A_336 = vector.shape_cast %parallel_loop3A_335 : vector<1x16xf32> to vector<16xf32>
        %parallel_loop3A_337 = arith.subf %parallel_loop3A_332, %parallel_loop3A_336 : vector<16xf32>
        %parallel_loop3A_338 = arith.mulf %parallel_loop3A_337, %parallel_loop3A_337 : vector<16xf32>
        %parallel_loop3A_339 = arith.addf %parallel_loop3A_295, %parallel_loop3A_338 : vector<16xf32>
        %parallel_loop3A_340 = arith.index_cast %parallel_loop3A_214 : i32 to index
        %parallel_loop3A_341 = arith.constant 176 : index
        %parallel_loop3A_342 = tpu.vector_load %arg9[%parallel_loop3A_340, %parallel_loop3A_341] {strides = array<i32>} : memref<8x1024xf32, #tpu.memory_space<vmem>>, vector<1x16xf32>,
        %parallel_loop3A_343 = vector.shape_cast %parallel_loop3A_342 : vector<1x16xf32> to vector<16xf32>
        %parallel_loop3A_344 = arith.index_cast %parallel_loop3A_214 : i32 to index
        %parallel_loop3A_345 = arith.constant 176 : index
        %parallel_loop3A_346 = tpu.vector_load %arg13[%parallel_loop3A_344, %parallel_loop3A_345] {strides = array<i32>} : memref<8x1024xf32, #tpu.memory_space<vmem>>, vector<1x16xf32>,
        %parallel_loop3A_347 = vector.shape_cast %parallel_loop3A_346 : vector<1x16xf32> to vector<16xf32>
        %parallel_loop3A_348 = arith.subf %parallel_loop3A_343, %parallel_loop3A_347 : vector<16xf32>
        %parallel_loop3A_349 = arith.mulf %parallel_loop3A_348, %parallel_loop3A_348 : vector<16xf32>
        %parallel_loop3A_350 = arith.addf %parallel_loop3A_306, %parallel_loop3A_349 : vector<16xf32>
        %parallel_loop3A_351 = arith.index_cast %parallel_loop3A_214 : i32 to index
        %parallel_loop3A_352 = arith.constant 192 : index
        %parallel_loop3A_353 = tpu.vector_load %arg9[%parallel_loop3A_351, %parallel_loop3A_352] {strides = array<i32>} : memref<8x1024xf32, #tpu.memory_space<vmem>>, vector<1x16xf32>,
        %parallel_loop3A_354 = vector.shape_cast %parallel_loop3A_353 : vector<1x16xf32> to vector<16xf32>
        %parallel_loop3A_355 = arith.index_cast %parallel_loop3A_214 : i32 to index
        %parallel_loop3A_356 = arith.constant 192 : index
        %parallel_loop3A_357 = tpu.vector_load %arg13[%parallel_loop3A_355, %parallel_loop3A_356] {strides = array<i32>} : memref<8x1024xf32, #tpu.memory_space<vmem>>, vector<1x16xf32>,
        %parallel_loop3A_358 = vector.shape_cast %parallel_loop3A_357 : vector<1x16xf32> to vector<16xf32>
        %parallel_loop3A_359 = arith.subf %parallel_loop3A_354, %parallel_loop3A_358 : vector<16xf32>
        %parallel_loop3A_360 = arith.mulf %parallel_loop3A_359, %parallel_loop3A_359 : vector<16xf32>
        %parallel_loop3A_361 = arith.addf %parallel_loop3A_317, %parallel_loop3A_360 : vector<16xf32>
        %parallel_loop3A_362 = arith.index_cast %parallel_loop3A_214 : i32 to index
        %parallel_loop3A_363 = arith.constant 208 : index
        %parallel_loop3A_364 = tpu.vector_load %arg9[%parallel_loop3A_362, %parallel_loop3A_363] {strides = array<i32>} : memref<8x1024xf32, #tpu.memory_space<vmem>>, vector<1x16xf32>,
        %parallel_loop3A_365 = vector.shape_cast %parallel_loop3A_364 : vector<1x16xf32> to vector<16xf32>
        %parallel_loop3A_366 = arith.index_cast %parallel_loop3A_214 : i32 to index
        %parallel_loop3A_367 = arith.constant 208 : index
        %parallel_loop3A_368 = tpu.vector_load %arg13[%parallel_loop3A_366, %parallel_loop3A_367] {strides = array<i32>} : memref<8x1024xf32, #tpu.memory_space<vmem>>, vector<1x16xf32>,
        %parallel_loop3A_369 = vector.shape_cast %parallel_loop3A_368 : vector<1x16xf32> to vector<16xf32>
        %parallel_loop3A_370 = arith.subf %parallel_loop3A_365, %parallel_loop3A_369 : vector<16xf32>
        %parallel_loop3A_371 = arith.mulf %parallel_loop3A_370, %parallel_loop3A_370 : vector<16xf32>
        %parallel_loop3A_372 = arith.addf %parallel_loop3A_328, %parallel_loop3A_371 : vector<16xf32>
        %parallel_loop3A_373 = arith.index_cast %parallel_loop3A_214 : i32 to index
        %parallel_loop3A_374 = arith.constant 224 : index
        %parallel_loop3A_375 = tpu.vector_load %arg9[%parallel_loop3A_373, %parallel_loop3A_374] {strides = array<i32>} : memref<8x1024xf32, #tpu.memory_space<vmem>>, vector<1x16xf32>,
        %parallel_loop3A_376 = vector.shape_cast %parallel_loop3A_375 : vector<1x16xf32> to vector<16xf32>
        %parallel_loop3A_377 = arith.index_cast %parallel_loop3A_214 : i32 to index
        %parallel_loop3A_378 = arith.constant 224 : index
        %parallel_loop3A_379 = tpu.vector_load %arg13[%parallel_loop3A_377, %parallel_loop3A_378] {strides = array<i32>} : memref<8x1024xf32, #tpu.memory_space<vmem>>, vector<1x16xf32>,
        %parallel_loop3A_380 = vector.shape_cast %parallel_loop3A_379 : vector<1x16xf32> to vector<16xf32>
        %parallel_loop3A_381 = arith.subf %parallel_loop3A_376, %parallel_loop3A_380 : vector<16xf32>
        %parallel_loop3A_382 = arith.mulf %parallel_loop3A_381, %parallel_loop3A_381 : vector<16xf32>
        %parallel_loop3A_383 = arith.addf %parallel_loop3A_339, %parallel_loop3A_382 : vector<16xf32>
        %parallel_loop3A_384 = arith.index_cast %parallel_loop3A_214 : i32 to index
        %parallel_loop3A_385 = arith.constant 240 : index
        %parallel_loop3A_386 = tpu.vector_load %arg9[%parallel_loop3A_384, %parallel_loop3A_385] {strides = array<i32>} : memref<8x1024xf32, #tpu.memory_space<vmem>>, vector<1x16xf32>,
        %parallel_loop3A_387 = vector.shape_cast %parallel_loop3A_386 : vector<1x16xf32> to vector<16xf32>
        %parallel_loop3A_388 = arith.index_cast %parallel_loop3A_214 : i32 to index
        %parallel_loop3A_389 = arith.constant 240 : index
        %parallel_loop3A_390 = tpu.vector_load %arg13[%parallel_loop3A_388, %parallel_loop3A_389] {strides = array<i32>} : memref<8x1024xf32, #tpu.memory_space<vmem>>, vector<1x16xf32>,
        %parallel_loop3A_391 = vector.shape_cast %parallel_loop3A_390 : vector<1x16xf32> to vector<16xf32>
        %parallel_loop3A_392 = arith.subf %parallel_loop3A_387, %parallel_loop3A_391 : vector<16xf32>
        %parallel_loop3A_393 = arith.mulf %parallel_loop3A_392, %parallel_loop3A_392 : vector<16xf32>
        %parallel_loop3A_394 = arith.addf %parallel_loop3A_350, %parallel_loop3A_393 : vector<16xf32>
        scf.yield %parallel_loop3A_361, %parallel_loop3A_372, %parallel_loop3A_383, %parallel_loop3A_394 : vector<16xf32>, vector<16xf32>, vector<16xf32>, vector<16xf32>
      } {sc.loop_unroll_factor = 2 : i64, sc.parallel_access}
      %parallel_loop3A_160 = arith.constant 0 : i32
      %parallel_loop3A_161 = arith.constant 8 : i32
      %parallel_loop3A_162 = arith.constant 1 : i32
      %parallel_loop3A_163:4 = scf.for %parallel_loop3A_214 = %parallel_loop3A_160 to %parallel_loop3A_161 step %parallel_loop3A_162 iter_args(%parallel_loop3A_215 = %parallel_loop3A_159#0, %parallel_loop3A_216 = %parallel_loop3A_159#1, %parallel_loop3A_217 = %parallel_loop3A_159#2, %parallel_loop3A_218 = %parallel_loop3A_159#3) -> (vector<16xf32>, vector<16xf32>, vector<16xf32>, vector<16xf32>)  : i32 {
        %parallel_loop3A_219 = arith.index_cast %parallel_loop3A_214 : i32 to index
        %parallel_loop3A_220 = arith.constant 256 : index
        %parallel_loop3A_221 = tpu.vector_load %arg9[%parallel_loop3A_219, %parallel_loop3A_220] {strides = array<i32>} : memref<8x1024xf32, #tpu.memory_space<vmem>>, vector<1x16xf32>,
        %parallel_loop3A_222 = vector.shape_cast %parallel_loop3A_221 : vector<1x16xf32> to vector<16xf32>
        %parallel_loop3A_223 = arith.index_cast %parallel_loop3A_214 : i32 to index
        %parallel_loop3A_224 = arith.constant 256 : index
        %parallel_loop3A_225 = tpu.vector_load %arg13[%parallel_loop3A_223, %parallel_loop3A_224] {strides = array<i32>} : memref<8x1024xf32, #tpu.memory_space<vmem>>, vector<1x16xf32>,
        %parallel_loop3A_226 = vector.shape_cast %parallel_loop3A_225 : vector<1x16xf32> to vector<16xf32>
        %parallel_loop3A_227 = arith.subf %parallel_loop3A_222, %parallel_loop3A_226 : vector<16xf32>
        %parallel_loop3A_228 = arith.mulf %parallel_loop3A_227, %parallel_loop3A_227 : vector<16xf32>
        %parallel_loop3A_229 = arith.addf %parallel_loop3A_215, %parallel_loop3A_228 : vector<16xf32>
        %parallel_loop3A_230 = arith.index_cast %parallel_loop3A_214 : i32 to index
        %parallel_loop3A_231 = arith.constant 272 : index
        %parallel_loop3A_232 = tpu.vector_load %arg9[%parallel_loop3A_230, %parallel_loop3A_231] {strides = array<i32>} : memref<8x1024xf32, #tpu.memory_space<vmem>>, vector<1x16xf32>,
        %parallel_loop3A_233 = vector.shape_cast %parallel_loop3A_232 : vector<1x16xf32> to vector<16xf32>
        %parallel_loop3A_234 = arith.index_cast %parallel_loop3A_214 : i32 to index
        %parallel_loop3A_235 = arith.constant 272 : index
        %parallel_loop3A_236 = tpu.vector_load %arg13[%parallel_loop3A_234, %parallel_loop3A_235] {strides = array<i32>} : memref<8x1024xf32, #tpu.memory_space<vmem>>, vector<1x16xf32>,
        %parallel_loop3A_237 = vector.shape_cast %parallel_loop3A_236 : vector<1x16xf32> to vector<16xf32>
        %parallel_loop3A_238 = arith.subf %parallel_loop3A_233, %parallel_loop3A_237 : vector<16xf32>
        %parallel_loop3A_239 = arith.mulf %parallel_loop3A_238, %parallel_loop3A_238 : vector<16xf32>
        %parallel_loop3A_240 = arith.addf %parallel_loop3A_216, %parallel_loop3A_239 : vector<16xf32>
        %parallel_loop3A_241 = arith.index_cast %parallel_loop3A_214 : i32 to index
        %parallel_loop3A_242 = arith.constant 288 : index
        %parallel_loop3A_243 = tpu.vector_load %arg9[%parallel_loop3A_241, %parallel_loop3A_242] {strides = array<i32>} : memref<8x1024xf32, #tpu.memory_space<vmem>>, vector<1x16xf32>,
        %parallel_loop3A_244 = vector.shape_cast %parallel_loop3A_243 : vector<1x16xf32> to vector<16xf32>
        %parallel_loop3A_245 = arith.index_cast %parallel_loop3A_214 : i32 to index
        %parallel_loop3A_246 = arith.constant 288 : index
        %parallel_loop3A_247 = tpu.vector_load %arg13[%parallel_loop3A_245, %parallel_loop3A_246] {strides = array<i32>} : memref<8x1024xf32, #tpu.memory_space<vmem>>, vector<1x16xf32>,
        %parallel_loop3A_248 = vector.shape_cast %parallel_loop3A_247 : vector<1x16xf32> to vector<16xf32>
        %parallel_loop3A_249 = arith.subf %parallel_loop3A_244, %parallel_loop3A_248 : vector<16xf32>
        %parallel_loop3A_250 = arith.mulf %parallel_loop3A_249, %parallel_loop3A_249 : vector<16xf32>
        %parallel_loop3A_251 = arith.addf %parallel_loop3A_217, %parallel_loop3A_250 : vector<16xf32>
        %parallel_loop3A_252 = arith.index_cast %parallel_loop3A_214 : i32 to index
        %parallel_loop3A_253 = arith.constant 304 : index
        %parallel_loop3A_254 = tpu.vector_load %arg9[%parallel_loop3A_252, %parallel_loop3A_253] {strides = array<i32>} : memref<8x1024xf32, #tpu.memory_space<vmem>>, vector<1x16xf32>,
        %parallel_loop3A_255 = vector.shape_cast %parallel_loop3A_254 : vector<1x16xf32> to vector<16xf32>
        %parallel_loop3A_256 = arith.index_cast %parallel_loop3A_214 : i32 to index
        %parallel_loop3A_257 = arith.constant 304 : index
        %parallel_loop3A_258 = tpu.vector_load %arg13[%parallel_loop3A_256, %parallel_loop3A_257] {strides = array<i32>} : memref<8x1024xf32, #tpu.memory_space<vmem>>, vector<1x16xf32>,
        %parallel_loop3A_259 = vector.shape_cast %parallel_loop3A_258 : vector<1x16xf32> to vector<16xf32>
        %parallel_loop3A_260 = arith.subf %parallel_loop3A_255, %parallel_loop3A_259 : vector<16xf32>
        %parallel_loop3A_261 = arith.mulf %parallel_loop3A_260, %parallel_loop3A_260 : vector<16xf32>
        %parallel_loop3A_262 = arith.addf %parallel_loop3A_218, %parallel_loop3A_261 : vector<16xf32>
        %parallel_loop3A_263 = arith.index_cast %parallel_loop3A_214 : i32 to index
        %parallel_loop3A_264 = arith.constant 320 : index
        %parallel_loop3A_265 = tpu.vector_load %arg9[%parallel_loop3A_263, %parallel_loop3A_264] {strides = array<i32>} : memref<8x1024xf32, #tpu.memory_space<vmem>>, vector<1x16xf32>,
        %parallel_loop3A_266 = vector.shape_cast %parallel_loop3A_265 : vector<1x16xf32> to vector<16xf32>
        %parallel_loop3A_267 = arith.index_cast %parallel_loop3A_214 : i32 to index
        %parallel_loop3A_268 = arith.constant 320 : index
        %parallel_loop3A_269 = tpu.vector_load %arg13[%parallel_loop3A_267, %parallel_loop3A_268] {strides = array<i32>} : memref<8x1024xf32, #tpu.memory_space<vmem>>, vector<1x16xf32>,
        %parallel_loop3A_270 = vector.shape_cast %parallel_loop3A_269 : vector<1x16xf32> to vector<16xf32>
        %parallel_loop3A_271 = arith.subf %parallel_loop3A_266, %parallel_loop3A_270 : vector<16xf32>
        %parallel_loop3A_272 = arith.mulf %parallel_loop3A_271, %parallel_loop3A_271 : vector<16xf32>
        %parallel_loop3A_273 = arith.addf %parallel_loop3A_229, %parallel_loop3A_272 : vector<16xf32>
        %parallel_loop3A_274 = arith.index_cast %parallel_loop3A_214 : i32 to index
        %parallel_loop3A_275 = arith.constant 336 : index
        %parallel_loop3A_276 = tpu.vector_load %arg9[%parallel_loop3A_274, %parallel_loop3A_275] {strides = array<i32>} : memref<8x1024xf32, #tpu.memory_space<vmem>>, vector<1x16xf32>,
        %parallel_loop3A_277 = vector.shape_cast %parallel_loop3A_276 : vector<1x16xf32> to vector<16xf32>
        %parallel_loop3A_278 = arith.index_cast %parallel_loop3A_214 : i32 to index
        %parallel_loop3A_279 = arith.constant 336 : index
        %parallel_loop3A_280 = tpu.vector_load %arg13[%parallel_loop3A_278, %parallel_loop3A_279] {strides = array<i32>} : memref<8x1024xf32, #tpu.memory_space<vmem>>, vector<1x16xf32>,
        %parallel_loop3A_281 = vector.shape_cast %parallel_loop3A_280 : vector<1x16xf32> to vector<16xf32>
        %parallel_loop3A_282 = arith.subf %parallel_loop3A_277, %parallel_loop3A_281 : vector<16xf32>
        %parallel_loop3A_283 = arith.mulf %parallel_loop3A_282, %parallel_loop3A_282 : vector<16xf32>
        %parallel_loop3A_284 = arith.addf %parallel_loop3A_240, %parallel_loop3A_283 : vector<16xf32>
        %parallel_loop3A_285 = arith.index_cast %parallel_loop3A_214 : i32 to index
        %parallel_loop3A_286 = arith.constant 352 : index
        %parallel_loop3A_287 = tpu.vector_load %arg9[%parallel_loop3A_285, %parallel_loop3A_286] {strides = array<i32>} : memref<8x1024xf32, #tpu.memory_space<vmem>>, vector<1x16xf32>,
        %parallel_loop3A_288 = vector.shape_cast %parallel_loop3A_287 : vector<1x16xf32> to vector<16xf32>
        %parallel_loop3A_289 = arith.index_cast %parallel_loop3A_214 : i32 to index
        %parallel_loop3A_290 = arith.constant 352 : index
        %parallel_loop3A_291 = tpu.vector_load %arg13[%parallel_loop3A_289, %parallel_loop3A_290] {strides = array<i32>} : memref<8x1024xf32, #tpu.memory_space<vmem>>, vector<1x16xf32>,
        %parallel_loop3A_292 = vector.shape_cast %parallel_loop3A_291 : vector<1x16xf32> to vector<16xf32>
        %parallel_loop3A_293 = arith.subf %parallel_loop3A_288, %parallel_loop3A_292 : vector<16xf32>
        %parallel_loop3A_294 = arith.mulf %parallel_loop3A_293, %parallel_loop3A_293 : vector<16xf32>
        %parallel_loop3A_295 = arith.addf %parallel_loop3A_251, %parallel_loop3A_294 : vector<16xf32>
        %parallel_loop3A_296 = arith.index_cast %parallel_loop3A_214 : i32 to index
        %parallel_loop3A_297 = arith.constant 368 : index
        %parallel_loop3A_298 = tpu.vector_load %arg9[%parallel_loop3A_296, %parallel_loop3A_297] {strides = array<i32>} : memref<8x1024xf32, #tpu.memory_space<vmem>>, vector<1x16xf32>,
        %parallel_loop3A_299 = vector.shape_cast %parallel_loop3A_298 : vector<1x16xf32> to vector<16xf32>
        %parallel_loop3A_300 = arith.index_cast %parallel_loop3A_214 : i32 to index
        %parallel_loop3A_301 = arith.constant 368 : index
        %parallel_loop3A_302 = tpu.vector_load %arg13[%parallel_loop3A_300, %parallel_loop3A_301] {strides = array<i32>} : memref<8x1024xf32, #tpu.memory_space<vmem>>, vector<1x16xf32>,
        %parallel_loop3A_303 = vector.shape_cast %parallel_loop3A_302 : vector<1x16xf32> to vector<16xf32>
        %parallel_loop3A_304 = arith.subf %parallel_loop3A_299, %parallel_loop3A_303 : vector<16xf32>
        %parallel_loop3A_305 = arith.mulf %parallel_loop3A_304, %parallel_loop3A_304 : vector<16xf32>
        %parallel_loop3A_306 = arith.addf %parallel_loop3A_262, %parallel_loop3A_305 : vector<16xf32>
        %parallel_loop3A_307 = arith.index_cast %parallel_loop3A_214 : i32 to index
        %parallel_loop3A_308 = arith.constant 384 : index
        %parallel_loop3A_309 = tpu.vector_load %arg9[%parallel_loop3A_307, %parallel_loop3A_308] {strides = array<i32>} : memref<8x1024xf32, #tpu.memory_space<vmem>>, vector<1x16xf32>,
        %parallel_loop3A_310 = vector.shape_cast %parallel_loop3A_309 : vector<1x16xf32> to vector<16xf32>
        %parallel_loop3A_311 = arith.index_cast %parallel_loop3A_214 : i32 to index
        %parallel_loop3A_312 = arith.constant 384 : index
        %parallel_loop3A_313 = tpu.vector_load %arg13[%parallel_loop3A_311, %parallel_loop3A_312] {strides = array<i32>} : memref<8x1024xf32, #tpu.memory_space<vmem>>, vector<1x16xf32>,
        %parallel_loop3A_314 = vector.shape_cast %parallel_loop3A_313 : vector<1x16xf32> to vector<16xf32>
        %parallel_loop3A_315 = arith.subf %parallel_loop3A_310, %parallel_loop3A_314 : vector<16xf32>
        %parallel_loop3A_316 = arith.mulf %parallel_loop3A_315, %parallel_loop3A_315 : vector<16xf32>
        %parallel_loop3A_317 = arith.addf %parallel_loop3A_273, %parallel_loop3A_316 : vector<16xf32>
        %parallel_loop3A_318 = arith.index_cast %parallel_loop3A_214 : i32 to index
        %parallel_loop3A_319 = arith.constant 400 : index
        %parallel_loop3A_320 = tpu.vector_load %arg9[%parallel_loop3A_318, %parallel_loop3A_319] {strides = array<i32>} : memref<8x1024xf32, #tpu.memory_space<vmem>>, vector<1x16xf32>,
        %parallel_loop3A_321 = vector.shape_cast %parallel_loop3A_320 : vector<1x16xf32> to vector<16xf32>
        %parallel_loop3A_322 = arith.index_cast %parallel_loop3A_214 : i32 to index
        %parallel_loop3A_323 = arith.constant 400 : index
        %parallel_loop3A_324 = tpu.vector_load %arg13[%parallel_loop3A_322, %parallel_loop3A_323] {strides = array<i32>} : memref<8x1024xf32, #tpu.memory_space<vmem>>, vector<1x16xf32>,
        %parallel_loop3A_325 = vector.shape_cast %parallel_loop3A_324 : vector<1x16xf32> to vector<16xf32>
        %parallel_loop3A_326 = arith.subf %parallel_loop3A_321, %parallel_loop3A_325 : vector<16xf32>
        %parallel_loop3A_327 = arith.mulf %parallel_loop3A_326, %parallel_loop3A_326 : vector<16xf32>
        %parallel_loop3A_328 = arith.addf %parallel_loop3A_284, %parallel_loop3A_327 : vector<16xf32>
        %parallel_loop3A_329 = arith.index_cast %parallel_loop3A_214 : i32 to index
        %parallel_loop3A_330 = arith.constant 416 : index
        %parallel_loop3A_331 = tpu.vector_load %arg9[%parallel_loop3A_329, %parallel_loop3A_330] {strides = array<i32>} : memref<8x1024xf32, #tpu.memory_space<vmem>>, vector<1x16xf32>,
        %parallel_loop3A_332 = vector.shape_cast %parallel_loop3A_331 : vector<1x16xf32> to vector<16xf32>
        %parallel_loop3A_333 = arith.index_cast %parallel_loop3A_214 : i32 to index
        %parallel_loop3A_334 = arith.constant 416 : index
        %parallel_loop3A_335 = tpu.vector_load %arg13[%parallel_loop3A_333, %parallel_loop3A_334] {strides = array<i32>} : memref<8x1024xf32, #tpu.memory_space<vmem>>, vector<1x16xf32>,
        %parallel_loop3A_336 = vector.shape_cast %parallel_loop3A_335 : vector<1x16xf32> to vector<16xf32>
        %parallel_loop3A_337 = arith.subf %parallel_loop3A_332, %parallel_loop3A_336 : vector<16xf32>
        %parallel_loop3A_338 = arith.mulf %parallel_loop3A_337, %parallel_loop3A_337 : vector<16xf32>
        %parallel_loop3A_339 = arith.addf %parallel_loop3A_295, %parallel_loop3A_338 : vector<16xf32>
        %parallel_loop3A_340 = arith.index_cast %parallel_loop3A_214 : i32 to index
        %parallel_loop3A_341 = arith.constant 432 : index
        %parallel_loop3A_342 = tpu.vector_load %arg9[%parallel_loop3A_340, %parallel_loop3A_341] {strides = array<i32>} : memref<8x1024xf32, #tpu.memory_space<vmem>>, vector<1x16xf32>,
        %parallel_loop3A_343 = vector.shape_cast %parallel_loop3A_342 : vector<1x16xf32> to vector<16xf32>
        %parallel_loop3A_344 = arith.index_cast %parallel_loop3A_214 : i32 to index
        %parallel_loop3A_345 = arith.constant 432 : index
        %parallel_loop3A_346 = tpu.vector_load %arg13[%parallel_loop3A_344, %parallel_loop3A_345] {strides = array<i32>} : memref<8x1024xf32, #tpu.memory_space<vmem>>, vector<1x16xf32>,
        %parallel_loop3A_347 = vector.shape_cast %parallel_loop3A_346 : vector<1x16xf32> to vector<16xf32>
        %parallel_loop3A_348 = arith.subf %parallel_loop3A_343, %parallel_loop3A_347 : vector<16xf32>
        %parallel_loop3A_349 = arith.mulf %parallel_loop3A_348, %parallel_loop3A_348 : vector<16xf32>
        %parallel_loop3A_350 = arith.addf %parallel_loop3A_306, %parallel_loop3A_349 : vector<16xf32>
        %parallel_loop3A_351 = arith.index_cast %parallel_loop3A_214 : i32 to index
        %parallel_loop3A_352 = arith.constant 448 : index
        %parallel_loop3A_353 = tpu.vector_load %arg9[%parallel_loop3A_351, %parallel_loop3A_352] {strides = array<i32>} : memref<8x1024xf32, #tpu.memory_space<vmem>>, vector<1x16xf32>,
        %parallel_loop3A_354 = vector.shape_cast %parallel_loop3A_353 : vector<1x16xf32> to vector<16xf32>
        %parallel_loop3A_355 = arith.index_cast %parallel_loop3A_214 : i32 to index
        %parallel_loop3A_356 = arith.constant 448 : index
        %parallel_loop3A_357 = tpu.vector_load %arg13[%parallel_loop3A_355, %parallel_loop3A_356] {strides = array<i32>} : memref<8x1024xf32, #tpu.memory_space<vmem>>, vector<1x16xf32>,
        %parallel_loop3A_358 = vector.shape_cast %parallel_loop3A_357 : vector<1x16xf32> to vector<16xf32>
        %parallel_loop3A_359 = arith.subf %parallel_loop3A_354, %parallel_loop3A_358 : vector<16xf32>
        %parallel_loop3A_360 = arith.mulf %parallel_loop3A_359, %parallel_loop3A_359 : vector<16xf32>
        %parallel_loop3A_361 = arith.addf %parallel_loop3A_317, %parallel_loop3A_360 : vector<16xf32>
        %parallel_loop3A_362 = arith.index_cast %parallel_loop3A_214 : i32 to index
        %parallel_loop3A_363 = arith.constant 464 : index
        %parallel_loop3A_364 = tpu.vector_load %arg9[%parallel_loop3A_362, %parallel_loop3A_363] {strides = array<i32>} : memref<8x1024xf32, #tpu.memory_space<vmem>>, vector<1x16xf32>,
        %parallel_loop3A_365 = vector.shape_cast %parallel_loop3A_364 : vector<1x16xf32> to vector<16xf32>
        %parallel_loop3A_366 = arith.index_cast %parallel_loop3A_214 : i32 to index
        %parallel_loop3A_367 = arith.constant 464 : index
        %parallel_loop3A_368 = tpu.vector_load %arg13[%parallel_loop3A_366, %parallel_loop3A_367] {strides = array<i32>} : memref<8x1024xf32, #tpu.memory_space<vmem>>, vector<1x16xf32>,
        %parallel_loop3A_369 = vector.shape_cast %parallel_loop3A_368 : vector<1x16xf32> to vector<16xf32>
        %parallel_loop3A_370 = arith.subf %parallel_loop3A_365, %parallel_loop3A_369 : vector<16xf32>
        %parallel_loop3A_371 = arith.mulf %parallel_loop3A_370, %parallel_loop3A_370 : vector<16xf32>
        %parallel_loop3A_372 = arith.addf %parallel_loop3A_328, %parallel_loop3A_371 : vector<16xf32>
        %parallel_loop3A_373 = arith.index_cast %parallel_loop3A_214 : i32 to index
        %parallel_loop3A_374 = arith.constant 480 : index
        %parallel_loop3A_375 = tpu.vector_load %arg9[%parallel_loop3A_373, %parallel_loop3A_374] {strides = array<i32>} : memref<8x1024xf32, #tpu.memory_space<vmem>>, vector<1x16xf32>,
        %parallel_loop3A_376 = vector.shape_cast %parallel_loop3A_375 : vector<1x16xf32> to vector<16xf32>
        %parallel_loop3A_377 = arith.index_cast %parallel_loop3A_214 : i32 to index
        %parallel_loop3A_378 = arith.constant 480 : index
        %parallel_loop3A_379 = tpu.vector_load %arg13[%parallel_loop3A_377, %parallel_loop3A_378] {strides = array<i32>} : memref<8x1024xf32, #tpu.memory_space<vmem>>, vector<1x16xf32>,
        %parallel_loop3A_380 = vector.shape_cast %parallel_loop3A_379 : vector<1x16xf32> to vector<16xf32>
        %parallel_loop3A_381 = arith.subf %parallel_loop3A_376, %parallel_loop3A_380 : vector<16xf32>
        %parallel_loop3A_382 = arith.mulf %parallel_loop3A_381, %parallel_loop3A_381 : vector<16xf32>
        %parallel_loop3A_383 = arith.addf %parallel_loop3A_339, %parallel_loop3A_382 : vector<16xf32>
        %parallel_loop3A_384 = arith.index_cast %parallel_loop3A_214 : i32 to index
        %parallel_loop3A_385 = arith.constant 496 : index
        %parallel_loop3A_386 = tpu.vector_load %arg9[%parallel_loop3A_384, %parallel_loop3A_385] {strides = array<i32>} : memref<8x1024xf32, #tpu.memory_space<vmem>>, vector<1x16xf32>,
        %parallel_loop3A_387 = vector.shape_cast %parallel_loop3A_386 : vector<1x16xf32> to vector<16xf32>
        %parallel_loop3A_388 = arith.index_cast %parallel_loop3A_214 : i32 to index
        %parallel_loop3A_389 = arith.constant 496 : index
        %parallel_loop3A_390 = tpu.vector_load %arg13[%parallel_loop3A_388, %parallel_loop3A_389] {strides = array<i32>} : memref<8x1024xf32, #tpu.memory_space<vmem>>, vector<1x16xf32>,
        %parallel_loop3A_391 = vector.shape_cast %parallel_loop3A_390 : vector<1x16xf32> to vector<16xf32>
        %parallel_loop3A_392 = arith.subf %parallel_loop3A_387, %parallel_loop3A_391 : vector<16xf32>
        %parallel_loop3A_393 = arith.mulf %parallel_loop3A_392, %parallel_loop3A_392 : vector<16xf32>
        %parallel_loop3A_394 = arith.addf %parallel_loop3A_350, %parallel_loop3A_393 : vector<16xf32>
        scf.yield %parallel_loop3A_361, %parallel_loop3A_372, %parallel_loop3A_383, %parallel_loop3A_394 : vector<16xf32>, vector<16xf32>, vector<16xf32>, vector<16xf32>
      } {sc.loop_unroll_factor = 2 : i64, sc.parallel_access}
      %parallel_loop3A_164 = arith.constant 0 : i32
      %parallel_loop3A_165 = arith.constant 8 : i32
      %parallel_loop3A_166 = arith.constant 1 : i32
      %parallel_loop3A_167:4 = scf.for %parallel_loop3A_214 = %parallel_loop3A_164 to %parallel_loop3A_165 step %parallel_loop3A_166 iter_args(%parallel_loop3A_215 = %parallel_loop3A_163#0, %parallel_loop3A_216 = %parallel_loop3A_163#1, %parallel_loop3A_217 = %parallel_loop3A_163#2, %parallel_loop3A_218 = %parallel_loop3A_163#3) -> (vector<16xf32>, vector<16xf32>, vector<16xf32>, vector<16xf32>)  : i32 {
        %parallel_loop3A_219 = arith.index_cast %parallel_loop3A_214 : i32 to index
        %parallel_loop3A_220 = arith.constant 512 : index
        %parallel_loop3A_221 = tpu.vector_load %arg9[%parallel_loop3A_219, %parallel_loop3A_220] {strides = array<i32>} : memref<8x1024xf32, #tpu.memory_space<vmem>>, vector<1x16xf32>,
        %parallel_loop3A_222 = vector.shape_cast %parallel_loop3A_221 : vector<1x16xf32> to vector<16xf32>
        %parallel_loop3A_223 = arith.index_cast %parallel_loop3A_214 : i32 to index
        %parallel_loop3A_224 = arith.constant 512 : index
        %parallel_loop3A_225 = tpu.vector_load %arg13[%parallel_loop3A_223, %parallel_loop3A_224] {strides = array<i32>} : memref<8x1024xf32, #tpu.memory_space<vmem>>, vector<1x16xf32>,
        %parallel_loop3A_226 = vector.shape_cast %parallel_loop3A_225 : vector<1x16xf32> to vector<16xf32>
        %parallel_loop3A_227 = arith.subf %parallel_loop3A_222, %parallel_loop3A_226 : vector<16xf32>
        %parallel_loop3A_228 = arith.mulf %parallel_loop3A_227, %parallel_loop3A_227 : vector<16xf32>
        %parallel_loop3A_229 = arith.addf %parallel_loop3A_215, %parallel_loop3A_228 : vector<16xf32>
        %parallel_loop3A_230 = arith.index_cast %parallel_loop3A_214 : i32 to index
        %parallel_loop3A_231 = arith.constant 528 : index
        %parallel_loop3A_232 = tpu.vector_load %arg9[%parallel_loop3A_230, %parallel_loop3A_231] {strides = array<i32>} : memref<8x1024xf32, #tpu.memory_space<vmem>>, vector<1x16xf32>,
        %parallel_loop3A_233 = vector.shape_cast %parallel_loop3A_232 : vector<1x16xf32> to vector<16xf32>
        %parallel_loop3A_234 = arith.index_cast %parallel_loop3A_214 : i32 to index
        %parallel_loop3A_235 = arith.constant 528 : index
        %parallel_loop3A_236 = tpu.vector_load %arg13[%parallel_loop3A_234, %parallel_loop3A_235] {strides = array<i32>} : memref<8x1024xf32, #tpu.memory_space<vmem>>, vector<1x16xf32>,
        %parallel_loop3A_237 = vector.shape_cast %parallel_loop3A_236 : vector<1x16xf32> to vector<16xf32>
        %parallel_loop3A_238 = arith.subf %parallel_loop3A_233, %parallel_loop3A_237 : vector<16xf32>
        %parallel_loop3A_239 = arith.mulf %parallel_loop3A_238, %parallel_loop3A_238 : vector<16xf32>
        %parallel_loop3A_240 = arith.addf %parallel_loop3A_216, %parallel_loop3A_239 : vector<16xf32>
        %parallel_loop3A_241 = arith.index_cast %parallel_loop3A_214 : i32 to index
        %parallel_loop3A_242 = arith.constant 544 : index
        %parallel_loop3A_243 = tpu.vector_load %arg9[%parallel_loop3A_241, %parallel_loop3A_242] {strides = array<i32>} : memref<8x1024xf32, #tpu.memory_space<vmem>>, vector<1x16xf32>,
        %parallel_loop3A_244 = vector.shape_cast %parallel_loop3A_243 : vector<1x16xf32> to vector<16xf32>
        %parallel_loop3A_245 = arith.index_cast %parallel_loop3A_214 : i32 to index
        %parallel_loop3A_246 = arith.constant 544 : index
        %parallel_loop3A_247 = tpu.vector_load %arg13[%parallel_loop3A_245, %parallel_loop3A_246] {strides = array<i32>} : memref<8x1024xf32, #tpu.memory_space<vmem>>, vector<1x16xf32>,
        %parallel_loop3A_248 = vector.shape_cast %parallel_loop3A_247 : vector<1x16xf32> to vector<16xf32>
        %parallel_loop3A_249 = arith.subf %parallel_loop3A_244, %parallel_loop3A_248 : vector<16xf32>
        %parallel_loop3A_250 = arith.mulf %parallel_loop3A_249, %parallel_loop3A_249 : vector<16xf32>
        %parallel_loop3A_251 = arith.addf %parallel_loop3A_217, %parallel_loop3A_250 : vector<16xf32>
        %parallel_loop3A_252 = arith.index_cast %parallel_loop3A_214 : i32 to index
        %parallel_loop3A_253 = arith.constant 560 : index
        %parallel_loop3A_254 = tpu.vector_load %arg9[%parallel_loop3A_252, %parallel_loop3A_253] {strides = array<i32>} : memref<8x1024xf32, #tpu.memory_space<vmem>>, vector<1x16xf32>,
        %parallel_loop3A_255 = vector.shape_cast %parallel_loop3A_254 : vector<1x16xf32> to vector<16xf32>
        %parallel_loop3A_256 = arith.index_cast %parallel_loop3A_214 : i32 to index
        %parallel_loop3A_257 = arith.constant 560 : index
        %parallel_loop3A_258 = tpu.vector_load %arg13[%parallel_loop3A_256, %parallel_loop3A_257] {strides = array<i32>} : memref<8x1024xf32, #tpu.memory_space<vmem>>, vector<1x16xf32>,
        %parallel_loop3A_259 = vector.shape_cast %parallel_loop3A_258 : vector<1x16xf32> to vector<16xf32>
        %parallel_loop3A_260 = arith.subf %parallel_loop3A_255, %parallel_loop3A_259 : vector<16xf32>
        %parallel_loop3A_261 = arith.mulf %parallel_loop3A_260, %parallel_loop3A_260 : vector<16xf32>
        %parallel_loop3A_262 = arith.addf %parallel_loop3A_218, %parallel_loop3A_261 : vector<16xf32>
        %parallel_loop3A_263 = arith.index_cast %parallel_loop3A_214 : i32 to index
        %parallel_loop3A_264 = arith.constant 576 : index
        %parallel_loop3A_265 = tpu.vector_load %arg9[%parallel_loop3A_263, %parallel_loop3A_264] {strides = array<i32>} : memref<8x1024xf32, #tpu.memory_space<vmem>>, vector<1x16xf32>,
        %parallel_loop3A_266 = vector.shape_cast %parallel_loop3A_265 : vector<1x16xf32> to vector<16xf32>
        %parallel_loop3A_267 = arith.index_cast %parallel_loop3A_214 : i32 to index
        %parallel_loop3A_268 = arith.constant 576 : index
        %parallel_loop3A_269 = tpu.vector_load %arg13[%parallel_loop3A_267, %parallel_loop3A_268] {strides = array<i32>} : memref<8x1024xf32, #tpu.memory_space<vmem>>, vector<1x16xf32>,
        %parallel_loop3A_270 = vector.shape_cast %parallel_loop3A_269 : vector<1x16xf32> to vector<16xf32>
        %parallel_loop3A_271 = arith.subf %parallel_loop3A_266, %parallel_loop3A_270 : vector<16xf32>
        %parallel_loop3A_272 = arith.mulf %parallel_loop3A_271, %parallel_loop3A_271 : vector<16xf32>
        %parallel_loop3A_273 = arith.addf %parallel_loop3A_229, %parallel_loop3A_272 : vector<16xf32>
        %parallel_loop3A_274 = arith.index_cast %parallel_loop3A_214 : i32 to index
        %parallel_loop3A_275 = arith.constant 592 : index
        %parallel_loop3A_276 = tpu.vector_load %arg9[%parallel_loop3A_274, %parallel_loop3A_275] {strides = array<i32>} : memref<8x1024xf32, #tpu.memory_space<vmem>>, vector<1x16xf32>,
        %parallel_loop3A_277 = vector.shape_cast %parallel_loop3A_276 : vector<1x16xf32> to vector<16xf32>
        %parallel_loop3A_278 = arith.index_cast %parallel_loop3A_214 : i32 to index
        %parallel_loop3A_279 = arith.constant 592 : index
        %parallel_loop3A_280 = tpu.vector_load %arg13[%parallel_loop3A_278, %parallel_loop3A_279] {strides = array<i32>} : memref<8x1024xf32, #tpu.memory_space<vmem>>, vector<1x16xf32>,
        %parallel_loop3A_281 = vector.shape_cast %parallel_loop3A_280 : vector<1x16xf32> to vector<16xf32>
        %parallel_loop3A_282 = arith.subf %parallel_loop3A_277, %parallel_loop3A_281 : vector<16xf32>
        %parallel_loop3A_283 = arith.mulf %parallel_loop3A_282, %parallel_loop3A_282 : vector<16xf32>
        %parallel_loop3A_284 = arith.addf %parallel_loop3A_240, %parallel_loop3A_283 : vector<16xf32>
        %parallel_loop3A_285 = arith.index_cast %parallel_loop3A_214 : i32 to index
        %parallel_loop3A_286 = arith.constant 608 : index
        %parallel_loop3A_287 = tpu.vector_load %arg9[%parallel_loop3A_285, %parallel_loop3A_286] {strides = array<i32>} : memref<8x1024xf32, #tpu.memory_space<vmem>>, vector<1x16xf32>,
        %parallel_loop3A_288 = vector.shape_cast %parallel_loop3A_287 : vector<1x16xf32> to vector<16xf32>
        %parallel_loop3A_289 = arith.index_cast %parallel_loop3A_214 : i32 to index
        %parallel_loop3A_290 = arith.constant 608 : index
        %parallel_loop3A_291 = tpu.vector_load %arg13[%parallel_loop3A_289, %parallel_loop3A_290] {strides = array<i32>} : memref<8x1024xf32, #tpu.memory_space<vmem>>, vector<1x16xf32>,
        %parallel_loop3A_292 = vector.shape_cast %parallel_loop3A_291 : vector<1x16xf32> to vector<16xf32>
        %parallel_loop3A_293 = arith.subf %parallel_loop3A_288, %parallel_loop3A_292 : vector<16xf32>
        %parallel_loop3A_294 = arith.mulf %parallel_loop3A_293, %parallel_loop3A_293 : vector<16xf32>
        %parallel_loop3A_295 = arith.addf %parallel_loop3A_251, %parallel_loop3A_294 : vector<16xf32>
        %parallel_loop3A_296 = arith.index_cast %parallel_loop3A_214 : i32 to index
        %parallel_loop3A_297 = arith.constant 624 : index
        %parallel_loop3A_298 = tpu.vector_load %arg9[%parallel_loop3A_296, %parallel_loop3A_297] {strides = array<i32>} : memref<8x1024xf32, #tpu.memory_space<vmem>>, vector<1x16xf32>,
        %parallel_loop3A_299 = vector.shape_cast %parallel_loop3A_298 : vector<1x16xf32> to vector<16xf32>
        %parallel_loop3A_300 = arith.index_cast %parallel_loop3A_214 : i32 to index
        %parallel_loop3A_301 = arith.constant 624 : index
        %parallel_loop3A_302 = tpu.vector_load %arg13[%parallel_loop3A_300, %parallel_loop3A_301] {strides = array<i32>} : memref<8x1024xf32, #tpu.memory_space<vmem>>, vector<1x16xf32>,
        %parallel_loop3A_303 = vector.shape_cast %parallel_loop3A_302 : vector<1x16xf32> to vector<16xf32>
        %parallel_loop3A_304 = arith.subf %parallel_loop3A_299, %parallel_loop3A_303 : vector<16xf32>
        %parallel_loop3A_305 = arith.mulf %parallel_loop3A_304, %parallel_loop3A_304 : vector<16xf32>
        %parallel_loop3A_306 = arith.addf %parallel_loop3A_262, %parallel_loop3A_305 : vector<16xf32>
        %parallel_loop3A_307 = arith.index_cast %parallel_loop3A_214 : i32 to index
        %parallel_loop3A_308 = arith.constant 640 : index
        %parallel_loop3A_309 = tpu.vector_load %arg9[%parallel_loop3A_307, %parallel_loop3A_308] {strides = array<i32>} : memref<8x1024xf32, #tpu.memory_space<vmem>>, vector<1x16xf32>,
        %parallel_loop3A_310 = vector.shape_cast %parallel_loop3A_309 : vector<1x16xf32> to vector<16xf32>
        %parallel_loop3A_311 = arith.index_cast %parallel_loop3A_214 : i32 to index
        %parallel_loop3A_312 = arith.constant 640 : index
        %parallel_loop3A_313 = tpu.vector_load %arg13[%parallel_loop3A_311, %parallel_loop3A_312] {strides = array<i32>} : memref<8x1024xf32, #tpu.memory_space<vmem>>, vector<1x16xf32>,
        %parallel_loop3A_314 = vector.shape_cast %parallel_loop3A_313 : vector<1x16xf32> to vector<16xf32>
        %parallel_loop3A_315 = arith.subf %parallel_loop3A_310, %parallel_loop3A_314 : vector<16xf32>
        %parallel_loop3A_316 = arith.mulf %parallel_loop3A_315, %parallel_loop3A_315 : vector<16xf32>
        %parallel_loop3A_317 = arith.addf %parallel_loop3A_273, %parallel_loop3A_316 : vector<16xf32>
        %parallel_loop3A_318 = arith.index_cast %parallel_loop3A_214 : i32 to index
        %parallel_loop3A_319 = arith.constant 656 : index
        %parallel_loop3A_320 = tpu.vector_load %arg9[%parallel_loop3A_318, %parallel_loop3A_319] {strides = array<i32>} : memref<8x1024xf32, #tpu.memory_space<vmem>>, vector<1x16xf32>,
        %parallel_loop3A_321 = vector.shape_cast %parallel_loop3A_320 : vector<1x16xf32> to vector<16xf32>
        %parallel_loop3A_322 = arith.index_cast %parallel_loop3A_214 : i32 to index
        %parallel_loop3A_323 = arith.constant 656 : index
        %parallel_loop3A_324 = tpu.vector_load %arg13[%parallel_loop3A_322, %parallel_loop3A_323] {strides = array<i32>} : memref<8x1024xf32, #tpu.memory_space<vmem>>, vector<1x16xf32>,
        %parallel_loop3A_325 = vector.shape_cast %parallel_loop3A_324 : vector<1x16xf32> to vector<16xf32>
        %parallel_loop3A_326 = arith.subf %parallel_loop3A_321, %parallel_loop3A_325 : vector<16xf32>
        %parallel_loop3A_327 = arith.mulf %parallel_loop3A_326, %parallel_loop3A_326 : vector<16xf32>
        %parallel_loop3A_328 = arith.addf %parallel_loop3A_284, %parallel_loop3A_327 : vector<16xf32>
        %parallel_loop3A_329 = arith.index_cast %parallel_loop3A_214 : i32 to index
        %parallel_loop3A_330 = arith.constant 672 : index
        %parallel_loop3A_331 = tpu.vector_load %arg9[%parallel_loop3A_329, %parallel_loop3A_330] {strides = array<i32>} : memref<8x1024xf32, #tpu.memory_space<vmem>>, vector<1x16xf32>,
        %parallel_loop3A_332 = vector.shape_cast %parallel_loop3A_331 : vector<1x16xf32> to vector<16xf32>
        %parallel_loop3A_333 = arith.index_cast %parallel_loop3A_214 : i32 to index
        %parallel_loop3A_334 = arith.constant 672 : index
        %parallel_loop3A_335 = tpu.vector_load %arg13[%parallel_loop3A_333, %parallel_loop3A_334] {strides = array<i32>} : memref<8x1024xf32, #tpu.memory_space<vmem>>, vector<1x16xf32>,
        %parallel_loop3A_336 = vector.shape_cast %parallel_loop3A_335 : vector<1x16xf32> to vector<16xf32>
        %parallel_loop3A_337 = arith.subf %parallel_loop3A_332, %parallel_loop3A_336 : vector<16xf32>
        %parallel_loop3A_338 = arith.mulf %parallel_loop3A_337, %parallel_loop3A_337 : vector<16xf32>
        %parallel_loop3A_339 = arith.addf %parallel_loop3A_295, %parallel_loop3A_338 : vector<16xf32>
        %parallel_loop3A_340 = arith.index_cast %parallel_loop3A_214 : i32 to index
        %parallel_loop3A_341 = arith.constant 688 : index
        %parallel_loop3A_342 = tpu.vector_load %arg9[%parallel_loop3A_340, %parallel_loop3A_341] {strides = array<i32>} : memref<8x1024xf32, #tpu.memory_space<vmem>>, vector<1x16xf32>,
        %parallel_loop3A_343 = vector.shape_cast %parallel_loop3A_342 : vector<1x16xf32> to vector<16xf32>
        %parallel_loop3A_344 = arith.index_cast %parallel_loop3A_214 : i32 to index
        %parallel_loop3A_345 = arith.constant 688 : index
        %parallel_loop3A_346 = tpu.vector_load %arg13[%parallel_loop3A_344, %parallel_loop3A_345] {strides = array<i32>} : memref<8x1024xf32, #tpu.memory_space<vmem>>, vector<1x16xf32>,
        %parallel_loop3A_347 = vector.shape_cast %parallel_loop3A_346 : vector<1x16xf32> to vector<16xf32>
        %parallel_loop3A_348 = arith.subf %parallel_loop3A_343, %parallel_loop3A_347 : vector<16xf32>
        %parallel_loop3A_349 = arith.mulf %parallel_loop3A_348, %parallel_loop3A_348 : vector<16xf32>
        %parallel_loop3A_350 = arith.addf %parallel_loop3A_306, %parallel_loop3A_349 : vector<16xf32>
        %parallel_loop3A_351 = arith.index_cast %parallel_loop3A_214 : i32 to index
        %parallel_loop3A_352 = arith.constant 704 : index
        %parallel_loop3A_353 = tpu.vector_load %arg9[%parallel_loop3A_351, %parallel_loop3A_352] {strides = array<i32>} : memref<8x1024xf32, #tpu.memory_space<vmem>>, vector<1x16xf32>,
        %parallel_loop3A_354 = vector.shape_cast %parallel_loop3A_353 : vector<1x16xf32> to vector<16xf32>
        %parallel_loop3A_355 = arith.index_cast %parallel_loop3A_214 : i32 to index
        %parallel_loop3A_356 = arith.constant 704 : index
        %parallel_loop3A_357 = tpu.vector_load %arg13[%parallel_loop3A_355, %parallel_loop3A_356] {strides = array<i32>} : memref<8x1024xf32, #tpu.memory_space<vmem>>, vector<1x16xf32>,
        %parallel_loop3A_358 = vector.shape_cast %parallel_loop3A_357 : vector<1x16xf32> to vector<16xf32>
        %parallel_loop3A_359 = arith.subf %parallel_loop3A_354, %parallel_loop3A_358 : vector<16xf32>
        %parallel_loop3A_360 = arith.mulf %parallel_loop3A_359, %parallel_loop3A_359 : vector<16xf32>
        %parallel_loop3A_361 = arith.addf %parallel_loop3A_317, %parallel_loop3A_360 : vector<16xf32>
        %parallel_loop3A_362 = arith.index_cast %parallel_loop3A_214 : i32 to index
        %parallel_loop3A_363 = arith.constant 720 : index
        %parallel_loop3A_364 = tpu.vector_load %arg9[%parallel_loop3A_362, %parallel_loop3A_363] {strides = array<i32>} : memref<8x1024xf32, #tpu.memory_space<vmem>>, vector<1x16xf32>,
        %parallel_loop3A_365 = vector.shape_cast %parallel_loop3A_364 : vector<1x16xf32> to vector<16xf32>
        %parallel_loop3A_366 = arith.index_cast %parallel_loop3A_214 : i32 to index
        %parallel_loop3A_367 = arith.constant 720 : index
        %parallel_loop3A_368 = tpu.vector_load %arg13[%parallel_loop3A_366, %parallel_loop3A_367] {strides = array<i32>} : memref<8x1024xf32, #tpu.memory_space<vmem>>, vector<1x16xf32>,
        %parallel_loop3A_369 = vector.shape_cast %parallel_loop3A_368 : vector<1x16xf32> to vector<16xf32>
        %parallel_loop3A_370 = arith.subf %parallel_loop3A_365, %parallel_loop3A_369 : vector<16xf32>
        %parallel_loop3A_371 = arith.mulf %parallel_loop3A_370, %parallel_loop3A_370 : vector<16xf32>
        %parallel_loop3A_372 = arith.addf %parallel_loop3A_328, %parallel_loop3A_371 : vector<16xf32>
        %parallel_loop3A_373 = arith.index_cast %parallel_loop3A_214 : i32 to index
        %parallel_loop3A_374 = arith.constant 736 : index
        %parallel_loop3A_375 = tpu.vector_load %arg9[%parallel_loop3A_373, %parallel_loop3A_374] {strides = array<i32>} : memref<8x1024xf32, #tpu.memory_space<vmem>>, vector<1x16xf32>,
        %parallel_loop3A_376 = vector.shape_cast %parallel_loop3A_375 : vector<1x16xf32> to vector<16xf32>
        %parallel_loop3A_377 = arith.index_cast %parallel_loop3A_214 : i32 to index
        %parallel_loop3A_378 = arith.constant 736 : index
        %parallel_loop3A_379 = tpu.vector_load %arg13[%parallel_loop3A_377, %parallel_loop3A_378] {strides = array<i32>} : memref<8x1024xf32, #tpu.memory_space<vmem>>, vector<1x16xf32>,
        %parallel_loop3A_380 = vector.shape_cast %parallel_loop3A_379 : vector<1x16xf32> to vector<16xf32>
        %parallel_loop3A_381 = arith.subf %parallel_loop3A_376, %parallel_loop3A_380 : vector<16xf32>
        %parallel_loop3A_382 = arith.mulf %parallel_loop3A_381, %parallel_loop3A_381 : vector<16xf32>
        %parallel_loop3A_383 = arith.addf %parallel_loop3A_339, %parallel_loop3A_382 : vector<16xf32>
        %parallel_loop3A_384 = arith.index_cast %parallel_loop3A_214 : i32 to index
        %parallel_loop3A_385 = arith.constant 752 : index
        %parallel_loop3A_386 = tpu.vector_load %arg9[%parallel_loop3A_384, %parallel_loop3A_385] {strides = array<i32>} : memref<8x1024xf32, #tpu.memory_space<vmem>>, vector<1x16xf32>,
        %parallel_loop3A_387 = vector.shape_cast %parallel_loop3A_386 : vector<1x16xf32> to vector<16xf32>
        %parallel_loop3A_388 = arith.index_cast %parallel_loop3A_214 : i32 to index
        %parallel_loop3A_389 = arith.constant 752 : index
        %parallel_loop3A_390 = tpu.vector_load %arg13[%parallel_loop3A_388, %parallel_loop3A_389] {strides = array<i32>} : memref<8x1024xf32, #tpu.memory_space<vmem>>, vector<1x16xf32>,
        %parallel_loop3A_391 = vector.shape_cast %parallel_loop3A_390 : vector<1x16xf32> to vector<16xf32>
        %parallel_loop3A_392 = arith.subf %parallel_loop3A_387, %parallel_loop3A_391 : vector<16xf32>
        %parallel_loop3A_393 = arith.mulf %parallel_loop3A_392, %parallel_loop3A_392 : vector<16xf32>
        %parallel_loop3A_394 = arith.addf %parallel_loop3A_350, %parallel_loop3A_393 : vector<16xf32>
        scf.yield %parallel_loop3A_361, %parallel_loop3A_372, %parallel_loop3A_383, %parallel_loop3A_394 : vector<16xf32>, vector<16xf32>, vector<16xf32>, vector<16xf32>
      } {sc.loop_unroll_factor = 2 : i64, sc.parallel_access}
      %parallel_loop3A_168 = arith.constant 0 : i32
      %parallel_loop3A_169 = arith.constant 8 : i32
      %parallel_loop3A_170 = arith.constant 1 : i32
      %parallel_loop3A_171:4 = scf.for %parallel_loop3A_214 = %parallel_loop3A_168 to %parallel_loop3A_169 step %parallel_loop3A_170 iter_args(%parallel_loop3A_215 = %parallel_loop3A_167#0, %parallel_loop3A_216 = %parallel_loop3A_167#1, %parallel_loop3A_217 = %parallel_loop3A_167#2, %parallel_loop3A_218 = %parallel_loop3A_167#3) -> (vector<16xf32>, vector<16xf32>, vector<16xf32>, vector<16xf32>)  : i32 {
        %parallel_loop3A_219 = arith.index_cast %parallel_loop3A_214 : i32 to index
        %parallel_loop3A_220 = arith.constant 768 : index
        %parallel_loop3A_221 = tpu.vector_load %arg9[%parallel_loop3A_219, %parallel_loop3A_220] {strides = array<i32>} : memref<8x1024xf32, #tpu.memory_space<vmem>>, vector<1x16xf32>,
        %parallel_loop3A_222 = vector.shape_cast %parallel_loop3A_221 : vector<1x16xf32> to vector<16xf32>
        %parallel_loop3A_223 = arith.index_cast %parallel_loop3A_214 : i32 to index
        %parallel_loop3A_224 = arith.constant 768 : index
        %parallel_loop3A_225 = tpu.vector_load %arg13[%parallel_loop3A_223, %parallel_loop3A_224] {strides = array<i32>} : memref<8x1024xf32, #tpu.memory_space<vmem>>, vector<1x16xf32>,
        %parallel_loop3A_226 = vector.shape_cast %parallel_loop3A_225 : vector<1x16xf32> to vector<16xf32>
        %parallel_loop3A_227 = arith.subf %parallel_loop3A_222, %parallel_loop3A_226 : vector<16xf32>
        %parallel_loop3A_228 = arith.mulf %parallel_loop3A_227, %parallel_loop3A_227 : vector<16xf32>
        %parallel_loop3A_229 = arith.addf %parallel_loop3A_215, %parallel_loop3A_228 : vector<16xf32>
        %parallel_loop3A_230 = arith.index_cast %parallel_loop3A_214 : i32 to index
        %parallel_loop3A_231 = arith.constant 784 : index
        %parallel_loop3A_232 = tpu.vector_load %arg9[%parallel_loop3A_230, %parallel_loop3A_231] {strides = array<i32>} : memref<8x1024xf32, #tpu.memory_space<vmem>>, vector<1x16xf32>,
        %parallel_loop3A_233 = vector.shape_cast %parallel_loop3A_232 : vector<1x16xf32> to vector<16xf32>
        %parallel_loop3A_234 = arith.index_cast %parallel_loop3A_214 : i32 to index
        %parallel_loop3A_235 = arith.constant 784 : index
        %parallel_loop3A_236 = tpu.vector_load %arg13[%parallel_loop3A_234, %parallel_loop3A_235] {strides = array<i32>} : memref<8x1024xf32, #tpu.memory_space<vmem>>, vector<1x16xf32>,
        %parallel_loop3A_237 = vector.shape_cast %parallel_loop3A_236 : vector<1x16xf32> to vector<16xf32>
        %parallel_loop3A_238 = arith.subf %parallel_loop3A_233, %parallel_loop3A_237 : vector<16xf32>
        %parallel_loop3A_239 = arith.mulf %parallel_loop3A_238, %parallel_loop3A_238 : vector<16xf32>
        %parallel_loop3A_240 = arith.addf %parallel_loop3A_216, %parallel_loop3A_239 : vector<16xf32>
        %parallel_loop3A_241 = arith.index_cast %parallel_loop3A_214 : i32 to index
        %parallel_loop3A_242 = arith.constant 800 : index
        %parallel_loop3A_243 = tpu.vector_load %arg9[%parallel_loop3A_241, %parallel_loop3A_242] {strides = array<i32>} : memref<8x1024xf32, #tpu.memory_space<vmem>>, vector<1x16xf32>,
        %parallel_loop3A_244 = vector.shape_cast %parallel_loop3A_243 : vector<1x16xf32> to vector<16xf32>
        %parallel_loop3A_245 = arith.index_cast %parallel_loop3A_214 : i32 to index
        %parallel_loop3A_246 = arith.constant 800 : index
        %parallel_loop3A_247 = tpu.vector_load %arg13[%parallel_loop3A_245, %parallel_loop3A_246] {strides = array<i32>} : memref<8x1024xf32, #tpu.memory_space<vmem>>, vector<1x16xf32>,
        %parallel_loop3A_248 = vector.shape_cast %parallel_loop3A_247 : vector<1x16xf32> to vector<16xf32>
        %parallel_loop3A_249 = arith.subf %parallel_loop3A_244, %parallel_loop3A_248 : vector<16xf32>
        %parallel_loop3A_250 = arith.mulf %parallel_loop3A_249, %parallel_loop3A_249 : vector<16xf32>
        %parallel_loop3A_251 = arith.addf %parallel_loop3A_217, %parallel_loop3A_250 : vector<16xf32>
        %parallel_loop3A_252 = arith.index_cast %parallel_loop3A_214 : i32 to index
        %parallel_loop3A_253 = arith.constant 816 : index
        %parallel_loop3A_254 = tpu.vector_load %arg9[%parallel_loop3A_252, %parallel_loop3A_253] {strides = array<i32>} : memref<8x1024xf32, #tpu.memory_space<vmem>>, vector<1x16xf32>,
        %parallel_loop3A_255 = vector.shape_cast %parallel_loop3A_254 : vector<1x16xf32> to vector<16xf32>
        %parallel_loop3A_256 = arith.index_cast %parallel_loop3A_214 : i32 to index
        %parallel_loop3A_257 = arith.constant 816 : index
        %parallel_loop3A_258 = tpu.vector_load %arg13[%parallel_loop3A_256, %parallel_loop3A_257] {strides = array<i32>} : memref<8x1024xf32, #tpu.memory_space<vmem>>, vector<1x16xf32>,
        %parallel_loop3A_259 = vector.shape_cast %parallel_loop3A_258 : vector<1x16xf32> to vector<16xf32>
        %parallel_loop3A_260 = arith.subf %parallel_loop3A_255, %parallel_loop3A_259 : vector<16xf32>
        %parallel_loop3A_261 = arith.mulf %parallel_loop3A_260, %parallel_loop3A_260 : vector<16xf32>
        %parallel_loop3A_262 = arith.addf %parallel_loop3A_218, %parallel_loop3A_261 : vector<16xf32>
        %parallel_loop3A_263 = arith.index_cast %parallel_loop3A_214 : i32 to index
        %parallel_loop3A_264 = arith.constant 832 : index
        %parallel_loop3A_265 = tpu.vector_load %arg9[%parallel_loop3A_263, %parallel_loop3A_264] {strides = array<i32>} : memref<8x1024xf32, #tpu.memory_space<vmem>>, vector<1x16xf32>,
        %parallel_loop3A_266 = vector.shape_cast %parallel_loop3A_265 : vector<1x16xf32> to vector<16xf32>
        %parallel_loop3A_267 = arith.index_cast %parallel_loop3A_214 : i32 to index
        %parallel_loop3A_268 = arith.constant 832 : index
        %parallel_loop3A_269 = tpu.vector_load %arg13[%parallel_loop3A_267, %parallel_loop3A_268] {strides = array<i32>} : memref<8x1024xf32, #tpu.memory_space<vmem>>, vector<1x16xf32>,
        %parallel_loop3A_270 = vector.shape_cast %parallel_loop3A_269 : vector<1x16xf32> to vector<16xf32>
        %parallel_loop3A_271 = arith.subf %parallel_loop3A_266, %parallel_loop3A_270 : vector<16xf32>
        %parallel_loop3A_272 = arith.mulf %parallel_loop3A_271, %parallel_loop3A_271 : vector<16xf32>
        %parallel_loop3A_273 = arith.addf %parallel_loop3A_229, %parallel_loop3A_272 : vector<16xf32>
        %parallel_loop3A_274 = arith.index_cast %parallel_loop3A_214 : i32 to index
        %parallel_loop3A_275 = arith.constant 848 : index
        %parallel_loop3A_276 = tpu.vector_load %arg9[%parallel_loop3A_274, %parallel_loop3A_275] {strides = array<i32>} : memref<8x1024xf32, #tpu.memory_space<vmem>>, vector<1x16xf32>,
        %parallel_loop3A_277 = vector.shape_cast %parallel_loop3A_276 : vector<1x16xf32> to vector<16xf32>
        %parallel_loop3A_278 = arith.index_cast %parallel_loop3A_214 : i32 to index
        %parallel_loop3A_279 = arith.constant 848 : index
        %parallel_loop3A_280 = tpu.vector_load %arg13[%parallel_loop3A_278, %parallel_loop3A_279] {strides = array<i32>} : memref<8x1024xf32, #tpu.memory_space<vmem>>, vector<1x16xf32>,
        %parallel_loop3A_281 = vector.shape_cast %parallel_loop3A_280 : vector<1x16xf32> to vector<16xf32>
        %parallel_loop3A_282 = arith.subf %parallel_loop3A_277, %parallel_loop3A_281 : vector<16xf32>
        %parallel_loop3A_283 = arith.mulf %parallel_loop3A_282, %parallel_loop3A_282 : vector<16xf32>
        %parallel_loop3A_284 = arith.addf %parallel_loop3A_240, %parallel_loop3A_283 : vector<16xf32>
        %parallel_loop3A_285 = arith.index_cast %parallel_loop3A_214 : i32 to index
        %parallel_loop3A_286 = arith.constant 864 : index
        %parallel_loop3A_287 = tpu.vector_load %arg9[%parallel_loop3A_285, %parallel_loop3A_286] {strides = array<i32>} : memref<8x1024xf32, #tpu.memory_space<vmem>>, vector<1x16xf32>,
        %parallel_loop3A_288 = vector.shape_cast %parallel_loop3A_287 : vector<1x16xf32> to vector<16xf32>
        %parallel_loop3A_289 = arith.index_cast %parallel_loop3A_214 : i32 to index
        %parallel_loop3A_290 = arith.constant 864 : index
        %parallel_loop3A_291 = tpu.vector_load %arg13[%parallel_loop3A_289, %parallel_loop3A_290] {strides = array<i32>} : memref<8x1024xf32, #tpu.memory_space<vmem>>, vector<1x16xf32>,
        %parallel_loop3A_292 = vector.shape_cast %parallel_loop3A_291 : vector<1x16xf32> to vector<16xf32>
        %parallel_loop3A_293 = arith.subf %parallel_loop3A_288, %parallel_loop3A_292 : vector<16xf32>
        %parallel_loop3A_294 = arith.mulf %parallel_loop3A_293, %parallel_loop3A_293 : vector<16xf32>
        %parallel_loop3A_295 = arith.addf %parallel_loop3A_251, %parallel_loop3A_294 : vector<16xf32>
        %parallel_loop3A_296 = arith.index_cast %parallel_loop3A_214 : i32 to index
        %parallel_loop3A_297 = arith.constant 880 : index
        %parallel_loop3A_298 = tpu.vector_load %arg9[%parallel_loop3A_296, %parallel_loop3A_297] {strides = array<i32>} : memref<8x1024xf32, #tpu.memory_space<vmem>>, vector<1x16xf32>,
        %parallel_loop3A_299 = vector.shape_cast %parallel_loop3A_298 : vector<1x16xf32> to vector<16xf32>
        %parallel_loop3A_300 = arith.index_cast %parallel_loop3A_214 : i32 to index
        %parallel_loop3A_301 = arith.constant 880 : index
        %parallel_loop3A_302 = tpu.vector_load %arg13[%parallel_loop3A_300, %parallel_loop3A_301] {strides = array<i32>} : memref<8x1024xf32, #tpu.memory_space<vmem>>, vector<1x16xf32>,
        %parallel_loop3A_303 = vector.shape_cast %parallel_loop3A_302 : vector<1x16xf32> to vector<16xf32>
        %parallel_loop3A_304 = arith.subf %parallel_loop3A_299, %parallel_loop3A_303 : vector<16xf32>
        %parallel_loop3A_305 = arith.mulf %parallel_loop3A_304, %parallel_loop3A_304 : vector<16xf32>
        %parallel_loop3A_306 = arith.addf %parallel_loop3A_262, %parallel_loop3A_305 : vector<16xf32>
        %parallel_loop3A_307 = arith.index_cast %parallel_loop3A_214 : i32 to index
        %parallel_loop3A_308 = arith.constant 896 : index
        %parallel_loop3A_309 = tpu.vector_load %arg9[%parallel_loop3A_307, %parallel_loop3A_308] {strides = array<i32>} : memref<8x1024xf32, #tpu.memory_space<vmem>>, vector<1x16xf32>,
        %parallel_loop3A_310 = vector.shape_cast %parallel_loop3A_309 : vector<1x16xf32> to vector<16xf32>
        %parallel_loop3A_311 = arith.index_cast %parallel_loop3A_214 : i32 to index
        %parallel_loop3A_312 = arith.constant 896 : index
        %parallel_loop3A_313 = tpu.vector_load %arg13[%parallel_loop3A_311, %parallel_loop3A_312] {strides = array<i32>} : memref<8x1024xf32, #tpu.memory_space<vmem>>, vector<1x16xf32>,
        %parallel_loop3A_314 = vector.shape_cast %parallel_loop3A_313 : vector<1x16xf32> to vector<16xf32>
        %parallel_loop3A_315 = arith.subf %parallel_loop3A_310, %parallel_loop3A_314 : vector<16xf32>
        %parallel_loop3A_316 = arith.mulf %parallel_loop3A_315, %parallel_loop3A_315 : vector<16xf32>
        %parallel_loop3A_317 = arith.addf %parallel_loop3A_273, %parallel_loop3A_316 : vector<16xf32>
        %parallel_loop3A_318 = arith.index_cast %parallel_loop3A_214 : i32 to index
        %parallel_loop3A_319 = arith.constant 912 : index
        %parallel_loop3A_320 = tpu.vector_load %arg9[%parallel_loop3A_318, %parallel_loop3A_319] {strides = array<i32>} : memref<8x1024xf32, #tpu.memory_space<vmem>>, vector<1x16xf32>,
        %parallel_loop3A_321 = vector.shape_cast %parallel_loop3A_320 : vector<1x16xf32> to vector<16xf32>
        %parallel_loop3A_322 = arith.index_cast %parallel_loop3A_214 : i32 to index
        %parallel_loop3A_323 = arith.constant 912 : index
        %parallel_loop3A_324 = tpu.vector_load %arg13[%parallel_loop3A_322, %parallel_loop3A_323] {strides = array<i32>} : memref<8x1024xf32, #tpu.memory_space<vmem>>, vector<1x16xf32>,
        %parallel_loop3A_325 = vector.shape_cast %parallel_loop3A_324 : vector<1x16xf32> to vector<16xf32>
        %parallel_loop3A_326 = arith.subf %parallel_loop3A_321, %parallel_loop3A_325 : vector<16xf32>
        %parallel_loop3A_327 = arith.mulf %parallel_loop3A_326, %parallel_loop3A_326 : vector<16xf32>
        %parallel_loop3A_328 = arith.addf %parallel_loop3A_284, %parallel_loop3A_327 : vector<16xf32>
        %parallel_loop3A_329 = arith.index_cast %parallel_loop3A_214 : i32 to index
        %parallel_loop3A_330 = arith.constant 928 : index
        %parallel_loop3A_331 = tpu.vector_load %arg9[%parallel_loop3A_329, %parallel_loop3A_330] {strides = array<i32>} : memref<8x1024xf32, #tpu.memory_space<vmem>>, vector<1x16xf32>,
        %parallel_loop3A_332 = vector.shape_cast %parallel_loop3A_331 : vector<1x16xf32> to vector<16xf32>
        %parallel_loop3A_333 = arith.index_cast %parallel_loop3A_214 : i32 to index
        %parallel_loop3A_334 = arith.constant 928 : index
        %parallel_loop3A_335 = tpu.vector_load %arg13[%parallel_loop3A_333, %parallel_loop3A_334] {strides = array<i32>} : memref<8x1024xf32, #tpu.memory_space<vmem>>, vector<1x16xf32>,
        %parallel_loop3A_336 = vector.shape_cast %parallel_loop3A_335 : vector<1x16xf32> to vector<16xf32>
        %parallel_loop3A_337 = arith.subf %parallel_loop3A_332, %parallel_loop3A_336 : vector<16xf32>
        %parallel_loop3A_338 = arith.mulf %parallel_loop3A_337, %parallel_loop3A_337 : vector<16xf32>
        %parallel_loop3A_339 = arith.addf %parallel_loop3A_295, %parallel_loop3A_338 : vector<16xf32>
        %parallel_loop3A_340 = arith.index_cast %parallel_loop3A_214 : i32 to index
        %parallel_loop3A_341 = arith.constant 944 : index
        %parallel_loop3A_342 = tpu.vector_load %arg9[%parallel_loop3A_340, %parallel_loop3A_341] {strides = array<i32>} : memref<8x1024xf32, #tpu.memory_space<vmem>>, vector<1x16xf32>,
        %parallel_loop3A_343 = vector.shape_cast %parallel_loop3A_342 : vector<1x16xf32> to vector<16xf32>
        %parallel_loop3A_344 = arith.index_cast %parallel_loop3A_214 : i32 to index
        %parallel_loop3A_345 = arith.constant 944 : index
        %parallel_loop3A_346 = tpu.vector_load %arg13[%parallel_loop3A_344, %parallel_loop3A_345] {strides = array<i32>} : memref<8x1024xf32, #tpu.memory_space<vmem>>, vector<1x16xf32>,
        %parallel_loop3A_347 = vector.shape_cast %parallel_loop3A_346 : vector<1x16xf32> to vector<16xf32>
        %parallel_loop3A_348 = arith.subf %parallel_loop3A_343, %parallel_loop3A_347 : vector<16xf32>
        %parallel_loop3A_349 = arith.mulf %parallel_loop3A_348, %parallel_loop3A_348 : vector<16xf32>
        %parallel_loop3A_350 = arith.addf %parallel_loop3A_306, %parallel_loop3A_349 : vector<16xf32>
        %parallel_loop3A_351 = arith.index_cast %parallel_loop3A_214 : i32 to index
        %parallel_loop3A_352 = arith.constant 960 : index
        %parallel_loop3A_353 = tpu.vector_load %arg9[%parallel_loop3A_351, %parallel_loop3A_352] {strides = array<i32>} : memref<8x1024xf32, #tpu.memory_space<vmem>>, vector<1x16xf32>,
        %parallel_loop3A_354 = vector.shape_cast %parallel_loop3A_353 : vector<1x16xf32> to vector<16xf32>
        %parallel_loop3A_355 = arith.index_cast %parallel_loop3A_214 : i32 to index
        %parallel_loop3A_356 = arith.constant 960 : index
        %parallel_loop3A_357 = tpu.vector_load %arg13[%parallel_loop3A_355, %parallel_loop3A_356] {strides = array<i32>} : memref<8x1024xf32, #tpu.memory_space<vmem>>, vector<1x16xf32>,
        %parallel_loop3A_358 = vector.shape_cast %parallel_loop3A_357 : vector<1x16xf32> to vector<16xf32>
        %parallel_loop3A_359 = arith.subf %parallel_loop3A_354, %parallel_loop3A_358 : vector<16xf32>
        %parallel_loop3A_360 = arith.mulf %parallel_loop3A_359, %parallel_loop3A_359 : vector<16xf32>
        %parallel_loop3A_361 = arith.addf %parallel_loop3A_317, %parallel_loop3A_360 : vector<16xf32>
        %parallel_loop3A_362 = arith.index_cast %parallel_loop3A_214 : i32 to index
        %parallel_loop3A_363 = arith.constant 976 : index
        %parallel_loop3A_364 = tpu.vector_load %arg9[%parallel_loop3A_362, %parallel_loop3A_363] {strides = array<i32>} : memref<8x1024xf32, #tpu.memory_space<vmem>>, vector<1x16xf32>,
        %parallel_loop3A_365 = vector.shape_cast %parallel_loop3A_364 : vector<1x16xf32> to vector<16xf32>
        %parallel_loop3A_366 = arith.index_cast %parallel_loop3A_214 : i32 to index
        %parallel_loop3A_367 = arith.constant 976 : index
        %parallel_loop3A_368 = tpu.vector_load %arg13[%parallel_loop3A_366, %parallel_loop3A_367] {strides = array<i32>} : memref<8x1024xf32, #tpu.memory_space<vmem>>, vector<1x16xf32>,
        %parallel_loop3A_369 = vector.shape_cast %parallel_loop3A_368 : vector<1x16xf32> to vector<16xf32>
        %parallel_loop3A_370 = arith.subf %parallel_loop3A_365, %parallel_loop3A_369 : vector<16xf32>
        %parallel_loop3A_371 = arith.mulf %parallel_loop3A_370, %parallel_loop3A_370 : vector<16xf32>
        %parallel_loop3A_372 = arith.addf %parallel_loop3A_328, %parallel_loop3A_371 : vector<16xf32>
        %parallel_loop3A_373 = arith.index_cast %parallel_loop3A_214 : i32 to index
        %parallel_loop3A_374 = arith.constant 992 : index
        %parallel_loop3A_375 = tpu.vector_load %arg9[%parallel_loop3A_373, %parallel_loop3A_374] {strides = array<i32>} : memref<8x1024xf32, #tpu.memory_space<vmem>>, vector<1x16xf32>,
        %parallel_loop3A_376 = vector.shape_cast %parallel_loop3A_375 : vector<1x16xf32> to vector<16xf32>
        %parallel_loop3A_377 = arith.index_cast %parallel_loop3A_214 : i32 to index
        %parallel_loop3A_378 = arith.constant 992 : index
        %parallel_loop3A_379 = tpu.vector_load %arg13[%parallel_loop3A_377, %parallel_loop3A_378] {strides = array<i32>} : memref<8x1024xf32, #tpu.memory_space<vmem>>, vector<1x16xf32>,
        %parallel_loop3A_380 = vector.shape_cast %parallel_loop3A_379 : vector<1x16xf32> to vector<16xf32>
        %parallel_loop3A_381 = arith.subf %parallel_loop3A_376, %parallel_loop3A_380 : vector<16xf32>
        %parallel_loop3A_382 = arith.mulf %parallel_loop3A_381, %parallel_loop3A_381 : vector<16xf32>
        %parallel_loop3A_383 = arith.addf %parallel_loop3A_339, %parallel_loop3A_382 : vector<16xf32>
        %parallel_loop3A_384 = arith.index_cast %parallel_loop3A_214 : i32 to index
        %parallel_loop3A_385 = arith.constant 1008 : index
        %parallel_loop3A_386 = tpu.vector_load %arg9[%parallel_loop3A_384, %parallel_loop3A_385] {strides = array<i32>} : memref<8x1024xf32, #tpu.memory_space<vmem>>, vector<1x16xf32>,
        %parallel_loop3A_387 = vector.shape_cast %parallel_loop3A_386 : vector<1x16xf32> to vector<16xf32>
        %parallel_loop3A_388 = arith.index_cast %parallel_loop3A_214 : i32 to index
        %parallel_loop3A_389 = arith.constant 1008 : index
        %parallel_loop3A_390 = tpu.vector_load %arg13[%parallel_loop3A_388, %parallel_loop3A_389] {strides = array<i32>} : memref<8x1024xf32, #tpu.memory_space<vmem>>, vector<1x16xf32>,
        %parallel_loop3A_391 = vector.shape_cast %parallel_loop3A_390 : vector<1x16xf32> to vector<16xf32>
        %parallel_loop3A_392 = arith.subf %parallel_loop3A_387, %parallel_loop3A_391 : vector<16xf32>
        %parallel_loop3A_393 = arith.mulf %parallel_loop3A_392, %parallel_loop3A_392 : vector<16xf32>
        %parallel_loop3A_394 = arith.addf %parallel_loop3A_350, %parallel_loop3A_393 : vector<16xf32>
        scf.yield %parallel_loop3A_361, %parallel_loop3A_372, %parallel_loop3A_383, %parallel_loop3A_394 : vector<16xf32>, vector<16xf32>, vector<16xf32>, vector<16xf32>
      } {sc.loop_unroll_factor = 2 : i64, sc.parallel_access}
      %mul3A_172 = arith.constant 4 : i32
      %mul3A_173 = arith.muli %scan3A_47, %mul3A_172 : i32
      %add3A_174 = arith.constant 3 : i32
      %add3A_175 = arith.addi %mul3A_173, %add3A_174 : i32
      %add3A_176 = arith.constant 4 : i32
      %add3A_177 = arith.addi %add3A_175, %add3A_176 : i32
      %sub3A_178 = arith.constant 1 : i32
      %sub3A_179 = arith.subi %add3A_177, %sub3A_178 : i32
      %lt3A_180 = arith.constant 64 : i32
      %lt3A_181 = arith.cmpi slt, %sub3A_179, %lt3A_180 : i32
      %convert_element_type3A_182 = arith.extui %lt3A_181 : i1 to i32
      %cond3A_183 = arith.constant 0 : i32
      %cond3A_184 = arith.cmpi ne, %convert_element_type3A_182, %cond3A_183 : i32
      scf.if %cond3A_184 {
        %add3A_214 = arith.constant 4 : i32
        %add3A_215 = arith.addi %add3A_175, %add3A_214 : i32
        %sub3A_216 = arith.constant 1 : i32
        %sub3A_217 = arith.subi %add3A_215, %sub3A_216 : i32
        %mul3A_218 = arith.constant 8 : i32
        %mul3A_219 = arith.muli %sub3A_217, %mul3A_218 : i32
        %dma_start3A_220 = tpu.memref_slice %arg6[%mul3A_219] : memref<512xi32, #tpu.memory_space<vmem>> -> memref<8xi32, #tpu.memory_space<vmem>>
        %dma_start3A_221 = arith.constant 0 : i32
        %dma_start3A_222 = arith.constant 0 : i32
        %dma_start3A_223 = tpu.memref_slice %arg4[%dma_start3A_221, %dma_start3A_222] : memref<10000x1024xf32, #tpu.memory_space<hbm>> -> memref<10000x1024xf32, #tpu.memory_space<hbm>>
        tpu.enqueue_indirect_dma source(%dma_start3A_223 : memref<10000x1024xf32, #tpu.memory_space<hbm>>) target(%arg13 : memref<8x1024xf32, #tpu.memory_space<vmem>>) offsets(%dma_start3A_220 : memref<8xi32, #tpu.memory_space<vmem>>) semaphore(%arg22 : memref<!tpu.dma_semaphore, #tpu.memory_space<semaphore_mem>>)
        %mul3A_224 = arith.constant 8 : i32
        %mul3A_225 = arith.muli %sub3A_217, %mul3A_224 : i32
        %add3A_226 = arith.addi %mul3A_2, %mul3A_225 : i32
        %dma_start3A_227 = arith.constant 0 : i32
        %dma_start3A_228 = tpu.memref_slice %arg2[%add3A_226, %dma_start3A_227] : memref<16384x1024xf32, #tpu.memory_space<hbm>> -> memref<8x1024xf32, #tpu.memory_space<hbm>>
        %dma_start3A_229 = arith.constant 0 : i32
        %dma_start3A_230 = tpu.memref_slice %arg2[%add3A_226, %dma_start3A_229] : memref<16384x1024xf32, #tpu.memory_space<hbm>> -> memref<8x1024xf32, #tpu.memory_space<hbm>>
        tpu.enqueue_dma source(%dma_start3A_230 : memref<8x1024xf32, #tpu.memory_space<hbm>>) target(%arg9 : memref<8x1024xf32, #tpu.memory_space<vmem>>) target_semaphore(%arg18 : memref<!tpu.dma_semaphore, #tpu.memory_space<semaphore_mem>>)
      } else {
      }
      %mul3A_185 = arith.constant 8 : i32
      %mul3A_186 = arith.muli %add3A_175, %mul3A_185 : i32
      %add3A_187 = arith.addi %mul3A_2, %mul3A_186 : i32
      %dma_wait3A_188 = arith.constant 0 : i32
      %dma_wait3A_189 = tpu.memref_slice %arg2[%add3A_187, %dma_wait3A_188] : memref<16384x1024xf32, #tpu.memory_space<hbm>> -> memref<8x1024xf32, #tpu.memory_space<hbm>>
      %dma_wait3A_190 = arith.constant 0 : i32
      %dma_wait3A_191 = tpu.memref_slice %arg2[%add3A_187, %dma_wait3A_190] : memref<16384x1024xf32, #tpu.memory_space<hbm>> -> memref<8x1024xf32, #tpu.memory_space<hbm>>
      tpu.wait_dma2 semaphore(%arg19 : memref<!tpu.dma_semaphore, #tpu.memory_space<semaphore_mem>>) src(%dma_wait3A_191 : memref<8x1024xf32, #tpu.memory_space<hbm>>) dst(%arg10 : memref<8x1024xf32, #tpu.memory_space<vmem>>)
      %mul3A_192 = arith.constant 8 : i32
      %mul3A_193 = arith.muli %add3A_175, %mul3A_192 : i32
      %dma_wait3A_194 = tpu.memref_slice %arg6[%mul3A_193] : memref<512xi32, #tpu.memory_space<vmem>> -> memref<8xi32, #tpu.memory_space<vmem>>
      %dma_wait3A_195 = arith.constant 0 : i32
      %dma_wait3A_196 = arith.constant 0 : i32
      %dma_wait3A_197 = tpu.memref_slice %arg4[%dma_wait3A_195, %dma_wait3A_196] : memref<10000x1024xf32, #tpu.memory_space<hbm>> -> memref<10000x1024xf32, #tpu.memory_space<hbm>>
      tpu.wait_indirect_dma semaphore(%arg23 : memref<!tpu.dma_semaphore, #tpu.memory_space<semaphore_mem>>) src(%dma_wait3A_197 : memref<10000x1024xf32, #tpu.memory_space<hbm>>) dst(%arg14 : memref<8x1024xf32, #tpu.memory_space<vmem>>)
      %parallel_loop3A_198 = arith.constant 0 : i32
      %parallel_loop3A_199 = arith.constant 8 : i32
      %parallel_loop3A_200 = arith.constant 1 : i32
      %parallel_loop3A_201:4 = scf.for %parallel_loop3A_214 = %parallel_loop3A_198 to %parallel_loop3A_199 step %parallel_loop3A_200 iter_args(%parallel_loop3A_215 = %parallel_loop3A_171#0, %parallel_loop3A_216 = %parallel_loop3A_171#1, %parallel_loop3A_217 = %parallel_loop3A_171#2, %parallel_loop3A_218 = %parallel_loop3A_171#3) -> (vector<16xf32>, vector<16xf32>, vector<16xf32>, vector<16xf32>)  : i32 {
        %parallel_loop3A_219 = arith.index_cast %parallel_loop3A_214 : i32 to index
        %parallel_loop3A_220 = arith.constant 0 : index
        %parallel_loop3A_221 = tpu.vector_load %arg10[%parallel_loop3A_219, %parallel_loop3A_220] {strides = array<i32>} : memref<8x1024xf32, #tpu.memory_space<vmem>>, vector<1x16xf32>,
        %parallel_loop3A_222 = vector.shape_cast %parallel_loop3A_221 : vector<1x16xf32> to vector<16xf32>
        %parallel_loop3A_223 = arith.index_cast %parallel_loop3A_214 : i32 to index
        %parallel_loop3A_224 = arith.constant 0 : index
        %parallel_loop3A_225 = tpu.vector_load %arg14[%parallel_loop3A_223, %parallel_loop3A_224] {strides = array<i32>} : memref<8x1024xf32, #tpu.memory_space<vmem>>, vector<1x16xf32>,
        %parallel_loop3A_226 = vector.shape_cast %parallel_loop3A_225 : vector<1x16xf32> to vector<16xf32>
        %parallel_loop3A_227 = arith.subf %parallel_loop3A_222, %parallel_loop3A_226 : vector<16xf32>
        %parallel_loop3A_228 = arith.mulf %parallel_loop3A_227, %parallel_loop3A_227 : vector<16xf32>
        %parallel_loop3A_229 = arith.addf %parallel_loop3A_215, %parallel_loop3A_228 : vector<16xf32>
        %parallel_loop3A_230 = arith.index_cast %parallel_loop3A_214 : i32 to index
        %parallel_loop3A_231 = arith.constant 16 : index
        %parallel_loop3A_232 = tpu.vector_load %arg10[%parallel_loop3A_230, %parallel_loop3A_231] {strides = array<i32>} : memref<8x1024xf32, #tpu.memory_space<vmem>>, vector<1x16xf32>,
        %parallel_loop3A_233 = vector.shape_cast %parallel_loop3A_232 : vector<1x16xf32> to vector<16xf32>
        %parallel_loop3A_234 = arith.index_cast %parallel_loop3A_214 : i32 to index
        %parallel_loop3A_235 = arith.constant 16 : index
        %parallel_loop3A_236 = tpu.vector_load %arg14[%parallel_loop3A_234, %parallel_loop3A_235] {strides = array<i32>} : memref<8x1024xf32, #tpu.memory_space<vmem>>, vector<1x16xf32>,
        %parallel_loop3A_237 = vector.shape_cast %parallel_loop3A_236 : vector<1x16xf32> to vector<16xf32>
        %parallel_loop3A_238 = arith.subf %parallel_loop3A_233, %parallel_loop3A_237 : vector<16xf32>
        %parallel_loop3A_239 = arith.mulf %parallel_loop3A_238, %parallel_loop3A_238 : vector<16xf32>
        %parallel_loop3A_240 = arith.addf %parallel_loop3A_216, %parallel_loop3A_239 : vector<16xf32>
        %parallel_loop3A_241 = arith.index_cast %parallel_loop3A_214 : i32 to index
        %parallel_loop3A_242 = arith.constant 32 : index
        %parallel_loop3A_243 = tpu.vector_load %arg10[%parallel_loop3A_241, %parallel_loop3A_242] {strides = array<i32>} : memref<8x1024xf32, #tpu.memory_space<vmem>>, vector<1x16xf32>,
        %parallel_loop3A_244 = vector.shape_cast %parallel_loop3A_243 : vector<1x16xf32> to vector<16xf32>
        %parallel_loop3A_245 = arith.index_cast %parallel_loop3A_214 : i32 to index
        %parallel_loop3A_246 = arith.constant 32 : index
        %parallel_loop3A_247 = tpu.vector_load %arg14[%parallel_loop3A_245, %parallel_loop3A_246] {strides = array<i32>} : memref<8x1024xf32, #tpu.memory_space<vmem>>, vector<1x16xf32>,
        %parallel_loop3A_248 = vector.shape_cast %parallel_loop3A_247 : vector<1x16xf32> to vector<16xf32>
        %parallel_loop3A_249 = arith.subf %parallel_loop3A_244, %parallel_loop3A_248 : vector<16xf32>
        %parallel_loop3A_250 = arith.mulf %parallel_loop3A_249, %parallel_loop3A_249 : vector<16xf32>
        %parallel_loop3A_251 = arith.addf %parallel_loop3A_217, %parallel_loop3A_250 : vector<16xf32>
        %parallel_loop3A_252 = arith.index_cast %parallel_loop3A_214 : i32 to index
        %parallel_loop3A_253 = arith.constant 48 : index
        %parallel_loop3A_254 = tpu.vector_load %arg10[%parallel_loop3A_252, %parallel_loop3A_253] {strides = array<i32>} : memref<8x1024xf32, #tpu.memory_space<vmem>>, vector<1x16xf32>,
        %parallel_loop3A_255 = vector.shape_cast %parallel_loop3A_254 : vector<1x16xf32> to vector<16xf32>
        %parallel_loop3A_256 = arith.index_cast %parallel_loop3A_214 : i32 to index
        %parallel_loop3A_257 = arith.constant 48 : index
        %parallel_loop3A_258 = tpu.vector_load %arg14[%parallel_loop3A_256, %parallel_loop3A_257] {strides = array<i32>} : memref<8x1024xf32, #tpu.memory_space<vmem>>, vector<1x16xf32>,
        %parallel_loop3A_259 = vector.shape_cast %parallel_loop3A_258 : vector<1x16xf32> to vector<16xf32>
        %parallel_loop3A_260 = arith.subf %parallel_loop3A_255, %parallel_loop3A_259 : vector<16xf32>
        %parallel_loop3A_261 = arith.mulf %parallel_loop3A_260, %parallel_loop3A_260 : vector<16xf32>
        %parallel_loop3A_262 = arith.addf %parallel_loop3A_218, %parallel_loop3A_261 : vector<16xf32>
        %parallel_loop3A_263 = arith.index_cast %parallel_loop3A_214 : i32 to index
        %parallel_loop3A_264 = arith.constant 64 : index
        %parallel_loop3A_265 = tpu.vector_load %arg10[%parallel_loop3A_263, %parallel_loop3A_264] {strides = array<i32>} : memref<8x1024xf32, #tpu.memory_space<vmem>>, vector<1x16xf32>,
        %parallel_loop3A_266 = vector.shape_cast %parallel_loop3A_265 : vector<1x16xf32> to vector<16xf32>
        %parallel_loop3A_267 = arith.index_cast %parallel_loop3A_214 : i32 to index
        %parallel_loop3A_268 = arith.constant 64 : index
        %parallel_loop3A_269 = tpu.vector_load %arg14[%parallel_loop3A_267, %parallel_loop3A_268] {strides = array<i32>} : memref<8x1024xf32, #tpu.memory_space<vmem>>, vector<1x16xf32>,
        %parallel_loop3A_270 = vector.shape_cast %parallel_loop3A_269 : vector<1x16xf32> to vector<16xf32>
        %parallel_loop3A_271 = arith.subf %parallel_loop3A_266, %parallel_loop3A_270 : vector<16xf32>
        %parallel_loop3A_272 = arith.mulf %parallel_loop3A_271, %parallel_loop3A_271 : vector<16xf32>
        %parallel_loop3A_273 = arith.addf %parallel_loop3A_229, %parallel_loop3A_272 : vector<16xf32>
        %parallel_loop3A_274 = arith.index_cast %parallel_loop3A_214 : i32 to index
        %parallel_loop3A_275 = arith.constant 80 : index
        %parallel_loop3A_276 = tpu.vector_load %arg10[%parallel_loop3A_274, %parallel_loop3A_275] {strides = array<i32>} : memref<8x1024xf32, #tpu.memory_space<vmem>>, vector<1x16xf32>,
        %parallel_loop3A_277 = vector.shape_cast %parallel_loop3A_276 : vector<1x16xf32> to vector<16xf32>
        %parallel_loop3A_278 = arith.index_cast %parallel_loop3A_214 : i32 to index
        %parallel_loop3A_279 = arith.constant 80 : index
        %parallel_loop3A_280 = tpu.vector_load %arg14[%parallel_loop3A_278, %parallel_loop3A_279] {strides = array<i32>} : memref<8x1024xf32, #tpu.memory_space<vmem>>, vector<1x16xf32>,
        %parallel_loop3A_281 = vector.shape_cast %parallel_loop3A_280 : vector<1x16xf32> to vector<16xf32>
        %parallel_loop3A_282 = arith.subf %parallel_loop3A_277, %parallel_loop3A_281 : vector<16xf32>
        %parallel_loop3A_283 = arith.mulf %parallel_loop3A_282, %parallel_loop3A_282 : vector<16xf32>
        %parallel_loop3A_284 = arith.addf %parallel_loop3A_240, %parallel_loop3A_283 : vector<16xf32>
        %parallel_loop3A_285 = arith.index_cast %parallel_loop3A_214 : i32 to index
        %parallel_loop3A_286 = arith.constant 96 : index
        %parallel_loop3A_287 = tpu.vector_load %arg10[%parallel_loop3A_285, %parallel_loop3A_286] {strides = array<i32>} : memref<8x1024xf32, #tpu.memory_space<vmem>>, vector<1x16xf32>,
        %parallel_loop3A_288 = vector.shape_cast %parallel_loop3A_287 : vector<1x16xf32> to vector<16xf32>
        %parallel_loop3A_289 = arith.index_cast %parallel_loop3A_214 : i32 to index
        %parallel_loop3A_290 = arith.constant 96 : index
        %parallel_loop3A_291 = tpu.vector_load %arg14[%parallel_loop3A_289, %parallel_loop3A_290] {strides = array<i32>} : memref<8x1024xf32, #tpu.memory_space<vmem>>, vector<1x16xf32>,
        %parallel_loop3A_292 = vector.shape_cast %parallel_loop3A_291 : vector<1x16xf32> to vector<16xf32>
        %parallel_loop3A_293 = arith.subf %parallel_loop3A_288, %parallel_loop3A_292 : vector<16xf32>
        %parallel_loop3A_294 = arith.mulf %parallel_loop3A_293, %parallel_loop3A_293 : vector<16xf32>
        %parallel_loop3A_295 = arith.addf %parallel_loop3A_251, %parallel_loop3A_294 : vector<16xf32>
        %parallel_loop3A_296 = arith.index_cast %parallel_loop3A_214 : i32 to index
        %parallel_loop3A_297 = arith.constant 112 : index
        %parallel_loop3A_298 = tpu.vector_load %arg10[%parallel_loop3A_296, %parallel_loop3A_297] {strides = array<i32>} : memref<8x1024xf32, #tpu.memory_space<vmem>>, vector<1x16xf32>,
        %parallel_loop3A_299 = vector.shape_cast %parallel_loop3A_298 : vector<1x16xf32> to vector<16xf32>
        %parallel_loop3A_300 = arith.index_cast %parallel_loop3A_214 : i32 to index
        %parallel_loop3A_301 = arith.constant 112 : index
        %parallel_loop3A_302 = tpu.vector_load %arg14[%parallel_loop3A_300, %parallel_loop3A_301] {strides = array<i32>} : memref<8x1024xf32, #tpu.memory_space<vmem>>, vector<1x16xf32>,
        %parallel_loop3A_303 = vector.shape_cast %parallel_loop3A_302 : vector<1x16xf32> to vector<16xf32>
        %parallel_loop3A_304 = arith.subf %parallel_loop3A_299, %parallel_loop3A_303 : vector<16xf32>
        %parallel_loop3A_305 = arith.mulf %parallel_loop3A_304, %parallel_loop3A_304 : vector<16xf32>
        %parallel_loop3A_306 = arith.addf %parallel_loop3A_262, %parallel_loop3A_305 : vector<16xf32>
        %parallel_loop3A_307 = arith.index_cast %parallel_loop3A_214 : i32 to index
        %parallel_loop3A_308 = arith.constant 128 : index
        %parallel_loop3A_309 = tpu.vector_load %arg10[%parallel_loop3A_307, %parallel_loop3A_308] {strides = array<i32>} : memref<8x1024xf32, #tpu.memory_space<vmem>>, vector<1x16xf32>,
        %parallel_loop3A_310 = vector.shape_cast %parallel_loop3A_309 : vector<1x16xf32> to vector<16xf32>
        %parallel_loop3A_311 = arith.index_cast %parallel_loop3A_214 : i32 to index
        %parallel_loop3A_312 = arith.constant 128 : index
        %parallel_loop3A_313 = tpu.vector_load %arg14[%parallel_loop3A_311, %parallel_loop3A_312] {strides = array<i32>} : memref<8x1024xf32, #tpu.memory_space<vmem>>, vector<1x16xf32>,
        %parallel_loop3A_314 = vector.shape_cast %parallel_loop3A_313 : vector<1x16xf32> to vector<16xf32>
        %parallel_loop3A_315 = arith.subf %parallel_loop3A_310, %parallel_loop3A_314 : vector<16xf32>
        %parallel_loop3A_316 = arith.mulf %parallel_loop3A_315, %parallel_loop3A_315 : vector<16xf32>
        %parallel_loop3A_317 = arith.addf %parallel_loop3A_273, %parallel_loop3A_316 : vector<16xf32>
        %parallel_loop3A_318 = arith.index_cast %parallel_loop3A_214 : i32 to index
        %parallel_loop3A_319 = arith.constant 144 : index
        %parallel_loop3A_320 = tpu.vector_load %arg10[%parallel_loop3A_318, %parallel_loop3A_319] {strides = array<i32>} : memref<8x1024xf32, #tpu.memory_space<vmem>>, vector<1x16xf32>,
        %parallel_loop3A_321 = vector.shape_cast %parallel_loop3A_320 : vector<1x16xf32> to vector<16xf32>
        %parallel_loop3A_322 = arith.index_cast %parallel_loop3A_214 : i32 to index
        %parallel_loop3A_323 = arith.constant 144 : index
        %parallel_loop3A_324 = tpu.vector_load %arg14[%parallel_loop3A_322, %parallel_loop3A_323] {strides = array<i32>} : memref<8x1024xf32, #tpu.memory_space<vmem>>, vector<1x16xf32>,
        %parallel_loop3A_325 = vector.shape_cast %parallel_loop3A_324 : vector<1x16xf32> to vector<16xf32>
        %parallel_loop3A_326 = arith.subf %parallel_loop3A_321, %parallel_loop3A_325 : vector<16xf32>
        %parallel_loop3A_327 = arith.mulf %parallel_loop3A_326, %parallel_loop3A_326 : vector<16xf32>
        %parallel_loop3A_328 = arith.addf %parallel_loop3A_284, %parallel_loop3A_327 : vector<16xf32>
        %parallel_loop3A_329 = arith.index_cast %parallel_loop3A_214 : i32 to index
        %parallel_loop3A_330 = arith.constant 160 : index
        %parallel_loop3A_331 = tpu.vector_load %arg10[%parallel_loop3A_329, %parallel_loop3A_330] {strides = array<i32>} : memref<8x1024xf32, #tpu.memory_space<vmem>>, vector<1x16xf32>,
        %parallel_loop3A_332 = vector.shape_cast %parallel_loop3A_331 : vector<1x16xf32> to vector<16xf32>
        %parallel_loop3A_333 = arith.index_cast %parallel_loop3A_214 : i32 to index
        %parallel_loop3A_334 = arith.constant 160 : index
        %parallel_loop3A_335 = tpu.vector_load %arg14[%parallel_loop3A_333, %parallel_loop3A_334] {strides = array<i32>} : memref<8x1024xf32, #tpu.memory_space<vmem>>, vector<1x16xf32>,
        %parallel_loop3A_336 = vector.shape_cast %parallel_loop3A_335 : vector<1x16xf32> to vector<16xf32>
        %parallel_loop3A_337 = arith.subf %parallel_loop3A_332, %parallel_loop3A_336 : vector<16xf32>
        %parallel_loop3A_338 = arith.mulf %parallel_loop3A_337, %parallel_loop3A_337 : vector<16xf32>
        %parallel_loop3A_339 = arith.addf %parallel_loop3A_295, %parallel_loop3A_338 : vector<16xf32>
        %parallel_loop3A_340 = arith.index_cast %parallel_loop3A_214 : i32 to index
        %parallel_loop3A_341 = arith.constant 176 : index
        %parallel_loop3A_342 = tpu.vector_load %arg10[%parallel_loop3A_340, %parallel_loop3A_341] {strides = array<i32>} : memref<8x1024xf32, #tpu.memory_space<vmem>>, vector<1x16xf32>,
        %parallel_loop3A_343 = vector.shape_cast %parallel_loop3A_342 : vector<1x16xf32> to vector<16xf32>
        %parallel_loop3A_344 = arith.index_cast %parallel_loop3A_214 : i32 to index
        %parallel_loop3A_345 = arith.constant 176 : index
        %parallel_loop3A_346 = tpu.vector_load %arg14[%parallel_loop3A_344, %parallel_loop3A_345] {strides = array<i32>} : memref<8x1024xf32, #tpu.memory_space<vmem>>, vector<1x16xf32>,
        %parallel_loop3A_347 = vector.shape_cast %parallel_loop3A_346 : vector<1x16xf32> to vector<16xf32>
        %parallel_loop3A_348 = arith.subf %parallel_loop3A_343, %parallel_loop3A_347 : vector<16xf32>
        %parallel_loop3A_349 = arith.mulf %parallel_loop3A_348, %parallel_loop3A_348 : vector<16xf32>
        %parallel_loop3A_350 = arith.addf %parallel_loop3A_306, %parallel_loop3A_349 : vector<16xf32>
        %parallel_loop3A_351 = arith.index_cast %parallel_loop3A_214 : i32 to index
        %parallel_loop3A_352 = arith.constant 192 : index
        %parallel_loop3A_353 = tpu.vector_load %arg10[%parallel_loop3A_351, %parallel_loop3A_352] {strides = array<i32>} : memref<8x1024xf32, #tpu.memory_space<vmem>>, vector<1x16xf32>,
        %parallel_loop3A_354 = vector.shape_cast %parallel_loop3A_353 : vector<1x16xf32> to vector<16xf32>
        %parallel_loop3A_355 = arith.index_cast %parallel_loop3A_214 : i32 to index
        %parallel_loop3A_356 = arith.constant 192 : index
        %parallel_loop3A_357 = tpu.vector_load %arg14[%parallel_loop3A_355, %parallel_loop3A_356] {strides = array<i32>} : memref<8x1024xf32, #tpu.memory_space<vmem>>, vector<1x16xf32>,
        %parallel_loop3A_358 = vector.shape_cast %parallel_loop3A_357 : vector<1x16xf32> to vector<16xf32>
        %parallel_loop3A_359 = arith.subf %parallel_loop3A_354, %parallel_loop3A_358 : vector<16xf32>
        %parallel_loop3A_360 = arith.mulf %parallel_loop3A_359, %parallel_loop3A_359 : vector<16xf32>
        %parallel_loop3A_361 = arith.addf %parallel_loop3A_317, %parallel_loop3A_360 : vector<16xf32>
        %parallel_loop3A_362 = arith.index_cast %parallel_loop3A_214 : i32 to index
        %parallel_loop3A_363 = arith.constant 208 : index
        %parallel_loop3A_364 = tpu.vector_load %arg10[%parallel_loop3A_362, %parallel_loop3A_363] {strides = array<i32>} : memref<8x1024xf32, #tpu.memory_space<vmem>>, vector<1x16xf32>,
        %parallel_loop3A_365 = vector.shape_cast %parallel_loop3A_364 : vector<1x16xf32> to vector<16xf32>
        %parallel_loop3A_366 = arith.index_cast %parallel_loop3A_214 : i32 to index
        %parallel_loop3A_367 = arith.constant 208 : index
        %parallel_loop3A_368 = tpu.vector_load %arg14[%parallel_loop3A_366, %parallel_loop3A_367] {strides = array<i32>} : memref<8x1024xf32, #tpu.memory_space<vmem>>, vector<1x16xf32>,
        %parallel_loop3A_369 = vector.shape_cast %parallel_loop3A_368 : vector<1x16xf32> to vector<16xf32>
        %parallel_loop3A_370 = arith.subf %parallel_loop3A_365, %parallel_loop3A_369 : vector<16xf32>
        %parallel_loop3A_371 = arith.mulf %parallel_loop3A_370, %parallel_loop3A_370 : vector<16xf32>
        %parallel_loop3A_372 = arith.addf %parallel_loop3A_328, %parallel_loop3A_371 : vector<16xf32>
        %parallel_loop3A_373 = arith.index_cast %parallel_loop3A_214 : i32 to index
        %parallel_loop3A_374 = arith.constant 224 : index
        %parallel_loop3A_375 = tpu.vector_load %arg10[%parallel_loop3A_373, %parallel_loop3A_374] {strides = array<i32>} : memref<8x1024xf32, #tpu.memory_space<vmem>>, vector<1x16xf32>,
        %parallel_loop3A_376 = vector.shape_cast %parallel_loop3A_375 : vector<1x16xf32> to vector<16xf32>
        %parallel_loop3A_377 = arith.index_cast %parallel_loop3A_214 : i32 to index
        %parallel_loop3A_378 = arith.constant 224 : index
        %parallel_loop3A_379 = tpu.vector_load %arg14[%parallel_loop3A_377, %parallel_loop3A_378] {strides = array<i32>} : memref<8x1024xf32, #tpu.memory_space<vmem>>, vector<1x16xf32>,
        %parallel_loop3A_380 = vector.shape_cast %parallel_loop3A_379 : vector<1x16xf32> to vector<16xf32>
        %parallel_loop3A_381 = arith.subf %parallel_loop3A_376, %parallel_loop3A_380 : vector<16xf32>
        %parallel_loop3A_382 = arith.mulf %parallel_loop3A_381, %parallel_loop3A_381 : vector<16xf32>
        %parallel_loop3A_383 = arith.addf %parallel_loop3A_339, %parallel_loop3A_382 : vector<16xf32>
        %parallel_loop3A_384 = arith.index_cast %parallel_loop3A_214 : i32 to index
        %parallel_loop3A_385 = arith.constant 240 : index
        %parallel_loop3A_386 = tpu.vector_load %arg10[%parallel_loop3A_384, %parallel_loop3A_385] {strides = array<i32>} : memref<8x1024xf32, #tpu.memory_space<vmem>>, vector<1x16xf32>,
        %parallel_loop3A_387 = vector.shape_cast %parallel_loop3A_386 : vector<1x16xf32> to vector<16xf32>
        %parallel_loop3A_388 = arith.index_cast %parallel_loop3A_214 : i32 to index
        %parallel_loop3A_389 = arith.constant 240 : index
        %parallel_loop3A_390 = tpu.vector_load %arg14[%parallel_loop3A_388, %parallel_loop3A_389] {strides = array<i32>} : memref<8x1024xf32, #tpu.memory_space<vmem>>, vector<1x16xf32>,
        %parallel_loop3A_391 = vector.shape_cast %parallel_loop3A_390 : vector<1x16xf32> to vector<16xf32>
        %parallel_loop3A_392 = arith.subf %parallel_loop3A_387, %parallel_loop3A_391 : vector<16xf32>
        %parallel_loop3A_393 = arith.mulf %parallel_loop3A_392, %parallel_loop3A_392 : vector<16xf32>
        %parallel_loop3A_394 = arith.addf %parallel_loop3A_350, %parallel_loop3A_393 : vector<16xf32>
        scf.yield %parallel_loop3A_361, %parallel_loop3A_372, %parallel_loop3A_383, %parallel_loop3A_394 : vector<16xf32>, vector<16xf32>, vector<16xf32>, vector<16xf32>
      } {sc.loop_unroll_factor = 2 : i64, sc.parallel_access}
      %parallel_loop3A_202 = arith.constant 0 : i32
      %parallel_loop3A_203 = arith.constant 8 : i32
      %parallel_loop3A_204 = arith.constant 1 : i32
      %parallel_loop3A_205:4 = scf.for %parallel_loop3A_214 = %parallel_loop3A_202 to %parallel_loop3A_203 step %parallel_loop3A_204 iter_args(%parallel_loop3A_215 = %parallel_loop3A_201#0, %parallel_loop3A_216 = %parallel_loop3A_201#1, %parallel_loop3A_217 = %parallel_loop3A_201#2, %parallel_loop3A_218 = %parallel_loop3A_201#3) -> (vector<16xf32>, vector<16xf32>, vector<16xf32>, vector<16xf32>)  : i32 {
        %parallel_loop3A_219 = arith.index_cast %parallel_loop3A_214 : i32 to index
        %parallel_loop3A_220 = arith.constant 256 : index
        %parallel_loop3A_221 = tpu.vector_load %arg10[%parallel_loop3A_219, %parallel_loop3A_220] {strides = array<i32>} : memref<8x1024xf32, #tpu.memory_space<vmem>>, vector<1x16xf32>,
        %parallel_loop3A_222 = vector.shape_cast %parallel_loop3A_221 : vector<1x16xf32> to vector<16xf32>
        %parallel_loop3A_223 = arith.index_cast %parallel_loop3A_214 : i32 to index
        %parallel_loop3A_224 = arith.constant 256 : index
        %parallel_loop3A_225 = tpu.vector_load %arg14[%parallel_loop3A_223, %parallel_loop3A_224] {strides = array<i32>} : memref<8x1024xf32, #tpu.memory_space<vmem>>, vector<1x16xf32>,
        %parallel_loop3A_226 = vector.shape_cast %parallel_loop3A_225 : vector<1x16xf32> to vector<16xf32>
        %parallel_loop3A_227 = arith.subf %parallel_loop3A_222, %parallel_loop3A_226 : vector<16xf32>
        %parallel_loop3A_228 = arith.mulf %parallel_loop3A_227, %parallel_loop3A_227 : vector<16xf32>
        %parallel_loop3A_229 = arith.addf %parallel_loop3A_215, %parallel_loop3A_228 : vector<16xf32>
        %parallel_loop3A_230 = arith.index_cast %parallel_loop3A_214 : i32 to index
        %parallel_loop3A_231 = arith.constant 272 : index
        %parallel_loop3A_232 = tpu.vector_load %arg10[%parallel_loop3A_230, %parallel_loop3A_231] {strides = array<i32>} : memref<8x1024xf32, #tpu.memory_space<vmem>>, vector<1x16xf32>,
        %parallel_loop3A_233 = vector.shape_cast %parallel_loop3A_232 : vector<1x16xf32> to vector<16xf32>
        %parallel_loop3A_234 = arith.index_cast %parallel_loop3A_214 : i32 to index
        %parallel_loop3A_235 = arith.constant 272 : index
        %parallel_loop3A_236 = tpu.vector_load %arg14[%parallel_loop3A_234, %parallel_loop3A_235] {strides = array<i32>} : memref<8x1024xf32, #tpu.memory_space<vmem>>, vector<1x16xf32>,
        %parallel_loop3A_237 = vector.shape_cast %parallel_loop3A_236 : vector<1x16xf32> to vector<16xf32>
        %parallel_loop3A_238 = arith.subf %parallel_loop3A_233, %parallel_loop3A_237 : vector<16xf32>
        %parallel_loop3A_239 = arith.mulf %parallel_loop3A_238, %parallel_loop3A_238 : vector<16xf32>
        %parallel_loop3A_240 = arith.addf %parallel_loop3A_216, %parallel_loop3A_239 : vector<16xf32>
        %parallel_loop3A_241 = arith.index_cast %parallel_loop3A_214 : i32 to index
        %parallel_loop3A_242 = arith.constant 288 : index
        %parallel_loop3A_243 = tpu.vector_load %arg10[%parallel_loop3A_241, %parallel_loop3A_242] {strides = array<i32>} : memref<8x1024xf32, #tpu.memory_space<vmem>>, vector<1x16xf32>,
        %parallel_loop3A_244 = vector.shape_cast %parallel_loop3A_243 : vector<1x16xf32> to vector<16xf32>
        %parallel_loop3A_245 = arith.index_cast %parallel_loop3A_214 : i32 to index
        %parallel_loop3A_246 = arith.constant 288 : index
        %parallel_loop3A_247 = tpu.vector_load %arg14[%parallel_loop3A_245, %parallel_loop3A_246] {strides = array<i32>} : memref<8x1024xf32, #tpu.memory_space<vmem>>, vector<1x16xf32>,
        %parallel_loop3A_248 = vector.shape_cast %parallel_loop3A_247 : vector<1x16xf32> to vector<16xf32>
        %parallel_loop3A_249 = arith.subf %parallel_loop3A_244, %parallel_loop3A_248 : vector<16xf32>
        %parallel_loop3A_250 = arith.mulf %parallel_loop3A_249, %parallel_loop3A_249 : vector<16xf32>
        %parallel_loop3A_251 = arith.addf %parallel_loop3A_217, %parallel_loop3A_250 : vector<16xf32>
        %parallel_loop3A_252 = arith.index_cast %parallel_loop3A_214 : i32 to index
        %parallel_loop3A_253 = arith.constant 304 : index
        %parallel_loop3A_254 = tpu.vector_load %arg10[%parallel_loop3A_252, %parallel_loop3A_253] {strides = array<i32>} : memref<8x1024xf32, #tpu.memory_space<vmem>>, vector<1x16xf32>,
        %parallel_loop3A_255 = vector.shape_cast %parallel_loop3A_254 : vector<1x16xf32> to vector<16xf32>
        %parallel_loop3A_256 = arith.index_cast %parallel_loop3A_214 : i32 to index
        %parallel_loop3A_257 = arith.constant 304 : index
        %parallel_loop3A_258 = tpu.vector_load %arg14[%parallel_loop3A_256, %parallel_loop3A_257] {strides = array<i32>} : memref<8x1024xf32, #tpu.memory_space<vmem>>, vector<1x16xf32>,
        %parallel_loop3A_259 = vector.shape_cast %parallel_loop3A_258 : vector<1x16xf32> to vector<16xf32>
        %parallel_loop3A_260 = arith.subf %parallel_loop3A_255, %parallel_loop3A_259 : vector<16xf32>
        %parallel_loop3A_261 = arith.mulf %parallel_loop3A_260, %parallel_loop3A_260 : vector<16xf32>
        %parallel_loop3A_262 = arith.addf %parallel_loop3A_218, %parallel_loop3A_261 : vector<16xf32>
        %parallel_loop3A_263 = arith.index_cast %parallel_loop3A_214 : i32 to index
        %parallel_loop3A_264 = arith.constant 320 : index
        %parallel_loop3A_265 = tpu.vector_load %arg10[%parallel_loop3A_263, %parallel_loop3A_264] {strides = array<i32>} : memref<8x1024xf32, #tpu.memory_space<vmem>>, vector<1x16xf32>,
        %parallel_loop3A_266 = vector.shape_cast %parallel_loop3A_265 : vector<1x16xf32> to vector<16xf32>
        %parallel_loop3A_267 = arith.index_cast %parallel_loop3A_214 : i32 to index
        %parallel_loop3A_268 = arith.constant 320 : index
        %parallel_loop3A_269 = tpu.vector_load %arg14[%parallel_loop3A_267, %parallel_loop3A_268] {strides = array<i32>} : memref<8x1024xf32, #tpu.memory_space<vmem>>, vector<1x16xf32>,
        %parallel_loop3A_270 = vector.shape_cast %parallel_loop3A_269 : vector<1x16xf32> to vector<16xf32>
        %parallel_loop3A_271 = arith.subf %parallel_loop3A_266, %parallel_loop3A_270 : vector<16xf32>
        %parallel_loop3A_272 = arith.mulf %parallel_loop3A_271, %parallel_loop3A_271 : vector<16xf32>
        %parallel_loop3A_273 = arith.addf %parallel_loop3A_229, %parallel_loop3A_272 : vector<16xf32>
        %parallel_loop3A_274 = arith.index_cast %parallel_loop3A_214 : i32 to index
        %parallel_loop3A_275 = arith.constant 336 : index
        %parallel_loop3A_276 = tpu.vector_load %arg10[%parallel_loop3A_274, %parallel_loop3A_275] {strides = array<i32>} : memref<8x1024xf32, #tpu.memory_space<vmem>>, vector<1x16xf32>,
        %parallel_loop3A_277 = vector.shape_cast %parallel_loop3A_276 : vector<1x16xf32> to vector<16xf32>
        %parallel_loop3A_278 = arith.index_cast %parallel_loop3A_214 : i32 to index
        %parallel_loop3A_279 = arith.constant 336 : index
        %parallel_loop3A_280 = tpu.vector_load %arg14[%parallel_loop3A_278, %parallel_loop3A_279] {strides = array<i32>} : memref<8x1024xf32, #tpu.memory_space<vmem>>, vector<1x16xf32>,
        %parallel_loop3A_281 = vector.shape_cast %parallel_loop3A_280 : vector<1x16xf32> to vector<16xf32>
        %parallel_loop3A_282 = arith.subf %parallel_loop3A_277, %parallel_loop3A_281 : vector<16xf32>
        %parallel_loop3A_283 = arith.mulf %parallel_loop3A_282, %parallel_loop3A_282 : vector<16xf32>
        %parallel_loop3A_284 = arith.addf %parallel_loop3A_240, %parallel_loop3A_283 : vector<16xf32>
        %parallel_loop3A_285 = arith.index_cast %parallel_loop3A_214 : i32 to index
        %parallel_loop3A_286 = arith.constant 352 : index
        %parallel_loop3A_287 = tpu.vector_load %arg10[%parallel_loop3A_285, %parallel_loop3A_286] {strides = array<i32>} : memref<8x1024xf32, #tpu.memory_space<vmem>>, vector<1x16xf32>,
        %parallel_loop3A_288 = vector.shape_cast %parallel_loop3A_287 : vector<1x16xf32> to vector<16xf32>
        %parallel_loop3A_289 = arith.index_cast %parallel_loop3A_214 : i32 to index
        %parallel_loop3A_290 = arith.constant 352 : index
        %parallel_loop3A_291 = tpu.vector_load %arg14[%parallel_loop3A_289, %parallel_loop3A_290] {strides = array<i32>} : memref<8x1024xf32, #tpu.memory_space<vmem>>, vector<1x16xf32>,
        %parallel_loop3A_292 = vector.shape_cast %parallel_loop3A_291 : vector<1x16xf32> to vector<16xf32>
        %parallel_loop3A_293 = arith.subf %parallel_loop3A_288, %parallel_loop3A_292 : vector<16xf32>
        %parallel_loop3A_294 = arith.mulf %parallel_loop3A_293, %parallel_loop3A_293 : vector<16xf32>
        %parallel_loop3A_295 = arith.addf %parallel_loop3A_251, %parallel_loop3A_294 : vector<16xf32>
        %parallel_loop3A_296 = arith.index_cast %parallel_loop3A_214 : i32 to index
        %parallel_loop3A_297 = arith.constant 368 : index
        %parallel_loop3A_298 = tpu.vector_load %arg10[%parallel_loop3A_296, %parallel_loop3A_297] {strides = array<i32>} : memref<8x1024xf32, #tpu.memory_space<vmem>>, vector<1x16xf32>,
        %parallel_loop3A_299 = vector.shape_cast %parallel_loop3A_298 : vector<1x16xf32> to vector<16xf32>
        %parallel_loop3A_300 = arith.index_cast %parallel_loop3A_214 : i32 to index
        %parallel_loop3A_301 = arith.constant 368 : index
        %parallel_loop3A_302 = tpu.vector_load %arg14[%parallel_loop3A_300, %parallel_loop3A_301] {strides = array<i32>} : memref<8x1024xf32, #tpu.memory_space<vmem>>, vector<1x16xf32>,
        %parallel_loop3A_303 = vector.shape_cast %parallel_loop3A_302 : vector<1x16xf32> to vector<16xf32>
        %parallel_loop3A_304 = arith.subf %parallel_loop3A_299, %parallel_loop3A_303 : vector<16xf32>
        %parallel_loop3A_305 = arith.mulf %parallel_loop3A_304, %parallel_loop3A_304 : vector<16xf32>
        %parallel_loop3A_306 = arith.addf %parallel_loop3A_262, %parallel_loop3A_305 : vector<16xf32>
        %parallel_loop3A_307 = arith.index_cast %parallel_loop3A_214 : i32 to index
        %parallel_loop3A_308 = arith.constant 384 : index
        %parallel_loop3A_309 = tpu.vector_load %arg10[%parallel_loop3A_307, %parallel_loop3A_308] {strides = array<i32>} : memref<8x1024xf32, #tpu.memory_space<vmem>>, vector<1x16xf32>,
        %parallel_loop3A_310 = vector.shape_cast %parallel_loop3A_309 : vector<1x16xf32> to vector<16xf32>
        %parallel_loop3A_311 = arith.index_cast %parallel_loop3A_214 : i32 to index
        %parallel_loop3A_312 = arith.constant 384 : index
        %parallel_loop3A_313 = tpu.vector_load %arg14[%parallel_loop3A_311, %parallel_loop3A_312] {strides = array<i32>} : memref<8x1024xf32, #tpu.memory_space<vmem>>, vector<1x16xf32>,
        %parallel_loop3A_314 = vector.shape_cast %parallel_loop3A_313 : vector<1x16xf32> to vector<16xf32>
        %parallel_loop3A_315 = arith.subf %parallel_loop3A_310, %parallel_loop3A_314 : vector<16xf32>
        %parallel_loop3A_316 = arith.mulf %parallel_loop3A_315, %parallel_loop3A_315 : vector<16xf32>
        %parallel_loop3A_317 = arith.addf %parallel_loop3A_273, %parallel_loop3A_316 : vector<16xf32>
        %parallel_loop3A_318 = arith.index_cast %parallel_loop3A_214 : i32 to index
        %parallel_loop3A_319 = arith.constant 400 : index
        %parallel_loop3A_320 = tpu.vector_load %arg10[%parallel_loop3A_318, %parallel_loop3A_319] {strides = array<i32>} : memref<8x1024xf32, #tpu.memory_space<vmem>>, vector<1x16xf32>,
        %parallel_loop3A_321 = vector.shape_cast %parallel_loop3A_320 : vector<1x16xf32> to vector<16xf32>
        %parallel_loop3A_322 = arith.index_cast %parallel_loop3A_214 : i32 to index
        %parallel_loop3A_323 = arith.constant 400 : index
        %parallel_loop3A_324 = tpu.vector_load %arg14[%parallel_loop3A_322, %parallel_loop3A_323] {strides = array<i32>} : memref<8x1024xf32, #tpu.memory_space<vmem>>, vector<1x16xf32>,
        %parallel_loop3A_325 = vector.shape_cast %parallel_loop3A_324 : vector<1x16xf32> to vector<16xf32>
        %parallel_loop3A_326 = arith.subf %parallel_loop3A_321, %parallel_loop3A_325 : vector<16xf32>
        %parallel_loop3A_327 = arith.mulf %parallel_loop3A_326, %parallel_loop3A_326 : vector<16xf32>
        %parallel_loop3A_328 = arith.addf %parallel_loop3A_284, %parallel_loop3A_327 : vector<16xf32>
        %parallel_loop3A_329 = arith.index_cast %parallel_loop3A_214 : i32 to index
        %parallel_loop3A_330 = arith.constant 416 : index
        %parallel_loop3A_331 = tpu.vector_load %arg10[%parallel_loop3A_329, %parallel_loop3A_330] {strides = array<i32>} : memref<8x1024xf32, #tpu.memory_space<vmem>>, vector<1x16xf32>,
        %parallel_loop3A_332 = vector.shape_cast %parallel_loop3A_331 : vector<1x16xf32> to vector<16xf32>
        %parallel_loop3A_333 = arith.index_cast %parallel_loop3A_214 : i32 to index
        %parallel_loop3A_334 = arith.constant 416 : index
        %parallel_loop3A_335 = tpu.vector_load %arg14[%parallel_loop3A_333, %parallel_loop3A_334] {strides = array<i32>} : memref<8x1024xf32, #tpu.memory_space<vmem>>, vector<1x16xf32>,
        %parallel_loop3A_336 = vector.shape_cast %parallel_loop3A_335 : vector<1x16xf32> to vector<16xf32>
        %parallel_loop3A_337 = arith.subf %parallel_loop3A_332, %parallel_loop3A_336 : vector<16xf32>
        %parallel_loop3A_338 = arith.mulf %parallel_loop3A_337, %parallel_loop3A_337 : vector<16xf32>
        %parallel_loop3A_339 = arith.addf %parallel_loop3A_295, %parallel_loop3A_338 : vector<16xf32>
        %parallel_loop3A_340 = arith.index_cast %parallel_loop3A_214 : i32 to index
        %parallel_loop3A_341 = arith.constant 432 : index
        %parallel_loop3A_342 = tpu.vector_load %arg10[%parallel_loop3A_340, %parallel_loop3A_341] {strides = array<i32>} : memref<8x1024xf32, #tpu.memory_space<vmem>>, vector<1x16xf32>,
        %parallel_loop3A_343 = vector.shape_cast %parallel_loop3A_342 : vector<1x16xf32> to vector<16xf32>
        %parallel_loop3A_344 = arith.index_cast %parallel_loop3A_214 : i32 to index
        %parallel_loop3A_345 = arith.constant 432 : index
        %parallel_loop3A_346 = tpu.vector_load %arg14[%parallel_loop3A_344, %parallel_loop3A_345] {strides = array<i32>} : memref<8x1024xf32, #tpu.memory_space<vmem>>, vector<1x16xf32>,
        %parallel_loop3A_347 = vector.shape_cast %parallel_loop3A_346 : vector<1x16xf32> to vector<16xf32>
        %parallel_loop3A_348 = arith.subf %parallel_loop3A_343, %parallel_loop3A_347 : vector<16xf32>
        %parallel_loop3A_349 = arith.mulf %parallel_loop3A_348, %parallel_loop3A_348 : vector<16xf32>
        %parallel_loop3A_350 = arith.addf %parallel_loop3A_306, %parallel_loop3A_349 : vector<16xf32>
        %parallel_loop3A_351 = arith.index_cast %parallel_loop3A_214 : i32 to index
        %parallel_loop3A_352 = arith.constant 448 : index
        %parallel_loop3A_353 = tpu.vector_load %arg10[%parallel_loop3A_351, %parallel_loop3A_352] {strides = array<i32>} : memref<8x1024xf32, #tpu.memory_space<vmem>>, vector<1x16xf32>,
        %parallel_loop3A_354 = vector.shape_cast %parallel_loop3A_353 : vector<1x16xf32> to vector<16xf32>
        %parallel_loop3A_355 = arith.index_cast %parallel_loop3A_214 : i32 to index
        %parallel_loop3A_356 = arith.constant 448 : index
        %parallel_loop3A_357 = tpu.vector_load %arg14[%parallel_loop3A_355, %parallel_loop3A_356] {strides = array<i32>} : memref<8x1024xf32, #tpu.memory_space<vmem>>, vector<1x16xf32>,
        %parallel_loop3A_358 = vector.shape_cast %parallel_loop3A_357 : vector<1x16xf32> to vector<16xf32>
        %parallel_loop3A_359 = arith.subf %parallel_loop3A_354, %parallel_loop3A_358 : vector<16xf32>
        %parallel_loop3A_360 = arith.mulf %parallel_loop3A_359, %parallel_loop3A_359 : vector<16xf32>
        %parallel_loop3A_361 = arith.addf %parallel_loop3A_317, %parallel_loop3A_360 : vector<16xf32>
        %parallel_loop3A_362 = arith.index_cast %parallel_loop3A_214 : i32 to index
        %parallel_loop3A_363 = arith.constant 464 : index
        %parallel_loop3A_364 = tpu.vector_load %arg10[%parallel_loop3A_362, %parallel_loop3A_363] {strides = array<i32>} : memref<8x1024xf32, #tpu.memory_space<vmem>>, vector<1x16xf32>,
        %parallel_loop3A_365 = vector.shape_cast %parallel_loop3A_364 : vector<1x16xf32> to vector<16xf32>
        %parallel_loop3A_366 = arith.index_cast %parallel_loop3A_214 : i32 to index
        %parallel_loop3A_367 = arith.constant 464 : index
        %parallel_loop3A_368 = tpu.vector_load %arg14[%parallel_loop3A_366, %parallel_loop3A_367] {strides = array<i32>} : memref<8x1024xf32, #tpu.memory_space<vmem>>, vector<1x16xf32>,
        %parallel_loop3A_369 = vector.shape_cast %parallel_loop3A_368 : vector<1x16xf32> to vector<16xf32>
        %parallel_loop3A_370 = arith.subf %parallel_loop3A_365, %parallel_loop3A_369 : vector<16xf32>
        %parallel_loop3A_371 = arith.mulf %parallel_loop3A_370, %parallel_loop3A_370 : vector<16xf32>
        %parallel_loop3A_372 = arith.addf %parallel_loop3A_328, %parallel_loop3A_371 : vector<16xf32>
        %parallel_loop3A_373 = arith.index_cast %parallel_loop3A_214 : i32 to index
        %parallel_loop3A_374 = arith.constant 480 : index
        %parallel_loop3A_375 = tpu.vector_load %arg10[%parallel_loop3A_373, %parallel_loop3A_374] {strides = array<i32>} : memref<8x1024xf32, #tpu.memory_space<vmem>>, vector<1x16xf32>,
        %parallel_loop3A_376 = vector.shape_cast %parallel_loop3A_375 : vector<1x16xf32> to vector<16xf32>
        %parallel_loop3A_377 = arith.index_cast %parallel_loop3A_214 : i32 to index
        %parallel_loop3A_378 = arith.constant 480 : index
        %parallel_loop3A_379 = tpu.vector_load %arg14[%parallel_loop3A_377, %parallel_loop3A_378] {strides = array<i32>} : memref<8x1024xf32, #tpu.memory_space<vmem>>, vector<1x16xf32>,
        %parallel_loop3A_380 = vector.shape_cast %parallel_loop3A_379 : vector<1x16xf32> to vector<16xf32>
        %parallel_loop3A_381 = arith.subf %parallel_loop3A_376, %parallel_loop3A_380 : vector<16xf32>
        %parallel_loop3A_382 = arith.mulf %parallel_loop3A_381, %parallel_loop3A_381 : vector<16xf32>
        %parallel_loop3A_383 = arith.addf %parallel_loop3A_339, %parallel_loop3A_382 : vector<16xf32>
        %parallel_loop3A_384 = arith.index_cast %parallel_loop3A_214 : i32 to index
        %parallel_loop3A_385 = arith.constant 496 : index
        %parallel_loop3A_386 = tpu.vector_load %arg10[%parallel_loop3A_384, %parallel_loop3A_385] {strides = array<i32>} : memref<8x1024xf32, #tpu.memory_space<vmem>>, vector<1x16xf32>,
        %parallel_loop3A_387 = vector.shape_cast %parallel_loop3A_386 : vector<1x16xf32> to vector<16xf32>
        %parallel_loop3A_388 = arith.index_cast %parallel_loop3A_214 : i32 to index
        %parallel_loop3A_389 = arith.constant 496 : index
        %parallel_loop3A_390 = tpu.vector_load %arg14[%parallel_loop3A_388, %parallel_loop3A_389] {strides = array<i32>} : memref<8x1024xf32, #tpu.memory_space<vmem>>, vector<1x16xf32>,
        %parallel_loop3A_391 = vector.shape_cast %parallel_loop3A_390 : vector<1x16xf32> to vector<16xf32>
        %parallel_loop3A_392 = arith.subf %parallel_loop3A_387, %parallel_loop3A_391 : vector<16xf32>
        %parallel_loop3A_393 = arith.mulf %parallel_loop3A_392, %parallel_loop3A_392 : vector<16xf32>
        %parallel_loop3A_394 = arith.addf %parallel_loop3A_350, %parallel_loop3A_393 : vector<16xf32>
        scf.yield %parallel_loop3A_361, %parallel_loop3A_372, %parallel_loop3A_383, %parallel_loop3A_394 : vector<16xf32>, vector<16xf32>, vector<16xf32>, vector<16xf32>
      } {sc.loop_unroll_factor = 2 : i64, sc.parallel_access}
      %parallel_loop3A_206 = arith.constant 0 : i32
      %parallel_loop3A_207 = arith.constant 8 : i32
      %parallel_loop3A_208 = arith.constant 1 : i32
      %parallel_loop3A_209:4 = scf.for %parallel_loop3A_214 = %parallel_loop3A_206 to %parallel_loop3A_207 step %parallel_loop3A_208 iter_args(%parallel_loop3A_215 = %parallel_loop3A_205#0, %parallel_loop3A_216 = %parallel_loop3A_205#1, %parallel_loop3A_217 = %parallel_loop3A_205#2, %parallel_loop3A_218 = %parallel_loop3A_205#3) -> (vector<16xf32>, vector<16xf32>, vector<16xf32>, vector<16xf32>)  : i32 {
        %parallel_loop3A_219 = arith.index_cast %parallel_loop3A_214 : i32 to index
        %parallel_loop3A_220 = arith.constant 512 : index
        %parallel_loop3A_221 = tpu.vector_load %arg10[%parallel_loop3A_219, %parallel_loop3A_220] {strides = array<i32>} : memref<8x1024xf32, #tpu.memory_space<vmem>>, vector<1x16xf32>,
        %parallel_loop3A_222 = vector.shape_cast %parallel_loop3A_221 : vector<1x16xf32> to vector<16xf32>
        %parallel_loop3A_223 = arith.index_cast %parallel_loop3A_214 : i32 to index
        %parallel_loop3A_224 = arith.constant 512 : index
        %parallel_loop3A_225 = tpu.vector_load %arg14[%parallel_loop3A_223, %parallel_loop3A_224] {strides = array<i32>} : memref<8x1024xf32, #tpu.memory_space<vmem>>, vector<1x16xf32>,
        %parallel_loop3A_226 = vector.shape_cast %parallel_loop3A_225 : vector<1x16xf32> to vector<16xf32>
        %parallel_loop3A_227 = arith.subf %parallel_loop3A_222, %parallel_loop3A_226 : vector<16xf32>
        %parallel_loop3A_228 = arith.mulf %parallel_loop3A_227, %parallel_loop3A_227 : vector<16xf32>
        %parallel_loop3A_229 = arith.addf %parallel_loop3A_215, %parallel_loop3A_228 : vector<16xf32>
        %parallel_loop3A_230 = arith.index_cast %parallel_loop3A_214 : i32 to index
        %parallel_loop3A_231 = arith.constant 528 : index
        %parallel_loop3A_232 = tpu.vector_load %arg10[%parallel_loop3A_230, %parallel_loop3A_231] {strides = array<i32>} : memref<8x1024xf32, #tpu.memory_space<vmem>>, vector<1x16xf32>,
        %parallel_loop3A_233 = vector.shape_cast %parallel_loop3A_232 : vector<1x16xf32> to vector<16xf32>
        %parallel_loop3A_234 = arith.index_cast %parallel_loop3A_214 : i32 to index
        %parallel_loop3A_235 = arith.constant 528 : index
        %parallel_loop3A_236 = tpu.vector_load %arg14[%parallel_loop3A_234, %parallel_loop3A_235] {strides = array<i32>} : memref<8x1024xf32, #tpu.memory_space<vmem>>, vector<1x16xf32>,
        %parallel_loop3A_237 = vector.shape_cast %parallel_loop3A_236 : vector<1x16xf32> to vector<16xf32>
        %parallel_loop3A_238 = arith.subf %parallel_loop3A_233, %parallel_loop3A_237 : vector<16xf32>
        %parallel_loop3A_239 = arith.mulf %parallel_loop3A_238, %parallel_loop3A_238 : vector<16xf32>
        %parallel_loop3A_240 = arith.addf %parallel_loop3A_216, %parallel_loop3A_239 : vector<16xf32>
        %parallel_loop3A_241 = arith.index_cast %parallel_loop3A_214 : i32 to index
        %parallel_loop3A_242 = arith.constant 544 : index
        %parallel_loop3A_243 = tpu.vector_load %arg10[%parallel_loop3A_241, %parallel_loop3A_242] {strides = array<i32>} : memref<8x1024xf32, #tpu.memory_space<vmem>>, vector<1x16xf32>,
        %parallel_loop3A_244 = vector.shape_cast %parallel_loop3A_243 : vector<1x16xf32> to vector<16xf32>
        %parallel_loop3A_245 = arith.index_cast %parallel_loop3A_214 : i32 to index
        %parallel_loop3A_246 = arith.constant 544 : index
        %parallel_loop3A_247 = tpu.vector_load %arg14[%parallel_loop3A_245, %parallel_loop3A_246] {strides = array<i32>} : memref<8x1024xf32, #tpu.memory_space<vmem>>, vector<1x16xf32>,
        %parallel_loop3A_248 = vector.shape_cast %parallel_loop3A_247 : vector<1x16xf32> to vector<16xf32>
        %parallel_loop3A_249 = arith.subf %parallel_loop3A_244, %parallel_loop3A_248 : vector<16xf32>
        %parallel_loop3A_250 = arith.mulf %parallel_loop3A_249, %parallel_loop3A_249 : vector<16xf32>
        %parallel_loop3A_251 = arith.addf %parallel_loop3A_217, %parallel_loop3A_250 : vector<16xf32>
        %parallel_loop3A_252 = arith.index_cast %parallel_loop3A_214 : i32 to index
        %parallel_loop3A_253 = arith.constant 560 : index
        %parallel_loop3A_254 = tpu.vector_load %arg10[%parallel_loop3A_252, %parallel_loop3A_253] {strides = array<i32>} : memref<8x1024xf32, #tpu.memory_space<vmem>>, vector<1x16xf32>,
        %parallel_loop3A_255 = vector.shape_cast %parallel_loop3A_254 : vector<1x16xf32> to vector<16xf32>
        %parallel_loop3A_256 = arith.index_cast %parallel_loop3A_214 : i32 to index
        %parallel_loop3A_257 = arith.constant 560 : index
        %parallel_loop3A_258 = tpu.vector_load %arg14[%parallel_loop3A_256, %parallel_loop3A_257] {strides = array<i32>} : memref<8x1024xf32, #tpu.memory_space<vmem>>, vector<1x16xf32>,
        %parallel_loop3A_259 = vector.shape_cast %parallel_loop3A_258 : vector<1x16xf32> to vector<16xf32>
        %parallel_loop3A_260 = arith.subf %parallel_loop3A_255, %parallel_loop3A_259 : vector<16xf32>
        %parallel_loop3A_261 = arith.mulf %parallel_loop3A_260, %parallel_loop3A_260 : vector<16xf32>
        %parallel_loop3A_262 = arith.addf %parallel_loop3A_218, %parallel_loop3A_261 : vector<16xf32>
        %parallel_loop3A_263 = arith.index_cast %parallel_loop3A_214 : i32 to index
        %parallel_loop3A_264 = arith.constant 576 : index
        %parallel_loop3A_265 = tpu.vector_load %arg10[%parallel_loop3A_263, %parallel_loop3A_264] {strides = array<i32>} : memref<8x1024xf32, #tpu.memory_space<vmem>>, vector<1x16xf32>,
        %parallel_loop3A_266 = vector.shape_cast %parallel_loop3A_265 : vector<1x16xf32> to vector<16xf32>
        %parallel_loop3A_267 = arith.index_cast %parallel_loop3A_214 : i32 to index
        %parallel_loop3A_268 = arith.constant 576 : index
        %parallel_loop3A_269 = tpu.vector_load %arg14[%parallel_loop3A_267, %parallel_loop3A_268] {strides = array<i32>} : memref<8x1024xf32, #tpu.memory_space<vmem>>, vector<1x16xf32>,
        %parallel_loop3A_270 = vector.shape_cast %parallel_loop3A_269 : vector<1x16xf32> to vector<16xf32>
        %parallel_loop3A_271 = arith.subf %parallel_loop3A_266, %parallel_loop3A_270 : vector<16xf32>
        %parallel_loop3A_272 = arith.mulf %parallel_loop3A_271, %parallel_loop3A_271 : vector<16xf32>
        %parallel_loop3A_273 = arith.addf %parallel_loop3A_229, %parallel_loop3A_272 : vector<16xf32>
        %parallel_loop3A_274 = arith.index_cast %parallel_loop3A_214 : i32 to index
        %parallel_loop3A_275 = arith.constant 592 : index
        %parallel_loop3A_276 = tpu.vector_load %arg10[%parallel_loop3A_274, %parallel_loop3A_275] {strides = array<i32>} : memref<8x1024xf32, #tpu.memory_space<vmem>>, vector<1x16xf32>,
        %parallel_loop3A_277 = vector.shape_cast %parallel_loop3A_276 : vector<1x16xf32> to vector<16xf32>
        %parallel_loop3A_278 = arith.index_cast %parallel_loop3A_214 : i32 to index
        %parallel_loop3A_279 = arith.constant 592 : index
        %parallel_loop3A_280 = tpu.vector_load %arg14[%parallel_loop3A_278, %parallel_loop3A_279] {strides = array<i32>} : memref<8x1024xf32, #tpu.memory_space<vmem>>, vector<1x16xf32>,
        %parallel_loop3A_281 = vector.shape_cast %parallel_loop3A_280 : vector<1x16xf32> to vector<16xf32>
        %parallel_loop3A_282 = arith.subf %parallel_loop3A_277, %parallel_loop3A_281 : vector<16xf32>
        %parallel_loop3A_283 = arith.mulf %parallel_loop3A_282, %parallel_loop3A_282 : vector<16xf32>
        %parallel_loop3A_284 = arith.addf %parallel_loop3A_240, %parallel_loop3A_283 : vector<16xf32>
        %parallel_loop3A_285 = arith.index_cast %parallel_loop3A_214 : i32 to index
        %parallel_loop3A_286 = arith.constant 608 : index
        %parallel_loop3A_287 = tpu.vector_load %arg10[%parallel_loop3A_285, %parallel_loop3A_286] {strides = array<i32>} : memref<8x1024xf32, #tpu.memory_space<vmem>>, vector<1x16xf32>,
        %parallel_loop3A_288 = vector.shape_cast %parallel_loop3A_287 : vector<1x16xf32> to vector<16xf32>
        %parallel_loop3A_289 = arith.index_cast %parallel_loop3A_214 : i32 to index
        %parallel_loop3A_290 = arith.constant 608 : index
        %parallel_loop3A_291 = tpu.vector_load %arg14[%parallel_loop3A_289, %parallel_loop3A_290] {strides = array<i32>} : memref<8x1024xf32, #tpu.memory_space<vmem>>, vector<1x16xf32>,
        %parallel_loop3A_292 = vector.shape_cast %parallel_loop3A_291 : vector<1x16xf32> to vector<16xf32>
        %parallel_loop3A_293 = arith.subf %parallel_loop3A_288, %parallel_loop3A_292 : vector<16xf32>
        %parallel_loop3A_294 = arith.mulf %parallel_loop3A_293, %parallel_loop3A_293 : vector<16xf32>
        %parallel_loop3A_295 = arith.addf %parallel_loop3A_251, %parallel_loop3A_294 : vector<16xf32>
        %parallel_loop3A_296 = arith.index_cast %parallel_loop3A_214 : i32 to index
        %parallel_loop3A_297 = arith.constant 624 : index
        %parallel_loop3A_298 = tpu.vector_load %arg10[%parallel_loop3A_296, %parallel_loop3A_297] {strides = array<i32>} : memref<8x1024xf32, #tpu.memory_space<vmem>>, vector<1x16xf32>,
        %parallel_loop3A_299 = vector.shape_cast %parallel_loop3A_298 : vector<1x16xf32> to vector<16xf32>
        %parallel_loop3A_300 = arith.index_cast %parallel_loop3A_214 : i32 to index
        %parallel_loop3A_301 = arith.constant 624 : index
        %parallel_loop3A_302 = tpu.vector_load %arg14[%parallel_loop3A_300, %parallel_loop3A_301] {strides = array<i32>} : memref<8x1024xf32, #tpu.memory_space<vmem>>, vector<1x16xf32>,
        %parallel_loop3A_303 = vector.shape_cast %parallel_loop3A_302 : vector<1x16xf32> to vector<16xf32>
        %parallel_loop3A_304 = arith.subf %parallel_loop3A_299, %parallel_loop3A_303 : vector<16xf32>
        %parallel_loop3A_305 = arith.mulf %parallel_loop3A_304, %parallel_loop3A_304 : vector<16xf32>
        %parallel_loop3A_306 = arith.addf %parallel_loop3A_262, %parallel_loop3A_305 : vector<16xf32>
        %parallel_loop3A_307 = arith.index_cast %parallel_loop3A_214 : i32 to index
        %parallel_loop3A_308 = arith.constant 640 : index
        %parallel_loop3A_309 = tpu.vector_load %arg10[%parallel_loop3A_307, %parallel_loop3A_308] {strides = array<i32>} : memref<8x1024xf32, #tpu.memory_space<vmem>>, vector<1x16xf32>,
        %parallel_loop3A_310 = vector.shape_cast %parallel_loop3A_309 : vector<1x16xf32> to vector<16xf32>
        %parallel_loop3A_311 = arith.index_cast %parallel_loop3A_214 : i32 to index
        %parallel_loop3A_312 = arith.constant 640 : index
        %parallel_loop3A_313 = tpu.vector_load %arg14[%parallel_loop3A_311, %parallel_loop3A_312] {strides = array<i32>} : memref<8x1024xf32, #tpu.memory_space<vmem>>, vector<1x16xf32>,
        %parallel_loop3A_314 = vector.shape_cast %parallel_loop3A_313 : vector<1x16xf32> to vector<16xf32>
        %parallel_loop3A_315 = arith.subf %parallel_loop3A_310, %parallel_loop3A_314 : vector<16xf32>
        %parallel_loop3A_316 = arith.mulf %parallel_loop3A_315, %parallel_loop3A_315 : vector<16xf32>
        %parallel_loop3A_317 = arith.addf %parallel_loop3A_273, %parallel_loop3A_316 : vector<16xf32>
        %parallel_loop3A_318 = arith.index_cast %parallel_loop3A_214 : i32 to index
        %parallel_loop3A_319 = arith.constant 656 : index
        %parallel_loop3A_320 = tpu.vector_load %arg10[%parallel_loop3A_318, %parallel_loop3A_319] {strides = array<i32>} : memref<8x1024xf32, #tpu.memory_space<vmem>>, vector<1x16xf32>,
        %parallel_loop3A_321 = vector.shape_cast %parallel_loop3A_320 : vector<1x16xf32> to vector<16xf32>
        %parallel_loop3A_322 = arith.index_cast %parallel_loop3A_214 : i32 to index
        %parallel_loop3A_323 = arith.constant 656 : index
        %parallel_loop3A_324 = tpu.vector_load %arg14[%parallel_loop3A_322, %parallel_loop3A_323] {strides = array<i32>} : memref<8x1024xf32, #tpu.memory_space<vmem>>, vector<1x16xf32>,
        %parallel_loop3A_325 = vector.shape_cast %parallel_loop3A_324 : vector<1x16xf32> to vector<16xf32>
        %parallel_loop3A_326 = arith.subf %parallel_loop3A_321, %parallel_loop3A_325 : vector<16xf32>
        %parallel_loop3A_327 = arith.mulf %parallel_loop3A_326, %parallel_loop3A_326 : vector<16xf32>
        %parallel_loop3A_328 = arith.addf %parallel_loop3A_284, %parallel_loop3A_327 : vector<16xf32>
        %parallel_loop3A_329 = arith.index_cast %parallel_loop3A_214 : i32 to index
        %parallel_loop3A_330 = arith.constant 672 : index
        %parallel_loop3A_331 = tpu.vector_load %arg10[%parallel_loop3A_329, %parallel_loop3A_330] {strides = array<i32>} : memref<8x1024xf32, #tpu.memory_space<vmem>>, vector<1x16xf32>,
        %parallel_loop3A_332 = vector.shape_cast %parallel_loop3A_331 : vector<1x16xf32> to vector<16xf32>
        %parallel_loop3A_333 = arith.index_cast %parallel_loop3A_214 : i32 to index
        %parallel_loop3A_334 = arith.constant 672 : index
        %parallel_loop3A_335 = tpu.vector_load %arg14[%parallel_loop3A_333, %parallel_loop3A_334] {strides = array<i32>} : memref<8x1024xf32, #tpu.memory_space<vmem>>, vector<1x16xf32>,
        %parallel_loop3A_336 = vector.shape_cast %parallel_loop3A_335 : vector<1x16xf32> to vector<16xf32>
        %parallel_loop3A_337 = arith.subf %parallel_loop3A_332, %parallel_loop3A_336 : vector<16xf32>
        %parallel_loop3A_338 = arith.mulf %parallel_loop3A_337, %parallel_loop3A_337 : vector<16xf32>
        %parallel_loop3A_339 = arith.addf %parallel_loop3A_295, %parallel_loop3A_338 : vector<16xf32>
        %parallel_loop3A_340 = arith.index_cast %parallel_loop3A_214 : i32 to index
        %parallel_loop3A_341 = arith.constant 688 : index
        %parallel_loop3A_342 = tpu.vector_load %arg10[%parallel_loop3A_340, %parallel_loop3A_341] {strides = array<i32>} : memref<8x1024xf32, #tpu.memory_space<vmem>>, vector<1x16xf32>,
        %parallel_loop3A_343 = vector.shape_cast %parallel_loop3A_342 : vector<1x16xf32> to vector<16xf32>
        %parallel_loop3A_344 = arith.index_cast %parallel_loop3A_214 : i32 to index
        %parallel_loop3A_345 = arith.constant 688 : index
        %parallel_loop3A_346 = tpu.vector_load %arg14[%parallel_loop3A_344, %parallel_loop3A_345] {strides = array<i32>} : memref<8x1024xf32, #tpu.memory_space<vmem>>, vector<1x16xf32>,
        %parallel_loop3A_347 = vector.shape_cast %parallel_loop3A_346 : vector<1x16xf32> to vector<16xf32>
        %parallel_loop3A_348 = arith.subf %parallel_loop3A_343, %parallel_loop3A_347 : vector<16xf32>
        %parallel_loop3A_349 = arith.mulf %parallel_loop3A_348, %parallel_loop3A_348 : vector<16xf32>
        %parallel_loop3A_350 = arith.addf %parallel_loop3A_306, %parallel_loop3A_349 : vector<16xf32>
        %parallel_loop3A_351 = arith.index_cast %parallel_loop3A_214 : i32 to index
        %parallel_loop3A_352 = arith.constant 704 : index
        %parallel_loop3A_353 = tpu.vector_load %arg10[%parallel_loop3A_351, %parallel_loop3A_352] {strides = array<i32>} : memref<8x1024xf32, #tpu.memory_space<vmem>>, vector<1x16xf32>,
        %parallel_loop3A_354 = vector.shape_cast %parallel_loop3A_353 : vector<1x16xf32> to vector<16xf32>
        %parallel_loop3A_355 = arith.index_cast %parallel_loop3A_214 : i32 to index
        %parallel_loop3A_356 = arith.constant 704 : index
        %parallel_loop3A_357 = tpu.vector_load %arg14[%parallel_loop3A_355, %parallel_loop3A_356] {strides = array<i32>} : memref<8x1024xf32, #tpu.memory_space<vmem>>, vector<1x16xf32>,
        %parallel_loop3A_358 = vector.shape_cast %parallel_loop3A_357 : vector<1x16xf32> to vector<16xf32>
        %parallel_loop3A_359 = arith.subf %parallel_loop3A_354, %parallel_loop3A_358 : vector<16xf32>
        %parallel_loop3A_360 = arith.mulf %parallel_loop3A_359, %parallel_loop3A_359 : vector<16xf32>
        %parallel_loop3A_361 = arith.addf %parallel_loop3A_317, %parallel_loop3A_360 : vector<16xf32>
        %parallel_loop3A_362 = arith.index_cast %parallel_loop3A_214 : i32 to index
        %parallel_loop3A_363 = arith.constant 720 : index
        %parallel_loop3A_364 = tpu.vector_load %arg10[%parallel_loop3A_362, %parallel_loop3A_363] {strides = array<i32>} : memref<8x1024xf32, #tpu.memory_space<vmem>>, vector<1x16xf32>,
        %parallel_loop3A_365 = vector.shape_cast %parallel_loop3A_364 : vector<1x16xf32> to vector<16xf32>
        %parallel_loop3A_366 = arith.index_cast %parallel_loop3A_214 : i32 to index
        %parallel_loop3A_367 = arith.constant 720 : index
        %parallel_loop3A_368 = tpu.vector_load %arg14[%parallel_loop3A_366, %parallel_loop3A_367] {strides = array<i32>} : memref<8x1024xf32, #tpu.memory_space<vmem>>, vector<1x16xf32>,
        %parallel_loop3A_369 = vector.shape_cast %parallel_loop3A_368 : vector<1x16xf32> to vector<16xf32>
        %parallel_loop3A_370 = arith.subf %parallel_loop3A_365, %parallel_loop3A_369 : vector<16xf32>
        %parallel_loop3A_371 = arith.mulf %parallel_loop3A_370, %parallel_loop3A_370 : vector<16xf32>
        %parallel_loop3A_372 = arith.addf %parallel_loop3A_328, %parallel_loop3A_371 : vector<16xf32>
        %parallel_loop3A_373 = arith.index_cast %parallel_loop3A_214 : i32 to index
        %parallel_loop3A_374 = arith.constant 736 : index
        %parallel_loop3A_375 = tpu.vector_load %arg10[%parallel_loop3A_373, %parallel_loop3A_374] {strides = array<i32>} : memref<8x1024xf32, #tpu.memory_space<vmem>>, vector<1x16xf32>,
        %parallel_loop3A_376 = vector.shape_cast %parallel_loop3A_375 : vector<1x16xf32> to vector<16xf32>
        %parallel_loop3A_377 = arith.index_cast %parallel_loop3A_214 : i32 to index
        %parallel_loop3A_378 = arith.constant 736 : index
        %parallel_loop3A_379 = tpu.vector_load %arg14[%parallel_loop3A_377, %parallel_loop3A_378] {strides = array<i32>} : memref<8x1024xf32, #tpu.memory_space<vmem>>, vector<1x16xf32>,
        %parallel_loop3A_380 = vector.shape_cast %parallel_loop3A_379 : vector<1x16xf32> to vector<16xf32>
        %parallel_loop3A_381 = arith.subf %parallel_loop3A_376, %parallel_loop3A_380 : vector<16xf32>
        %parallel_loop3A_382 = arith.mulf %parallel_loop3A_381, %parallel_loop3A_381 : vector<16xf32>
        %parallel_loop3A_383 = arith.addf %parallel_loop3A_339, %parallel_loop3A_382 : vector<16xf32>
        %parallel_loop3A_384 = arith.index_cast %parallel_loop3A_214 : i32 to index
        %parallel_loop3A_385 = arith.constant 752 : index
        %parallel_loop3A_386 = tpu.vector_load %arg10[%parallel_loop3A_384, %parallel_loop3A_385] {strides = array<i32>} : memref<8x1024xf32, #tpu.memory_space<vmem>>, vector<1x16xf32>,
        %parallel_loop3A_387 = vector.shape_cast %parallel_loop3A_386 : vector<1x16xf32> to vector<16xf32>
        %parallel_loop3A_388 = arith.index_cast %parallel_loop3A_214 : i32 to index
        %parallel_loop3A_389 = arith.constant 752 : index
        %parallel_loop3A_390 = tpu.vector_load %arg14[%parallel_loop3A_388, %parallel_loop3A_389] {strides = array<i32>} : memref<8x1024xf32, #tpu.memory_space<vmem>>, vector<1x16xf32>,
        %parallel_loop3A_391 = vector.shape_cast %parallel_loop3A_390 : vector<1x16xf32> to vector<16xf32>
        %parallel_loop3A_392 = arith.subf %parallel_loop3A_387, %parallel_loop3A_391 : vector<16xf32>
        %parallel_loop3A_393 = arith.mulf %parallel_loop3A_392, %parallel_loop3A_392 : vector<16xf32>
        %parallel_loop3A_394 = arith.addf %parallel_loop3A_350, %parallel_loop3A_393 : vector<16xf32>
        scf.yield %parallel_loop3A_361, %parallel_loop3A_372, %parallel_loop3A_383, %parallel_loop3A_394 : vector<16xf32>, vector<16xf32>, vector<16xf32>, vector<16xf32>
      } {sc.loop_unroll_factor = 2 : i64, sc.parallel_access}
      %parallel_loop3A_210 = arith.constant 0 : i32
      %parallel_loop3A_211 = arith.constant 8 : i32
      %parallel_loop3A_212 = arith.constant 1 : i32
      %parallel_loop3A_213:4 = scf.for %parallel_loop3A_214 = %parallel_loop3A_210 to %parallel_loop3A_211 step %parallel_loop3A_212 iter_args(%parallel_loop3A_215 = %parallel_loop3A_209#0, %parallel_loop3A_216 = %parallel_loop3A_209#1, %parallel_loop3A_217 = %parallel_loop3A_209#2, %parallel_loop3A_218 = %parallel_loop3A_209#3) -> (vector<16xf32>, vector<16xf32>, vector<16xf32>, vector<16xf32>)  : i32 {
        %parallel_loop3A_219 = arith.index_cast %parallel_loop3A_214 : i32 to index
        %parallel_loop3A_220 = arith.constant 768 : index
        %parallel_loop3A_221 = tpu.vector_load %arg10[%parallel_loop3A_219, %parallel_loop3A_220] {strides = array<i32>} : memref<8x1024xf32, #tpu.memory_space<vmem>>, vector<1x16xf32>,
        %parallel_loop3A_222 = vector.shape_cast %parallel_loop3A_221 : vector<1x16xf32> to vector<16xf32>
        %parallel_loop3A_223 = arith.index_cast %parallel_loop3A_214 : i32 to index
        %parallel_loop3A_224 = arith.constant 768 : index
        %parallel_loop3A_225 = tpu.vector_load %arg14[%parallel_loop3A_223, %parallel_loop3A_224] {strides = array<i32>} : memref<8x1024xf32, #tpu.memory_space<vmem>>, vector<1x16xf32>,
        %parallel_loop3A_226 = vector.shape_cast %parallel_loop3A_225 : vector<1x16xf32> to vector<16xf32>
        %parallel_loop3A_227 = arith.subf %parallel_loop3A_222, %parallel_loop3A_226 : vector<16xf32>
        %parallel_loop3A_228 = arith.mulf %parallel_loop3A_227, %parallel_loop3A_227 : vector<16xf32>
        %parallel_loop3A_229 = arith.addf %parallel_loop3A_215, %parallel_loop3A_228 : vector<16xf32>
        %parallel_loop3A_230 = arith.index_cast %parallel_loop3A_214 : i32 to index
        %parallel_loop3A_231 = arith.constant 784 : index
        %parallel_loop3A_232 = tpu.vector_load %arg10[%parallel_loop3A_230, %parallel_loop3A_231] {strides = array<i32>} : memref<8x1024xf32, #tpu.memory_space<vmem>>, vector<1x16xf32>,
        %parallel_loop3A_233 = vector.shape_cast %parallel_loop3A_232 : vector<1x16xf32> to vector<16xf32>
        %parallel_loop3A_234 = arith.index_cast %parallel_loop3A_214 : i32 to index
        %parallel_loop3A_235 = arith.constant 784 : index
        %parallel_loop3A_236 = tpu.vector_load %arg14[%parallel_loop3A_234, %parallel_loop3A_235] {strides = array<i32>} : memref<8x1024xf32, #tpu.memory_space<vmem>>, vector<1x16xf32>,
        %parallel_loop3A_237 = vector.shape_cast %parallel_loop3A_236 : vector<1x16xf32> to vector<16xf32>
        %parallel_loop3A_238 = arith.subf %parallel_loop3A_233, %parallel_loop3A_237 : vector<16xf32>
        %parallel_loop3A_239 = arith.mulf %parallel_loop3A_238, %parallel_loop3A_238 : vector<16xf32>
        %parallel_loop3A_240 = arith.addf %parallel_loop3A_216, %parallel_loop3A_239 : vector<16xf32>
        %parallel_loop3A_241 = arith.index_cast %parallel_loop3A_214 : i32 to index
        %parallel_loop3A_242 = arith.constant 800 : index
        %parallel_loop3A_243 = tpu.vector_load %arg10[%parallel_loop3A_241, %parallel_loop3A_242] {strides = array<i32>} : memref<8x1024xf32, #tpu.memory_space<vmem>>, vector<1x16xf32>,
        %parallel_loop3A_244 = vector.shape_cast %parallel_loop3A_243 : vector<1x16xf32> to vector<16xf32>
        %parallel_loop3A_245 = arith.index_cast %parallel_loop3A_214 : i32 to index
        %parallel_loop3A_246 = arith.constant 800 : index
        %parallel_loop3A_247 = tpu.vector_load %arg14[%parallel_loop3A_245, %parallel_loop3A_246] {strides = array<i32>} : memref<8x1024xf32, #tpu.memory_space<vmem>>, vector<1x16xf32>,
        %parallel_loop3A_248 = vector.shape_cast %parallel_loop3A_247 : vector<1x16xf32> to vector<16xf32>
        %parallel_loop3A_249 = arith.subf %parallel_loop3A_244, %parallel_loop3A_248 : vector<16xf32>
        %parallel_loop3A_250 = arith.mulf %parallel_loop3A_249, %parallel_loop3A_249 : vector<16xf32>
        %parallel_loop3A_251 = arith.addf %parallel_loop3A_217, %parallel_loop3A_250 : vector<16xf32>
        %parallel_loop3A_252 = arith.index_cast %parallel_loop3A_214 : i32 to index
        %parallel_loop3A_253 = arith.constant 816 : index
        %parallel_loop3A_254 = tpu.vector_load %arg10[%parallel_loop3A_252, %parallel_loop3A_253] {strides = array<i32>} : memref<8x1024xf32, #tpu.memory_space<vmem>>, vector<1x16xf32>,
        %parallel_loop3A_255 = vector.shape_cast %parallel_loop3A_254 : vector<1x16xf32> to vector<16xf32>
        %parallel_loop3A_256 = arith.index_cast %parallel_loop3A_214 : i32 to index
        %parallel_loop3A_257 = arith.constant 816 : index
        %parallel_loop3A_258 = tpu.vector_load %arg14[%parallel_loop3A_256, %parallel_loop3A_257] {strides = array<i32>} : memref<8x1024xf32, #tpu.memory_space<vmem>>, vector<1x16xf32>,
        %parallel_loop3A_259 = vector.shape_cast %parallel_loop3A_258 : vector<1x16xf32> to vector<16xf32>
        %parallel_loop3A_260 = arith.subf %parallel_loop3A_255, %parallel_loop3A_259 : vector<16xf32>
        %parallel_loop3A_261 = arith.mulf %parallel_loop3A_260, %parallel_loop3A_260 : vector<16xf32>
        %parallel_loop3A_262 = arith.addf %parallel_loop3A_218, %parallel_loop3A_261 : vector<16xf32>
        %parallel_loop3A_263 = arith.index_cast %parallel_loop3A_214 : i32 to index
        %parallel_loop3A_264 = arith.constant 832 : index
        %parallel_loop3A_265 = tpu.vector_load %arg10[%parallel_loop3A_263, %parallel_loop3A_264] {strides = array<i32>} : memref<8x1024xf32, #tpu.memory_space<vmem>>, vector<1x16xf32>,
        %parallel_loop3A_266 = vector.shape_cast %parallel_loop3A_265 : vector<1x16xf32> to vector<16xf32>
        %parallel_loop3A_267 = arith.index_cast %parallel_loop3A_214 : i32 to index
        %parallel_loop3A_268 = arith.constant 832 : index
        %parallel_loop3A_269 = tpu.vector_load %arg14[%parallel_loop3A_267, %parallel_loop3A_268] {strides = array<i32>} : memref<8x1024xf32, #tpu.memory_space<vmem>>, vector<1x16xf32>,
        %parallel_loop3A_270 = vector.shape_cast %parallel_loop3A_269 : vector<1x16xf32> to vector<16xf32>
        %parallel_loop3A_271 = arith.subf %parallel_loop3A_266, %parallel_loop3A_270 : vector<16xf32>
        %parallel_loop3A_272 = arith.mulf %parallel_loop3A_271, %parallel_loop3A_271 : vector<16xf32>
        %parallel_loop3A_273 = arith.addf %parallel_loop3A_229, %parallel_loop3A_272 : vector<16xf32>
        %parallel_loop3A_274 = arith.index_cast %parallel_loop3A_214 : i32 to index
        %parallel_loop3A_275 = arith.constant 848 : index
        %parallel_loop3A_276 = tpu.vector_load %arg10[%parallel_loop3A_274, %parallel_loop3A_275] {strides = array<i32>} : memref<8x1024xf32, #tpu.memory_space<vmem>>, vector<1x16xf32>,
        %parallel_loop3A_277 = vector.shape_cast %parallel_loop3A_276 : vector<1x16xf32> to vector<16xf32>
        %parallel_loop3A_278 = arith.index_cast %parallel_loop3A_214 : i32 to index
        %parallel_loop3A_279 = arith.constant 848 : index
        %parallel_loop3A_280 = tpu.vector_load %arg14[%parallel_loop3A_278, %parallel_loop3A_279] {strides = array<i32>} : memref<8x1024xf32, #tpu.memory_space<vmem>>, vector<1x16xf32>,
        %parallel_loop3A_281 = vector.shape_cast %parallel_loop3A_280 : vector<1x16xf32> to vector<16xf32>
        %parallel_loop3A_282 = arith.subf %parallel_loop3A_277, %parallel_loop3A_281 : vector<16xf32>
        %parallel_loop3A_283 = arith.mulf %parallel_loop3A_282, %parallel_loop3A_282 : vector<16xf32>
        %parallel_loop3A_284 = arith.addf %parallel_loop3A_240, %parallel_loop3A_283 : vector<16xf32>
        %parallel_loop3A_285 = arith.index_cast %parallel_loop3A_214 : i32 to index
        %parallel_loop3A_286 = arith.constant 864 : index
        %parallel_loop3A_287 = tpu.vector_load %arg10[%parallel_loop3A_285, %parallel_loop3A_286] {strides = array<i32>} : memref<8x1024xf32, #tpu.memory_space<vmem>>, vector<1x16xf32>,
        %parallel_loop3A_288 = vector.shape_cast %parallel_loop3A_287 : vector<1x16xf32> to vector<16xf32>
        %parallel_loop3A_289 = arith.index_cast %parallel_loop3A_214 : i32 to index
        %parallel_loop3A_290 = arith.constant 864 : index
        %parallel_loop3A_291 = tpu.vector_load %arg14[%parallel_loop3A_289, %parallel_loop3A_290] {strides = array<i32>} : memref<8x1024xf32, #tpu.memory_space<vmem>>, vector<1x16xf32>,
        %parallel_loop3A_292 = vector.shape_cast %parallel_loop3A_291 : vector<1x16xf32> to vector<16xf32>
        %parallel_loop3A_293 = arith.subf %parallel_loop3A_288, %parallel_loop3A_292 : vector<16xf32>
        %parallel_loop3A_294 = arith.mulf %parallel_loop3A_293, %parallel_loop3A_293 : vector<16xf32>
        %parallel_loop3A_295 = arith.addf %parallel_loop3A_251, %parallel_loop3A_294 : vector<16xf32>
        %parallel_loop3A_296 = arith.index_cast %parallel_loop3A_214 : i32 to index
        %parallel_loop3A_297 = arith.constant 880 : index
        %parallel_loop3A_298 = tpu.vector_load %arg10[%parallel_loop3A_296, %parallel_loop3A_297] {strides = array<i32>} : memref<8x1024xf32, #tpu.memory_space<vmem>>, vector<1x16xf32>,
        %parallel_loop3A_299 = vector.shape_cast %parallel_loop3A_298 : vector<1x16xf32> to vector<16xf32>
        %parallel_loop3A_300 = arith.index_cast %parallel_loop3A_214 : i32 to index
        %parallel_loop3A_301 = arith.constant 880 : index
        %parallel_loop3A_302 = tpu.vector_load %arg14[%parallel_loop3A_300, %parallel_loop3A_301] {strides = array<i32>} : memref<8x1024xf32, #tpu.memory_space<vmem>>, vector<1x16xf32>,
        %parallel_loop3A_303 = vector.shape_cast %parallel_loop3A_302 : vector<1x16xf32> to vector<16xf32>
        %parallel_loop3A_304 = arith.subf %parallel_loop3A_299, %parallel_loop3A_303 : vector<16xf32>
        %parallel_loop3A_305 = arith.mulf %parallel_loop3A_304, %parallel_loop3A_304 : vector<16xf32>
        %parallel_loop3A_306 = arith.addf %parallel_loop3A_262, %parallel_loop3A_305 : vector<16xf32>
        %parallel_loop3A_307 = arith.index_cast %parallel_loop3A_214 : i32 to index
        %parallel_loop3A_308 = arith.constant 896 : index
        %parallel_loop3A_309 = tpu.vector_load %arg10[%parallel_loop3A_307, %parallel_loop3A_308] {strides = array<i32>} : memref<8x1024xf32, #tpu.memory_space<vmem>>, vector<1x16xf32>,
        %parallel_loop3A_310 = vector.shape_cast %parallel_loop3A_309 : vector<1x16xf32> to vector<16xf32>
        %parallel_loop3A_311 = arith.index_cast %parallel_loop3A_214 : i32 to index
        %parallel_loop3A_312 = arith.constant 896 : index
        %parallel_loop3A_313 = tpu.vector_load %arg14[%parallel_loop3A_311, %parallel_loop3A_312] {strides = array<i32>} : memref<8x1024xf32, #tpu.memory_space<vmem>>, vector<1x16xf32>,
        %parallel_loop3A_314 = vector.shape_cast %parallel_loop3A_313 : vector<1x16xf32> to vector<16xf32>
        %parallel_loop3A_315 = arith.subf %parallel_loop3A_310, %parallel_loop3A_314 : vector<16xf32>
        %parallel_loop3A_316 = arith.mulf %parallel_loop3A_315, %parallel_loop3A_315 : vector<16xf32>
        %parallel_loop3A_317 = arith.addf %parallel_loop3A_273, %parallel_loop3A_316 : vector<16xf32>
        %parallel_loop3A_318 = arith.index_cast %parallel_loop3A_214 : i32 to index
        %parallel_loop3A_319 = arith.constant 912 : index
        %parallel_loop3A_320 = tpu.vector_load %arg10[%parallel_loop3A_318, %parallel_loop3A_319] {strides = array<i32>} : memref<8x1024xf32, #tpu.memory_space<vmem>>, vector<1x16xf32>,
        %parallel_loop3A_321 = vector.shape_cast %parallel_loop3A_320 : vector<1x16xf32> to vector<16xf32>
        %parallel_loop3A_322 = arith.index_cast %parallel_loop3A_214 : i32 to index
        %parallel_loop3A_323 = arith.constant 912 : index
        %parallel_loop3A_324 = tpu.vector_load %arg14[%parallel_loop3A_322, %parallel_loop3A_323] {strides = array<i32>} : memref<8x1024xf32, #tpu.memory_space<vmem>>, vector<1x16xf32>,
        %parallel_loop3A_325 = vector.shape_cast %parallel_loop3A_324 : vector<1x16xf32> to vector<16xf32>
        %parallel_loop3A_326 = arith.subf %parallel_loop3A_321, %parallel_loop3A_325 : vector<16xf32>
        %parallel_loop3A_327 = arith.mulf %parallel_loop3A_326, %parallel_loop3A_326 : vector<16xf32>
        %parallel_loop3A_328 = arith.addf %parallel_loop3A_284, %parallel_loop3A_327 : vector<16xf32>
        %parallel_loop3A_329 = arith.index_cast %parallel_loop3A_214 : i32 to index
        %parallel_loop3A_330 = arith.constant 928 : index
        %parallel_loop3A_331 = tpu.vector_load %arg10[%parallel_loop3A_329, %parallel_loop3A_330] {strides = array<i32>} : memref<8x1024xf32, #tpu.memory_space<vmem>>, vector<1x16xf32>,
        %parallel_loop3A_332 = vector.shape_cast %parallel_loop3A_331 : vector<1x16xf32> to vector<16xf32>
        %parallel_loop3A_333 = arith.index_cast %parallel_loop3A_214 : i32 to index
        %parallel_loop3A_334 = arith.constant 928 : index
        %parallel_loop3A_335 = tpu.vector_load %arg14[%parallel_loop3A_333, %parallel_loop3A_334] {strides = array<i32>} : memref<8x1024xf32, #tpu.memory_space<vmem>>, vector<1x16xf32>,
        %parallel_loop3A_336 = vector.shape_cast %parallel_loop3A_335 : vector<1x16xf32> to vector<16xf32>
        %parallel_loop3A_337 = arith.subf %parallel_loop3A_332, %parallel_loop3A_336 : vector<16xf32>
        %parallel_loop3A_338 = arith.mulf %parallel_loop3A_337, %parallel_loop3A_337 : vector<16xf32>
        %parallel_loop3A_339 = arith.addf %parallel_loop3A_295, %parallel_loop3A_338 : vector<16xf32>
        %parallel_loop3A_340 = arith.index_cast %parallel_loop3A_214 : i32 to index
        %parallel_loop3A_341 = arith.constant 944 : index
        %parallel_loop3A_342 = tpu.vector_load %arg10[%parallel_loop3A_340, %parallel_loop3A_341] {strides = array<i32>} : memref<8x1024xf32, #tpu.memory_space<vmem>>, vector<1x16xf32>,
        %parallel_loop3A_343 = vector.shape_cast %parallel_loop3A_342 : vector<1x16xf32> to vector<16xf32>
        %parallel_loop3A_344 = arith.index_cast %parallel_loop3A_214 : i32 to index
        %parallel_loop3A_345 = arith.constant 944 : index
        %parallel_loop3A_346 = tpu.vector_load %arg14[%parallel_loop3A_344, %parallel_loop3A_345] {strides = array<i32>} : memref<8x1024xf32, #tpu.memory_space<vmem>>, vector<1x16xf32>,
        %parallel_loop3A_347 = vector.shape_cast %parallel_loop3A_346 : vector<1x16xf32> to vector<16xf32>
        %parallel_loop3A_348 = arith.subf %parallel_loop3A_343, %parallel_loop3A_347 : vector<16xf32>
        %parallel_loop3A_349 = arith.mulf %parallel_loop3A_348, %parallel_loop3A_348 : vector<16xf32>
        %parallel_loop3A_350 = arith.addf %parallel_loop3A_306, %parallel_loop3A_349 : vector<16xf32>
        %parallel_loop3A_351 = arith.index_cast %parallel_loop3A_214 : i32 to index
        %parallel_loop3A_352 = arith.constant 960 : index
        %parallel_loop3A_353 = tpu.vector_load %arg10[%parallel_loop3A_351, %parallel_loop3A_352] {strides = array<i32>} : memref<8x1024xf32, #tpu.memory_space<vmem>>, vector<1x16xf32>,
        %parallel_loop3A_354 = vector.shape_cast %parallel_loop3A_353 : vector<1x16xf32> to vector<16xf32>
        %parallel_loop3A_355 = arith.index_cast %parallel_loop3A_214 : i32 to index
        %parallel_loop3A_356 = arith.constant 960 : index
        %parallel_loop3A_357 = tpu.vector_load %arg14[%parallel_loop3A_355, %parallel_loop3A_356] {strides = array<i32>} : memref<8x1024xf32, #tpu.memory_space<vmem>>, vector<1x16xf32>,
        %parallel_loop3A_358 = vector.shape_cast %parallel_loop3A_357 : vector<1x16xf32> to vector<16xf32>
        %parallel_loop3A_359 = arith.subf %parallel_loop3A_354, %parallel_loop3A_358 : vector<16xf32>
        %parallel_loop3A_360 = arith.mulf %parallel_loop3A_359, %parallel_loop3A_359 : vector<16xf32>
        %parallel_loop3A_361 = arith.addf %parallel_loop3A_317, %parallel_loop3A_360 : vector<16xf32>
        %parallel_loop3A_362 = arith.index_cast %parallel_loop3A_214 : i32 to index
        %parallel_loop3A_363 = arith.constant 976 : index
        %parallel_loop3A_364 = tpu.vector_load %arg10[%parallel_loop3A_362, %parallel_loop3A_363] {strides = array<i32>} : memref<8x1024xf32, #tpu.memory_space<vmem>>, vector<1x16xf32>,
        %parallel_loop3A_365 = vector.shape_cast %parallel_loop3A_364 : vector<1x16xf32> to vector<16xf32>
        %parallel_loop3A_366 = arith.index_cast %parallel_loop3A_214 : i32 to index
        %parallel_loop3A_367 = arith.constant 976 : index
        %parallel_loop3A_368 = tpu.vector_load %arg14[%parallel_loop3A_366, %parallel_loop3A_367] {strides = array<i32>} : memref<8x1024xf32, #tpu.memory_space<vmem>>, vector<1x16xf32>,
        %parallel_loop3A_369 = vector.shape_cast %parallel_loop3A_368 : vector<1x16xf32> to vector<16xf32>
        %parallel_loop3A_370 = arith.subf %parallel_loop3A_365, %parallel_loop3A_369 : vector<16xf32>
        %parallel_loop3A_371 = arith.mulf %parallel_loop3A_370, %parallel_loop3A_370 : vector<16xf32>
        %parallel_loop3A_372 = arith.addf %parallel_loop3A_328, %parallel_loop3A_371 : vector<16xf32>
        %parallel_loop3A_373 = arith.index_cast %parallel_loop3A_214 : i32 to index
        %parallel_loop3A_374 = arith.constant 992 : index
        %parallel_loop3A_375 = tpu.vector_load %arg10[%parallel_loop3A_373, %parallel_loop3A_374] {strides = array<i32>} : memref<8x1024xf32, #tpu.memory_space<vmem>>, vector<1x16xf32>,
        %parallel_loop3A_376 = vector.shape_cast %parallel_loop3A_375 : vector<1x16xf32> to vector<16xf32>
        %parallel_loop3A_377 = arith.index_cast %parallel_loop3A_214 : i32 to index
        %parallel_loop3A_378 = arith.constant 992 : index
        %parallel_loop3A_379 = tpu.vector_load %arg14[%parallel_loop3A_377, %parallel_loop3A_378] {strides = array<i32>} : memref<8x1024xf32, #tpu.memory_space<vmem>>, vector<1x16xf32>,
        %parallel_loop3A_380 = vector.shape_cast %parallel_loop3A_379 : vector<1x16xf32> to vector<16xf32>
        %parallel_loop3A_381 = arith.subf %parallel_loop3A_376, %parallel_loop3A_380 : vector<16xf32>
        %parallel_loop3A_382 = arith.mulf %parallel_loop3A_381, %parallel_loop3A_381 : vector<16xf32>
        %parallel_loop3A_383 = arith.addf %parallel_loop3A_339, %parallel_loop3A_382 : vector<16xf32>
        %parallel_loop3A_384 = arith.index_cast %parallel_loop3A_214 : i32 to index
        %parallel_loop3A_385 = arith.constant 1008 : index
        %parallel_loop3A_386 = tpu.vector_load %arg10[%parallel_loop3A_384, %parallel_loop3A_385] {strides = array<i32>} : memref<8x1024xf32, #tpu.memory_space<vmem>>, vector<1x16xf32>,
        %parallel_loop3A_387 = vector.shape_cast %parallel_loop3A_386 : vector<1x16xf32> to vector<16xf32>
        %parallel_loop3A_388 = arith.index_cast %parallel_loop3A_214 : i32 to index
        %parallel_loop3A_389 = arith.constant 1008 : index
        %parallel_loop3A_390 = tpu.vector_load %arg14[%parallel_loop3A_388, %parallel_loop3A_389] {strides = array<i32>} : memref<8x1024xf32, #tpu.memory_space<vmem>>, vector<1x16xf32>,
        %parallel_loop3A_391 = vector.shape_cast %parallel_loop3A_390 : vector<1x16xf32> to vector<16xf32>
        %parallel_loop3A_392 = arith.subf %parallel_loop3A_387, %parallel_loop3A_391 : vector<16xf32>
        %parallel_loop3A_393 = arith.mulf %parallel_loop3A_392, %parallel_loop3A_392 : vector<16xf32>
        %parallel_loop3A_394 = arith.addf %parallel_loop3A_350, %parallel_loop3A_393 : vector<16xf32>
        scf.yield %parallel_loop3A_361, %parallel_loop3A_372, %parallel_loop3A_383, %parallel_loop3A_394 : vector<16xf32>, vector<16xf32>, vector<16xf32>, vector<16xf32>
      } {sc.loop_unroll_factor = 2 : i64, sc.parallel_access}
      scf.yield %parallel_loop3A_213#0, %parallel_loop3A_213#1, %parallel_loop3A_213#2, %parallel_loop3A_213#3 : vector<16xf32>, vector<16xf32>, vector<16xf32>, vector<16xf32>
    }
    %scan3A_40 = arith.constant 16 : i32
    %add3A_41 = arith.addf %scan3A_39#0, %scan3A_39#1 : vector<16xf32>
    %add3A_42 = arith.addf %scan3A_39#2, %scan3A_39#3 : vector<16xf32>
    %add3A_43 = arith.addf %add3A_41, %add3A_42 : vector<16xf32>
    %swap3A = arith.constant 0 : index
    %swap3A_44 = tpu.vector_load %arg15[%swap3A] {strides = array<i32>} : memref<16xf32, #tpu.memory_space<vmem>>, vector<16xf32>,
    %swap3A_45 = vector.shape_cast %swap3A_44 : vector<16xf32> to vector<16xf32>
    %swap3A_46 = vector.shape_cast %add3A_43 : vector<16xf32> to vector<16xf32>
    tpu.vector_store %arg15[%swap3A], %swap3A_46 {strides = array<i32>} : memref<16xf32, #tpu.memory_space<vmem>>, vector<16xf32>,
    "tpu.region"() ({
      %run_scoped3A = tpu.sem_alloc : memref<!tpu.dma_semaphore, #tpu.memory_space<semaphore_mem>>
      %dma_start3A_47 = arith.constant 0 : i32
      %dma_start3A_48 = tpu.memref_slice %arg5[%add3A, %dma_start3A_47] : memref<32x16xf32, #tpu.memory_space<hbm>> -> memref<1x16xf32, #tpu.memory_space<hbm>>
      %dma_start3A_49 = tpu.memref_squeeze %dma_start3A_48 : memref<1x16xf32, #tpu.memory_space<hbm>> -> memref<16xf32, #tpu.memory_space<hbm>>
      %dma_start3A_50 = arith.constant 0 : i32
      %dma_start3A_51 = tpu.memref_slice %arg5[%add3A, %dma_start3A_50] : memref<32x16xf32, #tpu.memory_space<hbm>> -> memref<1x16xf32, #tpu.memory_space<hbm>>
      %dma_start3A_52 = tpu.memref_squeeze %dma_start3A_51 : memref<1x16xf32, #tpu.memory_space<hbm>> -> memref<16xf32, #tpu.memory_space<hbm>>
      tpu.enqueue_dma source(%arg15 : memref<16xf32, #tpu.memory_space<vmem>>) target(%dma_start3A_52 : memref<16xf32, #tpu.memory_space<hbm>>) target_semaphore(%run_scoped3A : memref<!tpu.dma_semaphore, #tpu.memory_space<semaphore_mem>>)
      %dma_wait3A = arith.constant 0 : i32
      %dma_wait3A_53 = tpu.memref_slice %arg5[%add3A, %dma_wait3A] : memref<32x16xf32, #tpu.memory_space<hbm>> -> memref<1x16xf32, #tpu.memory_space<hbm>>
      %dma_wait3A_54 = tpu.memref_squeeze %dma_wait3A_53 : memref<1x16xf32, #tpu.memory_space<hbm>> -> memref<16xf32, #tpu.memory_space<hbm>>
      %dma_wait3A_55 = arith.constant 0 : i32
      %dma_wait3A_56 = tpu.memref_slice %arg5[%add3A, %dma_wait3A_55] : memref<32x16xf32, #tpu.memory_space<hbm>> -> memref<1x16xf32, #tpu.memory_space<hbm>>
      %dma_wait3A_57 = tpu.memref_squeeze %dma_wait3A_56 : memref<1x16xf32, #tpu.memory_space<hbm>> -> memref<16xf32, #tpu.memory_space<hbm>>
      tpu.wait_dma2 semaphore(%run_scoped3A : memref<!tpu.dma_semaphore, #tpu.memory_space<semaphore_mem>>) src(%arg15 : memref<16xf32, #tpu.memory_space<vmem>>) dst(%dma_wait3A_57 : memref<16xf32, #tpu.memory_space<hbm>>)
      tpu.yield
    }) : () -> ()
    return
  }
}

</mosaic_0001>

<sc_bundles>
// kernel: kernel.3.cloned.1.call-start
scs
__scs_entry_jumppad:
0x0: {  	(pc) =	sbr.rel $0x88, $3  }
0x1: {  	(tag) =	ssettag $0x0;
	lr =	simm.s32 $0x1  }
0x2: {  	[smem:$0x3F9E] =	sst lr;
	_ =	strace $0xD0000000  }
0x3: {  	_ = 	snop  }
0x4: {  	_ = 	snop  }
0x5: {  	_ = 	snop  }
0x6: {  	_ = 	snop  }
0x7: {  	_ = 	snop  }
__scs_overlays_trampoline_lowered:
0x8: {  	[smem:$0x3FAD] =	sst s0  }
0x9: {  	[smem:$0x3FAE] =	sst s1  }
0xa: {  	[smem:$0x3FAF] =	sst s2  }
0xb: {  	[smem:$0x3FB0] =	sst s3  }
0xc: {  	[smem:$0x3FB1] =	sst s4  }
0xd: {  	[smem:$0x3FB2] =	sst s5  }
0xe: {  	[smem:$0x3FB3] =	sst s6  }
0xf: {  	[smem:$0x3FB4] =	sst s7  }
0x10: {  	[smem:$0x3FB5] =	sst s8  }
0x11: {  	[smem:$0x3FB6] =	sst s9;
	s0 =	simm.s32 @!p0 $0x0  }
0x12: {  	s1 =	sld [smem:$0x3F9C];
	s0 =	simm.s32 @p0 $0x1  }
0x13: {  	[smem:$0x3FB7] =	sst s0;
	s0 =	simm.s32 @!p1 $0x0  }
0x14: {  	s2 =	sld [smem:$0x3F9B];
	s0 =	simm.s32 @p1 $0x1  }
0x15: {  	[smem:$0x3FB8] =	sst s0;
	s0 =	simm.s32 @!p2 $0x0  }
0x16: {  	s3 =	sld [smem:$0x3FDB];
	s0 =	simm.s32 @p2 $0x1  }
0x17: {  	s4 =	simm.s32 $0x1BF5;
	[smem:$0x3FBA] =	sst s0  }
0x18: {  	s0 =	sld [smem:$0x3F9D];
	_ =	swait.ge [sflag:s4], $0x0  }
0x19: {  	s7 =	sld [smem:$0x3F9E]  }
0x1a: {  	s8 =	sadd.s32 $0xFFFFE003, lr  }
0x1b: {  	s9 =	sadd.s32 $0xFFFFFEF7, lr;
	s5 =	simm.s32 $0xFFFFFFFF;
	p2 =	slt.u32 s8, $0xFFFFF086  }
0x1c: {  	p1 =	slt.u32 s9, $0xF7A;
	s5 =	simm.s32 @!p2 $0x0  }
0x1d: {  	s5 =	simm.s32 @p1 $0x1;
	p0 =	seq.s32 s7, s2  }
0x1e: {  	s7 =	smul.u32 @!p0 $0xF7A, s2;
	p2 =	seq.s32 @!p0 s5, $0x0  }
0x1f: {  	s9 =	smul.u32 $0xF7A, s1;
	s8 =	simm.s32 @!p0 $0x1BF5;
	p2 =	por !p2, p0  }
0x20: {  	[sflag:s8] =	ssyncset.s32 @!p0 $0xFFFFF086;
	s6 =	sadd.s32 @!p0 s3, s7;
	s7 =	simm.s32 @!p0 $0x108  }
0x21: {  	s3 =	sadd.s32 s3, s9;
	s6 =	sadd.s32 @!p0 $0x88, s6;
	s7 =	simm.s32 @p2 $0x1082  }
0x22: {  	[simem:s7], [sflag:s8] =	dma.local @!p0 [hbm:s6], $0xF7A  }
0x23: {  	s9 =	sor.u32 $0xD0000000, s2;
	s6 =	simm.s32 $0x108;
	_ =	swait.ge @!p0 [sflag:s8], $0x0  }
0x24: {  	s3 =	sadd.s32 $0x88, s3;
	s6 =	simm.s32 @!p1 $0x1082;
	[sflag:s4] =	ssyncset.s32 $0xFFFFF086  }
0x25: {  	[simem:s6], [sflag:s4] =	dma.local [hbm:s3], $0xF7A  }
0x26: {  	[smem:$0x3F9E] =	sst s1;
	(tag) =	ssettag s2;
	_ =	strace s9  }
0x27: {  	s1 =	sld [smem:$0x3FAE]  }
0x28: {  	s2 =	sld [smem:$0x3FAF]  }
0x29: {  	s4 =	sld [smem:$0x3FB1]  }
0x2a: {  	p0 =	seq.s32 s5, $0x0;
	s5 =	sld [smem:$0x3FB2]  }
0x2b: {  	s6 =	sld [smem:$0x3FB3]  }
0x2c: {  	s7 =	sld [smem:$0x3FB4]  }
0x2d: {  	s3 =	simm.s32 $0x108;
	s8 =	sld [smem:$0x3FB5]  }
0x2e: {  	s3 =	simm.s32 @!p0 $0x1082;
	s9 =	sld [smem:$0x3FB6]  }
0x2f: {  	lr =	sadd.s32 s0, s3;
	s0 =	sld [smem:$0x3FAD]  }
0x30: {  	s3 =	sld [smem:$0x3FB0]  }
0x31: {  	[smem:$0x3FB9] =	sst s10  }
0x32: {  	s10 =	sld [smem:$0x3FB7];
	_ =	sdelay $0x3  }
0x33: {  	p0 =	seq.s32 s10, $0x1;
	s10 =	sld [smem:$0x3FB9];
	_ =	sdelay $0x3  }
0x34: {  	[smem:$0x3FB9] =	sst s10  }
0x35: {  	s10 =	sld [smem:$0x3FB8];
	_ =	sdelay $0x3  }
0x36: {  	p1 =	seq.s32 s10, $0x1;
	s10 =	sld [smem:$0x3FB9];
	_ =	sdelay $0x3  }
0x37: {  	[smem:$0x3FB9] =	sst s10  }
0x38: {  	s10 =	sld [smem:$0x3FBA]  }
0x39: {  	_ = 	snop;
	(pc) =	sbr.ind lr, $3  }
0x3a: {  	_ = 	snop  }
0x3b: {  	_ = 	snop  }
0x3c: {  	p2 =	seq.s32 s10, $0x1;
	s10 =	sld [smem:$0x3FB9]  }
0x3d: {  	_ =	shalt  }
0x3e: {  	_ =	shalt  }
0x3f: {  	_ =	shalt  }
0x40: {  	_ =	shalt  }
0x41: {  	_ =	shalt  }
0x42: {  	_ =	shalt  }
0x43: {  	_ =	shalt  }
0x44: {  	_ =	shalt  }
0x45: {  	_ =	shalt  }
0x46: {  	_ =	shalt  }
0x47: {  	_ =	shalt  }
0x48: {  	_ =	shalt  }
0x49: {  	_ =	shalt  }
0x4a: {  	_ =	shalt  }
0x4b: {  	_ =	shalt  }
0x4c: {  	_ =	shalt  }
0x4d: {  	_ =	shalt  }
0x4e: {  	_ =	shalt  }
0x4f: {  	_ =	shalt  }
0x50: {  	_ =	shalt  }
0x51: {  	_ =	shalt  }
0x52: {  	_ =	shalt  }
0x53: {  	_ =	shalt  }
0x54: {  	_ =	shalt  }
0x55: {  	_ =	shalt  }
0x56: {  	_ =	shalt  }
0x57: {  	_ =	shalt  }
0x58: {  	_ =	shalt  }
0x59: {  	_ =	shalt  }
0x5a: {  	_ =	shalt  }
0x5b: {  	_ =	shalt  }
0x5c: {  	_ =	shalt  }
0x5d: {  	_ =	shalt  }
0x5e: {  	_ =	shalt  }
0x5f: {  	_ =	shalt  }
0x60: {  	_ =	shalt  }
0x61: {  	_ =	shalt  }
0x62: {  	_ =	shalt  }
0x63: {  	_ =	shalt  }
0x64: {  	_ =	shalt  }
0x65: {  	_ =	shalt  }
0x66: {  	_ =	shalt  }
0x67: {  	_ =	shalt  }
0x68: {  	_ =	shalt  }
0x69: {  	_ =	shalt  }
0x6a: {  	_ =	shalt  }
0x6b: {  	_ =	shalt  }
0x6c: {  	_ =	shalt  }
0x6d: {  	_ =	shalt  }
0x6e: {  	_ =	shalt  }
0x6f: {  	_ =	shalt  }
0x70: {  	_ =	shalt  }
0x71: {  	_ =	shalt  }
0x72: {  	_ =	shalt  }
0x73: {  	_ =	shalt  }
0x74: {  	_ =	shalt  }
0x75: {  	_ =	shalt  }
0x76: {  	_ =	shalt  }
0x77: {  	_ =	shalt  }
0x78: {  	_ =	shalt  }
0x79: {  	_ =	shalt  }
0x7a: {  	_ =	shalt  }
0x7b: {  	_ =	shalt  }
0x7c: {  	_ =	shalt  }
0x7d: {  	_ =	shalt  }
0x7e: {  	_ =	shalt  }
0x7f: {  	_ =	shalt  }
0x80: {  	_ =	shalt  }
0x81: {  	_ =	shalt  }
0x82: {  	_ =	shalt  }
0x83: {  	_ =	shalt  }
0x84: {  	_ =	shalt  }
0x85: {  	_ =	shalt  }
0x86: {  	_ =	shalt  }
0x87: {  	_ =	shalt  }
.Lfunc_end0:
.L_simem_size_0:
called_computation_lowered:
.L_overlay_start_0:
0x88: {  	s2 =	sld [smem:$0x3FD9]  }
0x89: {  	s3 =	sld [smem:$0x3FFE];
	_ =	sdelay $0x1  }
0x8a: {  	s1 =	srdreg.scid  }
0x8b: {  	s0 =	sand.u32 $0x1, s1  }
0x8c: {  	s17 =	sshll.u32 s0, $0xA;
	s2 =	sadd.s32 s3, s2  }
0x8d: {  	s2 =	sadd.s32 s2, s17  }
0x8e: {  	[smem:$0x3FC5] =	sst s2  }
0x8f: {  	_ = 	snop  }
0x90: {  	s2 =	sld [smem:$0x3FC9]  }
0x91: {  	s18 =	sld [smem:$0x3FC8]  }
0x92: {  	s4 =	sld [smem:$0x3FC7];
	(tm) =	ssettm $0x1  }
0x93: {  	s5 =	sld [smem:$0x3FFB];
	_ =	sdelay $0x3  }
0x94: {  	_ =	strace s5  }
0x95: {  	s5 =	sld [smem:$0x3FFC];
	_ =	sdelay $0x3  }
0x96: {  	_ =	strace s5  }
0x97: {  	s5 =	sld [smem:$0x3FFD];
	_ =	sdelay $0x3  }
0x98: {  	_ =	strace s5  }
0x99: {  	_ =	strace $0x8FFFFFFF  }
0x9a: {  	s19 =	sld [smem:$0x3FDB];
	_ =	sdelay $0x1  }
0x9b: {  	s6 =	simm.s32 $_scs_section_size  }
0x9c: {  	s7 =	simm.s32 $_size__tile_overlayer_lowered;
	s8 =	simm.s32 $_tile_overlayer_lowered  }
0x9d: {  	s22 =	simm.s32 $0x1BFF;
	s21 =	sshll.u32 s8, $0x1;
	s5 =	sadd.s32 s6, s19  }
0x9e: {  	s9 =	simm.s32 $0x0;
	s20 =	sshll.u32 s7, $0x1;
	s7 =	sadd.s32 s21, s5  }
0x9f: {  	[timem:s9], [sflag:s22] =	dma.local [hbm:s7], s20  }
0xa0: {  	_ =	swait.ge [sflag:s22], s20  }
0xa1: {  	s6 =	ssub.s32 $0x0, s20;
	[sflag:s22] =	ssyncset.done $0x0  }
0xa2: {  	[sflag:s22] =	ssyncadd.s32 s6;
	_ =	sdelay $0x1  }
0xa3: {  	s23 =	simm.s32 $0x1B8B  }
0xa4: {  	_ =	swait.ge [sflag:s23], $0x1  }
0xa5: {  	[sflag:s23] =	ssyncset.done $0x0  }
0xa6: {  	s25 =	simm.s32 $0x1B8E;
	s24 =	sld [smem:$0x3FFE];
	[sflag:s23] =	ssyncadd.s32 $0xFFFFFFFF  }
0xa7: {  	s26 =	simm.s32 $execute0_lowered;
	[smem:$0x3FD2] =	sst s25  }
0xa8: {  	s7 =	sshll.u32 s26, $0x1;
	_ =	strace $0x80000046;
	[dreg:$0x1] =	wrdreg $0xFFFFFFFF  }
0xa9: {  	s28 =	simm.s32 $_size_execute0_lowered;
	s5 =	sadd.s32 s5, s7;
	[dreg:$0x0] =	wrdreg $0x0  }
0xaa: {  	s7 =	sshll.u32 s28, $0x1;
	[dreg:$0x2] =	wrdreg s5  }
0xab: {  	[dreg:$0x3] =	wrdreg s7  }
0xac: {  	[dreg:$0x4] =	wrdreg $0xC0  }
0xad: {  	_ =	task [dreg:s9], $0x5FFFF  }
0xae: {  	[dreg:$0x1] =	wrdreg $0xFFFFFFFF  }
0xaf: {  	[dreg:$0x0] =	wrdreg $0x60  }
0xb0: {  	[dreg:$0x2] =	wrdreg s2  }
0xb1: {  	[dreg:$0x3] =	wrdreg s18  }
0xb2: {  	[dreg:$0x4] =	wrdreg s4  }
0xb3: {  	[dreg:$0x5] =	wrdreg s24  }
0xb4: {  	[dreg:$0x6] =	wrdreg $0x9  }
0xb5: {  	_ =	task.clear_ibuf [dreg:s9], $0x7FFFF;
	_ =	strace $0x90000046  }
0xb6: {  	s29 =	simm.s32 $0x9;
	_ =	strace $0x80000048  }
0xb7: {  	_ =	swait.ge [sflag:s29], $0x1  }
0xb8: {  	[sflag:s29] =	ssyncadd.s32 $0xFFFFFFFF  }
0xb9: {  	_ =	strace $0x90000048  }
0xba: {  	_ =	sfence  }
0xbb: {  	s30 =	sld [smem:$0x0];
	_ =	sdelay $0x2  }
0xbc: {  	s31 =	sshll.u32 s1, $0xD;
	s1 =	sshrl.u32 s1, $0x2  }
0xbd: {  	s3 =	sand.u32 $0x4000, s31;
	s1 =	sadd.s32 s1, s30  }
0xbe: {  	s0 =	sor.u32 s3, s0;
	s1 =	sshll.u32 s1, $0x11  }
0xbf: {  	s0 =	sor.u32 s1, s0  }
0xc0: {  	s0 =	sadd.s32 $0x8F2B, s0  }
0xc1: {  	[sflag:s0] =	ssyncadd.remote.s32 $0x1  }
0xc2: {  	_ =	sfence.sel $0xFFFF  }
0xc3: {  	[dreg:$0x0] =	wrdreg $0xFFFFFFFF;
	(pc) =	sbr.abs _section_cstart, $3  }
0xc4: {  	[dreg:$0x1] =	wrdreg $0xFFFFFFFF  }
0xc5: {  	_ =	task.clear_ibuf [dreg:s9], $0x2FFFF;
	_ =	strace $0x9FFFFFFF  }
0xc6: {  	(tm) =	ssettm $0x7FFFFFFF  }
0xc7: {  	_ =	shalt  }
tec
execute0_lowered:
.L_overlay_start_1:
0x0: {  	(tag) =	ssettag $0x1  }
0x1: {  	s1 =	rddreg [dreg:$0x0]  }
0x2: {  	s0 =	rddreg [dreg:$0x1]  }
0x3: {  	s2 =	rddreg [dreg:$0x2]  }
0x4: {  	s3 =	rddreg [dreg:$0x3];
	s5 =	srdreg.scid;
	s4 =	simm.s32 $0x0  }
0x5: {  	s7 =	stileid.u32;
	s15 =	simm.s32 $0x9;
	s16 =	simm.s32 $0xF200  }
0x6: {  	s17 =	simm.s32 $0xFA00;
	s18 =	simm.s32 $0x6200;
	s19 =	simm.s32 $0x1  }
0x7: {  	s20 =	simm.s32 $0x5;
	s21 =	simm.s32 $0x2;
	s22 =	simm.s32 $0x6  }
0x8: {  	s23 =	simm.s32 $0x3;
	s24 =	simm.s32 $0x7;
	s25 =	simm.s32 $0x4  }
0x9: {  	s26 =	simm.s32 $0x8;
	s29 =	simm.s32 $0x0;
	s5 =	sand.u32 $0x1, s5  }
0xa: {  	[smem:$0x7FF] =	sst s4;
	s7 =	sshll.u32 s7, $0x1;
	s9 =	sadd.s32 $0x300, s2  }
0xb: {  	s6 =	ssub.s32 $0x2, s5;
	_ =	strace $0x80000047;
	s13 =	sor.u32 s5, s7  }
0xc: {  	s8 =	sshrl.u32 s6, $0x1;
	s5 =	sshll.u32 s13, $0x9;
	s7 =	sshll.u32 s13, $0x6  }
0xd: {  	s30 =	sshll.u32 s13, $0x10;
	s31 =	sshll.u32 s13, $0x4;
	s6 =	ssub.s32 s6, s8  }
0xe: {  	s0 =	sadd.s32 s0, s7;
	s7 =	sadd.s32 $0x100, s2;
	s8 =	sadd.s32 $0x200, s2  }
0xf: {  	v0 =	vlaneseq.u32;
	s10 =	sadd.s32 s1, s30;
	s13 =	sadd.s32 s3, s31;
	s3 =	simm.s32 $0xEA00  }
0x10: {  	v1 =	vshrl.u32 v0, $0x3;
	[dreg:$0x5] =	wrdreg s0;
	s0 =	sadd.s32 $0x400, s10;
	s12 =	sadd.s32 $0x800, s10  }
0x11: {  	vm0 =	vmmov $0xffff;
	v0 =	vand.u32 $0x7, v0;
	v1 =	vmul.u32 $0x8, v1;
	s14 =	smax.u32 s6, $0x1;
	[dreg:$0x6] =	wrdreg s0;
	s0 =	simm.s32 $0xE200  }
.LBB2_1:
0x12: {  	s6 =	rddreg [dreg:$0x5]  }
0x13: {  	[tilespmem:s4], [sflag:$0x9] =	stream.linear.gather [hbm4b:s6+s4], $0x200, $0x38;
	[tilespmem:$0x10280] =	vst v63  }
0x14: {  	_ =	swait.ge [sflag:s15], $0x200  }
0x15: {  	[sflag:s15] =	ssyncset.done $0x0  }
0x16: {  	[sflag:s15] =	ssyncadd.s32 $0xFFFFFE00  }
0x17: {  	v2 =	vld.msk [tilespmem:$0x0], $0xff;
	_ =	sdelay $0x4  }
0x18: {  	v3 =	vshll.u32 v2, $0x3  }
0x19: {  	v2 =	vand.u32 $0x7, v2;
	v3 =	vand.u32 $0xFFFFFFC0, v3  }
0x1a: {  	v2 =	vor.u32 v2, v3  }
0x1b: {  	v2 =	vperm.xlane v2, v0;
	_ =	sdelay $0x1  }
0x1c: {  	v2 =	vadd.s32 v1, v2;
	_ =	sdelay $0x3  }
0x1d: {  	s31 =	simm.s32 $0x8200  }
0x1e: {  	[tilespmem:s31], [sflag:$0x5] =	stream.indirect_vreg.gather [hbm4b:s2+s4], $0x80, v2, vm0, $0xb8;
	[tilespmem:$0x10280] =	vst v63  }
0x1f: {  	s11 =	simm.s32 $0x8A00  }
0x20: {  	[tilespmem:s11], [sflag:$0x5] =	stream.indirect_vreg.gather [hbm4b:s7+s4], $0x80, v2, vm0, $0xb8;
	[tilespmem:$0x10280] =	vst v63  }
0x21: {  	s28 =	simm.s32 $0x9200  }
0x22: {  	[tilespmem:s28], [sflag:$0x5] =	stream.indirect_vreg.gather [hbm4b:s8+s4], $0x80, v2, vm0, $0xb8;
	[tilespmem:$0x10280] =	vst v63  }
0x23: {  	s31 =	simm.s32 $0x9A00  }
0x24: {  	[tilespmem:s31], [sflag:$0x5] =	stream.indirect_vreg.gather [hbm4b:s9+s4], $0x80, v2, vm0, $0xb8;
	[tilespmem:$0x10280] =	vst v63  }
0x25: {  	s11 =	simm.s32 $0x200  }
0x26: {  	[tilespmem:s11], [sflag:$0x1] =	stream.linear.gather [hbm4b:s10+s4], $0x2000, $0x38;
	[tilespmem:$0x10280] =	vst v63  }
0x27: {  	v2 =	vld.msk [tilespmem:$0x8], $0xff;
	_ =	sdelay $0x4  }
0x28: {  	v3 =	vshll.u32 v2, $0x3  }
0x29: {  	v2 =	vand.u32 $0x7, v2;
	v3 =	vand.u32 $0xFFFFFFC0, v3  }
0x2a: {  	v2 =	vor.u32 v2, v3  }
0x2b: {  	v2 =	vperm.xlane v2, v0;
	_ =	sdelay $0x1  }
0x2c: {  	v2 =	vadd.s32 v1, v2;
	_ =	sdelay $0x3  }
0x2d: {  	s28 =	simm.s32 $0xA200  }
0x2e: {  	[tilespmem:s28], [sflag:$0x6] =	stream.indirect_vreg.gather [hbm4b:s2+s4], $0x80, v2, vm0, $0xb8;
	[tilespmem:$0x10280] =	vst v63  }
0x2f: {  	s31 =	simm.s32 $0xAA00  }
0x30: {  	[tilespmem:s31], [sflag:$0x6] =	stream.indirect_vreg.gather [hbm4b:s7+s4], $0x80, v2, vm0, $0xb8;
	[tilespmem:$0x10280] =	vst v63  }
0x31: {  	s11 =	simm.s32 $0xB200  }
0x32: {  	[tilespmem:s11], [sflag:$0x6] =	stream.indirect_vreg.gather [hbm4b:s8+s4], $0x80, v2, vm0, $0xb8;
	[tilespmem:$0x10280] =	vst v63  }
0x33: {  	s28 =	simm.s32 $0xBA00  }
0x34: {  	[tilespmem:s28], [sflag:$0x6] =	stream.indirect_vreg.gather [hbm4b:s9+s4], $0x80, v2, vm0, $0xb8;
	[tilespmem:$0x10280] =	vst v63  }
0x35: {  	s31 =	rddreg [dreg:$0x6];
	s11 =	simm.s32 $0x2200  }
0x36: {  	[tilespmem:s11], [sflag:$0x2] =	stream.linear.gather [hbm4b:s31+s4], $0x2000, $0x38;
	[tilespmem:$0x10280] =	vst v63  }
0x37: {  	v2 =	vld.msk [tilespmem:$0x10], $0xff;
	_ =	sdelay $0x4  }
0x38: {  	v3 =	vshll.u32 v2, $0x3  }
0x39: {  	v2 =	vand.u32 $0x7, v2;
	v3 =	vand.u32 $0xFFFFFFC0, v3  }
0x3a: {  	v2 =	vor.u32 v2, v3  }
0x3b: {  	v2 =	vperm.xlane v2, v0;
	_ =	sdelay $0x1  }
0x3c: {  	v2 =	vadd.s32 v1, v2;
	_ =	sdelay $0x3  }
0x3d: {  	s28 =	simm.s32 $0xC200  }
0x3e: {  	[tilespmem:s28], [sflag:$0x7] =	stream.indirect_vreg.gather [hbm4b:s2+s4], $0x80, v2, vm0, $0xb8;
	[tilespmem:$0x10280] =	vst v63  }
0x3f: {  	s31 =	simm.s32 $0xCA00  }
0x40: {  	[tilespmem:s31], [sflag:$0x7] =	stream.indirect_vreg.gather [hbm4b:s7+s4], $0x80, v2, vm0, $0xb8;
	[tilespmem:$0x10280] =	vst v63  }
0x41: {  	s11 =	simm.s32 $0xD200  }
0x42: {  	[tilespmem:s11], [sflag:$0x7] =	stream.indirect_vreg.gather [hbm4b:s8+s4], $0x80, v2, vm0, $0xb8;
	[tilespmem:$0x10280] =	vst v63  }
0x43: {  	s28 =	simm.s32 $0xDA00  }
0x44: {  	[tilespmem:s28], [sflag:$0x7] =	stream.indirect_vreg.gather [hbm4b:s9+s4], $0x80, v2, vm0, $0xb8;
	[tilespmem:$0x10280] =	vst v63  }
0x45: {  	v4 =	vimm.f32 $0.0e+00;
	s30 =	simm.s32 $0x0;
	s31 =	simm.s32 $0x4200  }
0x46: {  	v5 =	vimm.f32 $0.0e+00;
	v3 =	vimm.f32 $0.0e+00;
	v2 =	vimm.f32 $0.0e+00;
	[tilespmem:s31], [sflag:$0x3] =	stream.linear.gather [hbm4b:s12+s4], $0x2000, $0x38;
	[tilespmem:$0x10280] =	vst v63  }
.LBB2_2:
0x47: {  	s31 =	sshll.u32 s30, $0x5  }
0x48: {  	s6 =	sor.u32 $0x18, s31  }
0x49: {  	v6 =	vld.msk [tilespmem:s6+$0x0], $0xff;
	_ =	sdelay $0x4  }
0x4a: {  	v7 =	vshll.u32 v6, $0x3  }
0x4b: {  	v6 =	vand.u32 $0x7, v6;
	v7 =	vand.u32 $0xFFFFFFC0, v7  }
0x4c: {  	v6 =	vor.u32 v6, v7  }
0x4d: {  	v6 =	vperm.xlane v6, v0;
	_ =	sdelay $0x1  }
0x4e: {  	v6 =	vadd.s32 v1, v6;
	_ =	sdelay $0x3  }
0x4f: {  	s28 =	simm.s32 $0x0  }
0x50: {  	[tilespmem:s0], [sflag:$0x8] =	stream.indirect_vreg.gather [hbm4b:s2+s28], $0x80, v6, vm0, $0xb8;
	[tilespmem:$0x10280] =	vst v63  }
0x51: {  	_ = 	snop  }
0x52: {  	[tilespmem:s3], [sflag:$0x8] =	stream.indirect_vreg.gather [hbm4b:s7+s28], $0x80, v6, vm0, $0xb8;
	[tilespmem:$0x10280] =	vst v63  }
0x53: {  	s6 =	sadd.s32 s5, s6  }
0x54: {  	[tilespmem:s16], [sflag:$0x8] =	stream.indirect_vreg.gather [hbm4b:s8+s28], $0x80, v6, vm0, $0xb8;
	[tilespmem:$0x10280] =	vst v63  }
0x55: {  	s6 =	sshll.u32 s6, $0x7  }
0x56: {  	[tilespmem:s17], [sflag:$0x8] =	stream.indirect_vreg.gather [hbm4b:s9+s28], $0x80, v6, vm0, $0xb8;
	[tilespmem:$0x10280] =	vst v63  }
0x57: {  	s6 =	sadd.s32 s1, s6  }
0x58: {  	[tilespmem:s18], [sflag:$0x4] =	stream.linear.gather [hbm4b:s6+s28], $0x2000, $0x38;
	[tilespmem:$0x10280] =	vst v63  }
0x59: {  	_ =	swait.ge [sflag:s19], $0x2000  }
0x5a: {  	[sflag:s19] =	ssyncset.done $0x0  }
0x5b: {  	[sflag:s19] =	ssyncadd.s32 $0xFFFFE000  }
0x5c: {  	_ =	swait.ge [sflag:s20], $0x2000  }
0x5d: {  	[sflag:s20] =	ssyncset.done $0x0  }
0x5e: {  	s28 =	simm.s32 $0x0;
	[sflag:s20] =	ssyncadd.s32 $0xFFFFE000  }
0x5f: {  	v6 =	vld [tilespmem:s28+$0x640]  }
0x60: {  	v7 =	vld [tilespmem:s28+$0x8640]  }
0x61: {  	v21 =	vld [tilespmem:s28+$0x650]  }
0x62: {  	v22 =	vld [tilespmem:s28+$0x8650]  }
0x63: {  	v27 =	vld [tilespmem:s28+$0x660]  }
0x64: {  	v30 =	vld [tilespmem:s28+$0x8660]  }
0x65: {  	v31 =	vld [tilespmem:s28+$0x670]  }
0x66: {  	v32 =	vld [tilespmem:s28+$0x8670]  }
0x67: {  	v33 =	vld [tilespmem:s28+$0x600]  }
0x68: {  	v34 =	vld [tilespmem:s28+$0x8600]  }
0x69: {  	v8 =	vld [tilespmem:s28+$0x610]  }
0x6a: {  	v9 =	vld [tilespmem:s28+$0x8610]  }
0x6b: {  	v10 =	vld [tilespmem:s28+$0x620]  }
0x6c: {  	v16 =	vld [tilespmem:s28+$0x8620]  }
0x6d: {  	v11 =	vld [tilespmem:s28+$0x630]  }
0x6e: {  	v13 =	vld [tilespmem:s28+$0x8630]  }
0x6f: {  	v18 =	vld [tilespmem:s28+$0x240]  }
0x70: {  	v19 =	vld [tilespmem:s28+$0x8240]  }
0x71: {  	v15 =	vld [tilespmem:s28+$0x250]  }
0x72: {  	v17 =	vld [tilespmem:s28+$0x8250]  }
0x73: {  	v12 =	vld [tilespmem:s28+$0x260]  }
0x74: {  	v14 =	vld [tilespmem:s28+$0x8260]  }
0x75: {  	v25 =	vld [tilespmem:s28+$0x200]  }
0x76: {  	v28 =	vld [tilespmem:s28+$0x8200]  }
0x77: {  	v23 =	vld [tilespmem:s28+$0x210]  }
0x78: {  	v26 =	vld [tilespmem:s28+$0x8210]  }
0x79: {  	v24 =	vld [tilespmem:s28+$0x220];
	v20 =	vsub.f32 v6, v7  }
0x7a: {  	v29 =	vld [tilespmem:s28+$0x8220];
	v21 =	vsub.f32 v21, v22;
	v7 =	vsub.f32 v27, v30  }
0x7b: {  	s6 =	simm.s32 $0x200;
	v27 =	vld [tilespmem:s28+$0x230];
	v22 =	vsub.f32 v33, v34;
	v6 =	vsub.f32 v31, v32  }
.LBB2_3:
0x7c: {  	p0 =	sne.s32 s6, $0xE00;
	v30 =	vld [tilespmem:s28+$0x8230];
	v8 =	vsub.f32 v8, v9;
	v9 =	vsub.f32 v10, v16  }
0x7d: {  	v10 =	vsub.f32 v18, v19;
	v11 =	vsub.f32 v11, v13;
	v16 =	vld [tilespmem:s28+$0x270]  }
0x7e: {  	v13 =	vsub.f32 v25, v28;
	v15 =	vsub.f32 v15, v17;
	v17 =	vld [tilespmem:s28+$0x8270];
	s28 =	sshra.s32 s6, $0x2  }
0x7f: {  	v19 =	vmul.f32 v20, v20;
	v20 =	vmul.f32 v21, v21;
	v18 =	vsub.f32 v23, v26;
	v31 =	vld [tilespmem:s28+$0x640]  }
0x80: {  	v22 =	vmul.f32 v22, v22;
	v8 =	vmul.f32 v8, v8;
	v23 =	vsub.f32 v24, v29;
	v21 =	vld [tilespmem:s28+$0x8640]  }
0x81: {  	v10 =	vmul.f32 v10, v10;
	v15 =	vmul.f32 v15, v15;
	v32 =	vld [tilespmem:s28+$0x650];
	v24 =	vsub.f32 v27, v30  }
0x82: {  	v12 =	vsub.f32 v12, v14;
	v13 =	vmul.f32 v13, v13;
	v18 =	vmul.f32 v18, v18;
	v27 =	vld [tilespmem:s28+$0x8650]  }
0x83: {  	v14 =	vmul.f32 v23, v23;
	v30 =	vld [tilespmem:s28+$0x660];
	v23 =	vmul.f32 v24, v24;
	v16 =	vsub.f32 v16, v17  }
0x84: {  	v12 =	vmul.f32 v12, v12;
	v5 =	vadd.f32 v13, v5;
	v4 =	vadd.f32 v18, v4;
	v33 =	vld [tilespmem:s28+$0x8660]  }
0x85: {  	v3 =	vadd.f32 v14, v3;
	v34 =	vld [tilespmem:s28+$0x670];
	v2 =	vadd.f32 v23, v2;
	v13 =	vmul.f32 v16, v16  }
0x86: {  	v9 =	vmul.f32 v9, v9;
	v5 =	vadd.f32 v10, v5;
	v4 =	vadd.f32 v15, v4;
	v35 =	vld [tilespmem:s28+$0x8670]  }
0x87: {  	v10 =	vmul.f32 v11, v11;
	v3 =	vadd.f32 v12, v3;
	v36 =	vld [tilespmem:s28+$0x600];
	v2 =	vadd.f32 v13, v2  }
0x88: {  	v7 =	vmul.f32 v7, v7;
	v5 =	vadd.f32 v22, v5;
	v4 =	vadd.f32 v8, v4;
	v37 =	vld [tilespmem:s28+$0x8600]  }
0x89: {  	v6 =	vmul.f32 v6, v6;
	v3 =	vadd.f32 v9, v3;
	v8 =	vld [tilespmem:s28+$0x610];
	v2 =	vadd.f32 v10, v2  }
0x8a: {  	v5 =	vadd.f32 v19, v5;
	v4 =	vadd.f32 v20, v4;
	v9 =	vld [tilespmem:s28+$0x8610]  }
0x8b: {  	v3 =	vadd.f32 v7, v3;
	v10 =	vld [tilespmem:s28+$0x620];
	v2 =	vadd.f32 v6, v2  }
0x8c: {  	v16 =	vld [tilespmem:s28+$0x8620]  }
0x8d: {  	v11 =	vld [tilespmem:s28+$0x630]  }
0x8e: {  	v13 =	vld [tilespmem:s28+$0x8630]  }
0x8f: {  	v18 =	vld [tilespmem:s28+$0x240]  }
0x90: {  	v19 =	vld [tilespmem:s28+$0x8240]  }
0x91: {  	v15 =	vld [tilespmem:s28+$0x250]  }
0x92: {  	v17 =	vld [tilespmem:s28+$0x8250]  }
0x93: {  	v12 =	vld [tilespmem:s28+$0x260]  }
0x94: {  	v14 =	vld [tilespmem:s28+$0x8260]  }
0x95: {  	v25 =	vld [tilespmem:s28+$0x200]  }
0x96: {  	v28 =	vld [tilespmem:s28+$0x8200]  }
.Ltmp0:
0x97: {  	v23 =	vld [tilespmem:s28+$0x210];
	(pc) =	sbr.rel @p0 .LBB2_3-.Ltmp0, $4  }
0x98: {  	v26 =	vld [tilespmem:s28+$0x8210]  }
0x99: {  	v20 =	vsub.f32 v31, v21;
	v24 =	vld [tilespmem:s28+$0x220]  }
0x9a: {  	v21 =	vsub.f32 v32, v27;
	v7 =	vsub.f32 v30, v33;
	v29 =	vld [tilespmem:s28+$0x8220]  }
0x9b: {  	s6 =	sadd.s32 $0x200, s6;
	v6 =	vsub.f32 v34, v35;
	v22 =	vsub.f32 v36, v37;
	v27 =	vld [tilespmem:s28+$0x230]  }
0x9c: {  	v30 =	vld [tilespmem:s28+$0x8230]  }
0x9d: {  	v31 =	vld [tilespmem:s28+$0x270]  }
0x9e: {  	v32 =	vld [tilespmem:s28+$0x8270];
	s28 =	simm.s32 $0xFFFFFC00  }
0x9f: {  	v33 =	vld [tilespmem:s28+$0x1240]  }
0xa0: {  	v34 =	vld [tilespmem:s28+$0x9240]  }
0xa1: {  	v35 =	vld [tilespmem:s28+$0x1250]  }
0xa2: {  	v36 =	vld [tilespmem:s28+$0x9250]  }
0xa3: {  	v37 =	vld [tilespmem:s28+$0x1260]  }
0xa4: {  	v38 =	vld [tilespmem:s28+$0x9260]  }
0xa5: {  	v39 =	vld [tilespmem:s28+$0x1270]  }
0xa6: {  	v40 =	vld [tilespmem:s28+$0x9270]  }
0xa7: {  	v41 =	vld [tilespmem:s28+$0x1200]  }
0xa8: {  	v42 =	vld [tilespmem:s28+$0x9200]  }
0xa9: {  	v43 =	vsub.f32 v8, v9;
	v8 =	vld [tilespmem:s28+$0x1210]  }
0xaa: {  	v44 =	vsub.f32 v10, v16;
	v16 =	vsub.f32 v18, v19;
	v9 =	vld [tilespmem:s28+$0x9210]  }
0xab: {  	v45 =	vsub.f32 v11, v13;
	v11 =	vsub.f32 v25, v28;
	v10 =	vld [tilespmem:s28+$0x1220]  }
0xac: {  	v15 =	vsub.f32 v15, v17;
	v12 =	vsub.f32 v12, v14;
	v13 =	vld [tilespmem:s28+$0x9220]  }
0xad: {  	v20 =	vmul.f32 v20, v20;
	v18 =	vsub.f32 v23, v26;
	v14 =	vld [tilespmem:s28+$0x9230];
	v22 =	vmul.f32 v22, v22  }
0xae: {  	v28 =	vld [tilespmem:s28+$0xE30];
	v23 =	vmul.f32 v11, v11;
	v15 =	vmul.f32 v15, v15;
	v19 =	vsub.f32 v24, v29  }
0xaf: {  	v11 =	vld [tilespmem:s28+$0x1230];
	v12 =	vmul.f32 v12, v12;
	v18 =	vmul.f32 v18, v18  }
0xb0: {  	v29 =	vld [tilespmem:s28+$0x8E20];
	v17 =	vsub.f32 v27, v30;
	v19 =	vmul.f32 v19, v19;
	v24 =	vsub.f32 v31, v32  }
0xb1: {  	v5 =	vadd.f32 v23, v5;
	v4 =	vadd.f32 v18, v4;
	v18 =	vmul.f32 v16, v16;
	v16 =	vld [tilespmem:s28+$0xE50]  }
0xb2: {  	v27 =	vld [tilespmem:s28+$0x8E10];
	v25 =	vmul.f32 v17, v17;
	v3 =	vadd.f32 v19, v3;
	v23 =	vmul.f32 v24, v24  }
0xb3: {  	v17 =	vld [tilespmem:s28+$0xE40];
	v5 =	vadd.f32 v18, v5;
	v4 =	vadd.f32 v15, v4;
	v24 =	vmul.f32 v43, v43  }
0xb4: {  	v19 =	vld [tilespmem:s28+$0x8E40];
	v2 =	vadd.f32 v25, v2;
	v3 =	vadd.f32 v12, v3;
	v25 =	vmul.f32 v44, v44  }
0xb5: {  	v21 =	vmul.f32 v21, v21;
	v18 =	vld [tilespmem:s28+$0x8E50];
	v5 =	vadd.f32 v22, v5;
	v4 =	vadd.f32 v24, v4  }
0xb6: {  	v15 =	vld [tilespmem:s28+$0x8E60];
	v22 =	vmul.f32 v45, v45;
	v2 =	vadd.f32 v23, v2;
	v3 =	vadd.f32 v25, v3  }
0xb7: {  	v26 =	vmul.f32 v7, v7;
	v12 =	vld [tilespmem:s28+$0xE60];
	v7 =	vadd.f32 v21, v4;
	v21 =	vsub.f32 v35, v36  }
0xb8: {  	v23 =	vld [tilespmem:s28+$0xE00];
	v2 =	vadd.f32 v22, v2;
	v22 =	vmul.f32 v6, v6;
	v6 =	vadd.f32 v20, v5  }
0xb9: {  	v25 =	vld [tilespmem:s28+$0x8E00];
	v4 =	vadd.f32 v26, v3;
	v20 =	vsub.f32 v33, v34  }
0xba: {  	v24 =	vld [tilespmem:s28+$0xE10];
	v5 =	vsub.f32 v37, v38;
	v3 =	vsub.f32 v39, v40  }
0xbb: {  	s6 =	simm.s32 $0xFFFFF200;
	v26 =	vld [tilespmem:s28+$0xE20];
	v2 =	vadd.f32 v22, v2;
	v22 =	vsub.f32 v41, v42  }
.LBB2_5:
0xbc: {  	p0 =	sne.s32 s6, $0xFFFFFE00;
	v30 =	vld [tilespmem:s28+$0x8E30];
	v8 =	vsub.f32 v8, v9;
	v9 =	vsub.f32 v10, v13  }
0xbd: {  	v10 =	vsub.f32 v17, v19;
	v11 =	vsub.f32 v11, v14;
	v13 =	vld [tilespmem:s28+$0xE70]  }
0xbe: {  	v14 =	vsub.f32 v23, v25;
	v16 =	vsub.f32 v16, v18;
	v17 =	vld [tilespmem:s28+$0x8E70];
	s28 =	sshra.s32 s6, $0x2  }
0xbf: {  	v19 =	vmul.f32 v20, v20;
	v20 =	vmul.f32 v21, v21;
	v18 =	vsub.f32 v24, v27;
	v31 =	vld [tilespmem:s28+$0x1240]  }
0xc0: {  	v22 =	vmul.f32 v22, v22;
	v8 =	vmul.f32 v8, v8;
	v23 =	vsub.f32 v26, v29;
	v21 =	vld [tilespmem:s28+$0x9240]  }
0xc1: {  	v10 =	vmul.f32 v10, v10;
	v16 =	vmul.f32 v16, v16;
	v32 =	vld [tilespmem:s28+$0x1250];
	v24 =	vsub.f32 v28, v30  }
0xc2: {  	v12 =	vsub.f32 v12, v15;
	v14 =	vmul.f32 v14, v14;
	v18 =	vmul.f32 v18, v18;
	v28 =	vld [tilespmem:s28+$0x9250]  }
0xc3: {  	v15 =	vmul.f32 v23, v23;
	v30 =	vld [tilespmem:s28+$0x1260];
	v23 =	vmul.f32 v24, v24;
	v13 =	vsub.f32 v13, v17  }
0xc4: {  	v12 =	vmul.f32 v12, v12;
	v6 =	vadd.f32 v14, v6;
	v7 =	vadd.f32 v18, v7;
	v33 =	vld [tilespmem:s28+$0x9260]  }
0xc5: {  	v4 =	vadd.f32 v15, v4;
	v34 =	vld [tilespmem:s28+$0x1270];
	v2 =	vadd.f32 v23, v2;
	v13 =	vmul.f32 v13, v13  }
0xc6: {  	v9 =	vmul.f32 v9, v9;
	v6 =	vadd.f32 v10, v6;
	v7 =	vadd.f32 v16, v7;
	v35 =	vld [tilespmem:s28+$0x9270]  }
0xc7: {  	v10 =	vmul.f32 v11, v11;
	v4 =	vadd.f32 v12, v4;
	v36 =	vld [tilespmem:s28+$0x1200];
	v2 =	vadd.f32 v13, v2  }
0xc8: {  	v5 =	vmul.f32 v5, v5;
	v6 =	vadd.f32 v22, v6;
	v7 =	vadd.f32 v8, v7;
	v37 =	vld [tilespmem:s28+$0x9200]  }
0xc9: {  	v3 =	vmul.f32 v3, v3;
	v4 =	vadd.f32 v9, v4;
	v8 =	vld [tilespmem:s28+$0x1210];
	v2 =	vadd.f32 v10, v2  }
0xca: {  	v6 =	vadd.f32 v19, v6;
	v7 =	vadd.f32 v20, v7;
	v9 =	vld [tilespmem:s28+$0x9210]  }
0xcb: {  	v4 =	vadd.f32 v5, v4;
	v10 =	vld [tilespmem:s28+$0x1220];
	v2 =	vadd.f32 v3, v2  }
0xcc: {  	v13 =	vld [tilespmem:s28+$0x9220]  }
0xcd: {  	v11 =	vld [tilespmem:s28+$0x1230]  }
0xce: {  	v14 =	vld [tilespmem:s28+$0x9230]  }
0xcf: {  	v17 =	vld [tilespmem:s28+$0xE40]  }
0xd0: {  	v19 =	vld [tilespmem:s28+$0x8E40]  }
0xd1: {  	v16 =	vld [tilespmem:s28+$0xE50]  }
0xd2: {  	v18 =	vld [tilespmem:s28+$0x8E50]  }
0xd3: {  	v12 =	vld [tilespmem:s28+$0xE60]  }
0xd4: {  	v15 =	vld [tilespmem:s28+$0x8E60]  }
0xd5: {  	v23 =	vld [tilespmem:s28+$0xE00]  }
0xd6: {  	v25 =	vld [tilespmem:s28+$0x8E00]  }
.Ltmp1:
0xd7: {  	v24 =	vld [tilespmem:s28+$0xE10];
	(pc) =	sbr.rel @p0 .LBB2_5-.Ltmp1, $4  }
0xd8: {  	v27 =	vld [tilespmem:s28+$0x8E10]  }
0xd9: {  	v20 =	vsub.f32 v31, v21;
	v26 =	vld [tilespmem:s28+$0xE20]  }
0xda: {  	v21 =	vsub.f32 v32, v28;
	v5 =	vsub.f32 v30, v33;
	v29 =	vld [tilespmem:s28+$0x8E20]  }
0xdb: {  	s6 =	sadd.s32 $0x200, s6;
	v3 =	vsub.f32 v34, v35;
	v22 =	vsub.f32 v36, v37;
	v28 =	vld [tilespmem:s28+$0xE30]  }
0xdc: {  	v30 =	vld [tilespmem:s28+$0x8E30]  }
0xdd: {  	v31 =	vld [tilespmem:s28+$0xE70]  }
0xde: {  	v32 =	vld [tilespmem:s28+$0x8E70];
	s28 =	simm.s32 $0xFFFFFC00  }
0xdf: {  	v33 =	vld [tilespmem:s28+$0x1A40]  }
0xe0: {  	v34 =	vld [tilespmem:s28+$0x9A40]  }
0xe1: {  	v35 =	vld [tilespmem:s28+$0x1A50]  }
0xe2: {  	v36 =	vld [tilespmem:s28+$0x9A50]  }
0xe3: {  	v37 =	vld [tilespmem:s28+$0x1A60]  }
0xe4: {  	v38 =	vld [tilespmem:s28+$0x9A60]  }
0xe5: {  	v39 =	vld [tilespmem:s28+$0x1A70]  }
0xe6: {  	v40 =	vld [tilespmem:s28+$0x9A70]  }
0xe7: {  	v41 =	vld [tilespmem:s28+$0x1A00]  }
0xe8: {  	v42 =	vld [tilespmem:s28+$0x9A00]  }
0xe9: {  	v43 =	vsub.f32 v8, v9;
	v8 =	vld [tilespmem:s28+$0x1A10]  }
0xea: {  	v44 =	vsub.f32 v10, v13;
	v9 =	vld [tilespmem:s28+$0x9A10]  }
0xeb: {  	v19 =	vsub.f32 v17, v19;
	v45 =	vsub.f32 v11, v14;
	v10 =	vld [tilespmem:s28+$0x1A20]  }
0xec: {  	v11 =	vsub.f32 v23, v25;
	v16 =	vsub.f32 v16, v18;
	v13 =	vld [tilespmem:s28+$0x9A20]  }
0xed: {  	v12 =	vsub.f32 v12, v15;
	v20 =	vmul.f32 v20, v20;
	v14 =	vsub.f32 v24, v27;
	v27 =	vld [tilespmem:s28+$0x9610]  }
0xee: {  	v21 =	vmul.f32 v21, v21;
	v23 =	vmul.f32 v11, v11;
	v11 =	vld [tilespmem:s28+$0x1A30];
	v17 =	vsub.f32 v26, v29  }
0xef: {  	v22 =	vmul.f32 v22, v22;
	v24 =	vmul.f32 v14, v14;
	v14 =	vld [tilespmem:s28+$0x9A30];
	v18 =	vsub.f32 v28, v30  }
0xf0: {  	v26 =	vld [tilespmem:s28+$0x1620];
	v6 =	vadd.f32 v23, v6;
	v23 =	vmul.f32 v19, v19;
	v15 =	vmul.f32 v17, v17  }
0xf1: {  	v29 =	vld [tilespmem:s28+$0x9620];
	v25 =	vsub.f32 v31, v32;
	v7 =	vadd.f32 v24, v7;
	v18 =	vmul.f32 v18, v18  }
0xf2: {  	v19 =	vld [tilespmem:s28+$0x9640];
	v6 =	vadd.f32 v23, v6;
	v4 =	vadd.f32 v15, v4;
	v15 =	vmul.f32 v16, v16  }
0xf3: {  	v12 =	vmul.f32 v12, v12;
	v17 =	vld [tilespmem:s28+$0x1640];
	v24 =	vmul.f32 v25, v25;
	v2 =	vadd.f32 v18, v2  }
0xf4: {  	v28 =	vld [tilespmem:s28+$0x1630];
	v23 =	vmul.f32 v43, v43;
	v6 =	vadd.f32 v22, v6;
	v7 =	vadd.f32 v15, v7  }
0xf5: {  	v16 =	vld [tilespmem:s28+$0x1650];
	v4 =	vadd.f32 v12, v4;
	v2 =	vadd.f32 v24, v2;
	v24 =	vmul.f32 v44, v44  }
0xf6: {  	v25 =	vld [tilespmem:s28+$0x9600];
	v22 =	vmul.f32 v45, v45;
	v6 =	vadd.f32 v20, v6;
	v7 =	vadd.f32 v23, v7  }
0xf7: {  	v5 =	vmul.f32 v5, v5;
	v18 =	vld [tilespmem:s28+$0x9650];
	v20 =	vsub.f32 v33, v34;
	v4 =	vadd.f32 v24, v4  }
0xf8: {  	v3 =	vmul.f32 v3, v3;
	v12 =	vld [tilespmem:s28+$0x1660];
	v2 =	vadd.f32 v22, v2;
	v7 =	vadd.f32 v21, v7  }
0xf9: {  	v23 =	vld [tilespmem:s28+$0x1600];
	v21 =	vsub.f32 v35, v36;
	v22 =	vsub.f32 v41, v42  }
0xfa: {  	v24 =	vld [tilespmem:s28+$0x1610];
	v4 =	vadd.f32 v5, v4;
	v2 =	vadd.f32 v3, v2  }
0xfb: {  	s6 =	simm.s32 $0xFFFFF200;
	v15 =	vld [tilespmem:s28+$0x9660];
	v5 =	vsub.f32 v37, v38;
	v3 =	vsub.f32 v39, v40  }
.LBB2_7:
0xfc: {  	p0 =	sne.s32 s6, $0xFFFFFE00;
	v30 =	vld [tilespmem:s28+$0x9630];
	v8 =	vsub.f32 v8, v9;
	v9 =	vsub.f32 v10, v13  }
0xfd: {  	v10 =	vsub.f32 v17, v19;
	v11 =	vsub.f32 v11, v14;
	v13 =	vld [tilespmem:s28+$0x1670]  }
0xfe: {  	v14 =	vsub.f32 v23, v25;
	v16 =	vsub.f32 v16, v18;
	v17 =	vld [tilespmem:s28+$0x9670];
	s28 =	sshra.s32 s6, $0x2  }
0xff: {  	v19 =	vmul.f32 v20, v20;
	v20 =	vmul.f32 v21, v21;
	v18 =	vsub.f32 v24, v27;
	v31 =	vld [tilespmem:s28+$0x1A40]  }
0x100: {  	v22 =	vmul.f32 v22, v22;
	v8 =	vmul.f32 v8, v8;
	v23 =	vsub.f32 v26, v29;
	v21 =	vld [tilespmem:s28+$0x9A40]  }
0x101: {  	v10 =	vmul.f32 v10, v10;
	v16 =	vmul.f32 v16, v16;
	v32 =	vld [tilespmem:s28+$0x1A50];
	v24 =	vsub.f32 v28, v30  }
0x102: {  	v12 =	vsub.f32 v12, v15;
	v14 =	vmul.f32 v14, v14;
	v18 =	vmul.f32 v18, v18;
	v28 =	vld [tilespmem:s28+$0x9A50]  }
0x103: {  	v15 =	vmul.f32 v23, v23;
	v30 =	vld [tilespmem:s28+$0x1A60];
	v23 =	vmul.f32 v24, v24;
	v13 =	vsub.f32 v13, v17  }
0x104: {  	v12 =	vmul.f32 v12, v12;
	v6 =	vadd.f32 v14, v6;
	v7 =	vadd.f32 v18, v7;
	v33 =	vld [tilespmem:s28+$0x9A60]  }
0x105: {  	v4 =	vadd.f32 v15, v4;
	v34 =	vld [tilespmem:s28+$0x1A70];
	v2 =	vadd.f32 v23, v2;
	v13 =	vmul.f32 v13, v13  }
0x106: {  	v9 =	vmul.f32 v9, v9;
	v6 =	vadd.f32 v10, v6;
	v7 =	vadd.f32 v16, v7;
	v35 =	vld [tilespmem:s28+$0x9A70]  }
0x107: {  	v10 =	vmul.f32 v11, v11;
	v4 =	vadd.f32 v12, v4;
	v36 =	vld [tilespmem:s28+$0x1A00];
	v2 =	vadd.f32 v13, v2  }
0x108: {  	v5 =	vmul.f32 v5, v5;
	v6 =	vadd.f32 v22, v6;
	v7 =	vadd.f32 v8, v7;
	v37 =	vld [tilespmem:s28+$0x9A00]  }
0x109: {  	v3 =	vmul.f32 v3, v3;
	v4 =	vadd.f32 v9, v4;
	v8 =	vld [tilespmem:s28+$0x1A10];
	v2 =	vadd.f32 v10, v2  }
0x10a: {  	v6 =	vadd.f32 v19, v6;
	v7 =	vadd.f32 v20, v7;
	v9 =	vld [tilespmem:s28+$0x9A10]  }
0x10b: {  	v4 =	vadd.f32 v5, v4;
	v10 =	vld [tilespmem:s28+$0x1A20];
	v2 =	vadd.f32 v3, v2  }
0x10c: {  	v13 =	vld [tilespmem:s28+$0x9A20]  }
0x10d: {  	v11 =	vld [tilespmem:s28+$0x1A30]  }
0x10e: {  	v14 =	vld [tilespmem:s28+$0x9A30]  }
0x10f: {  	v17 =	vld [tilespmem:s28+$0x1640]  }
0x110: {  	v19 =	vld [tilespmem:s28+$0x9640]  }
0x111: {  	v16 =	vld [tilespmem:s28+$0x1650]  }
0x112: {  	v18 =	vld [tilespmem:s28+$0x9650]  }
0x113: {  	v12 =	vld [tilespmem:s28+$0x1660]  }
0x114: {  	v15 =	vld [tilespmem:s28+$0x9660]  }
0x115: {  	v23 =	vld [tilespmem:s28+$0x1600]  }
0x116: {  	v25 =	vld [tilespmem:s28+$0x9600]  }
.Ltmp2:
0x117: {  	v24 =	vld [tilespmem:s28+$0x1610];
	(pc) =	sbr.rel @p0 .LBB2_7-.Ltmp2, $4  }
0x118: {  	v27 =	vld [tilespmem:s28+$0x9610]  }
0x119: {  	v20 =	vsub.f32 v31, v21;
	v26 =	vld [tilespmem:s28+$0x1620]  }
0x11a: {  	v21 =	vsub.f32 v32, v28;
	v5 =	vsub.f32 v30, v33;
	v29 =	vld [tilespmem:s28+$0x9620]  }
0x11b: {  	s6 =	sadd.s32 $0x200, s6;
	v3 =	vsub.f32 v34, v35;
	v22 =	vsub.f32 v36, v37;
	v28 =	vld [tilespmem:s28+$0x1630]  }
0x11c: {  	v30 =	vld [tilespmem:s28+$0x9630]  }
0x11d: {  	v31 =	vld [tilespmem:s28+$0x1670]  }
0x11e: {  	v32 =	vld [tilespmem:s28+$0x9670];
	s28 =	simm.s32 $0x0  }
0x11f: {  	v33 =	vld [tilespmem:s28+$0x1E40]  }
0x120: {  	v34 =	vld [tilespmem:s28+$0x9E40]  }
0x121: {  	v35 =	vld [tilespmem:s28+$0x1E50]  }
0x122: {  	v36 =	vld [tilespmem:s28+$0x9E50]  }
0x123: {  	v37 =	vld [tilespmem:s28+$0x1E60]  }
0x124: {  	v38 =	vld [tilespmem:s28+$0x9E60]  }
0x125: {  	v39 =	vld [tilespmem:s28+$0x1E70]  }
0x126: {  	v40 =	vld [tilespmem:s28+$0x9E70]  }
0x127: {  	v41 =	vld [tilespmem:s28+$0x1E00]  }
0x128: {  	v42 =	vld [tilespmem:s28+$0x9E00]  }
0x129: {  	v43 =	vsub.f32 v8, v9;
	v8 =	vld [tilespmem:s28+$0x1E10]  }
0x12a: {  	v44 =	vsub.f32 v10, v13;
	v9 =	vld [tilespmem:s28+$0x9E10]  }
0x12b: {  	v19 =	vsub.f32 v17, v19;
	v45 =	vsub.f32 v11, v14;
	v10 =	vld [tilespmem:s28+$0x1E20]  }
0x12c: {  	v11 =	vsub.f32 v23, v25;
	v16 =	vsub.f32 v16, v18;
	v13 =	vld [tilespmem:s28+$0x9E20]  }
0x12d: {  	v12 =	vsub.f32 v12, v15;
	v20 =	vmul.f32 v20, v20;
	v14 =	vsub.f32 v24, v27;
	v27 =	vld [tilespmem:s28+$0x9A10]  }
0x12e: {  	v21 =	vmul.f32 v21, v21;
	v23 =	vmul.f32 v11, v11;
	v11 =	vld [tilespmem:s28+$0x1E30];
	v17 =	vsub.f32 v26, v29  }
0x12f: {  	v22 =	vmul.f32 v22, v22;
	v24 =	vmul.f32 v14, v14;
	v14 =	vld [tilespmem:s28+$0x9E30];
	v18 =	vsub.f32 v28, v30  }
0x130: {  	v26 =	vld [tilespmem:s28+$0x1A20];
	v6 =	vadd.f32 v23, v6;
	v23 =	vmul.f32 v19, v19;
	v15 =	vmul.f32 v17, v17  }
0x131: {  	v29 =	vld [tilespmem:s28+$0x9A20];
	v25 =	vsub.f32 v31, v32;
	v7 =	vadd.f32 v24, v7;
	v18 =	vmul.f32 v18, v18  }
0x132: {  	v19 =	vld [tilespmem:s28+$0x9A40];
	v6 =	vadd.f32 v23, v6;
	v4 =	vadd.f32 v15, v4;
	v15 =	vmul.f32 v16, v16  }
0x133: {  	v12 =	vmul.f32 v12, v12;
	v17 =	vld [tilespmem:s28+$0x1A40];
	v24 =	vmul.f32 v25, v25;
	v2 =	vadd.f32 v18, v2  }
0x134: {  	v28 =	vld [tilespmem:s28+$0x1A30];
	v23 =	vmul.f32 v43, v43;
	v6 =	vadd.f32 v22, v6;
	v7 =	vadd.f32 v15, v7  }
0x135: {  	v16 =	vld [tilespmem:s28+$0x1A50];
	v4 =	vadd.f32 v12, v4;
	v2 =	vadd.f32 v24, v2;
	v24 =	vmul.f32 v44, v44  }
0x136: {  	v25 =	vld [tilespmem:s28+$0x9A00];
	v22 =	vmul.f32 v45, v45;
	v6 =	vadd.f32 v20, v6;
	v7 =	vadd.f32 v23, v7  }
0x137: {  	v5 =	vmul.f32 v5, v5;
	v18 =	vld [tilespmem:s28+$0x9A50];
	v20 =	vsub.f32 v33, v34;
	v4 =	vadd.f32 v24, v4  }
0x138: {  	v3 =	vmul.f32 v3, v3;
	v12 =	vld [tilespmem:s28+$0x1A60];
	v2 =	vadd.f32 v22, v2;
	v7 =	vadd.f32 v21, v7  }
0x139: {  	v23 =	vld [tilespmem:s28+$0x1A00];
	v21 =	vsub.f32 v35, v36;
	v22 =	vsub.f32 v41, v42  }
0x13a: {  	v24 =	vld [tilespmem:s28+$0x1A10];
	v4 =	vadd.f32 v5, v4;
	v2 =	vadd.f32 v3, v2  }
0x13b: {  	s6 =	simm.s32 $0x200;
	v15 =	vld [tilespmem:s28+$0x9A60];
	v5 =	vsub.f32 v37, v38;
	v3 =	vsub.f32 v39, v40  }
.LBB2_9:
0x13c: {  	p0 =	sne.s32 s6, $0xE00;
	v30 =	vld [tilespmem:s28+$0x9A30];
	v8 =	vsub.f32 v8, v9;
	v9 =	vsub.f32 v10, v13  }
0x13d: {  	v10 =	vsub.f32 v17, v19;
	v11 =	vsub.f32 v11, v14;
	v13 =	vld [tilespmem:s28+$0x1A70]  }
0x13e: {  	v14 =	vsub.f32 v23, v25;
	v16 =	vsub.f32 v16, v18;
	v17 =	vld [tilespmem:s28+$0x9A70];
	s28 =	sshra.s32 s6, $0x2  }
0x13f: {  	v19 =	vmul.f32 v20, v20;
	v20 =	vmul.f32 v21, v21;
	v18 =	vsub.f32 v24, v27;
	v31 =	vld [tilespmem:s28+$0x1E40]  }
0x140: {  	v22 =	vmul.f32 v22, v22;
	v8 =	vmul.f32 v8, v8;
	v23 =	vsub.f32 v26, v29;
	v21 =	vld [tilespmem:s28+$0x9E40]  }
0x141: {  	v10 =	vmul.f32 v10, v10;
	v16 =	vmul.f32 v16, v16;
	v32 =	vld [tilespmem:s28+$0x1E50];
	v24 =	vsub.f32 v28, v30  }
0x142: {  	v12 =	vsub.f32 v12, v15;
	v14 =	vmul.f32 v14, v14;
	v18 =	vmul.f32 v18, v18;
	v28 =	vld [tilespmem:s28+$0x9E50]  }
0x143: {  	v15 =	vmul.f32 v23, v23;
	v30 =	vld [tilespmem:s28+$0x1E60];
	v23 =	vmul.f32 v24, v24;
	v13 =	vsub.f32 v13, v17  }
0x144: {  	v12 =	vmul.f32 v12, v12;
	v6 =	vadd.f32 v14, v6;
	v7 =	vadd.f32 v18, v7;
	v33 =	vld [tilespmem:s28+$0x9E60]  }
0x145: {  	v4 =	vadd.f32 v15, v4;
	v34 =	vld [tilespmem:s28+$0x1E70];
	v2 =	vadd.f32 v23, v2;
	v13 =	vmul.f32 v13, v13  }
0x146: {  	v9 =	vmul.f32 v9, v9;
	v6 =	vadd.f32 v10, v6;
	v7 =	vadd.f32 v16, v7;
	v35 =	vld [tilespmem:s28+$0x9E70]  }
0x147: {  	v10 =	vmul.f32 v11, v11;
	v4 =	vadd.f32 v12, v4;
	v36 =	vld [tilespmem:s28+$0x1E00];
	v2 =	vadd.f32 v13, v2  }
0x148: {  	v5 =	vmul.f32 v5, v5;
	v6 =	vadd.f32 v22, v6;
	v7 =	vadd.f32 v8, v7;
	v37 =	vld [tilespmem:s28+$0x9E00]  }
0x149: {  	v3 =	vmul.f32 v3, v3;
	v4 =	vadd.f32 v9, v4;
	v8 =	vld [tilespmem:s28+$0x1E10];
	v2 =	vadd.f32 v10, v2  }
0x14a: {  	v6 =	vadd.f32 v19, v6;
	v7 =	vadd.f32 v20, v7;
	v9 =	vld [tilespmem:s28+$0x9E10]  }
0x14b: {  	v4 =	vadd.f32 v5, v4;
	v10 =	vld [tilespmem:s28+$0x1E20];
	v2 =	vadd.f32 v3, v2  }
0x14c: {  	v13 =	vld [tilespmem:s28+$0x9E20]  }
0x14d: {  	v11 =	vld [tilespmem:s28+$0x1E30]  }
0x14e: {  	v14 =	vld [tilespmem:s28+$0x9E30]  }
0x14f: {  	v17 =	vld [tilespmem:s28+$0x1A40]  }
0x150: {  	v19 =	vld [tilespmem:s28+$0x9A40]  }
0x151: {  	v16 =	vld [tilespmem:s28+$0x1A50]  }
0x152: {  	v18 =	vld [tilespmem:s28+$0x9A50]  }
0x153: {  	v12 =	vld [tilespmem:s28+$0x1A60]  }
0x154: {  	v15 =	vld [tilespmem:s28+$0x9A60]  }
0x155: {  	v23 =	vld [tilespmem:s28+$0x1A00]  }
0x156: {  	v25 =	vld [tilespmem:s28+$0x9A00]  }
.Ltmp3:
0x157: {  	v24 =	vld [tilespmem:s28+$0x1A10];
	(pc) =	sbr.rel @p0 .LBB2_9-.Ltmp3, $4  }
0x158: {  	v27 =	vld [tilespmem:s28+$0x9A10]  }
0x159: {  	v20 =	vsub.f32 v31, v21;
	v26 =	vld [tilespmem:s28+$0x1A20]  }
0x15a: {  	v21 =	vsub.f32 v32, v28;
	v5 =	vsub.f32 v30, v33;
	v29 =	vld [tilespmem:s28+$0x9A20]  }
0x15b: {  	s6 =	sadd.s32 $0x200, s6;
	v3 =	vsub.f32 v34, v35;
	v22 =	vsub.f32 v36, v37;
	v28 =	vld [tilespmem:s28+$0x1A30]  }
0x15c: {  	p0 =	seq.s32 s30, $0xF  }
0x15d: {  	v30 =	vld.msk @!p0 [tilespmem:s31+$0x20], $0xff;
	_ =	sdelay $0x4  }
0x15e: {  	v31 =	vshll.u32 @!p0 v30, $0x3  }
0x15f: {  	v32 =	vlaneseq.u32 @!p0;
	v30 =	vand.u32 @!p0 $0x7, v30;
	v31 =	vand.u32 @!p0 $0xFFFFFFC0, v31  }
0x160: {  	v30 =	vor.u32 @!p0 v30, v31;
	v31 =	vand.u32 @!p0 $0x7, v32;
	v32 =	vshrl.u32 @!p0 v32, $0x3  }
0x161: {  	v30 =	vperm.xlane @!p0 v30, v31;
	v31 =	vmul.u32 @!p0 $0x8, v32;
	_ =	sdelay $0x1  }
0x162: {  	v30 =	vadd.s32 @!p0 v31, v30;
	_ =	sdelay $0x1  }
0x163: {  	v63 =	vld [tilespmem:s28+$0x1A70]  }
0x164: {  	v33 =	vld [tilespmem:s28+$0x9A70]  }
0x165: {  	vm1 =	vmmov @!p0 $0xffff;
	s6 =	simm.s32 @!p0 $0x0;
	v31 =	vld [tilespmem:s28+$0x9A30];
	s28 =	simm.s32 @!p0 $0x8200  }
0x166: {  	[tilespmem:s28], [sflag:$0x5] =	stream.indirect_vreg.gather @!p0 [hbm4b:s2+s6], $0x80, v30, vm1, $0xb8;
	[tilespmem:$0x10280] =	vst v63  }
0x167: {  	s28 =	simm.s32 @!p0 $0x8A00  }
0x168: {  	[tilespmem:s28], [sflag:$0x5] =	stream.indirect_vreg.gather @!p0 [hbm4b:s7+s6], $0x80, v30, vm1, $0xb8;
	[tilespmem:$0x10280] =	vst v63  }
0x169: {  	s28 =	simm.s32 @!p0 $0x9200  }
0x16a: {  	[tilespmem:s28], [sflag:$0x5] =	stream.indirect_vreg.gather @!p0 [hbm4b:s8+s6], $0x80, v30, vm1, $0xb8;
	[tilespmem:$0x10280] =	vst v63  }
0x16b: {  	s11 =	simm.s32 @!p0 $0x9A00;
	s28 =	sadd.s32 @!p0 $0x20, s31  }
0x16c: {  	[tilespmem:s11], [sflag:$0x5] =	stream.indirect_vreg.gather @!p0 [hbm4b:s9+s6], $0x80, v30, vm1, $0xb8;
	[tilespmem:$0x10280] =	vst v63  }
0x16d: {  	s11 =	sadd.s32 @!p0 s5, s28  }
0x16e: {  	s11 =	sshll.u32 @!p0 s11, $0x7  }
0x16f: {  	s28 =	simm.s32 @!p0 $0x200;
	s11 =	sadd.s32 @!p0 s1, s11  }
0x170: {  	[tilespmem:s28], [sflag:$0x1] =	stream.linear.gather @!p0 [hbm4b:s11+s6], $0x2000, $0x38;
	[tilespmem:$0x10280] =	vst v63  }
0x171: {  	_ =	swait.ge [sflag:s21], $0x2000  }
0x172: {  	[sflag:s21] =	ssyncset.done $0x0  }
0x173: {  	[sflag:s21] =	ssyncadd.s32 $0xFFFFE000  }
0x174: {  	_ =	swait.ge [sflag:s22], $0x2000  }
0x175: {  	[sflag:s22] =	ssyncset.done $0x0  }
0x176: {  	s28 =	simm.s32 $0x0;
	[sflag:s22] =	ssyncadd.s32 $0xFFFFE000  }
0x177: {  	v30 =	vld [tilespmem:s28+$0x2640]  }
0x178: {  	v34 =	vld [tilespmem:s28+$0xA640]  }
0x179: {  	v35 =	vld [tilespmem:s28+$0x2650]  }
0x17a: {  	v36 =	vld [tilespmem:s28+$0xA650]  }
0x17b: {  	v37 =	vld [tilespmem:s28+$0x2660]  }
0x17c: {  	v38 =	vld [tilespmem:s28+$0xA660]  }
0x17d: {  	v39 =	vld [tilespmem:s28+$0x2670]  }
0x17e: {  	v40 =	vld [tilespmem:s28+$0xA670]  }
0x17f: {  	v41 =	vld [tilespmem:s28+$0x2600]  }
0x180: {  	v42 =	vld [tilespmem:s28+$0xA600]  }
0x181: {  	v43 =	vsub.f32 v8, v9;
	v8 =	vld [tilespmem:s28+$0x2610]  }
0x182: {  	v44 =	vsub.f32 v10, v13;
	v19 =	vsub.f32 v17, v19;
	v9 =	vld [tilespmem:s28+$0xA610]  }
0x183: {  	v45 =	vsub.f32 v11, v14;
	v11 =	vsub.f32 v23, v25;
	v10 =	vld [tilespmem:s28+$0x2620]  }
0x184: {  	v16 =	vsub.f32 v16, v18;
	v14 =	vsub.f32 v24, v27;
	v13 =	vld [tilespmem:s28+$0xA620]  }
0x185: {  	v12 =	vsub.f32 v12, v15;
	v23 =	vmul.f32 v11, v11;
	v17 =	vsub.f32 v26, v29;
	v11 =	vld [tilespmem:s28+$0x2630]  }
0x186: {  	v22 =	vmul.f32 v22, v22;
	v24 =	vmul.f32 v14, v14;
	v18 =	vsub.f32 v28, v31;
	v14 =	vld [tilespmem:s28+$0xA630]  }
0x187: {  	v12 =	vmul.f32 v12, v12;
	v6 =	vadd.f32 v23, v6;
	v15 =	vmul.f32 v17, v17;
	v17 =	vld [tilespmem:s28+$0x2240]  }
0x188: {  	v23 =	vmul.f32 v19, v19;
	v25 =	vsub.f32 v63, v33;
	v18 =	vmul.f32 v18, v18;
	v19 =	vld [tilespmem:s28+$0xA240]  }
0x189: {  	v7 =	vadd.f32 v24, v7;
	v4 =	vadd.f32 v15, v4;
	v15 =	vmul.f32 v16, v16;
	v16 =	vld [tilespmem:s28+$0x2250]  }
0x18a: {  	v6 =	vadd.f32 v23, v6;
	v24 =	vmul.f32 v25, v25;
	v2 =	vadd.f32 v18, v2;
	v18 =	vld [tilespmem:s28+$0xA250]  }
0x18b: {  	v23 =	vmul.f32 v43, v43;
	v7 =	vadd.f32 v15, v7;
	v4 =	vadd.f32 v12, v4;
	v12 =	vld [tilespmem:s28+$0x2260]  }
0x18c: {  	v20 =	vmul.f32 v20, v20;
	v2 =	vadd.f32 v24, v2;
	v24 =	vmul.f32 v44, v44;
	v15 =	vld [tilespmem:s28+$0xA260]  }
0x18d: {  	v6 =	vadd.f32 v22, v6;
	v22 =	vmul.f32 v45, v45;
	v7 =	vadd.f32 v23, v7;
	v23 =	vld [tilespmem:s28+$0x2200]  }
0x18e: {  	v21 =	vmul.f32 v21, v21;
	v5 =	vmul.f32 v5, v5;
	v4 =	vadd.f32 v24, v4;
	v25 =	vld [tilespmem:s28+$0xA200]  }
0x18f: {  	v3 =	vmul.f32 v3, v3;
	v6 =	vadd.f32 v20, v6;
	v2 =	vadd.f32 v22, v2;
	v24 =	vld [tilespmem:s28+$0x2210]  }
0x190: {  	v7 =	vadd.f32 v21, v7;
	v4 =	vadd.f32 v5, v4;
	v27 =	vld [tilespmem:s28+$0xA210]  }
0x191: {  	v2 =	vadd.f32 v3, v2;
	v26 =	vld [tilespmem:s28+$0x2220];
	v20 =	vsub.f32 v30, v34  }
0x192: {  	v29 =	vld [tilespmem:s28+$0xA220];
	v21 =	vsub.f32 v35, v36;
	v5 =	vsub.f32 v37, v38  }
0x193: {  	s6 =	simm.s32 $0x200;
	v28 =	vld [tilespmem:s28+$0x2230];
	v22 =	vsub.f32 v41, v42;
	v3 =	vsub.f32 v39, v40  }
.LBB2_11:
0x194: {  	p1 =	sne.s32 s6, $0xE00;
	v30 =	vld [tilespmem:s28+$0xA230];
	v8 =	vsub.f32 v8, v9;
	v9 =	vsub.f32 v10, v13  }
0x195: {  	v10 =	vsub.f32 v17, v19;
	v11 =	vsub.f32 v11, v14;
	v13 =	vld [tilespmem:s28+$0x2270]  }
0x196: {  	v14 =	vsub.f32 v23, v25;
	v16 =	vsub.f32 v16, v18;
	v17 =	vld [tilespmem:s28+$0xA270];
	s28 =	sshra.s32 s6, $0x2  }
0x197: {  	v19 =	vmul.f32 v20, v20;
	v20 =	vmul.f32 v21, v21;
	v18 =	vsub.f32 v24, v27;
	v31 =	vld [tilespmem:s28+$0x2640]  }
0x198: {  	v22 =	vmul.f32 v22, v22;
	v8 =	vmul.f32 v8, v8;
	v23 =	vsub.f32 v26, v29;
	v21 =	vld [tilespmem:s28+$0xA640]  }
0x199: {  	v10 =	vmul.f32 v10, v10;
	v16 =	vmul.f32 v16, v16;
	v32 =	vld [tilespmem:s28+$0x2650];
	v24 =	vsub.f32 v28, v30  }
0x19a: {  	v12 =	vsub.f32 v12, v15;
	v14 =	vmul.f32 v14, v14;
	v18 =	vmul.f32 v18, v18;
	v28 =	vld [tilespmem:s28+$0xA650]  }
0x19b: {  	v15 =	vmul.f32 v23, v23;
	v30 =	vld [tilespmem:s28+$0x2660];
	v23 =	vmul.f32 v24, v24;
	v13 =	vsub.f32 v13, v17  }
0x19c: {  	v12 =	vmul.f32 v12, v12;
	v6 =	vadd.f32 v14, v6;
	v7 =	vadd.f32 v18, v7;
	v33 =	vld [tilespmem:s28+$0xA660]  }
0x19d: {  	v4 =	vadd.f32 v15, v4;
	v34 =	vld [tilespmem:s28+$0x2670];
	v2 =	vadd.f32 v23, v2;
	v13 =	vmul.f32 v13, v13  }
0x19e: {  	v9 =	vmul.f32 v9, v9;
	v6 =	vadd.f32 v10, v6;
	v7 =	vadd.f32 v16, v7;
	v35 =	vld [tilespmem:s28+$0xA670]  }
0x19f: {  	v10 =	vmul.f32 v11, v11;
	v4 =	vadd.f32 v12, v4;
	v36 =	vld [tilespmem:s28+$0x2600];
	v2 =	vadd.f32 v13, v2  }
0x1a0: {  	v5 =	vmul.f32 v5, v5;
	v6 =	vadd.f32 v22, v6;
	v7 =	vadd.f32 v8, v7;
	v37 =	vld [tilespmem:s28+$0xA600]  }
0x1a1: {  	v3 =	vmul.f32 v3, v3;
	v4 =	vadd.f32 v9, v4;
	v8 =	vld [tilespmem:s28+$0x2610];
	v2 =	vadd.f32 v10, v2  }
0x1a2: {  	v6 =	vadd.f32 v19, v6;
	v7 =	vadd.f32 v20, v7;
	v9 =	vld [tilespmem:s28+$0xA610]  }
0x1a3: {  	v4 =	vadd.f32 v5, v4;
	v10 =	vld [tilespmem:s28+$0x2620];
	v2 =	vadd.f32 v3, v2  }
0x1a4: {  	v13 =	vld [tilespmem:s28+$0xA620]  }
0x1a5: {  	v11 =	vld [tilespmem:s28+$0x2630]  }
0x1a6: {  	v14 =	vld [tilespmem:s28+$0xA630]  }
0x1a7: {  	v17 =	vld [tilespmem:s28+$0x2240]  }
0x1a8: {  	v19 =	vld [tilespmem:s28+$0xA240]  }
0x1a9: {  	v16 =	vld [tilespmem:s28+$0x2250]  }
0x1aa: {  	v18 =	vld [tilespmem:s28+$0xA250]  }
0x1ab: {  	v12 =	vld [tilespmem:s28+$0x2260]  }
0x1ac: {  	v15 =	vld [tilespmem:s28+$0xA260]  }
0x1ad: {  	v23 =	vld [tilespmem:s28+$0x2200]  }
0x1ae: {  	v25 =	vld [tilespmem:s28+$0xA200]  }
.Ltmp4:
0x1af: {  	v24 =	vld [tilespmem:s28+$0x2210];
	(pc) =	sbr.rel @p1 .LBB2_11-.Ltmp4, $4  }
0x1b0: {  	v27 =	vld [tilespmem:s28+$0xA210]  }
0x1b1: {  	v20 =	vsub.f32 v31, v21;
	v26 =	vld [tilespmem:s28+$0x2220]  }
0x1b2: {  	v21 =	vsub.f32 v32, v28;
	v5 =	vsub.f32 v30, v33;
	v29 =	vld [tilespmem:s28+$0xA220]  }
0x1b3: {  	s6 =	sadd.s32 $0x200, s6;
	v3 =	vsub.f32 v34, v35;
	v22 =	vsub.f32 v36, v37;
	v28 =	vld [tilespmem:s28+$0x2230]  }
0x1b4: {  	v30 =	vld [tilespmem:s28+$0xA230]  }
0x1b5: {  	v31 =	vld [tilespmem:s28+$0x2270]  }
0x1b6: {  	v32 =	vld [tilespmem:s28+$0xA270];
	s28 =	simm.s32 $0xFFFFFC00  }
0x1b7: {  	v33 =	vld [tilespmem:s28+$0x3240]  }
0x1b8: {  	v34 =	vld [tilespmem:s28+$0xB240]  }
0x1b9: {  	v35 =	vld [tilespmem:s28+$0x3250]  }
0x1ba: {  	v36 =	vld [tilespmem:s28+$0xB250]  }
0x1bb: {  	v37 =	vld [tilespmem:s28+$0x3260]  }
0x1bc: {  	v38 =	vld [tilespmem:s28+$0xB260]  }
0x1bd: {  	v39 =	vld [tilespmem:s28+$0x3270]  }
0x1be: {  	v40 =	vld [tilespmem:s28+$0xB270]  }
0x1bf: {  	v41 =	vld [tilespmem:s28+$0x3200]  }
0x1c0: {  	v42 =	vld [tilespmem:s28+$0xB200]  }
0x1c1: {  	v43 =	vsub.f32 v8, v9;
	v8 =	vld [tilespmem:s28+$0x3210]  }
0x1c2: {  	v44 =	vsub.f32 v10, v13;
	v9 =	vld [tilespmem:s28+$0xB210]  }
0x1c3: {  	v19 =	vsub.f32 v17, v19;
	v45 =	vsub.f32 v11, v14;
	v10 =	vld [tilespmem:s28+$0x3220]  }
0x1c4: {  	v11 =	vsub.f32 v23, v25;
	v16 =	vsub.f32 v16, v18;
	v13 =	vld [tilespmem:s28+$0xB220]  }
0x1c5: {  	v12 =	vsub.f32 v12, v15;
	v20 =	vmul.f32 v20, v20;
	v14 =	vsub.f32 v24, v27;
	v27 =	vld [tilespmem:s28+$0xAE10]  }
0x1c6: {  	v21 =	vmul.f32 v21, v21;
	v23 =	vmul.f32 v11, v11;
	v11 =	vld [tilespmem:s28+$0x3230];
	v17 =	vsub.f32 v26, v29  }
0x1c7: {  	v22 =	vmul.f32 v22, v22;
	v24 =	vmul.f32 v14, v14;
	v14 =	vld [tilespmem:s28+$0xB230];
	v18 =	vsub.f32 v28, v30  }
0x1c8: {  	v26 =	vld [tilespmem:s28+$0x2E20];
	v6 =	vadd.f32 v23, v6;
	v23 =	vmul.f32 v19, v19;
	v15 =	vmul.f32 v17, v17  }
0x1c9: {  	v29 =	vld [tilespmem:s28+$0xAE20];
	v25 =	vsub.f32 v31, v32;
	v7 =	vadd.f32 v24, v7;
	v18 =	vmul.f32 v18, v18  }
0x1ca: {  	v19 =	vld [tilespmem:s28+$0xAE40];
	v6 =	vadd.f32 v23, v6;
	v4 =	vadd.f32 v15, v4;
	v15 =	vmul.f32 v16, v16  }
0x1cb: {  	v12 =	vmul.f32 v12, v12;
	v17 =	vld [tilespmem:s28+$0x2E40];
	v24 =	vmul.f32 v25, v25;
	v2 =	vadd.f32 v18, v2  }
0x1cc: {  	v28 =	vld [tilespmem:s28+$0x2E30];
	v23 =	vmul.f32 v43, v43;
	v6 =	vadd.f32 v22, v6;
	v7 =	vadd.f32 v15, v7  }
0x1cd: {  	v16 =	vld [tilespmem:s28+$0x2E50];
	v4 =	vadd.f32 v12, v4;
	v2 =	vadd.f32 v24, v2;
	v24 =	vmul.f32 v44, v44  }
0x1ce: {  	v25 =	vld [tilespmem:s28+$0xAE00];
	v22 =	vmul.f32 v45, v45;
	v6 =	vadd.f32 v20, v6;
	v7 =	vadd.f32 v23, v7  }
0x1cf: {  	v5 =	vmul.f32 v5, v5;
	v18 =	vld [tilespmem:s28+$0xAE50];
	v20 =	vsub.f32 v33, v34;
	v4 =	vadd.f32 v24, v4  }
0x1d0: {  	v3 =	vmul.f32 v3, v3;
	v12 =	vld [tilespmem:s28+$0x2E60];
	v2 =	vadd.f32 v22, v2;
	v7 =	vadd.f32 v21, v7  }
0x1d1: {  	v23 =	vld [tilespmem:s28+$0x2E00];
	v21 =	vsub.f32 v35, v36;
	v22 =	vsub.f32 v41, v42  }
0x1d2: {  	v24 =	vld [tilespmem:s28+$0x2E10];
	v4 =	vadd.f32 v5, v4;
	v2 =	vadd.f32 v3, v2  }
0x1d3: {  	s6 =	simm.s32 $0xFFFFF200;
	v15 =	vld [tilespmem:s28+$0xAE60];
	v5 =	vsub.f32 v37, v38;
	v3 =	vsub.f32 v39, v40  }
.LBB2_13:
0x1d4: {  	p1 =	sne.s32 s6, $0xFFFFFE00;
	v30 =	vld [tilespmem:s28+$0xAE30];
	v8 =	vsub.f32 v8, v9;
	v9 =	vsub.f32 v10, v13  }
0x1d5: {  	v10 =	vsub.f32 v17, v19;
	v11 =	vsub.f32 v11, v14;
	v13 =	vld [tilespmem:s28+$0x2E70]  }
0x1d6: {  	v14 =	vsub.f32 v23, v25;
	v16 =	vsub.f32 v16, v18;
	v17 =	vld [tilespmem:s28+$0xAE70];
	s28 =	sshra.s32 s6, $0x2  }
0x1d7: {  	v19 =	vmul.f32 v20, v20;
	v20 =	vmul.f32 v21, v21;
	v18 =	vsub.f32 v24, v27;
	v31 =	vld [tilespmem:s28+$0x3240]  }
0x1d8: {  	v22 =	vmul.f32 v22, v22;
	v8 =	vmul.f32 v8, v8;
	v23 =	vsub.f32 v26, v29;
	v21 =	vld [tilespmem:s28+$0xB240]  }
0x1d9: {  	v10 =	vmul.f32 v10, v10;
	v16 =	vmul.f32 v16, v16;
	v32 =	vld [tilespmem:s28+$0x3250];
	v24 =	vsub.f32 v28, v30  }
0x1da: {  	v12 =	vsub.f32 v12, v15;
	v14 =	vmul.f32 v14, v14;
	v18 =	vmul.f32 v18, v18;
	v28 =	vld [tilespmem:s28+$0xB250]  }
0x1db: {  	v15 =	vmul.f32 v23, v23;
	v30 =	vld [tilespmem:s28+$0x3260];
	v23 =	vmul.f32 v24, v24;
	v13 =	vsub.f32 v13, v17  }
0x1dc: {  	v12 =	vmul.f32 v12, v12;
	v6 =	vadd.f32 v14, v6;
	v7 =	vadd.f32 v18, v7;
	v33 =	vld [tilespmem:s28+$0xB260]  }
0x1dd: {  	v4 =	vadd.f32 v15, v4;
	v34 =	vld [tilespmem:s28+$0x3270];
	v2 =	vadd.f32 v23, v2;
	v13 =	vmul.f32 v13, v13  }
0x1de: {  	v9 =	vmul.f32 v9, v9;
	v6 =	vadd.f32 v10, v6;
	v7 =	vadd.f32 v16, v7;
	v35 =	vld [tilespmem:s28+$0xB270]  }
0x1df: {  	v10 =	vmul.f32 v11, v11;
	v4 =	vadd.f32 v12, v4;
	v36 =	vld [tilespmem:s28+$0x3200];
	v2 =	vadd.f32 v13, v2  }
0x1e0: {  	v5 =	vmul.f32 v5, v5;
	v6 =	vadd.f32 v22, v6;
	v7 =	vadd.f32 v8, v7;
	v37 =	vld [tilespmem:s28+$0xB200]  }
0x1e1: {  	v3 =	vmul.f32 v3, v3;
	v4 =	vadd.f32 v9, v4;
	v8 =	vld [tilespmem:s28+$0x3210];
	v2 =	vadd.f32 v10, v2  }
0x1e2: {  	v6 =	vadd.f32 v19, v6;
	v7 =	vadd.f32 v20, v7;
	v9 =	vld [tilespmem:s28+$0xB210]  }
0x1e3: {  	v4 =	vadd.f32 v5, v4;
	v10 =	vld [tilespmem:s28+$0x3220];
	v2 =	vadd.f32 v3, v2  }
0x1e4: {  	v13 =	vld [tilespmem:s28+$0xB220]  }
0x1e5: {  	v11 =	vld [tilespmem:s28+$0x3230]  }
0x1e6: {  	v14 =	vld [tilespmem:s28+$0xB230]  }
0x1e7: {  	v17 =	vld [tilespmem:s28+$0x2E40]  }
0x1e8: {  	v19 =	vld [tilespmem:s28+$0xAE40]  }
0x1e9: {  	v16 =	vld [tilespmem:s28+$0x2E50]  }
0x1ea: {  	v18 =	vld [tilespmem:s28+$0xAE50]  }
0x1eb: {  	v12 =	vld [tilespmem:s28+$0x2E60]  }
0x1ec: {  	v15 =	vld [tilespmem:s28+$0xAE60]  }
0x1ed: {  	v23 =	vld [tilespmem:s28+$0x2E00]  }
0x1ee: {  	v25 =	vld [tilespmem:s28+$0xAE00]  }
.Ltmp5:
0x1ef: {  	v24 =	vld [tilespmem:s28+$0x2E10];
	(pc) =	sbr.rel @p1 .LBB2_13-.Ltmp5, $4  }
0x1f0: {  	v27 =	vld [tilespmem:s28+$0xAE10]  }
0x1f1: {  	v20 =	vsub.f32 v31, v21;
	v26 =	vld [tilespmem:s28+$0x2E20]  }
0x1f2: {  	v21 =	vsub.f32 v32, v28;
	v5 =	vsub.f32 v30, v33;
	v29 =	vld [tilespmem:s28+$0xAE20]  }
0x1f3: {  	s6 =	sadd.s32 $0x200, s6;
	v3 =	vsub.f32 v34, v35;
	v22 =	vsub.f32 v36, v37;
	v28 =	vld [tilespmem:s28+$0x2E30]  }
0x1f4: {  	v30 =	vld [tilespmem:s28+$0xAE30]  }
0x1f5: {  	v31 =	vld [tilespmem:s28+$0x2E70]  }
0x1f6: {  	v32 =	vld [tilespmem:s28+$0xAE70];
	s28 =	simm.s32 $0xFFFFFC00  }
0x1f7: {  	v33 =	vld [tilespmem:s28+$0x3A40]  }
0x1f8: {  	v34 =	vld [tilespmem:s28+$0xBA40]  }
0x1f9: {  	v35 =	vld [tilespmem:s28+$0x3A50]  }
0x1fa: {  	v36 =	vld [tilespmem:s28+$0xBA50]  }
0x1fb: {  	v37 =	vld [tilespmem:s28+$0x3A60]  }
0x1fc: {  	v38 =	vld [tilespmem:s28+$0xBA60]  }
0x1fd: {  	v39 =	vld [tilespmem:s28+$0x3A70]  }
0x1fe: {  	v40 =	vld [tilespmem:s28+$0xBA70]  }
0x1ff: {  	v41 =	vld [tilespmem:s28+$0x3A00]  }
0x200: {  	v42 =	vld [tilespmem:s28+$0xBA00]  }
0x201: {  	v43 =	vsub.f32 v8, v9;
	v8 =	vld [tilespmem:s28+$0x3A10]  }
0x202: {  	v44 =	vsub.f32 v10, v13;
	v9 =	vld [tilespmem:s28+$0xBA10]  }
0x203: {  	v19 =	vsub.f32 v17, v19;
	v45 =	vsub.f32 v11, v14;
	v10 =	vld [tilespmem:s28+$0x3A20]  }
0x204: {  	v11 =	vsub.f32 v23, v25;
	v16 =	vsub.f32 v16, v18;
	v13 =	vld [tilespmem:s28+$0xBA20]  }
0x205: {  	v12 =	vsub.f32 v12, v15;
	v20 =	vmul.f32 v20, v20;
	v14 =	vsub.f32 v24, v27;
	v27 =	vld [tilespmem:s28+$0xB610]  }
0x206: {  	v21 =	vmul.f32 v21, v21;
	v23 =	vmul.f32 v11, v11;
	v11 =	vld [tilespmem:s28+$0x3A30];
	v17 =	vsub.f32 v26, v29  }
0x207: {  	v22 =	vmul.f32 v22, v22;
	v24 =	vmul.f32 v14, v14;
	v14 =	vld [tilespmem:s28+$0xBA30];
	v18 =	vsub.f32 v28, v30  }
0x208: {  	v26 =	vld [tilespmem:s28+$0x3620];
	v6 =	vadd.f32 v23, v6;
	v23 =	vmul.f32 v19, v19;
	v15 =	vmul.f32 v17, v17  }
0x209: {  	v29 =	vld [tilespmem:s28+$0xB620];
	v25 =	vsub.f32 v31, v32;
	v7 =	vadd.f32 v24, v7;
	v18 =	vmul.f32 v18, v18  }
0x20a: {  	v19 =	vld [tilespmem:s28+$0xB640];
	v6 =	vadd.f32 v23, v6;
	v4 =	vadd.f32 v15, v4;
	v15 =	vmul.f32 v16, v16  }
0x20b: {  	v12 =	vmul.f32 v12, v12;
	v17 =	vld [tilespmem:s28+$0x3640];
	v24 =	vmul.f32 v25, v25;
	v2 =	vadd.f32 v18, v2  }
0x20c: {  	v28 =	vld [tilespmem:s28+$0x3630];
	v23 =	vmul.f32 v43, v43;
	v6 =	vadd.f32 v22, v6;
	v7 =	vadd.f32 v15, v7  }
0x20d: {  	v16 =	vld [tilespmem:s28+$0x3650];
	v4 =	vadd.f32 v12, v4;
	v2 =	vadd.f32 v24, v2;
	v24 =	vmul.f32 v44, v44  }
0x20e: {  	v25 =	vld [tilespmem:s28+$0xB600];
	v22 =	vmul.f32 v45, v45;
	v6 =	vadd.f32 v20, v6;
	v7 =	vadd.f32 v23, v7  }
0x20f: {  	v5 =	vmul.f32 v5, v5;
	v18 =	vld [tilespmem:s28+$0xB650];
	v20 =	vsub.f32 v33, v34;
	v4 =	vadd.f32 v24, v4  }
0x210: {  	v3 =	vmul.f32 v3, v3;
	v12 =	vld [tilespmem:s28+$0x3660];
	v2 =	vadd.f32 v22, v2;
	v7 =	vadd.f32 v21, v7  }
0x211: {  	v23 =	vld [tilespmem:s28+$0x3600];
	v21 =	vsub.f32 v35, v36;
	v22 =	vsub.f32 v41, v42  }
0x212: {  	v24 =	vld [tilespmem:s28+$0x3610];
	v4 =	vadd.f32 v5, v4;
	v2 =	vadd.f32 v3, v2  }
0x213: {  	s6 =	simm.s32 $0xFFFFF200;
	v15 =	vld [tilespmem:s28+$0xB660];
	v5 =	vsub.f32 v37, v38;
	v3 =	vsub.f32 v39, v40  }
.LBB2_15:
0x214: {  	p1 =	sne.s32 s6, $0xFFFFFE00;
	v30 =	vld [tilespmem:s28+$0xB630];
	v8 =	vsub.f32 v8, v9;
	v9 =	vsub.f32 v10, v13  }
0x215: {  	v10 =	vsub.f32 v17, v19;
	v11 =	vsub.f32 v11, v14;
	v13 =	vld [tilespmem:s28+$0x3670]  }
0x216: {  	v14 =	vsub.f32 v23, v25;
	v16 =	vsub.f32 v16, v18;
	v17 =	vld [tilespmem:s28+$0xB670];
	s28 =	sshra.s32 s6, $0x2  }
0x217: {  	v19 =	vmul.f32 v20, v20;
	v20 =	vmul.f32 v21, v21;
	v18 =	vsub.f32 v24, v27;
	v31 =	vld [tilespmem:s28+$0x3A40]  }
0x218: {  	v22 =	vmul.f32 v22, v22;
	v8 =	vmul.f32 v8, v8;
	v23 =	vsub.f32 v26, v29;
	v21 =	vld [tilespmem:s28+$0xBA40]  }
0x219: {  	v10 =	vmul.f32 v10, v10;
	v16 =	vmul.f32 v16, v16;
	v32 =	vld [tilespmem:s28+$0x3A50];
	v24 =	vsub.f32 v28, v30  }
0x21a: {  	v12 =	vsub.f32 v12, v15;
	v14 =	vmul.f32 v14, v14;
	v18 =	vmul.f32 v18, v18;
	v28 =	vld [tilespmem:s28+$0xBA50]  }
0x21b: {  	v15 =	vmul.f32 v23, v23;
	v30 =	vld [tilespmem:s28+$0x3A60];
	v23 =	vmul.f32 v24, v24;
	v13 =	vsub.f32 v13, v17  }
0x21c: {  	v12 =	vmul.f32 v12, v12;
	v6 =	vadd.f32 v14, v6;
	v7 =	vadd.f32 v18, v7;
	v33 =	vld [tilespmem:s28+$0xBA60]  }
0x21d: {  	v4 =	vadd.f32 v15, v4;
	v34 =	vld [tilespmem:s28+$0x3A70];
	v2 =	vadd.f32 v23, v2;
	v13 =	vmul.f32 v13, v13  }
0x21e: {  	v9 =	vmul.f32 v9, v9;
	v6 =	vadd.f32 v10, v6;
	v7 =	vadd.f32 v16, v7;
	v35 =	vld [tilespmem:s28+$0xBA70]  }
0x21f: {  	v10 =	vmul.f32 v11, v11;
	v4 =	vadd.f32 v12, v4;
	v36 =	vld [tilespmem:s28+$0x3A00];
	v2 =	vadd.f32 v13, v2  }
0x220: {  	v5 =	vmul.f32 v5, v5;
	v6 =	vadd.f32 v22, v6;
	v7 =	vadd.f32 v8, v7;
	v37 =	vld [tilespmem:s28+$0xBA00]  }
0x221: {  	v3 =	vmul.f32 v3, v3;
	v4 =	vadd.f32 v9, v4;
	v8 =	vld [tilespmem:s28+$0x3A10];
	v2 =	vadd.f32 v10, v2  }
0x222: {  	v6 =	vadd.f32 v19, v6;
	v7 =	vadd.f32 v20, v7;
	v9 =	vld [tilespmem:s28+$0xBA10]  }
0x223: {  	v4 =	vadd.f32 v5, v4;
	v10 =	vld [tilespmem:s28+$0x3A20];
	v2 =	vadd.f32 v3, v2  }
0x224: {  	v13 =	vld [tilespmem:s28+$0xBA20]  }
0x225: {  	v11 =	vld [tilespmem:s28+$0x3A30]  }
0x226: {  	v14 =	vld [tilespmem:s28+$0xBA30]  }
0x227: {  	v17 =	vld [tilespmem:s28+$0x3640]  }
0x228: {  	v19 =	vld [tilespmem:s28+$0xB640]  }
0x229: {  	v16 =	vld [tilespmem:s28+$0x3650]  }
0x22a: {  	v18 =	vld [tilespmem:s28+$0xB650]  }
0x22b: {  	v12 =	vld [tilespmem:s28+$0x3660]  }
0x22c: {  	v15 =	vld [tilespmem:s28+$0xB660]  }
0x22d: {  	v23 =	vld [tilespmem:s28+$0x3600]  }
0x22e: {  	v25 =	vld [tilespmem:s28+$0xB600]  }
.Ltmp6:
0x22f: {  	v24 =	vld [tilespmem:s28+$0x3610];
	(pc) =	sbr.rel @p1 .LBB2_15-.Ltmp6, $4  }
0x230: {  	v27 =	vld [tilespmem:s28+$0xB610]  }
0x231: {  	v20 =	vsub.f32 v31, v21;
	v26 =	vld [tilespmem:s28+$0x3620]  }
0x232: {  	v21 =	vsub.f32 v32, v28;
	v5 =	vsub.f32 v30, v33;
	v29 =	vld [tilespmem:s28+$0xB620]  }
0x233: {  	s6 =	sadd.s32 $0x200, s6;
	v3 =	vsub.f32 v34, v35;
	v22 =	vsub.f32 v36, v37;
	v28 =	vld [tilespmem:s28+$0x3630]  }
0x234: {  	v30 =	vld [tilespmem:s28+$0xB630]  }
0x235: {  	v31 =	vld [tilespmem:s28+$0x3670]  }
0x236: {  	v32 =	vld [tilespmem:s28+$0xB670];
	s28 =	simm.s32 $0x0  }
0x237: {  	v33 =	vld [tilespmem:s28+$0x3E40]  }
0x238: {  	v34 =	vld [tilespmem:s28+$0xBE40]  }
0x239: {  	v35 =	vld [tilespmem:s28+$0x3E50]  }
0x23a: {  	v36 =	vld [tilespmem:s28+$0xBE50]  }
0x23b: {  	v37 =	vld [tilespmem:s28+$0x3E60]  }
0x23c: {  	v38 =	vld [tilespmem:s28+$0xBE60]  }
0x23d: {  	v39 =	vld [tilespmem:s28+$0x3E70]  }
0x23e: {  	v40 =	vld [tilespmem:s28+$0xBE70]  }
0x23f: {  	v41 =	vld [tilespmem:s28+$0x3E00]  }
0x240: {  	v42 =	vld [tilespmem:s28+$0xBE00]  }
0x241: {  	v43 =	vsub.f32 v8, v9;
	v8 =	vld [tilespmem:s28+$0x3E10]  }
0x242: {  	v44 =	vsub.f32 v10, v13;
	v9 =	vld [tilespmem:s28+$0xBE10]  }
0x243: {  	v19 =	vsub.f32 v17, v19;
	v45 =	vsub.f32 v11, v14;
	v10 =	vld [tilespmem:s28+$0x3E20]  }
0x244: {  	v11 =	vsub.f32 v23, v25;
	v16 =	vsub.f32 v16, v18;
	v13 =	vld [tilespmem:s28+$0xBE20]  }
0x245: {  	v12 =	vsub.f32 v12, v15;
	v20 =	vmul.f32 v20, v20;
	v14 =	vsub.f32 v24, v27;
	v27 =	vld [tilespmem:s28+$0xBA10]  }
0x246: {  	v21 =	vmul.f32 v21, v21;
	v23 =	vmul.f32 v11, v11;
	v11 =	vld [tilespmem:s28+$0x3E30];
	v17 =	vsub.f32 v26, v29  }
0x247: {  	v22 =	vmul.f32 v22, v22;
	v24 =	vmul.f32 v14, v14;
	v14 =	vld [tilespmem:s28+$0xBE30];
	v18 =	vsub.f32 v28, v30  }
0x248: {  	v26 =	vld [tilespmem:s28+$0x3A20];
	v6 =	vadd.f32 v23, v6;
	v23 =	vmul.f32 v19, v19;
	v15 =	vmul.f32 v17, v17  }
0x249: {  	v29 =	vld [tilespmem:s28+$0xBA20];
	v25 =	vsub.f32 v31, v32;
	v7 =	vadd.f32 v24, v7;
	v18 =	vmul.f32 v18, v18  }
0x24a: {  	v19 =	vld [tilespmem:s28+$0xBA40];
	v6 =	vadd.f32 v23, v6;
	v4 =	vadd.f32 v15, v4;
	v15 =	vmul.f32 v16, v16  }
0x24b: {  	v12 =	vmul.f32 v12, v12;
	v17 =	vld [tilespmem:s28+$0x3A40];
	v24 =	vmul.f32 v25, v25;
	v2 =	vadd.f32 v18, v2  }
0x24c: {  	v28 =	vld [tilespmem:s28+$0x3A30];
	v23 =	vmul.f32 v43, v43;
	v6 =	vadd.f32 v22, v6;
	v7 =	vadd.f32 v15, v7  }
0x24d: {  	v16 =	vld [tilespmem:s28+$0x3A50];
	v4 =	vadd.f32 v12, v4;
	v2 =	vadd.f32 v24, v2;
	v24 =	vmul.f32 v44, v44  }
0x24e: {  	v25 =	vld [tilespmem:s28+$0xBA00];
	v22 =	vmul.f32 v45, v45;
	v6 =	vadd.f32 v20, v6;
	v7 =	vadd.f32 v23, v7  }
0x24f: {  	v5 =	vmul.f32 v5, v5;
	v18 =	vld [tilespmem:s28+$0xBA50];
	v20 =	vsub.f32 v33, v34;
	v4 =	vadd.f32 v24, v4  }
0x250: {  	v3 =	vmul.f32 v3, v3;
	v12 =	vld [tilespmem:s28+$0x3A60];
	v2 =	vadd.f32 v22, v2;
	v7 =	vadd.f32 v21, v7  }
0x251: {  	v23 =	vld [tilespmem:s28+$0x3A00];
	v21 =	vsub.f32 v35, v36;
	v22 =	vsub.f32 v41, v42  }
0x252: {  	v24 =	vld [tilespmem:s28+$0x3A10];
	v4 =	vadd.f32 v5, v4;
	v2 =	vadd.f32 v3, v2  }
0x253: {  	s6 =	simm.s32 $0x200;
	v15 =	vld [tilespmem:s28+$0xBA60];
	v5 =	vsub.f32 v37, v38;
	v3 =	vsub.f32 v39, v40  }
.LBB2_17:
0x254: {  	p1 =	sne.s32 s6, $0xE00;
	v30 =	vld [tilespmem:s28+$0xBA30];
	v8 =	vsub.f32 v8, v9;
	v9 =	vsub.f32 v10, v13  }
0x255: {  	v10 =	vsub.f32 v17, v19;
	v11 =	vsub.f32 v11, v14;
	v13 =	vld [tilespmem:s28+$0x3A70]  }
0x256: {  	v14 =	vsub.f32 v23, v25;
	v16 =	vsub.f32 v16, v18;
	v17 =	vld [tilespmem:s28+$0xBA70];
	s28 =	sshra.s32 s6, $0x2  }
0x257: {  	v19 =	vmul.f32 v20, v20;
	v20 =	vmul.f32 v21, v21;
	v18 =	vsub.f32 v24, v27;
	v31 =	vld [tilespmem:s28+$0x3E40]  }
0x258: {  	v22 =	vmul.f32 v22, v22;
	v8 =	vmul.f32 v8, v8;
	v23 =	vsub.f32 v26, v29;
	v21 =	vld [tilespmem:s28+$0xBE40]  }
0x259: {  	v10 =	vmul.f32 v10, v10;
	v16 =	vmul.f32 v16, v16;
	v32 =	vld [tilespmem:s28+$0x3E50];
	v24 =	vsub.f32 v28, v30  }
0x25a: {  	v12 =	vsub.f32 v12, v15;
	v14 =	vmul.f32 v14, v14;
	v18 =	vmul.f32 v18, v18;
	v28 =	vld [tilespmem:s28+$0xBE50]  }
0x25b: {  	v15 =	vmul.f32 v23, v23;
	v30 =	vld [tilespmem:s28+$0x3E60];
	v23 =	vmul.f32 v24, v24;
	v13 =	vsub.f32 v13, v17  }
0x25c: {  	v12 =	vmul.f32 v12, v12;
	v6 =	vadd.f32 v14, v6;
	v7 =	vadd.f32 v18, v7;
	v33 =	vld [tilespmem:s28+$0xBE60]  }
0x25d: {  	v4 =	vadd.f32 v15, v4;
	v34 =	vld [tilespmem:s28+$0x3E70];
	v2 =	vadd.f32 v23, v2;
	v13 =	vmul.f32 v13, v13  }
0x25e: {  	v9 =	vmul.f32 v9, v9;
	v6 =	vadd.f32 v10, v6;
	v7 =	vadd.f32 v16, v7;
	v35 =	vld [tilespmem:s28+$0xBE70]  }
0x25f: {  	v10 =	vmul.f32 v11, v11;
	v4 =	vadd.f32 v12, v4;
	v36 =	vld [tilespmem:s28+$0x3E00];
	v2 =	vadd.f32 v13, v2  }
0x260: {  	v5 =	vmul.f32 v5, v5;
	v6 =	vadd.f32 v22, v6;
	v7 =	vadd.f32 v8, v7;
	v37 =	vld [tilespmem:s28+$0xBE00]  }
0x261: {  	v3 =	vmul.f32 v3, v3;
	v4 =	vadd.f32 v9, v4;
	v8 =	vld [tilespmem:s28+$0x3E10];
	v2 =	vadd.f32 v10, v2  }
0x262: {  	v6 =	vadd.f32 v19, v6;
	v7 =	vadd.f32 v20, v7;
	v9 =	vld [tilespmem:s28+$0xBE10]  }
0x263: {  	v4 =	vadd.f32 v5, v4;
	v10 =	vld [tilespmem:s28+$0x3E20];
	v2 =	vadd.f32 v3, v2  }
0x264: {  	v13 =	vld [tilespmem:s28+$0xBE20]  }
0x265: {  	v11 =	vld [tilespmem:s28+$0x3E30]  }
0x266: {  	v14 =	vld [tilespmem:s28+$0xBE30]  }
0x267: {  	v17 =	vld [tilespmem:s28+$0x3A40]  }
0x268: {  	v19 =	vld [tilespmem:s28+$0xBA40]  }
0x269: {  	v16 =	vld [tilespmem:s28+$0x3A50]  }
0x26a: {  	v18 =	vld [tilespmem:s28+$0xBA50]  }
0x26b: {  	v12 =	vld [tilespmem:s28+$0x3A60]  }
0x26c: {  	v15 =	vld [tilespmem:s28+$0xBA60]  }
0x26d: {  	v23 =	vld [tilespmem:s28+$0x3A00]  }
0x26e: {  	v25 =	vld [tilespmem:s28+$0xBA00]  }
.Ltmp7:
0x26f: {  	v24 =	vld [tilespmem:s28+$0x3A10];
	(pc) =	sbr.rel @p1 .LBB2_17-.Ltmp7, $4  }
0x270: {  	v27 =	vld [tilespmem:s28+$0xBA10]  }
0x271: {  	v20 =	vsub.f32 v31, v21;
	v26 =	vld [tilespmem:s28+$0x3A20]  }
0x272: {  	v21 =	vsub.f32 v32, v28;
	v5 =	vsub.f32 v30, v33;
	v29 =	vld [tilespmem:s28+$0xBA20]  }
0x273: {  	s6 =	sadd.s32 $0x200, s6;
	v3 =	vsub.f32 v34, v35;
	v22 =	vsub.f32 v36, v37;
	v28 =	vld [tilespmem:s28+$0x3A30]  }
0x274: {  	v30 =	vld.msk @!p0 [tilespmem:s31+$0x28], $0xff;
	_ =	sdelay $0x4  }
0x275: {  	v31 =	vshll.u32 @!p0 v30, $0x3  }
0x276: {  	v32 =	vlaneseq.u32 @!p0;
	v30 =	vand.u32 @!p0 $0x7, v30;
	v31 =	vand.u32 @!p0 $0xFFFFFFC0, v31  }
0x277: {  	v30 =	vor.u32 @!p0 v30, v31;
	v31 =	vand.u32 @!p0 $0x7, v32;
	v32 =	vshrl.u32 @!p0 v32, $0x3  }
0x278: {  	v30 =	vperm.xlane @!p0 v30, v31;
	v31 =	vmul.u32 @!p0 $0x8, v32;
	_ =	sdelay $0x1  }
0x279: {  	v30 =	vadd.s32 @!p0 v31, v30;
	_ =	sdelay $0x2  }
0x27a: {  	v63 =	vld [tilespmem:s28+$0x3A70]  }
0x27b: {  	v33 =	vld [tilespmem:s28+$0xBA70];
	s6 =	simm.s32 @!p0 $0x0;
	s11 =	simm.s32 @!p0 $0xA200  }
0x27c: {  	v31 =	vld [tilespmem:s28+$0xBA30];
	[tilespmem:s11], [sflag:$0x6] =	stream.indirect_vreg.gather @!p0 [hbm4b:s2+s6], $0x80, v30, vm1, $0xb8  }
0x27d: {  	s11 =	simm.s32 @!p0 $0xAA00  }
0x27e: {  	[tilespmem:s11], [sflag:$0x6] =	stream.indirect_vreg.gather @!p0 [hbm4b:s7+s6], $0x80, v30, vm1, $0xb8;
	[tilespmem:$0x10280] =	vst v63  }
0x27f: {  	s11 =	simm.s32 @!p0 $0xB200  }
0x280: {  	[tilespmem:s11], [sflag:$0x6] =	stream.indirect_vreg.gather @!p0 [hbm4b:s8+s6], $0x80, v30, vm1, $0xb8;
	[tilespmem:$0x10280] =	vst v63  }
0x281: {  	s11 =	sadd.s32 @!p0 $0x28, s31  }
0x282: {  	s28 =	simm.s32 @!p0 $0xBA00;
	s11 =	sadd.s32 @!p0 s5, s11  }
0x283: {  	[tilespmem:s28], [sflag:$0x6] =	stream.indirect_vreg.gather @!p0 [hbm4b:s9+s6], $0x80, v30, vm1, $0xb8;
	[tilespmem:$0x10280] =	vst v63  }
0x284: {  	s11 =	sshll.u32 @!p0 s11, $0x7  }
0x285: {  	s28 =	simm.s32 @!p0 $0x2200;
	s11 =	sadd.s32 @!p0 s1, s11  }
0x286: {  	[tilespmem:s28], [sflag:$0x2] =	stream.linear.gather @!p0 [hbm4b:s11+s6], $0x2000, $0x38;
	[tilespmem:$0x10280] =	vst v63  }
0x287: {  	_ =	swait.ge [sflag:s23], $0x2000  }
0x288: {  	[sflag:s23] =	ssyncset.done $0x0  }
0x289: {  	[sflag:s23] =	ssyncadd.s32 $0xFFFFE000  }
0x28a: {  	_ =	swait.ge [sflag:s24], $0x2000  }
0x28b: {  	[sflag:s24] =	ssyncset.done $0x0  }
0x28c: {  	s28 =	simm.s32 $0x0;
	[sflag:s24] =	ssyncadd.s32 $0xFFFFE000  }
0x28d: {  	v30 =	vld [tilespmem:s28+$0x4640]  }
0x28e: {  	v34 =	vld [tilespmem:s28+$0xC640]  }
0x28f: {  	v35 =	vld [tilespmem:s28+$0x4650]  }
0x290: {  	v36 =	vld [tilespmem:s28+$0xC650]  }
0x291: {  	v37 =	vld [tilespmem:s28+$0x4660]  }
0x292: {  	v38 =	vld [tilespmem:s28+$0xC660]  }
0x293: {  	v39 =	vld [tilespmem:s28+$0x4670]  }
0x294: {  	v40 =	vld [tilespmem:s28+$0xC670]  }
0x295: {  	v41 =	vld [tilespmem:s28+$0x4600]  }
0x296: {  	v42 =	vld [tilespmem:s28+$0xC600]  }
0x297: {  	v43 =	vsub.f32 v8, v9;
	v8 =	vld [tilespmem:s28+$0x4610]  }
0x298: {  	v44 =	vsub.f32 v10, v13;
	v19 =	vsub.f32 v17, v19;
	v9 =	vld [tilespmem:s28+$0xC610]  }
0x299: {  	v45 =	vsub.f32 v11, v14;
	v11 =	vsub.f32 v23, v25;
	v10 =	vld [tilespmem:s28+$0x4620]  }
0x29a: {  	v16 =	vsub.f32 v16, v18;
	v14 =	vsub.f32 v24, v27;
	v13 =	vld [tilespmem:s28+$0xC620]  }
0x29b: {  	v12 =	vsub.f32 v12, v15;
	v23 =	vmul.f32 v11, v11;
	v17 =	vsub.f32 v26, v29;
	v11 =	vld [tilespmem:s28+$0x4630]  }
0x29c: {  	v22 =	vmul.f32 v22, v22;
	v24 =	vmul.f32 v14, v14;
	v18 =	vsub.f32 v28, v31;
	v14 =	vld [tilespmem:s28+$0xC630]  }
0x29d: {  	v12 =	vmul.f32 v12, v12;
	v6 =	vadd.f32 v23, v6;
	v15 =	vmul.f32 v17, v17;
	v17 =	vld [tilespmem:s28+$0x4240]  }
0x29e: {  	v23 =	vmul.f32 v19, v19;
	v25 =	vsub.f32 v63, v33;
	v18 =	vmul.f32 v18, v18;
	v19 =	vld [tilespmem:s28+$0xC240]  }
0x29f: {  	v7 =	vadd.f32 v24, v7;
	v4 =	vadd.f32 v15, v4;
	v15 =	vmul.f32 v16, v16;
	v16 =	vld [tilespmem:s28+$0x4250]  }
0x2a0: {  	v6 =	vadd.f32 v23, v6;
	v24 =	vmul.f32 v25, v25;
	v2 =	vadd.f32 v18, v2;
	v18 =	vld [tilespmem:s28+$0xC250]  }
0x2a1: {  	v23 =	vmul.f32 v43, v43;
	v7 =	vadd.f32 v15, v7;
	v4 =	vadd.f32 v12, v4;
	v12 =	vld [tilespmem:s28+$0x4260]  }
0x2a2: {  	v20 =	vmul.f32 v20, v20;
	v2 =	vadd.f32 v24, v2;
	v24 =	vmul.f32 v44, v44;
	v15 =	vld [tilespmem:s28+$0xC260]  }
0x2a3: {  	v6 =	vadd.f32 v22, v6;
	v22 =	vmul.f32 v45, v45;
	v7 =	vadd.f32 v23, v7;
	v23 =	vld [tilespmem:s28+$0x4200]  }
0x2a4: {  	v21 =	vmul.f32 v21, v21;
	v5 =	vmul.f32 v5, v5;
	v4 =	vadd.f32 v24, v4;
	v25 =	vld [tilespmem:s28+$0xC200]  }
0x2a5: {  	v3 =	vmul.f32 v3, v3;
	v6 =	vadd.f32 v20, v6;
	v2 =	vadd.f32 v22, v2;
	v24 =	vld [tilespmem:s28+$0x4210]  }
0x2a6: {  	v7 =	vadd.f32 v21, v7;
	v4 =	vadd.f32 v5, v4;
	v27 =	vld [tilespmem:s28+$0xC210]  }
0x2a7: {  	v2 =	vadd.f32 v3, v2;
	v26 =	vld [tilespmem:s28+$0x4220];
	v20 =	vsub.f32 v30, v34  }
0x2a8: {  	v29 =	vld [tilespmem:s28+$0xC220];
	v21 =	vsub.f32 v35, v36;
	v5 =	vsub.f32 v37, v38  }
0x2a9: {  	s6 =	simm.s32 $0x200;
	v28 =	vld [tilespmem:s28+$0x4230];
	v22 =	vsub.f32 v41, v42;
	v3 =	vsub.f32 v39, v40  }
.LBB2_19:
0x2aa: {  	p1 =	sne.s32 s6, $0xE00;
	v30 =	vld [tilespmem:s28+$0xC230];
	v8 =	vsub.f32 v8, v9;
	v9 =	vsub.f32 v10, v13  }
0x2ab: {  	v10 =	vsub.f32 v17, v19;
	v11 =	vsub.f32 v11, v14;
	v13 =	vld [tilespmem:s28+$0x4270]  }
0x2ac: {  	v14 =	vsub.f32 v23, v25;
	v16 =	vsub.f32 v16, v18;
	v17 =	vld [tilespmem:s28+$0xC270];
	s28 =	sshra.s32 s6, $0x2  }
0x2ad: {  	v19 =	vmul.f32 v20, v20;
	v20 =	vmul.f32 v21, v21;
	v18 =	vsub.f32 v24, v27;
	v31 =	vld [tilespmem:s28+$0x4640]  }
0x2ae: {  	v22 =	vmul.f32 v22, v22;
	v8 =	vmul.f32 v8, v8;
	v23 =	vsub.f32 v26, v29;
	v21 =	vld [tilespmem:s28+$0xC640]  }
0x2af: {  	v10 =	vmul.f32 v10, v10;
	v16 =	vmul.f32 v16, v16;
	v32 =	vld [tilespmem:s28+$0x4650];
	v24 =	vsub.f32 v28, v30  }
0x2b0: {  	v12 =	vsub.f32 v12, v15;
	v14 =	vmul.f32 v14, v14;
	v18 =	vmul.f32 v18, v18;
	v28 =	vld [tilespmem:s28+$0xC650]  }
0x2b1: {  	v15 =	vmul.f32 v23, v23;
	v30 =	vld [tilespmem:s28+$0x4660];
	v23 =	vmul.f32 v24, v24;
	v13 =	vsub.f32 v13, v17  }
0x2b2: {  	v12 =	vmul.f32 v12, v12;
	v6 =	vadd.f32 v14, v6;
	v7 =	vadd.f32 v18, v7;
	v33 =	vld [tilespmem:s28+$0xC660]  }
0x2b3: {  	v4 =	vadd.f32 v15, v4;
	v34 =	vld [tilespmem:s28+$0x4670];
	v2 =	vadd.f32 v23, v2;
	v13 =	vmul.f32 v13, v13  }
0x2b4: {  	v9 =	vmul.f32 v9, v9;
	v6 =	vadd.f32 v10, v6;
	v7 =	vadd.f32 v16, v7;
	v35 =	vld [tilespmem:s28+$0xC670]  }
0x2b5: {  	v10 =	vmul.f32 v11, v11;
	v4 =	vadd.f32 v12, v4;
	v36 =	vld [tilespmem:s28+$0x4600];
	v2 =	vadd.f32 v13, v2  }
0x2b6: {  	v5 =	vmul.f32 v5, v5;
	v6 =	vadd.f32 v22, v6;
	v7 =	vadd.f32 v8, v7;
	v37 =	vld [tilespmem:s28+$0xC600]  }
0x2b7: {  	v3 =	vmul.f32 v3, v3;
	v4 =	vadd.f32 v9, v4;
	v8 =	vld [tilespmem:s28+$0x4610];
	v2 =	vadd.f32 v10, v2  }
0x2b8: {  	v6 =	vadd.f32 v19, v6;
	v7 =	vadd.f32 v20, v7;
	v9 =	vld [tilespmem:s28+$0xC610]  }
0x2b9: {  	v4 =	vadd.f32 v5, v4;
	v10 =	vld [tilespmem:s28+$0x4620];
	v2 =	vadd.f32 v3, v2  }
0x2ba: {  	v13 =	vld [tilespmem:s28+$0xC620]  }
0x2bb: {  	v11 =	vld [tilespmem:s28+$0x4630]  }
0x2bc: {  	v14 =	vld [tilespmem:s28+$0xC630]  }
0x2bd: {  	v17 =	vld [tilespmem:s28+$0x4240]  }
0x2be: {  	v19 =	vld [tilespmem:s28+$0xC240]  }
0x2bf: {  	v16 =	vld [tilespmem:s28+$0x4250]  }
0x2c0: {  	v18 =	vld [tilespmem:s28+$0xC250]  }
0x2c1: {  	v12 =	vld [tilespmem:s28+$0x4260]  }
0x2c2: {  	v15 =	vld [tilespmem:s28+$0xC260]  }
0x2c3: {  	v23 =	vld [tilespmem:s28+$0x4200]  }
0x2c4: {  	v25 =	vld [tilespmem:s28+$0xC200]  }
.Ltmp8:
0x2c5: {  	v24 =	vld [tilespmem:s28+$0x4210];
	(pc) =	sbr.rel @p1 .LBB2_19-.Ltmp8, $4  }
0x2c6: {  	v27 =	vld [tilespmem:s28+$0xC210]  }
0x2c7: {  	v20 =	vsub.f32 v31, v21;
	v26 =	vld [tilespmem:s28+$0x4220]  }
0x2c8: {  	v21 =	vsub.f32 v32, v28;
	v5 =	vsub.f32 v30, v33;
	v29 =	vld [tilespmem:s28+$0xC220]  }
0x2c9: {  	s6 =	sadd.s32 $0x200, s6;
	v3 =	vsub.f32 v34, v35;
	v22 =	vsub.f32 v36, v37;
	v28 =	vld [tilespmem:s28+$0x4230]  }
0x2ca: {  	v30 =	vld [tilespmem:s28+$0xC230]  }
0x2cb: {  	v31 =	vld [tilespmem:s28+$0x4270]  }
0x2cc: {  	v32 =	vld [tilespmem:s28+$0xC270];
	s28 =	simm.s32 $0xFFFFFC00  }
0x2cd: {  	v33 =	vld [tilespmem:s28+$0x5240]  }
0x2ce: {  	v34 =	vld [tilespmem:s28+$0xD240]  }
0x2cf: {  	v35 =	vld [tilespmem:s28+$0x5250]  }
0x2d0: {  	v36 =	vld [tilespmem:s28+$0xD250]  }
0x2d1: {  	v37 =	vld [tilespmem:s28+$0x5260]  }
0x2d2: {  	v38 =	vld [tilespmem:s28+$0xD260]  }
0x2d3: {  	v39 =	vld [tilespmem:s28+$0x5270]  }
0x2d4: {  	v40 =	vld [tilespmem:s28+$0xD270]  }
0x2d5: {  	v41 =	vld [tilespmem:s28+$0x5200]  }
0x2d6: {  	v42 =	vld [tilespmem:s28+$0xD200]  }
0x2d7: {  	v43 =	vsub.f32 v8, v9;
	v8 =	vld [tilespmem:s28+$0x5210]  }
0x2d8: {  	v44 =	vsub.f32 v10, v13;
	v9 =	vld [tilespmem:s28+$0xD210]  }
0x2d9: {  	v19 =	vsub.f32 v17, v19;
	v45 =	vsub.f32 v11, v14;
	v10 =	vld [tilespmem:s28+$0x5220]  }
0x2da: {  	v11 =	vsub.f32 v23, v25;
	v16 =	vsub.f32 v16, v18;
	v13 =	vld [tilespmem:s28+$0xD220]  }
0x2db: {  	v12 =	vsub.f32 v12, v15;
	v20 =	vmul.f32 v20, v20;
	v14 =	vsub.f32 v24, v27;
	v27 =	vld [tilespmem:s28+$0xCE10]  }
0x2dc: {  	v21 =	vmul.f32 v21, v21;
	v23 =	vmul.f32 v11, v11;
	v11 =	vld [tilespmem:s28+$0x5230];
	v17 =	vsub.f32 v26, v29  }
0x2dd: {  	v22 =	vmul.f32 v22, v22;
	v24 =	vmul.f32 v14, v14;
	v14 =	vld [tilespmem:s28+$0xD230];
	v18 =	vsub.f32 v28, v30  }
0x2de: {  	v26 =	vld [tilespmem:s28+$0x4E20];
	v6 =	vadd.f32 v23, v6;
	v23 =	vmul.f32 v19, v19;
	v15 =	vmul.f32 v17, v17  }
0x2df: {  	v29 =	vld [tilespmem:s28+$0xCE20];
	v25 =	vsub.f32 v31, v32;
	v7 =	vadd.f32 v24, v7;
	v18 =	vmul.f32 v18, v18  }
0x2e0: {  	v19 =	vld [tilespmem:s28+$0xCE40];
	v6 =	vadd.f32 v23, v6;
	v4 =	vadd.f32 v15, v4;
	v15 =	vmul.f32 v16, v16  }
0x2e1: {  	v12 =	vmul.f32 v12, v12;
	v17 =	vld [tilespmem:s28+$0x4E40];
	v24 =	vmul.f32 v25, v25;
	v2 =	vadd.f32 v18, v2  }
0x2e2: {  	v28 =	vld [tilespmem:s28+$0x4E30];
	v23 =	vmul.f32 v43, v43;
	v6 =	vadd.f32 v22, v6;
	v7 =	vadd.f32 v15, v7  }
0x2e3: {  	v16 =	vld [tilespmem:s28+$0x4E50];
	v4 =	vadd.f32 v12, v4;
	v2 =	vadd.f32 v24, v2;
	v24 =	vmul.f32 v44, v44  }
0x2e4: {  	v25 =	vld [tilespmem:s28+$0xCE00];
	v22 =	vmul.f32 v45, v45;
	v6 =	vadd.f32 v20, v6;
	v7 =	vadd.f32 v23, v7  }
0x2e5: {  	v5 =	vmul.f32 v5, v5;
	v18 =	vld [tilespmem:s28+$0xCE50];
	v20 =	vsub.f32 v33, v34;
	v4 =	vadd.f32 v24, v4  }
0x2e6: {  	v3 =	vmul.f32 v3, v3;
	v12 =	vld [tilespmem:s28+$0x4E60];
	v2 =	vadd.f32 v22, v2;
	v7 =	vadd.f32 v21, v7  }
0x2e7: {  	v23 =	vld [tilespmem:s28+$0x4E00];
	v21 =	vsub.f32 v35, v36;
	v22 =	vsub.f32 v41, v42  }
0x2e8: {  	v24 =	vld [tilespmem:s28+$0x4E10];
	v4 =	vadd.f32 v5, v4;
	v2 =	vadd.f32 v3, v2  }
0x2e9: {  	s6 =	simm.s32 $0xFFFFF200;
	v15 =	vld [tilespmem:s28+$0xCE60];
	v5 =	vsub.f32 v37, v38;
	v3 =	vsub.f32 v39, v40  }
.LBB2_21:
0x2ea: {  	p1 =	sne.s32 s6, $0xFFFFFE00;
	v30 =	vld [tilespmem:s28+$0xCE30];
	v8 =	vsub.f32 v8, v9;
	v9 =	vsub.f32 v10, v13  }
0x2eb: {  	v10 =	vsub.f32 v17, v19;
	v11 =	vsub.f32 v11, v14;
	v13 =	vld [tilespmem:s28+$0x4E70]  }
0x2ec: {  	v14 =	vsub.f32 v23, v25;
	v16 =	vsub.f32 v16, v18;
	v17 =	vld [tilespmem:s28+$0xCE70];
	s28 =	sshra.s32 s6, $0x2  }
0x2ed: {  	v19 =	vmul.f32 v20, v20;
	v20 =	vmul.f32 v21, v21;
	v18 =	vsub.f32 v24, v27;
	v31 =	vld [tilespmem:s28+$0x5240]  }
0x2ee: {  	v22 =	vmul.f32 v22, v22;
	v8 =	vmul.f32 v8, v8;
	v23 =	vsub.f32 v26, v29;
	v21 =	vld [tilespmem:s28+$0xD240]  }
0x2ef: {  	v10 =	vmul.f32 v10, v10;
	v16 =	vmul.f32 v16, v16;
	v32 =	vld [tilespmem:s28+$0x5250];
	v24 =	vsub.f32 v28, v30  }
0x2f0: {  	v12 =	vsub.f32 v12, v15;
	v14 =	vmul.f32 v14, v14;
	v18 =	vmul.f32 v18, v18;
	v28 =	vld [tilespmem:s28+$0xD250]  }
0x2f1: {  	v15 =	vmul.f32 v23, v23;
	v30 =	vld [tilespmem:s28+$0x5260];
	v23 =	vmul.f32 v24, v24;
	v13 =	vsub.f32 v13, v17  }
0x2f2: {  	v12 =	vmul.f32 v12, v12;
	v6 =	vadd.f32 v14, v6;
	v7 =	vadd.f32 v18, v7;
	v33 =	vld [tilespmem:s28+$0xD260]  }
0x2f3: {  	v4 =	vadd.f32 v15, v4;
	v34 =	vld [tilespmem:s28+$0x5270];
	v2 =	vadd.f32 v23, v2;
	v13 =	vmul.f32 v13, v13  }
0x2f4: {  	v9 =	vmul.f32 v9, v9;
	v6 =	vadd.f32 v10, v6;
	v7 =	vadd.f32 v16, v7;
	v35 =	vld [tilespmem:s28+$0xD270]  }
0x2f5: {  	v10 =	vmul.f32 v11, v11;
	v4 =	vadd.f32 v12, v4;
	v36 =	vld [tilespmem:s28+$0x5200];
	v2 =	vadd.f32 v13, v2  }
0x2f6: {  	v5 =	vmul.f32 v5, v5;
	v6 =	vadd.f32 v22, v6;
	v7 =	vadd.f32 v8, v7;
	v37 =	vld [tilespmem:s28+$0xD200]  }
0x2f7: {  	v3 =	vmul.f32 v3, v3;
	v4 =	vadd.f32 v9, v4;
	v8 =	vld [tilespmem:s28+$0x5210];
	v2 =	vadd.f32 v10, v2  }
0x2f8: {  	v6 =	vadd.f32 v19, v6;
	v7 =	vadd.f32 v20, v7;
	v9 =	vld [tilespmem:s28+$0xD210]  }
0x2f9: {  	v4 =	vadd.f32 v5, v4;
	v10 =	vld [tilespmem:s28+$0x5220];
	v2 =	vadd.f32 v3, v2  }
0x2fa: {  	v13 =	vld [tilespmem:s28+$0xD220]  }
0x2fb: {  	v11 =	vld [tilespmem:s28+$0x5230]  }
0x2fc: {  	v14 =	vld [tilespmem:s28+$0xD230]  }
0x2fd: {  	v17 =	vld [tilespmem:s28+$0x4E40]  }
0x2fe: {  	v19 =	vld [tilespmem:s28+$0xCE40]  }
0x2ff: {  	v16 =	vld [tilespmem:s28+$0x4E50]  }
0x300: {  	v18 =	vld [tilespmem:s28+$0xCE50]  }
0x301: {  	v12 =	vld [tilespmem:s28+$0x4E60]  }
0x302: {  	v15 =	vld [tilespmem:s28+$0xCE60]  }
0x303: {  	v23 =	vld [tilespmem:s28+$0x4E00]  }
0x304: {  	v25 =	vld [tilespmem:s28+$0xCE00]  }
.Ltmp9:
0x305: {  	v24 =	vld [tilespmem:s28+$0x4E10];
	(pc) =	sbr.rel @p1 .LBB2_21-.Ltmp9, $4  }
0x306: {  	v27 =	vld [tilespmem:s28+$0xCE10]  }
0x307: {  	v20 =	vsub.f32 v31, v21;
	v26 =	vld [tilespmem:s28+$0x4E20]  }
0x308: {  	v21 =	vsub.f32 v32, v28;
	v5 =	vsub.f32 v30, v33;
	v29 =	vld [tilespmem:s28+$0xCE20]  }
0x309: {  	s6 =	sadd.s32 $0x200, s6;
	v3 =	vsub.f32 v34, v35;
	v22 =	vsub.f32 v36, v37;
	v28 =	vld [tilespmem:s28+$0x4E30]  }
0x30a: {  	v30 =	vld [tilespmem:s28+$0xCE30]  }
0x30b: {  	v31 =	vld [tilespmem:s28+$0x4E70]  }
0x30c: {  	v32 =	vld [tilespmem:s28+$0xCE70];
	s28 =	simm.s32 $0xFFFFFC00  }
0x30d: {  	v33 =	vld [tilespmem:s28+$0x5A40]  }
0x30e: {  	v34 =	vld [tilespmem:s28+$0xDA40]  }
0x30f: {  	v35 =	vld [tilespmem:s28+$0x5A50]  }
0x310: {  	v36 =	vld [tilespmem:s28+$0xDA50]  }
0x311: {  	v37 =	vld [tilespmem:s28+$0x5A60]  }
0x312: {  	v38 =	vld [tilespmem:s28+$0xDA60]  }
0x313: {  	v39 =	vld [tilespmem:s28+$0x5A70]  }
0x314: {  	v40 =	vld [tilespmem:s28+$0xDA70]  }
0x315: {  	v41 =	vld [tilespmem:s28+$0x5A00]  }
0x316: {  	v42 =	vld [tilespmem:s28+$0xDA00]  }
0x317: {  	v43 =	vsub.f32 v8, v9;
	v8 =	vld [tilespmem:s28+$0x5A10]  }
0x318: {  	v44 =	vsub.f32 v10, v13;
	v9 =	vld [tilespmem:s28+$0xDA10]  }
0x319: {  	v19 =	vsub.f32 v17, v19;
	v45 =	vsub.f32 v11, v14;
	v10 =	vld [tilespmem:s28+$0x5A20]  }
0x31a: {  	v11 =	vsub.f32 v23, v25;
	v16 =	vsub.f32 v16, v18;
	v13 =	vld [tilespmem:s28+$0xDA20]  }
0x31b: {  	v12 =	vsub.f32 v12, v15;
	v20 =	vmul.f32 v20, v20;
	v14 =	vsub.f32 v24, v27;
	v27 =	vld [tilespmem:s28+$0xD610]  }
0x31c: {  	v21 =	vmul.f32 v21, v21;
	v23 =	vmul.f32 v11, v11;
	v11 =	vld [tilespmem:s28+$0x5A30];
	v17 =	vsub.f32 v26, v29  }
0x31d: {  	v22 =	vmul.f32 v22, v22;
	v24 =	vmul.f32 v14, v14;
	v14 =	vld [tilespmem:s28+$0xDA30];
	v18 =	vsub.f32 v28, v30  }
0x31e: {  	v26 =	vld [tilespmem:s28+$0x5620];
	v6 =	vadd.f32 v23, v6;
	v23 =	vmul.f32 v19, v19;
	v15 =	vmul.f32 v17, v17  }
0x31f: {  	v29 =	vld [tilespmem:s28+$0xD620];
	v25 =	vsub.f32 v31, v32;
	v7 =	vadd.f32 v24, v7;
	v18 =	vmul.f32 v18, v18  }
0x320: {  	v19 =	vld [tilespmem:s28+$0xD640];
	v6 =	vadd.f32 v23, v6;
	v4 =	vadd.f32 v15, v4;
	v15 =	vmul.f32 v16, v16  }
0x321: {  	v12 =	vmul.f32 v12, v12;
	v17 =	vld [tilespmem:s28+$0x5640];
	v24 =	vmul.f32 v25, v25;
	v2 =	vadd.f32 v18, v2  }
0x322: {  	v28 =	vld [tilespmem:s28+$0x5630];
	v23 =	vmul.f32 v43, v43;
	v6 =	vadd.f32 v22, v6;
	v7 =	vadd.f32 v15, v7  }
0x323: {  	v16 =	vld [tilespmem:s28+$0x5650];
	v4 =	vadd.f32 v12, v4;
	v2 =	vadd.f32 v24, v2;
	v24 =	vmul.f32 v44, v44  }
0x324: {  	v25 =	vld [tilespmem:s28+$0xD600];
	v22 =	vmul.f32 v45, v45;
	v6 =	vadd.f32 v20, v6;
	v7 =	vadd.f32 v23, v7  }
0x325: {  	v5 =	vmul.f32 v5, v5;
	v18 =	vld [tilespmem:s28+$0xD650];
	v20 =	vsub.f32 v33, v34;
	v4 =	vadd.f32 v24, v4  }
0x326: {  	v3 =	vmul.f32 v3, v3;
	v12 =	vld [tilespmem:s28+$0x5660];
	v2 =	vadd.f32 v22, v2;
	v7 =	vadd.f32 v21, v7  }
0x327: {  	v23 =	vld [tilespmem:s28+$0x5600];
	v21 =	vsub.f32 v35, v36;
	v22 =	vsub.f32 v41, v42  }
0x328: {  	v24 =	vld [tilespmem:s28+$0x5610];
	v4 =	vadd.f32 v5, v4;
	v2 =	vadd.f32 v3, v2  }
0x329: {  	s6 =	simm.s32 $0xFFFFF200;
	v15 =	vld [tilespmem:s28+$0xD660];
	v5 =	vsub.f32 v37, v38;
	v3 =	vsub.f32 v39, v40  }
.LBB2_23:
0x32a: {  	p1 =	sne.s32 s6, $0xFFFFFE00;
	v30 =	vld [tilespmem:s28+$0xD630];
	v8 =	vsub.f32 v8, v9;
	v9 =	vsub.f32 v10, v13  }
0x32b: {  	v10 =	vsub.f32 v17, v19;
	v11 =	vsub.f32 v11, v14;
	v13 =	vld [tilespmem:s28+$0x5670]  }
0x32c: {  	v14 =	vsub.f32 v23, v25;
	v16 =	vsub.f32 v16, v18;
	v17 =	vld [tilespmem:s28+$0xD670];
	s28 =	sshra.s32 s6, $0x2  }
0x32d: {  	v19 =	vmul.f32 v20, v20;
	v20 =	vmul.f32 v21, v21;
	v18 =	vsub.f32 v24, v27;
	v31 =	vld [tilespmem:s28+$0x5A40]  }
0x32e: {  	v22 =	vmul.f32 v22, v22;
	v8 =	vmul.f32 v8, v8;
	v23 =	vsub.f32 v26, v29;
	v21 =	vld [tilespmem:s28+$0xDA40]  }
0x32f: {  	v10 =	vmul.f32 v10, v10;
	v16 =	vmul.f32 v16, v16;
	v32 =	vld [tilespmem:s28+$0x5A50];
	v24 =	vsub.f32 v28, v30  }
0x330: {  	v12 =	vsub.f32 v12, v15;
	v14 =	vmul.f32 v14, v14;
	v18 =	vmul.f32 v18, v18;
	v28 =	vld [tilespmem:s28+$0xDA50]  }
0x331: {  	v15 =	vmul.f32 v23, v23;
	v30 =	vld [tilespmem:s28+$0x5A60];
	v23 =	vmul.f32 v24, v24;
	v13 =	vsub.f32 v13, v17  }
0x332: {  	v12 =	vmul.f32 v12, v12;
	v6 =	vadd.f32 v14, v6;
	v7 =	vadd.f32 v18, v7;
	v33 =	vld [tilespmem:s28+$0xDA60]  }
0x333: {  	v4 =	vadd.f32 v15, v4;
	v34 =	vld [tilespmem:s28+$0x5A70];
	v2 =	vadd.f32 v23, v2;
	v13 =	vmul.f32 v13, v13  }
0x334: {  	v9 =	vmul.f32 v9, v9;
	v6 =	vadd.f32 v10, v6;
	v7 =	vadd.f32 v16, v7;
	v35 =	vld [tilespmem:s28+$0xDA70]  }
0x335: {  	v10 =	vmul.f32 v11, v11;
	v4 =	vadd.f32 v12, v4;
	v36 =	vld [tilespmem:s28+$0x5A00];
	v2 =	vadd.f32 v13, v2  }
0x336: {  	v5 =	vmul.f32 v5, v5;
	v6 =	vadd.f32 v22, v6;
	v7 =	vadd.f32 v8, v7;
	v37 =	vld [tilespmem:s28+$0xDA00]  }
0x337: {  	v3 =	vmul.f32 v3, v3;
	v4 =	vadd.f32 v9, v4;
	v8 =	vld [tilespmem:s28+$0x5A10];
	v2 =	vadd.f32 v10, v2  }
0x338: {  	v6 =	vadd.f32 v19, v6;
	v7 =	vadd.f32 v20, v7;
	v9 =	vld [tilespmem:s28+$0xDA10]  }
0x339: {  	v4 =	vadd.f32 v5, v4;
	v10 =	vld [tilespmem:s28+$0x5A20];
	v2 =	vadd.f32 v3, v2  }
0x33a: {  	v13 =	vld [tilespmem:s28+$0xDA20]  }
0x33b: {  	v11 =	vld [tilespmem:s28+$0x5A30]  }
0x33c: {  	v14 =	vld [tilespmem:s28+$0xDA30]  }
0x33d: {  	v17 =	vld [tilespmem:s28+$0x5640]  }
0x33e: {  	v19 =	vld [tilespmem:s28+$0xD640]  }
0x33f: {  	v16 =	vld [tilespmem:s28+$0x5650]  }
0x340: {  	v18 =	vld [tilespmem:s28+$0xD650]  }
0x341: {  	v12 =	vld [tilespmem:s28+$0x5660]  }
0x342: {  	v15 =	vld [tilespmem:s28+$0xD660]  }
0x343: {  	v23 =	vld [tilespmem:s28+$0x5600]  }
0x344: {  	v25 =	vld [tilespmem:s28+$0xD600]  }
.Ltmp10:
0x345: {  	v24 =	vld [tilespmem:s28+$0x5610];
	(pc) =	sbr.rel @p1 .LBB2_23-.Ltmp10, $4  }
0x346: {  	v27 =	vld [tilespmem:s28+$0xD610]  }
0x347: {  	v20 =	vsub.f32 v31, v21;
	v26 =	vld [tilespmem:s28+$0x5620]  }
0x348: {  	v21 =	vsub.f32 v32, v28;
	v5 =	vsub.f32 v30, v33;
	v29 =	vld [tilespmem:s28+$0xD620]  }
0x349: {  	s6 =	sadd.s32 $0x200, s6;
	v3 =	vsub.f32 v34, v35;
	v22 =	vsub.f32 v36, v37;
	v28 =	vld [tilespmem:s28+$0x5630]  }
0x34a: {  	v30 =	vld [tilespmem:s28+$0xD630]  }
0x34b: {  	v31 =	vld [tilespmem:s28+$0x5670]  }
0x34c: {  	v32 =	vld [tilespmem:s28+$0xD670];
	s28 =	simm.s32 $0x0  }
0x34d: {  	v33 =	vld [tilespmem:s28+$0x5E40]  }
0x34e: {  	v34 =	vld [tilespmem:s28+$0xDE40]  }
0x34f: {  	v35 =	vld [tilespmem:s28+$0x5E50]  }
0x350: {  	v36 =	vld [tilespmem:s28+$0xDE50]  }
0x351: {  	v37 =	vld [tilespmem:s28+$0x5E60]  }
0x352: {  	v38 =	vld [tilespmem:s28+$0xDE60]  }
0x353: {  	v39 =	vld [tilespmem:s28+$0x5E70]  }
0x354: {  	v40 =	vld [tilespmem:s28+$0xDE70]  }
0x355: {  	v41 =	vld [tilespmem:s28+$0x5E00]  }
0x356: {  	v42 =	vld [tilespmem:s28+$0xDE00]  }
0x357: {  	v43 =	vsub.f32 v8, v9;
	v8 =	vld [tilespmem:s28+$0x5E10]  }
0x358: {  	v44 =	vsub.f32 v10, v13;
	v9 =	vld [tilespmem:s28+$0xDE10]  }
0x359: {  	v19 =	vsub.f32 v17, v19;
	v45 =	vsub.f32 v11, v14;
	v10 =	vld [tilespmem:s28+$0x5E20]  }
0x35a: {  	v11 =	vsub.f32 v23, v25;
	v16 =	vsub.f32 v16, v18;
	v13 =	vld [tilespmem:s28+$0xDE20]  }
0x35b: {  	v12 =	vsub.f32 v12, v15;
	v20 =	vmul.f32 v20, v20;
	v14 =	vsub.f32 v24, v27;
	v27 =	vld [tilespmem:s28+$0xDA10]  }
0x35c: {  	v21 =	vmul.f32 v21, v21;
	v23 =	vmul.f32 v11, v11;
	v11 =	vld [tilespmem:s28+$0x5E30];
	v17 =	vsub.f32 v26, v29  }
0x35d: {  	v22 =	vmul.f32 v22, v22;
	v24 =	vmul.f32 v14, v14;
	v14 =	vld [tilespmem:s28+$0xDE30];
	v18 =	vsub.f32 v28, v30  }
0x35e: {  	v26 =	vld [tilespmem:s28+$0x5A20];
	v6 =	vadd.f32 v23, v6;
	v23 =	vmul.f32 v19, v19;
	v15 =	vmul.f32 v17, v17  }
0x35f: {  	v29 =	vld [tilespmem:s28+$0xDA20];
	v25 =	vsub.f32 v31, v32;
	v7 =	vadd.f32 v24, v7;
	v18 =	vmul.f32 v18, v18  }
0x360: {  	v19 =	vld [tilespmem:s28+$0xDA40];
	v6 =	vadd.f32 v23, v6;
	v4 =	vadd.f32 v15, v4;
	v15 =	vmul.f32 v16, v16  }
0x361: {  	v12 =	vmul.f32 v12, v12;
	v17 =	vld [tilespmem:s28+$0x5A40];
	v24 =	vmul.f32 v25, v25;
	v2 =	vadd.f32 v18, v2  }
0x362: {  	v28 =	vld [tilespmem:s28+$0x5A30];
	v23 =	vmul.f32 v43, v43;
	v6 =	vadd.f32 v22, v6;
	v7 =	vadd.f32 v15, v7  }
0x363: {  	v16 =	vld [tilespmem:s28+$0x5A50];
	v4 =	vadd.f32 v12, v4;
	v2 =	vadd.f32 v24, v2;
	v24 =	vmul.f32 v44, v44  }
0x364: {  	v25 =	vld [tilespmem:s28+$0xDA00];
	v22 =	vmul.f32 v45, v45;
	v6 =	vadd.f32 v20, v6;
	v7 =	vadd.f32 v23, v7  }
0x365: {  	v5 =	vmul.f32 v5, v5;
	v18 =	vld [tilespmem:s28+$0xDA50];
	v20 =	vsub.f32 v33, v34;
	v4 =	vadd.f32 v24, v4  }
0x366: {  	v3 =	vmul.f32 v3, v3;
	v12 =	vld [tilespmem:s28+$0x5A60];
	v2 =	vadd.f32 v22, v2;
	v7 =	vadd.f32 v21, v7  }
0x367: {  	v23 =	vld [tilespmem:s28+$0x5A00];
	v21 =	vsub.f32 v35, v36;
	v22 =	vsub.f32 v41, v42  }
0x368: {  	v24 =	vld [tilespmem:s28+$0x5A10];
	v4 =	vadd.f32 v5, v4;
	v2 =	vadd.f32 v3, v2  }
0x369: {  	s6 =	simm.s32 $0x200;
	v15 =	vld [tilespmem:s28+$0xDA60];
	v5 =	vsub.f32 v37, v38;
	v3 =	vsub.f32 v39, v40  }
.LBB2_25:
0x36a: {  	p1 =	sne.s32 s6, $0xE00;
	v30 =	vld [tilespmem:s28+$0xDA30];
	v8 =	vsub.f32 v8, v9;
	v9 =	vsub.f32 v10, v13  }
0x36b: {  	v10 =	vsub.f32 v17, v19;
	v11 =	vsub.f32 v11, v14;
	v13 =	vld [tilespmem:s28+$0x5A70]  }
0x36c: {  	v14 =	vsub.f32 v23, v25;
	v16 =	vsub.f32 v16, v18;
	v17 =	vld [tilespmem:s28+$0xDA70];
	s28 =	sshra.s32 s6, $0x2  }
0x36d: {  	v19 =	vmul.f32 v20, v20;
	v20 =	vmul.f32 v21, v21;
	v18 =	vsub.f32 v24, v27;
	v31 =	vld [tilespmem:s28+$0x5E40]  }
0x36e: {  	v22 =	vmul.f32 v22, v22;
	v8 =	vmul.f32 v8, v8;
	v23 =	vsub.f32 v26, v29;
	v21 =	vld [tilespmem:s28+$0xDE40]  }
0x36f: {  	v10 =	vmul.f32 v10, v10;
	v16 =	vmul.f32 v16, v16;
	v32 =	vld [tilespmem:s28+$0x5E50];
	v24 =	vsub.f32 v28, v30  }
0x370: {  	v12 =	vsub.f32 v12, v15;
	v14 =	vmul.f32 v14, v14;
	v18 =	vmul.f32 v18, v18;
	v28 =	vld [tilespmem:s28+$0xDE50]  }
0x371: {  	v15 =	vmul.f32 v23, v23;
	v30 =	vld [tilespmem:s28+$0x5E60];
	v23 =	vmul.f32 v24, v24;
	v13 =	vsub.f32 v13, v17  }
0x372: {  	v12 =	vmul.f32 v12, v12;
	v6 =	vadd.f32 v14, v6;
	v7 =	vadd.f32 v18, v7;
	v33 =	vld [tilespmem:s28+$0xDE60]  }
0x373: {  	v4 =	vadd.f32 v15, v4;
	v34 =	vld [tilespmem:s28+$0x5E70];
	v2 =	vadd.f32 v23, v2;
	v13 =	vmul.f32 v13, v13  }
0x374: {  	v9 =	vmul.f32 v9, v9;
	v6 =	vadd.f32 v10, v6;
	v7 =	vadd.f32 v16, v7;
	v35 =	vld [tilespmem:s28+$0xDE70]  }
0x375: {  	v10 =	vmul.f32 v11, v11;
	v4 =	vadd.f32 v12, v4;
	v36 =	vld [tilespmem:s28+$0x5E00];
	v2 =	vadd.f32 v13, v2  }
0x376: {  	v5 =	vmul.f32 v5, v5;
	v6 =	vadd.f32 v22, v6;
	v7 =	vadd.f32 v8, v7;
	v37 =	vld [tilespmem:s28+$0xDE00]  }
0x377: {  	v3 =	vmul.f32 v3, v3;
	v4 =	vadd.f32 v9, v4;
	v8 =	vld [tilespmem:s28+$0x5E10];
	v2 =	vadd.f32 v10, v2  }
0x378: {  	v6 =	vadd.f32 v19, v6;
	v7 =	vadd.f32 v20, v7;
	v9 =	vld [tilespmem:s28+$0xDE10]  }
0x379: {  	v4 =	vadd.f32 v5, v4;
	v10 =	vld [tilespmem:s28+$0x5E20];
	v2 =	vadd.f32 v3, v2  }
0x37a: {  	v13 =	vld [tilespmem:s28+$0xDE20]  }
0x37b: {  	v11 =	vld [tilespmem:s28+$0x5E30]  }
0x37c: {  	v14 =	vld [tilespmem:s28+$0xDE30]  }
0x37d: {  	v17 =	vld [tilespmem:s28+$0x5A40]  }
0x37e: {  	v19 =	vld [tilespmem:s28+$0xDA40]  }
0x37f: {  	v16 =	vld [tilespmem:s28+$0x5A50]  }
0x380: {  	v18 =	vld [tilespmem:s28+$0xDA50]  }
0x381: {  	v12 =	vld [tilespmem:s28+$0x5A60]  }
0x382: {  	v15 =	vld [tilespmem:s28+$0xDA60]  }
0x383: {  	v23 =	vld [tilespmem:s28+$0x5A00]  }
0x384: {  	v25 =	vld [tilespmem:s28+$0xDA00]  }
.Ltmp11:
0x385: {  	v24 =	vld [tilespmem:s28+$0x5A10];
	(pc) =	sbr.rel @p1 .LBB2_25-.Ltmp11, $4  }
0x386: {  	v27 =	vld [tilespmem:s28+$0xDA10]  }
0x387: {  	v20 =	vsub.f32 v31, v21;
	v26 =	vld [tilespmem:s28+$0x5A20]  }
0x388: {  	v21 =	vsub.f32 v32, v28;
	v5 =	vsub.f32 v30, v33;
	v29 =	vld [tilespmem:s28+$0xDA20]  }
0x389: {  	s6 =	sadd.s32 $0x200, s6;
	v3 =	vsub.f32 v34, v35;
	v22 =	vsub.f32 v36, v37;
	v28 =	vld [tilespmem:s28+$0x5A30]  }
0x38a: {  	v30 =	vld.msk @!p0 [tilespmem:s31+$0x30], $0xff;
	_ =	sdelay $0x4  }
0x38b: {  	v31 =	vshll.u32 @!p0 v30, $0x3  }
0x38c: {  	v32 =	vlaneseq.u32 @!p0;
	v30 =	vand.u32 @!p0 $0x7, v30;
	v31 =	vand.u32 @!p0 $0xFFFFFFC0, v31  }
0x38d: {  	v30 =	vor.u32 @!p0 v30, v31;
	v31 =	vand.u32 @!p0 $0x7, v32;
	v32 =	vshrl.u32 @!p0 v32, $0x3  }
0x38e: {  	v30 =	vperm.xlane @!p0 v30, v31;
	v31 =	vmul.u32 @!p0 $0x8, v32;
	_ =	sdelay $0x1  }
0x38f: {  	v30 =	vadd.s32 @!p0 v31, v30;
	_ =	sdelay $0x2  }
0x390: {  	v63 =	vld [tilespmem:s28+$0x5A70]  }
0x391: {  	v33 =	vld [tilespmem:s28+$0xDA70];
	s6 =	simm.s32 @!p0 $0x0;
	s11 =	simm.s32 @!p0 $0xC200  }
0x392: {  	v31 =	vld [tilespmem:s28+$0xDA30];
	[tilespmem:s11], [sflag:$0x7] =	stream.indirect_vreg.gather @!p0 [hbm4b:s2+s6], $0x80, v30, vm1, $0xb8  }
0x393: {  	s11 =	simm.s32 @!p0 $0xCA00  }
0x394: {  	[tilespmem:s11], [sflag:$0x7] =	stream.indirect_vreg.gather @!p0 [hbm4b:s7+s6], $0x80, v30, vm1, $0xb8;
	[tilespmem:$0x10280] =	vst v63  }
0x395: {  	s11 =	simm.s32 @!p0 $0xD200  }
0x396: {  	[tilespmem:s11], [sflag:$0x7] =	stream.indirect_vreg.gather @!p0 [hbm4b:s8+s6], $0x80, v30, vm1, $0xb8;
	[tilespmem:$0x10280] =	vst v63  }
0x397: {  	s11 =	sadd.s32 @!p0 $0x30, s31  }
0x398: {  	s28 =	simm.s32 @!p0 $0xDA00;
	s11 =	sadd.s32 @!p0 s5, s11  }
0x399: {  	[tilespmem:s28], [sflag:$0x7] =	stream.indirect_vreg.gather @!p0 [hbm4b:s9+s6], $0x80, v30, vm1, $0xb8;
	[tilespmem:$0x10280] =	vst v63  }
0x39a: {  	s11 =	sshll.u32 @!p0 s11, $0x7  }
0x39b: {  	s28 =	simm.s32 @!p0 $0x4200;
	s11 =	sadd.s32 @!p0 s1, s11  }
0x39c: {  	[tilespmem:s28], [sflag:$0x3] =	stream.linear.gather @!p0 [hbm4b:s11+s6], $0x2000, $0x38;
	[tilespmem:$0x10280] =	vst v63  }
0x39d: {  	_ =	swait.ge [sflag:s25], $0x2000  }
0x39e: {  	[sflag:s25] =	ssyncset.done $0x0  }
0x39f: {  	[sflag:s25] =	ssyncadd.s32 $0xFFFFE000  }
0x3a0: {  	_ =	swait.ge [sflag:s26], $0x2000  }
0x3a1: {  	[sflag:s26] =	ssyncset.done $0x0  }
0x3a2: {  	s28 =	simm.s32 $0x0;
	[sflag:s26] =	ssyncadd.s32 $0xFFFFE000  }
0x3a3: {  	v30 =	vld [tilespmem:s28+$0x6640]  }
0x3a4: {  	v34 =	vld [tilespmem:s28+$0xE640]  }
0x3a5: {  	v35 =	vld [tilespmem:s28+$0x6650]  }
0x3a6: {  	v36 =	vld [tilespmem:s28+$0xE650]  }
0x3a7: {  	v37 =	vld [tilespmem:s28+$0x6660]  }
0x3a8: {  	v38 =	vld [tilespmem:s28+$0xE660]  }
0x3a9: {  	v39 =	vld [tilespmem:s28+$0x6670]  }
0x3aa: {  	v40 =	vld [tilespmem:s28+$0xE670]  }
0x3ab: {  	v41 =	vld [tilespmem:s28+$0x6600]  }
0x3ac: {  	v42 =	vld [tilespmem:s28+$0xE600]  }
0x3ad: {  	v43 =	vsub.f32 v8, v9;
	v8 =	vld [tilespmem:s28+$0x6610]  }
0x3ae: {  	v44 =	vsub.f32 v10, v13;
	v19 =	vsub.f32 v17, v19;
	v9 =	vld [tilespmem:s28+$0xE610]  }
0x3af: {  	v45 =	vsub.f32 v11, v14;
	v11 =	vsub.f32 v23, v25;
	v10 =	vld [tilespmem:s28+$0x6620]  }
0x3b0: {  	v16 =	vsub.f32 v16, v18;
	v14 =	vsub.f32 v24, v27;
	v13 =	vld [tilespmem:s28+$0xE620]  }
0x3b1: {  	v12 =	vsub.f32 v12, v15;
	v23 =	vmul.f32 v11, v11;
	v17 =	vsub.f32 v26, v29;
	v11 =	vld [tilespmem:s28+$0x6630]  }
0x3b2: {  	v22 =	vmul.f32 v22, v22;
	v24 =	vmul.f32 v14, v14;
	v18 =	vsub.f32 v28, v31;
	v14 =	vld [tilespmem:s28+$0xE630]  }
0x3b3: {  	v12 =	vmul.f32 v12, v12;
	v6 =	vadd.f32 v23, v6;
	v15 =	vmul.f32 v17, v17;
	v17 =	vld [tilespmem:s28+$0x6240]  }
0x3b4: {  	v23 =	vmul.f32 v19, v19;
	v25 =	vsub.f32 v63, v33;
	v18 =	vmul.f32 v18, v18;
	v19 =	vld [tilespmem:s28+$0xE240]  }
0x3b5: {  	v7 =	vadd.f32 v24, v7;
	v4 =	vadd.f32 v15, v4;
	v15 =	vmul.f32 v16, v16;
	v16 =	vld [tilespmem:s28+$0x6250]  }
0x3b6: {  	v6 =	vadd.f32 v23, v6;
	v24 =	vmul.f32 v25, v25;
	v2 =	vadd.f32 v18, v2;
	v18 =	vld [tilespmem:s28+$0xE250]  }
0x3b7: {  	v23 =	vmul.f32 v43, v43;
	v7 =	vadd.f32 v15, v7;
	v4 =	vadd.f32 v12, v4;
	v12 =	vld [tilespmem:s28+$0x6260]  }
0x3b8: {  	v20 =	vmul.f32 v20, v20;
	v2 =	vadd.f32 v24, v2;
	v24 =	vmul.f32 v44, v44;
	v15 =	vld [tilespmem:s28+$0xE260]  }
0x3b9: {  	v6 =	vadd.f32 v22, v6;
	v22 =	vmul.f32 v45, v45;
	v7 =	vadd.f32 v23, v7;
	v23 =	vld [tilespmem:s28+$0x6200]  }
0x3ba: {  	v21 =	vmul.f32 v21, v21;
	v5 =	vmul.f32 v5, v5;
	v4 =	vadd.f32 v24, v4;
	v25 =	vld [tilespmem:s28+$0xE200]  }
0x3bb: {  	v3 =	vmul.f32 v3, v3;
	v6 =	vadd.f32 v20, v6;
	v2 =	vadd.f32 v22, v2;
	v24 =	vld [tilespmem:s28+$0x6210]  }
0x3bc: {  	v7 =	vadd.f32 v21, v7;
	v4 =	vadd.f32 v5, v4;
	v27 =	vld [tilespmem:s28+$0xE210]  }
0x3bd: {  	v2 =	vadd.f32 v3, v2;
	v26 =	vld [tilespmem:s28+$0x6220];
	v20 =	vsub.f32 v30, v34  }
0x3be: {  	v29 =	vld [tilespmem:s28+$0xE220];
	v21 =	vsub.f32 v35, v36;
	v5 =	vsub.f32 v37, v38  }
0x3bf: {  	s6 =	simm.s32 $0x200;
	v28 =	vld [tilespmem:s28+$0x6230];
	v22 =	vsub.f32 v41, v42;
	v3 =	vsub.f32 v39, v40  }
.LBB2_27:
0x3c0: {  	p0 =	sne.s32 s6, $0xE00;
	v30 =	vld [tilespmem:s28+$0xE230];
	v8 =	vsub.f32 v8, v9;
	v9 =	vsub.f32 v10, v13  }
0x3c1: {  	v10 =	vsub.f32 v17, v19;
	v11 =	vsub.f32 v11, v14;
	v13 =	vld [tilespmem:s28+$0x6270]  }
0x3c2: {  	v14 =	vsub.f32 v23, v25;
	v16 =	vsub.f32 v16, v18;
	v17 =	vld [tilespmem:s28+$0xE270];
	s28 =	sshra.s32 s6, $0x2  }
0x3c3: {  	v19 =	vmul.f32 v20, v20;
	v20 =	vmul.f32 v21, v21;
	v18 =	vsub.f32 v24, v27;
	v31 =	vld [tilespmem:s28+$0x6640]  }
0x3c4: {  	v22 =	vmul.f32 v22, v22;
	v8 =	vmul.f32 v8, v8;
	v23 =	vsub.f32 v26, v29;
	v21 =	vld [tilespmem:s28+$0xE640]  }
0x3c5: {  	v10 =	vmul.f32 v10, v10;
	v16 =	vmul.f32 v16, v16;
	v32 =	vld [tilespmem:s28+$0x6650];
	v24 =	vsub.f32 v28, v30  }
0x3c6: {  	v12 =	vsub.f32 v12, v15;
	v14 =	vmul.f32 v14, v14;
	v18 =	vmul.f32 v18, v18;
	v28 =	vld [tilespmem:s28+$0xE650]  }
0x3c7: {  	v15 =	vmul.f32 v23, v23;
	v30 =	vld [tilespmem:s28+$0x6660];
	v23 =	vmul.f32 v24, v24;
	v13 =	vsub.f32 v13, v17  }
0x3c8: {  	v12 =	vmul.f32 v12, v12;
	v6 =	vadd.f32 v14, v6;
	v7 =	vadd.f32 v18, v7;
	v33 =	vld [tilespmem:s28+$0xE660]  }
0x3c9: {  	v4 =	vadd.f32 v15, v4;
	v34 =	vld [tilespmem:s28+$0x6670];
	v2 =	vadd.f32 v23, v2;
	v13 =	vmul.f32 v13, v13  }
0x3ca: {  	v9 =	vmul.f32 v9, v9;
	v6 =	vadd.f32 v10, v6;
	v7 =	vadd.f32 v16, v7;
	v35 =	vld [tilespmem:s28+$0xE670]  }
0x3cb: {  	v10 =	vmul.f32 v11, v11;
	v4 =	vadd.f32 v12, v4;
	v36 =	vld [tilespmem:s28+$0x6600];
	v2 =	vadd.f32 v13, v2  }
0x3cc: {  	v5 =	vmul.f32 v5, v5;
	v6 =	vadd.f32 v22, v6;
	v7 =	vadd.f32 v8, v7;
	v37 =	vld [tilespmem:s28+$0xE600]  }
0x3cd: {  	v3 =	vmul.f32 v3, v3;
	v4 =	vadd.f32 v9, v4;
	v8 =	vld [tilespmem:s28+$0x6610];
	v2 =	vadd.f32 v10, v2  }
0x3ce: {  	v6 =	vadd.f32 v19, v6;
	v7 =	vadd.f32 v20, v7;
	v9 =	vld [tilespmem:s28+$0xE610]  }
0x3cf: {  	v4 =	vadd.f32 v5, v4;
	v10 =	vld [tilespmem:s28+$0x6620];
	v2 =	vadd.f32 v3, v2  }
0x3d0: {  	v13 =	vld [tilespmem:s28+$0xE620]  }
0x3d1: {  	v11 =	vld [tilespmem:s28+$0x6630]  }
0x3d2: {  	v14 =	vld [tilespmem:s28+$0xE630]  }
0x3d3: {  	v17 =	vld [tilespmem:s28+$0x6240]  }
0x3d4: {  	v19 =	vld [tilespmem:s28+$0xE240]  }
0x3d5: {  	v16 =	vld [tilespmem:s28+$0x6250]  }
0x3d6: {  	v18 =	vld [tilespmem:s28+$0xE250]  }
0x3d7: {  	v12 =	vld [tilespmem:s28+$0x6260]  }
0x3d8: {  	v15 =	vld [tilespmem:s28+$0xE260]  }
0x3d9: {  	v23 =	vld [tilespmem:s28+$0x6200]  }
0x3da: {  	v25 =	vld [tilespmem:s28+$0xE200]  }
.Ltmp12:
0x3db: {  	v24 =	vld [tilespmem:s28+$0x6210];
	(pc) =	sbr.rel @p0 .LBB2_27-.Ltmp12, $4  }
0x3dc: {  	v27 =	vld [tilespmem:s28+$0xE210]  }
0x3dd: {  	v20 =	vsub.f32 v31, v21;
	v26 =	vld [tilespmem:s28+$0x6220]  }
0x3de: {  	v21 =	vsub.f32 v32, v28;
	v5 =	vsub.f32 v30, v33;
	v29 =	vld [tilespmem:s28+$0xE220]  }
0x3df: {  	s6 =	sadd.s32 $0x200, s6;
	v3 =	vsub.f32 v34, v35;
	v22 =	vsub.f32 v36, v37;
	v28 =	vld [tilespmem:s28+$0x6230]  }
0x3e0: {  	v30 =	vld [tilespmem:s28+$0xE230]  }
0x3e1: {  	v31 =	vld [tilespmem:s28+$0x6270]  }
0x3e2: {  	v32 =	vld [tilespmem:s28+$0xE270];
	s28 =	simm.s32 $0xFFFFFC00  }
0x3e3: {  	v33 =	vld [tilespmem:s28+$0x7240]  }
0x3e4: {  	v34 =	vld [tilespmem:s28+$0xF240]  }
0x3e5: {  	v35 =	vld [tilespmem:s28+$0x7250]  }
0x3e6: {  	v36 =	vld [tilespmem:s28+$0xF250]  }
0x3e7: {  	v37 =	vld [tilespmem:s28+$0x7260]  }
0x3e8: {  	v38 =	vld [tilespmem:s28+$0xF260]  }
0x3e9: {  	v39 =	vld [tilespmem:s28+$0x7270]  }
0x3ea: {  	v40 =	vld [tilespmem:s28+$0xF270]  }
0x3eb: {  	v41 =	vld [tilespmem:s28+$0x7200]  }
0x3ec: {  	v42 =	vld [tilespmem:s28+$0xF200]  }
0x3ed: {  	v43 =	vsub.f32 v8, v9;
	v8 =	vld [tilespmem:s28+$0x7210]  }
0x3ee: {  	v44 =	vsub.f32 v10, v13;
	v9 =	vld [tilespmem:s28+$0xF210]  }
0x3ef: {  	v19 =	vsub.f32 v17, v19;
	v45 =	vsub.f32 v11, v14;
	v10 =	vld [tilespmem:s28+$0x7220]  }
0x3f0: {  	v11 =	vsub.f32 v23, v25;
	v16 =	vsub.f32 v16, v18;
	v13 =	vld [tilespmem:s28+$0xF220]  }
0x3f1: {  	v12 =	vsub.f32 v12, v15;
	v20 =	vmul.f32 v20, v20;
	v14 =	vsub.f32 v24, v27;
	v27 =	vld [tilespmem:s28+$0xEE10]  }
0x3f2: {  	v21 =	vmul.f32 v21, v21;
	v23 =	vmul.f32 v11, v11;
	v11 =	vld [tilespmem:s28+$0x7230];
	v17 =	vsub.f32 v26, v29  }
0x3f3: {  	v22 =	vmul.f32 v22, v22;
	v24 =	vmul.f32 v14, v14;
	v14 =	vld [tilespmem:s28+$0xF230];
	v18 =	vsub.f32 v28, v30  }
0x3f4: {  	v26 =	vld [tilespmem:s28+$0x6E20];
	v6 =	vadd.f32 v23, v6;
	v23 =	vmul.f32 v19, v19;
	v15 =	vmul.f32 v17, v17  }
0x3f5: {  	v29 =	vld [tilespmem:s28+$0xEE20];
	v25 =	vsub.f32 v31, v32;
	v7 =	vadd.f32 v24, v7;
	v18 =	vmul.f32 v18, v18  }
0x3f6: {  	v19 =	vld [tilespmem:s28+$0xEE40];
	v6 =	vadd.f32 v23, v6;
	v4 =	vadd.f32 v15, v4;
	v15 =	vmul.f32 v16, v16  }
0x3f7: {  	v12 =	vmul.f32 v12, v12;
	v17 =	vld [tilespmem:s28+$0x6E40];
	v24 =	vmul.f32 v25, v25;
	v2 =	vadd.f32 v18, v2  }
0x3f8: {  	v28 =	vld [tilespmem:s28+$0x6E30];
	v23 =	vmul.f32 v43, v43;
	v6 =	vadd.f32 v22, v6;
	v7 =	vadd.f32 v15, v7  }
0x3f9: {  	v16 =	vld [tilespmem:s28+$0x6E50];
	v4 =	vadd.f32 v12, v4;
	v2 =	vadd.f32 v24, v2;
	v24 =	vmul.f32 v44, v44  }
0x3fa: {  	v25 =	vld [tilespmem:s28+$0xEE00];
	v22 =	vmul.f32 v45, v45;
	v6 =	vadd.f32 v20, v6;
	v7 =	vadd.f32 v23, v7  }
0x3fb: {  	v5 =	vmul.f32 v5, v5;
	v18 =	vld [tilespmem:s28+$0xEE50];
	v20 =	vsub.f32 v33, v34;
	v4 =	vadd.f32 v24, v4  }
0x3fc: {  	v3 =	vmul.f32 v3, v3;
	v12 =	vld [tilespmem:s28+$0x6E60];
	v2 =	vadd.f32 v22, v2;
	v7 =	vadd.f32 v21, v7  }
0x3fd: {  	v23 =	vld [tilespmem:s28+$0x6E00];
	v21 =	vsub.f32 v35, v36;
	v22 =	vsub.f32 v41, v42  }
0x3fe: {  	v24 =	vld [tilespmem:s28+$0x6E10];
	v4 =	vadd.f32 v5, v4;
	v2 =	vadd.f32 v3, v2  }
0x3ff: {  	s6 =	simm.s32 $0xFFFFF200;
	v15 =	vld [tilespmem:s28+$0xEE60];
	v5 =	vsub.f32 v37, v38;
	v3 =	vsub.f32 v39, v40  }
.LBB2_29:
0x400: {  	p0 =	sne.s32 s6, $0xFFFFFE00;
	v30 =	vld [tilespmem:s28+$0xEE30];
	v8 =	vsub.f32 v8, v9;
	v9 =	vsub.f32 v10, v13  }
0x401: {  	v10 =	vsub.f32 v17, v19;
	v11 =	vsub.f32 v11, v14;
	v13 =	vld [tilespmem:s28+$0x6E70]  }
0x402: {  	v14 =	vsub.f32 v23, v25;
	v16 =	vsub.f32 v16, v18;
	v17 =	vld [tilespmem:s28+$0xEE70];
	s28 =	sshra.s32 s6, $0x2  }
0x403: {  	v19 =	vmul.f32 v20, v20;
	v20 =	vmul.f32 v21, v21;
	v18 =	vsub.f32 v24, v27;
	v31 =	vld [tilespmem:s28+$0x7240]  }
0x404: {  	v22 =	vmul.f32 v22, v22;
	v8 =	vmul.f32 v8, v8;
	v23 =	vsub.f32 v26, v29;
	v21 =	vld [tilespmem:s28+$0xF240]  }
0x405: {  	v10 =	vmul.f32 v10, v10;
	v16 =	vmul.f32 v16, v16;
	v32 =	vld [tilespmem:s28+$0x7250];
	v24 =	vsub.f32 v28, v30  }
0x406: {  	v12 =	vsub.f32 v12, v15;
	v14 =	vmul.f32 v14, v14;
	v18 =	vmul.f32 v18, v18;
	v28 =	vld [tilespmem:s28+$0xF250]  }
0x407: {  	v15 =	vmul.f32 v23, v23;
	v30 =	vld [tilespmem:s28+$0x7260];
	v23 =	vmul.f32 v24, v24;
	v13 =	vsub.f32 v13, v17  }
0x408: {  	v12 =	vmul.f32 v12, v12;
	v6 =	vadd.f32 v14, v6;
	v7 =	vadd.f32 v18, v7;
	v33 =	vld [tilespmem:s28+$0xF260]  }
0x409: {  	v4 =	vadd.f32 v15, v4;
	v34 =	vld [tilespmem:s28+$0x7270];
	v2 =	vadd.f32 v23, v2;
	v13 =	vmul.f32 v13, v13  }
0x40a: {  	v9 =	vmul.f32 v9, v9;
	v6 =	vadd.f32 v10, v6;
	v7 =	vadd.f32 v16, v7;
	v35 =	vld [tilespmem:s28+$0xF270]  }
0x40b: {  	v10 =	vmul.f32 v11, v11;
	v4 =	vadd.f32 v12, v4;
	v36 =	vld [tilespmem:s28+$0x7200];
	v2 =	vadd.f32 v13, v2  }
0x40c: {  	v5 =	vmul.f32 v5, v5;
	v6 =	vadd.f32 v22, v6;
	v7 =	vadd.f32 v8, v7;
	v37 =	vld [tilespmem:s28+$0xF200]  }
0x40d: {  	v3 =	vmul.f32 v3, v3;
	v4 =	vadd.f32 v9, v4;
	v8 =	vld [tilespmem:s28+$0x7210];
	v2 =	vadd.f32 v10, v2  }
0x40e: {  	v6 =	vadd.f32 v19, v6;
	v7 =	vadd.f32 v20, v7;
	v9 =	vld [tilespmem:s28+$0xF210]  }
0x40f: {  	v4 =	vadd.f32 v5, v4;
	v10 =	vld [tilespmem:s28+$0x7220];
	v2 =	vadd.f32 v3, v2  }
0x410: {  	v13 =	vld [tilespmem:s28+$0xF220]  }
0x411: {  	v11 =	vld [tilespmem:s28+$0x7230]  }
0x412: {  	v14 =	vld [tilespmem:s28+$0xF230]  }
0x413: {  	v17 =	vld [tilespmem:s28+$0x6E40]  }
0x414: {  	v19 =	vld [tilespmem:s28+$0xEE40]  }
0x415: {  	v16 =	vld [tilespmem:s28+$0x6E50]  }
0x416: {  	v18 =	vld [tilespmem:s28+$0xEE50]  }
0x417: {  	v12 =	vld [tilespmem:s28+$0x6E60]  }
0x418: {  	v15 =	vld [tilespmem:s28+$0xEE60]  }
0x419: {  	v23 =	vld [tilespmem:s28+$0x6E00]  }
0x41a: {  	v25 =	vld [tilespmem:s28+$0xEE00]  }
.Ltmp13:
0x41b: {  	v24 =	vld [tilespmem:s28+$0x6E10];
	(pc) =	sbr.rel @p0 .LBB2_29-.Ltmp13, $4  }
0x41c: {  	v27 =	vld [tilespmem:s28+$0xEE10]  }
0x41d: {  	v20 =	vsub.f32 v31, v21;
	v26 =	vld [tilespmem:s28+$0x6E20]  }
0x41e: {  	v21 =	vsub.f32 v32, v28;
	v5 =	vsub.f32 v30, v33;
	v29 =	vld [tilespmem:s28+$0xEE20]  }
0x41f: {  	s6 =	sadd.s32 $0x200, s6;
	v3 =	vsub.f32 v34, v35;
	v22 =	vsub.f32 v36, v37;
	v28 =	vld [tilespmem:s28+$0x6E30]  }
0x420: {  	v30 =	vld [tilespmem:s28+$0xEE30]  }
0x421: {  	v31 =	vld [tilespmem:s28+$0x6E70]  }
0x422: {  	v32 =	vld [tilespmem:s28+$0xEE70];
	s28 =	simm.s32 $0xFFFFFC00  }
0x423: {  	v33 =	vld [tilespmem:s28+$0x7A40]  }
0x424: {  	v34 =	vld [tilespmem:s28+$0xFA40]  }
0x425: {  	v35 =	vld [tilespmem:s28+$0x7A50]  }
0x426: {  	v36 =	vld [tilespmem:s28+$0xFA50]  }
0x427: {  	v37 =	vld [tilespmem:s28+$0x7A60]  }
0x428: {  	v38 =	vld [tilespmem:s28+$0xFA60]  }
0x429: {  	v39 =	vld [tilespmem:s28+$0x7A70]  }
0x42a: {  	v40 =	vld [tilespmem:s28+$0xFA70]  }
0x42b: {  	v41 =	vld [tilespmem:s28+$0x7A00]  }
0x42c: {  	v42 =	vld [tilespmem:s28+$0xFA00]  }
0x42d: {  	v43 =	vsub.f32 v8, v9;
	v8 =	vld [tilespmem:s28+$0x7A10]  }
0x42e: {  	v44 =	vsub.f32 v10, v13;
	v9 =	vld [tilespmem:s28+$0xFA10]  }
0x42f: {  	v19 =	vsub.f32 v17, v19;
	v45 =	vsub.f32 v11, v14;
	v10 =	vld [tilespmem:s28+$0x7A20]  }
0x430: {  	v11 =	vsub.f32 v23, v25;
	v16 =	vsub.f32 v16, v18;
	v13 =	vld [tilespmem:s28+$0xFA20]  }
0x431: {  	v12 =	vsub.f32 v12, v15;
	v20 =	vmul.f32 v20, v20;
	v14 =	vsub.f32 v24, v27;
	v27 =	vld [tilespmem:s28+$0xF610]  }
0x432: {  	v21 =	vmul.f32 v21, v21;
	v23 =	vmul.f32 v11, v11;
	v11 =	vld [tilespmem:s28+$0x7A30];
	v17 =	vsub.f32 v26, v29  }
0x433: {  	v22 =	vmul.f32 v22, v22;
	v24 =	vmul.f32 v14, v14;
	v14 =	vld [tilespmem:s28+$0xFA30];
	v18 =	vsub.f32 v28, v30  }
0x434: {  	v26 =	vld [tilespmem:s28+$0x7620];
	v6 =	vadd.f32 v23, v6;
	v23 =	vmul.f32 v19, v19;
	v15 =	vmul.f32 v17, v17  }
0x435: {  	v29 =	vld [tilespmem:s28+$0xF620];
	v25 =	vsub.f32 v31, v32;
	v7 =	vadd.f32 v24, v7;
	v18 =	vmul.f32 v18, v18  }
0x436: {  	v19 =	vld [tilespmem:s28+$0xF640];
	v6 =	vadd.f32 v23, v6;
	v4 =	vadd.f32 v15, v4;
	v15 =	vmul.f32 v16, v16  }
0x437: {  	v12 =	vmul.f32 v12, v12;
	v17 =	vld [tilespmem:s28+$0x7640];
	v24 =	vmul.f32 v25, v25;
	v2 =	vadd.f32 v18, v2  }
0x438: {  	v28 =	vld [tilespmem:s28+$0x7630];
	v23 =	vmul.f32 v43, v43;
	v6 =	vadd.f32 v22, v6;
	v7 =	vadd.f32 v15, v7  }
0x439: {  	v16 =	vld [tilespmem:s28+$0x7650];
	v4 =	vadd.f32 v12, v4;
	v2 =	vadd.f32 v24, v2;
	v24 =	vmul.f32 v44, v44  }
0x43a: {  	v25 =	vld [tilespmem:s28+$0xF600];
	v22 =	vmul.f32 v45, v45;
	v6 =	vadd.f32 v20, v6;
	v7 =	vadd.f32 v23, v7  }
0x43b: {  	v5 =	vmul.f32 v5, v5;
	v18 =	vld [tilespmem:s28+$0xF650];
	v20 =	vsub.f32 v33, v34;
	v4 =	vadd.f32 v24, v4  }
0x43c: {  	v3 =	vmul.f32 v3, v3;
	v12 =	vld [tilespmem:s28+$0x7660];
	v2 =	vadd.f32 v22, v2;
	v7 =	vadd.f32 v21, v7  }
0x43d: {  	v23 =	vld [tilespmem:s28+$0x7600];
	v21 =	vsub.f32 v35, v36;
	v22 =	vsub.f32 v41, v42  }
0x43e: {  	v24 =	vld [tilespmem:s28+$0x7610];
	v4 =	vadd.f32 v5, v4;
	v2 =	vadd.f32 v3, v2  }
0x43f: {  	s6 =	simm.s32 $0xFFFFF200;
	v15 =	vld [tilespmem:s28+$0xF660];
	v5 =	vsub.f32 v37, v38;
	v3 =	vsub.f32 v39, v40  }
.LBB2_31:
0x440: {  	p0 =	sne.s32 s6, $0xFFFFFE00;
	v30 =	vld [tilespmem:s28+$0xF630];
	v8 =	vsub.f32 v8, v9;
	v9 =	vsub.f32 v10, v13  }
0x441: {  	v10 =	vsub.f32 v17, v19;
	v11 =	vsub.f32 v11, v14;
	v13 =	vld [tilespmem:s28+$0x7670]  }
0x442: {  	v14 =	vsub.f32 v23, v25;
	v16 =	vsub.f32 v16, v18;
	v17 =	vld [tilespmem:s28+$0xF670];
	s28 =	sshra.s32 s6, $0x2  }
0x443: {  	v19 =	vmul.f32 v20, v20;
	v20 =	vmul.f32 v21, v21;
	v18 =	vsub.f32 v24, v27;
	v31 =	vld [tilespmem:s28+$0x7A40]  }
0x444: {  	v22 =	vmul.f32 v22, v22;
	v8 =	vmul.f32 v8, v8;
	v23 =	vsub.f32 v26, v29;
	v21 =	vld [tilespmem:s28+$0xFA40]  }
0x445: {  	v10 =	vmul.f32 v10, v10;
	v16 =	vmul.f32 v16, v16;
	v32 =	vld [tilespmem:s28+$0x7A50];
	v24 =	vsub.f32 v28, v30  }
0x446: {  	v12 =	vsub.f32 v12, v15;
	v14 =	vmul.f32 v14, v14;
	v18 =	vmul.f32 v18, v18;
	v28 =	vld [tilespmem:s28+$0xFA50]  }
0x447: {  	v15 =	vmul.f32 v23, v23;
	v30 =	vld [tilespmem:s28+$0x7A60];
	v23 =	vmul.f32 v24, v24;
	v13 =	vsub.f32 v13, v17  }
0x448: {  	v12 =	vmul.f32 v12, v12;
	v6 =	vadd.f32 v14, v6;
	v7 =	vadd.f32 v18, v7;
	v33 =	vld [tilespmem:s28+$0xFA60]  }
0x449: {  	v4 =	vadd.f32 v15, v4;
	v34 =	vld [tilespmem:s28+$0x7A70];
	v2 =	vadd.f32 v23, v2;
	v13 =	vmul.f32 v13, v13  }
0x44a: {  	v9 =	vmul.f32 v9, v9;
	v6 =	vadd.f32 v10, v6;
	v7 =	vadd.f32 v16, v7;
	v35 =	vld [tilespmem:s28+$0xFA70]  }
0x44b: {  	v10 =	vmul.f32 v11, v11;
	v4 =	vadd.f32 v12, v4;
	v36 =	vld [tilespmem:s28+$0x7A00];
	v2 =	vadd.f32 v13, v2  }
0x44c: {  	v5 =	vmul.f32 v5, v5;
	v6 =	vadd.f32 v22, v6;
	v7 =	vadd.f32 v8, v7;
	v37 =	vld [tilespmem:s28+$0xFA00]  }
0x44d: {  	v3 =	vmul.f32 v3, v3;
	v4 =	vadd.f32 v9, v4;
	v8 =	vld [tilespmem:s28+$0x7A10];
	v2 =	vadd.f32 v10, v2  }
0x44e: {  	v6 =	vadd.f32 v19, v6;
	v7 =	vadd.f32 v20, v7;
	v9 =	vld [tilespmem:s28+$0xFA10]  }
0x44f: {  	v4 =	vadd.f32 v5, v4;
	v10 =	vld [tilespmem:s28+$0x7A20];
	v2 =	vadd.f32 v3, v2  }
0x450: {  	v13 =	vld [tilespmem:s28+$0xFA20]  }
0x451: {  	v11 =	vld [tilespmem:s28+$0x7A30]  }
0x452: {  	v14 =	vld [tilespmem:s28+$0xFA30]  }
0x453: {  	v17 =	vld [tilespmem:s28+$0x7640]  }
0x454: {  	v19 =	vld [tilespmem:s28+$0xF640]  }
0x455: {  	v16 =	vld [tilespmem:s28+$0x7650]  }
0x456: {  	v18 =	vld [tilespmem:s28+$0xF650]  }
0x457: {  	v12 =	vld [tilespmem:s28+$0x7660]  }
0x458: {  	v15 =	vld [tilespmem:s28+$0xF660]  }
0x459: {  	v23 =	vld [tilespmem:s28+$0x7600]  }
0x45a: {  	v25 =	vld [tilespmem:s28+$0xF600]  }
.Ltmp14:
0x45b: {  	v24 =	vld [tilespmem:s28+$0x7610];
	(pc) =	sbr.rel @p0 .LBB2_31-.Ltmp14, $4  }
0x45c: {  	v27 =	vld [tilespmem:s28+$0xF610]  }
0x45d: {  	v20 =	vsub.f32 v31, v21;
	v26 =	vld [tilespmem:s28+$0x7620]  }
0x45e: {  	v21 =	vsub.f32 v32, v28;
	v5 =	vsub.f32 v30, v33;
	v29 =	vld [tilespmem:s28+$0xF620]  }
0x45f: {  	s6 =	sadd.s32 $0x200, s6;
	v3 =	vsub.f32 v34, v35;
	v22 =	vsub.f32 v36, v37;
	v28 =	vld [tilespmem:s28+$0x7630]  }
0x460: {  	v30 =	vld [tilespmem:s28+$0xF630]  }
0x461: {  	v31 =	vld [tilespmem:s28+$0x7670]  }
0x462: {  	v32 =	vld [tilespmem:s28+$0xF670];
	s28 =	simm.s32 $0x0  }
0x463: {  	v33 =	vld [tilespmem:s28+$0x7E40]  }
0x464: {  	v34 =	vld [tilespmem:s28+$0xFE40]  }
0x465: {  	v35 =	vld [tilespmem:s28+$0x7E50]  }
0x466: {  	v36 =	vld [tilespmem:s28+$0xFE50]  }
0x467: {  	v37 =	vld [tilespmem:s28+$0x7E60]  }
0x468: {  	v38 =	vld [tilespmem:s28+$0xFE60]  }
0x469: {  	v39 =	vld [tilespmem:s28+$0x7E70]  }
0x46a: {  	v40 =	vld [tilespmem:s28+$0xFE70]  }
0x46b: {  	v41 =	vld [tilespmem:s28+$0x7E00]  }
0x46c: {  	v42 =	vld [tilespmem:s28+$0xFE00]  }
0x46d: {  	v43 =	vsub.f32 v8, v9;
	v8 =	vld [tilespmem:s28+$0x7E10]  }
0x46e: {  	v44 =	vsub.f32 v10, v13;
	v9 =	vld [tilespmem:s28+$0xFE10]  }
0x46f: {  	v45 =	vsub.f32 v11, v14;
	v11 =	vsub.f32 v23, v25;
	v10 =	vld [tilespmem:s28+$0x7E20]  }
0x470: {  	v17 =	vsub.f32 v17, v19;
	v19 =	vsub.f32 v24, v27;
	v14 =	vld [tilespmem:s28+$0xFE20]  }
0x471: {  	v12 =	vsub.f32 v12, v15;
	v24 =	vsub.f32 v16, v18;
	v13 =	vld [tilespmem:s28+$0x7E30];
	v11 =	vmul.f32 v11, v11  }
0x472: {  	v15 =	vld [tilespmem:s28+$0xFE30];
	v22 =	vmul.f32 v22, v22;
	v23 =	vsub.f32 v26, v29;
	v18 =	vmul.f32 v19, v19  }
0x473: {  	v12 =	vmul.f32 v12, v12;
	v6 =	vadd.f32 v11, v6;
	v11 =	vmul.f32 v17, v17;
	v17 =	vld [tilespmem:s28+$0x7A50]  }
0x474: {  	v16 =	vsub.f32 v28, v30;
	v19 =	vmul.f32 v23, v23;
	v7 =	vadd.f32 v18, v7;
	v18 =	vld [tilespmem:s28+$0xFA40]  }
0x475: {  	v24 =	vmul.f32 v24, v24;
	v23 =	vsub.f32 v31, v32;
	v6 =	vadd.f32 v11, v6;
	v11 =	vld [tilespmem:s28+$0x7A60]  }
0x476: {  	v28 =	vsub.f32 v35, v36;
	v25 =	vmul.f32 v16, v16;
	v16 =	vld [tilespmem:s28+$0x7A40];
	v4 =	vadd.f32 v19, v4  }
0x477: {  	v23 =	vmul.f32 v23, v23;
	v19 =	vld [tilespmem:s28+$0xFA50];
	v7 =	vadd.f32 v24, v7;
	v24 =	vmul.f32 v43, v43  }
0x478: {  	v6 =	vadd.f32 v22, v6;
	v22 =	vmul.f32 v20, v20;
	v20 =	vld [tilespmem:s28+$0x7A00];
	v2 =	vadd.f32 v25, v2  }
0x479: {  	v27 =	vmul.f32 v3, v3;
	v4 =	vadd.f32 v12, v4;
	v12 =	vld [tilespmem:s28+$0xFA60];
	v7 =	vadd.f32 v24, v7  }
0x47a: {  	v24 =	vmul.f32 v21, v21;
	v21 =	vld [tilespmem:s28+$0x7A10];
	v2 =	vadd.f32 v23, v2;
	v23 =	vmul.f32 v44, v44  }
0x47b: {  	v29 =	vsub.f32 v41, v42;
	v25 =	vmul.f32 v45, v45;
	v3 =	vadd.f32 v22, v6;
	v22 =	vld [tilespmem:s28+$0x7A20]  }
0x47c: {  	v26 =	vmul.f32 v5, v5;
	v5 =	vadd.f32 v24, v7;
	v24 =	vld [tilespmem:s28+$0xFA10];
	v4 =	vadd.f32 v23, v4  }
0x47d: {  	v6 =	vsub.f32 v39, v40;
	v23 =	vld [tilespmem:s28+$0xFA00];
	v25 =	vadd.f32 v25, v2  }
0x47e: {  	v7 =	vsub.f32 v37, v38;
	v2 =	vadd.f32 v26, v4;
	v26 =	vld [tilespmem:s28+$0xFA20]  }
0x47f: {  	s6 =	simm.s32 $0x200;
	v4 =	vadd.f32 v27, v25;
	v27 =	vsub.f32 v33, v34;
	v25 =	vld [tilespmem:s28+$0x7A30]  }
.LBB2_33:
0x480: {  	p0 =	sne.s32 s6, $0xE00;
	v30 =	vld [tilespmem:s28+$0xFA30];
	v8 =	vsub.f32 v8, v9;
	v9 =	vsub.f32 v10, v14  }
0x481: {  	v10 =	vsub.f32 v16, v18;
	v13 =	vsub.f32 v13, v15;
	v14 =	vld [tilespmem:s28+$0x7A70]  }
0x482: {  	v15 =	vsub.f32 v20, v23;
	v16 =	vsub.f32 v17, v19;
	v17 =	vld [tilespmem:s28+$0xFA70];
	s28 =	sshra.s32 s6, $0x2  }
0x483: {  	v19 =	vmul.f32 v27, v27;
	v20 =	vmul.f32 v28, v28;
	v18 =	vsub.f32 v21, v24;
	v31 =	vld [tilespmem:s28+$0x7E40]  }
0x484: {  	v8 =	vmul.f32 v8, v8;
	v21 =	vsub.f32 v22, v26;
	v22 =	vmul.f32 v29, v29;
	v27 =	vld [tilespmem:s28+$0xFE40]  }
0x485: {  	v10 =	vmul.f32 v10, v10;
	v16 =	vmul.f32 v16, v16;
	v28 =	vld [tilespmem:s28+$0x7E50];
	v23 =	vsub.f32 v25, v30  }
0x486: {  	v11 =	vsub.f32 v11, v12;
	v15 =	vmul.f32 v15, v15;
	v18 =	vmul.f32 v18, v18;
	v25 =	vld [tilespmem:s28+$0xFE50]  }
0x487: {  	v12 =	vmul.f32 v21, v21;
	v29 =	vld [tilespmem:s28+$0x7E60];
	v21 =	vmul.f32 v23, v23;
	v14 =	vsub.f32 v14, v17  }
0x488: {  	v11 =	vmul.f32 v11, v11;
	v3 =	vadd.f32 v15, v3;
	v5 =	vadd.f32 v18, v5;
	v30 =	vld [tilespmem:s28+$0xFE60]  }
0x489: {  	v2 =	vadd.f32 v12, v2;
	v32 =	vld [tilespmem:s28+$0x7E70];
	v4 =	vadd.f32 v21, v4;
	v12 =	vmul.f32 v14, v14  }
0x48a: {  	v9 =	vmul.f32 v9, v9;
	v3 =	vadd.f32 v10, v3;
	v5 =	vadd.f32 v16, v5;
	v33 =	vld [tilespmem:s28+$0xFE70]  }
0x48b: {  	v10 =	vmul.f32 v13, v13;
	v2 =	vadd.f32 v11, v2;
	v34 =	vld [tilespmem:s28+$0x7E00];
	v4 =	vadd.f32 v12, v4  }
0x48c: {  	v7 =	vmul.f32 v7, v7;
	v3 =	vadd.f32 v22, v3;
	v5 =	vadd.f32 v8, v5;
	v35 =	vld [tilespmem:s28+$0xFE00]  }
0x48d: {  	v6 =	vmul.f32 v6, v6;
	v2 =	vadd.f32 v9, v2;
	v8 =	vld [tilespmem:s28+$0x7E10];
	v4 =	vadd.f32 v10, v4  }
0x48e: {  	v3 =	vadd.f32 v19, v3;
	v5 =	vadd.f32 v20, v5;
	v9 =	vld [tilespmem:s28+$0xFE10]  }
0x48f: {  	v2 =	vadd.f32 v7, v2;
	v10 =	vld [tilespmem:s28+$0x7E20];
	v4 =	vadd.f32 v6, v4  }
0x490: {  	v14 =	vld [tilespmem:s28+$0xFE20]  }
0x491: {  	v13 =	vld [tilespmem:s28+$0x7E30]  }
0x492: {  	v15 =	vld [tilespmem:s28+$0xFE30]  }
0x493: {  	v16 =	vld [tilespmem:s28+$0x7A40]  }
0x494: {  	v18 =	vld [tilespmem:s28+$0xFA40]  }
0x495: {  	v17 =	vld [tilespmem:s28+$0x7A50]  }
0x496: {  	v19 =	vld [tilespmem:s28+$0xFA50]  }
0x497: {  	v11 =	vld [tilespmem:s28+$0x7A60]  }
0x498: {  	v12 =	vld [tilespmem:s28+$0xFA60]  }
0x499: {  	v20 =	vld [tilespmem:s28+$0x7A00]  }
0x49a: {  	v23 =	vld [tilespmem:s28+$0xFA00]  }
.Ltmp15:
0x49b: {  	v21 =	vld [tilespmem:s28+$0x7A10];
	(pc) =	sbr.rel @p0 .LBB2_33-.Ltmp15, $4  }
0x49c: {  	v24 =	vld [tilespmem:s28+$0xFA10]  }
0x49d: {  	v27 =	vsub.f32 v31, v27;
	v22 =	vld [tilespmem:s28+$0x7A20]  }
0x49e: {  	v28 =	vsub.f32 v28, v25;
	v7 =	vsub.f32 v29, v30;
	v26 =	vld [tilespmem:s28+$0xFA20]  }
0x49f: {  	s6 =	sadd.s32 $0x200, s6;
	v6 =	vsub.f32 v32, v33;
	v29 =	vsub.f32 v34, v35;
	v25 =	vld [tilespmem:s28+$0x7A30]  }
0x4a0: {  	v30 =	vld [tilespmem:s28+$0xFA30];
	v8 =	vsub.f32 v8, v9  }
0x4a1: {  	v47 =	vsub.f32 v10, v14;
	v48 =	vsub.f32 v16, v18;
	v49 =	vld [tilespmem:s28+$0x7A70]  }
0x4a2: {  	v13 =	vsub.f32 v13, v15;
	v50 =	vsub.f32 v20, v23;
	v52 =	vld [tilespmem:s28+$0xFA70];
	v54 =	vmul.f32 v27, v27  }
0x4a3: {  	v51 =	vsub.f32 v17, v19;
	v55 =	vmul.f32 v28, v28;
	v57 =	vmul.f32 v29, v29  }
0x4a4: {  	v53 =	vsub.f32 v21, v24;
	v8 =	vmul.f32 v8, v8;
	v10 =	vmul.f32 v48, v48  }
0x4a5: {  	v16 =	vmul.f32 v51, v51;
	v56 =	vsub.f32 v22, v26;
	v58 =	vsub.f32 v25, v30  }
0x4a6: {  	v11 =	vsub.f32 v11, v12;
	v15 =	vmul.f32 v50, v50;
	v18 =	vmul.f32 v53, v53  }
0x4a7: {  	v59 =	vmul.f32 v56, v56;
	v14 =	vsub.f32 v49, v52;
	v60 =	vmul.f32 v58, v58  }
0x4a8: {  	v11 =	vmul.f32 v11, v11;
	v3 =	vadd.f32 v15, v3;
	v5 =	vadd.f32 v18, v5  }
0x4a9: {  	s30 =	sadd.s32 $0x1, s30;
	v2 =	vadd.f32 v59, v2;
	v61 =	vmul.f32 v14, v14;
	v4 =	vadd.f32 v60, v4  }
0x4aa: {  	p0 =	sne.s32 s30, $0x10;
	v9 =	vmul.f32 v47, v47;
	v3 =	vadd.f32 v10, v3;
	v5 =	vadd.f32 v16, v5  }
.Ltmp16:
0x4ab: {  	v62 =	vmul.f32 v13, v13;
	v2 =	vadd.f32 v11, v2;
	v4 =	vadd.f32 v61, v4;
	(pc) =	sbr.rel @p0 .LBB2_2-.Ltmp16, $4  }
0x4ac: {  	v7 =	vmul.f32 v7, v7;
	v3 =	vadd.f32 v57, v3;
	v8 =	vadd.f32 v8, v5  }
0x4ad: {  	v6 =	vmul.f32 v6, v6;
	v2 =	vadd.f32 v9, v2;
	v63 =	vadd.f32 v62, v4  }
0x4ae: {  	v5 =	vadd.f32 v54, v3;
	v4 =	vadd.f32 v55, v8  }
0x4af: {  	v3 =	vadd.f32 v7, v2;
	v2 =	vadd.f32 v6, v63  }
0x4b0: {  	_ = 	snop  }
0x4b1: {  	v4 =	vadd.f32 v4, v5;
	v2 =	vadd.f32 v2, v3;
	_ =	sdelay $0x1  }
0x4b2: {  	s29 =	sadd.s32 $0x1, s29;
	v2 =	vadd.f32 v2, v4  }
0x4b3: {  	p0 =	sne.s32 s29, s14  }
.Ltmp17:
0x4b4: {  	s6 =	simm.s32 $0x10200;
	[tilespmem:$0x10200] =	vst v2;
	(pc) =	sbr.rel @p0 .LBB2_1-.Ltmp17, $4  }
0x4b5: {  	[hbm4b:s13+s4] =	stream.linear.scatter [tilespmem:s6], [sflag:$0x9], $0x80, $0x38;
	[tilespmem:$0x10280] =	vst v63  }
0x4b6: {  	_ =	swait.ge [sflag:s15], $0x80  }
0x4b7: {  	[sflag:s15] =	ssyncset.done $0x0  }
0x4b8: {  	[sflag:s15] =	ssyncadd.s32 $0xFFFFFF80  }
0x4b9: {  	_ =	sfence.sel $0x180000  }
0x4ba: {  	[bflag:$0x0] =	sbarrier.arrive $0xFFFF  }
0x4bb: {  	_ =	strace $0x90000047  }
0x4bc: {  	s0 =	stileid.u32;
	[bflag:$0x2] =	sbarrier.arrive $0xFFFF  }
0x4bd: {  	p0 =	sne.s32 s0, $0x0;
	s0 =	rddreg [dreg:$0x4]  }
0x4be: {  	s0 =	sadd.s32 @!p0 $0x100000, s0  }
0x4bf: {  	[sflag:s0] =	ssyncadd.tile.s32 @!p0 $0x1;
	_ =	shalt  }
.Lfunc_end2:
_tile_overlayer_lowered:
.L_overlay_start_2:
0x4c0: {  	(tag) =	ssettag $0x2  }
0x4c1: {  	s0 =	rddreg [dreg:$0x0];
	s2 =	stileid.u32  }
0x4c2: {  	s1 =	rddreg [dreg:$0x1];
	p0 =	sne.s32 s2, $0x0  }
0x4c3: {  	s3 =	rddreg [dreg:$0x2];
	[bflag:$0x3] =	sbarrier.arrive $0xFFFF;
	s2 =	simm.s32 @!p0 $0x1C09  }
0x4c4: {  	[timem:s3], [sflag:s2] =	dma.local @!p0 [hbm:s0], s1  }
0x4c5: {  	s0 =	simm.s32 @!p0 $0x9  }
0x4c6: {  	_ =	swait.ge @!p0 [sflag:s0], s1  }
0x4c7: {  	s1 =	ssub.s32 @!p0 $0x0, s1;
	[sflag:s0] =	ssyncset.done @!p0 $0x0  }
0x4c8: {  	[sflag:s0] =	ssyncadd.s32 @!p0 s1  }
0x4c9: {  	[bflag:$0x3] =	sbarrier.arrive $0xFFFF  }
0x4ca: {  	_ =	shalt  }

</sc_bundles>
